<compile_context>
chip_gen: v7x
topology: tpu7x:2x2x1
jax: 0.10.2.dev20260603
libtpu: 0.0.44.dev20260713+nightly
codegen_flags: <defaults>
</compile_context>

<pallas_src>
import functools

import jax
import jax.numpy as jnp
from jax import lax
from jax.experimental import pallas as pl
from jax.experimental.pallas import tpu as pltpu
from jax.experimental.pallas import tpu_sc as plsc

_B, _L, _V, _H, _O = 1024, 50, 100000, 64, 10
_NW = 32

_HB = _B // 2
_ROWS = _L * _HB
_BPW = _ROWS // _NW
_CHUNKS = 10
_CW = _BPW // _CHUNKS

_BBLK = 512
_GRID = _HB // _BBLK


def _sc_gather(table2, idx3):
    mesh = plsc.VectorSubcoreMesh(core_axis_name="c", subcore_axis_name="s")

    @functools.partial(
        pl.kernel,
        mesh=mesh,
        out_type=jax.ShapeDtypeStruct((_ROWS, 2 * _H), jnp.float32),
        scratch_types=[
            pltpu.VMEM((_CHUNKS, _CW), jnp.int32),
            pltpu.VMEM((_CW, 2 * _H), jnp.float32),
            pltpu.VMEM((_CW, 2 * _H), jnp.float32),
            pltpu.SemaphoreType.DMA,
            pltpu.SemaphoreType.DMA,
            pltpu.SemaphoreType.DMA,
            pltpu.SemaphoreType.DMA,
        ],
    )
    def k(table_hbm, idx_hbm, out_hbm, idx_v, buf0, buf1, gs0, gs1, os0, os1):
        wid = lax.axis_index("s") * 2 + lax.axis_index("c")
        base = wid * _BPW
        pltpu.sync_copy(idx_hbm.at[wid], idx_v)
        bufs = (buf0, buf1)
        gsems = (gs0, gs1)
        osems = (os0, os1)
        puts = [None, None]
        for j in range(_CHUNKS):
            b = j % 2
            if puts[b] is not None:
                puts[b].wait()
            g = pltpu.async_copy(table_hbm.at[idx_v.at[j]], bufs[b], gsems[b])
            g.wait()
            puts[b] = pltpu.async_copy(
                bufs[b], out_hbm.at[pl.ds(base + j * _CW, _CW)], osems[b]
            )
        puts[0].wait()
        puts[1].wait()

    return k(table2, idx3)


def _tc_body(emb_ref, par_ref, lens_ref, wp_ref, bp_ref, wo_ref, bo_ref,
             out_ref, hc_ref):
    lens = lens_ref[...]
    wp = wp_ref[...]
    bp = bp_ref[...]
    lane = lax.broadcasted_iota(jnp.int32, (_BBLK, 2 * _H), 1)
    lo = lane < _H

    def xt_at(t):
        row = emb_ref[t]
        p = par_ref[t] != 0
        return jnp.where(p, row[:, _H:2 * _H], row[:, 0:_H])

    zeros = jnp.zeros((_BBLK, 2 * _H), jnp.float32)

    def step(i, carry):
        h, c = carry
        for k in range(25):
            s = 25 * i + k
            tb = _L - 1 - s
            xx = jnp.concatenate([xt_at(s), xt_at(tb)], axis=1)
            gx = jnp.dot(xx, wp[0:2 * _H], preferred_element_type=jnp.float32)
            g = gx + jnp.dot(h, wp[2 * _H:4 * _H],
                             preferred_element_type=jnp.float32) + bp
            gi = jax.nn.sigmoid(g[:, 0:2 * _H])
            gf = jax.nn.sigmoid(g[:, 2 * _H:4 * _H])
            gg = jnp.tanh(g[:, 4 * _H:6 * _H])
            go = jax.nn.sigmoid(g[:, 6 * _H:8 * _H])
            c_new = gf * c + gi * gg
            h_new = go * jnp.tanh(c_new)
            m = lens > jnp.where(lo, s, tb)
            hm = jnp.where(m, h_new, 0.0)
            hc_ref[s, :, 0:_H] = hm[:, 0:_H]
            hc_ref[tb, :, _H:2 * _H] = hm[:, _H:2 * _H]
            h = jnp.where(m, h_new, h)
            c = jnp.where(m, c_new, c)
        return h, c

    lax.fori_loop(0, _L // 25, step, (zeros, zeros))

    hcat = hc_ref[...].reshape(_L * _BBLK, 2 * _H)
    out_t = lax.dot_general(
        wo_ref[...], hcat, (((1,), (1,)), ((), ())),
        preferred_element_type=jnp.float32,
    ) + bo_ref[...]
    out_ref[...] = out_t.reshape(_O, _L, _BBLK)


def _tc_bilstm(emb_tm, par_tm, lens2, wp, bp, wo, bo):
    full = lambda shape: pl.BlockSpec(shape, lambda i: (0,) * len(shape))
    return pl.pallas_call(
        _tc_body,
        grid=(_GRID,),
        in_specs=[
            pl.BlockSpec((_L, _BBLK, 2 * _H), lambda i: (0, i, 0)),
            pl.BlockSpec((_L, _BBLK, 1), lambda i: (0, i, 0)),
            pl.BlockSpec((_BBLK, 1), lambda i: (i, 0)),
            full((4 * _H, 8 * _H)), full((1, 8 * _H)),
            full((_O, 2 * _H)), full((_O, 1)),
        ],
        out_specs=pl.BlockSpec((_O, _L, _BBLK), lambda i: (0, 0, i)),
        out_shape=jax.ShapeDtypeStruct((_O, _L, _HB), jnp.float32),
        scratch_shapes=[
            pltpu.VMEM((_L, _BBLK, 2 * _H), jnp.float32),
        ],
        compiler_params=pltpu.CompilerParams(
            dimension_semantics=("parallel",),
        ),
    )(emb_tm, par_tm, lens2, wp, bp, wo, bo)


def kernel(x, batch_seq_len, table, W_ih_f, W_hh_f, b_ih_f, b_hh_f,
           W_ih_b, W_hh_b, b_ih_b, b_hh_b, W_out, b_out):
    table2 = table.reshape(_V // 2, 2 * _H)
    lens = batch_seq_len.astype(jnp.int32)
    wxf = jnp.concatenate([W_ih_f.T, W_hh_f.T], axis=0)
    bf = (b_ih_f + b_hh_f)[None, :]
    wxb = jnp.concatenate([W_ih_b.T, W_hh_b.T], axis=0)
    bb = (b_ih_b + b_hh_b)[None, :]
    bo = b_out[:, None]

    wxf4 = wxf.reshape(2, _H, 4, _H)
    wxb4 = wxb.reshape(2, _H, 4, _H)
    wp = jnp.zeros((4, _H, 4, 2, _H), jnp.float32)
    wp = wp.at[0, :, :, 0, :].set(wxf4[0])
    wp = wp.at[1, :, :, 1, :].set(wxb4[0])
    wp = wp.at[2, :, :, 0, :].set(wxf4[1])
    wp = wp.at[3, :, :, 1, :].set(wxb4[1])
    wp = wp.reshape(4 * _H, 8 * _H)
    bp = jnp.stack([bf.reshape(4, _H), bb.reshape(4, _H)],
                   axis=1).reshape(1, 8 * _H)

    outs = []
    for h in range(2):
        xh = x[h * _HB:(h + 1) * _HB]
        xt_flat = xh.T.reshape(-1)
        idx3 = (xt_flat >> 1).reshape(_NW, _CHUNKS, _CW)
        par_tm = (xt_flat & 1).astype(jnp.int8).reshape(_L, _HB, 1)
        emb_tm = _sc_gather(table2, idx3).reshape(_L, _HB, 2 * _H)
        lens2 = lens[h * _HB:(h + 1) * _HB, None]
        out_olb = _tc_bilstm(emb_tm, par_tm, lens2, wp, bp,
                             W_out, bo)
        outs.append(jnp.transpose(out_olb, (2, 1, 0)))
    return jnp.concatenate(outs, axis=0)

# --- scband reference (transcript-rebuilt; emitter-appended) ---
"""Pipeline reference for scband-bi-lstm-19207093748641 (READ-ONLY COPY).

The authoritative reference and input builder live on the scoring server;
editing this copy changes nothing except your own understanding.
"""

import jax, jax.numpy as jnp
import numpy as np

B, L, V, H, O = 1024, 50, 100000, 64, 10


def setup_inputs(seed: int = 0) -> dict:
    key = jax.random.key(seed)
    ks = jax.random.split(key, 16)
    x = jax.random.randint(ks[0], (B, L), 0, V, dtype=jnp.int32)
    lens = jax.random.randint(ks[1], (B,), 1, L + 1, dtype=jnp.int32)
    lens = jnp.sort(lens)[::-1]
    lens = lens.at[0].set(L)  # pack_padded_sequence requires sorted-descending, max len = L
    s = 0.05
    table = jax.random.normal(ks[2], (V, H), dtype=jnp.float32) * s
    W_ih_f = jax.random.normal(ks[3], (4 * H, H), dtype=jnp.float32) * s
    W_hh_f = jax.random.normal(ks[4], (4 * H, H), dtype=jnp.float32) * s
    b_ih_f = jax.random.normal(ks[5], (4 * H,), dtype=jnp.float32) * s
    b_hh_f = jax.random.normal(ks[6], (4 * H,), dtype=jnp.float32) * s
    W_ih_b = jax.random.normal(ks[7], (4 * H, H), dtype=jnp.float32) * s
    W_hh_b = jax.random.normal(ks[8], (4 * H, H), dtype=jnp.float32) * s
    b_ih_b = jax.random.normal(ks[9], (4 * H,), dtype=jnp.float32) * s
    b_hh_b = jax.random.normal(ks[10], (4 * H,), dtype=jnp.float32) * s
    W_out = jax.random.normal(ks[11], (O, 2 * H), dtype=jnp.float32) * s
    b_out = jax.random.normal(ks[12], (O,), dtype=jnp.float32) * s
    return {"x": x, "batch_seq_len": lens, "table": table,
            "W_ih_f": W_ih_f, "W_hh_f": W_hh_f, "b_ih_f": b_ih_f, "b_hh_f": b_hh_f,
            "W_ih_b": W_ih_b, "W_hh_b": W_hh_b, "b_ih_b": b_ih_b, "b_hh_b": b_hh_b,
            "W_out": W_out, "b_out": b_out}


def _lstm_dir(emb, mask, Wih, Whh, bih, bhh):
    # PyTorch LSTM cell, gate order i,f,g,o; state frozen at padded steps (pack semantics)
    Bn, Ln, Hn = emb.shape

    def step(carry, inp):
        h, c = carry
        xt, mt = inp
        g = xt @ Wih.T + h @ Whh.T + bih + bhh
        i, f, gg, o = jnp.split(g, 4, axis=-1)
        i = jax.nn.sigmoid(i)
        f = jax.nn.sigmoid(f)
        gg = jnp.tanh(gg)
        o = jax.nn.sigmoid(o)
        c_new = f * c + i * gg
        h_new = o * jnp.tanh(c_new)
        m = mt[:, None]
        h2 = jnp.where(m, h_new, h)
        c2 = jnp.where(m, c_new, c)
        out = jnp.where(m, h_new, 0.0)  # pad_packed zero-fills padded outputs
        return (h2, c2), out

    h0 = jnp.zeros((Bn, Hn), emb.dtype)
    c0 = jnp.zeros((Bn, Hn), emb.dtype)
    (_, _), outs = jax.lax.scan(step, (h0, c0), (jnp.swapaxes(emb, 0, 1), mask.T))
    return jnp.swapaxes(outs, 0, 1)


def reference(x, batch_seq_len, table, W_ih_f, W_hh_f, b_ih_f, b_hh_f,
              W_ih_b, W_hh_b, b_ih_b, b_hh_b, W_out, b_out):
    emb = jnp.take(table, x, axis=0)  # frozen embedding lookup
    pos = jnp.arange(L)[None, :]
    mask = pos < batch_seq_len[:, None]
    # forward direction
    out_f = _lstm_dir(emb, mask, W_ih_f, W_hh_f, b_ih_f, b_hh_f)
    # backward direction: reverse each sequence within its valid length
    ridx = batch_seq_len[:, None] - 1 - pos
    ridx_c = jnp.clip(ridx, 0, L - 1)
    emb_rev = jnp.take_along_axis(emb, ridx_c[:, :, None], axis=1)
    out_b_rev = _lstm_dir(emb_rev, mask, W_ih_b, W_hh_b, b_ih_b, b_hh_b)
    out_b = jnp.take_along_axis(out_b_rev, ridx_c[:, :, None], axis=1)
    out_b = jnp.where(mask[:, :, None], out_b, 0.0)
    out = jnp.concatenate([out_f, out_b], axis=-1)
    # final linear applied to padded (zeroed) positions too, matching torch
    return out @ W_out.T + b_out

if __name__ == "__main__":
    import jax
    _d = setup_inputs()
    print(jax.jit(kernel)(*tuple(_d.values())))

</pallas_src>

<mosaic_0001>
#map = affine_map<(d0, d1) -> (0, 0)>
#map1 = affine_map<(d0, d1) -> (0, 0, 0)>
module attributes {stable_mosaic.version = 14 : i64} {
  func.func @k(%arg0: i32, %arg1: i32, %arg2: memref<50000x128xf32, #tpu.memory_space<hbm>>, %arg3: memref<32x10x80xi32, #tpu.memory_space<hbm>>, %arg4: memref<25600x128xf32, #tpu.memory_space<hbm>>, %arg5: memref<10x80xi32, #tpu.memory_space<vmem>>, %arg6: memref<80x128xf32, #tpu.memory_space<vmem>>, %arg7: memref<80x128xf32, #tpu.memory_space<vmem>>, %arg8: memref<!tpu.dma_semaphore, #tpu.memory_space<semaphore_mem>>, %arg9: memref<!tpu.dma_semaphore, #tpu.memory_space<semaphore_mem>>, %arg10: memref<!tpu.dma_semaphore, #tpu.memory_space<semaphore_mem>>, %arg11: memref<!tpu.dma_semaphore, #tpu.memory_space<semaphore_mem>>) attributes {dimension_semantics = [#tpu.dimension_semantics<core_parallel>, #tpu.dimension_semantics<subcore_parallel>], iteration_bounds = array<i64: 2, 16>, scalar_prefetch = 0 : i64, scratch_operands = 7 : i64, tpu.core_type = #tpu.core_type<sc_vector_subcore>, window_params = [{transform_indices = #map}, {transform_indices = #map1}, {transform_indices = #map}]} {
    %mul3A = arith.constant 2 : i32
    %mul3A_0 = arith.muli %arg1, %mul3A : i32
    %add3A = arith.addi %mul3A_0, %arg0 : i32
    %mul3A_1 = arith.constant 800 : i32
    %mul3A_2 = arith.muli %add3A, %mul3A_1 : i32
    "tpu.region"() ({
      %run_scoped3A = tpu.sem_alloc : memref<!tpu.dma_semaphore, #tpu.memory_space<semaphore_mem>>
      %dma_start3A_241 = arith.constant 0 : i32
      %dma_start3A_242 = arith.constant 0 : i32
      %dma_start3A_243 = tpu.memref_slice %arg3[%add3A, %dma_start3A_241, %dma_start3A_242] : memref<32x10x80xi32, #tpu.memory_space<hbm>> -> memref<1x10x80xi32, #tpu.memory_space<hbm>>
      %dma_start3A_244 = tpu.memref_squeeze %dma_start3A_243 : memref<1x10x80xi32, #tpu.memory_space<hbm>> -> memref<10x80xi32, #tpu.memory_space<hbm>>
      %dma_start3A_245 = arith.constant 0 : i32
      %dma_start3A_246 = arith.constant 0 : i32
      %dma_start3A_247 = tpu.memref_slice %arg3[%add3A, %dma_start3A_245, %dma_start3A_246] : memref<32x10x80xi32, #tpu.memory_space<hbm>> -> memref<1x10x80xi32, #tpu.memory_space<hbm>>
      %dma_start3A_248 = tpu.memref_squeeze %dma_start3A_247 : memref<1x10x80xi32, #tpu.memory_space<hbm>> -> memref<10x80xi32, #tpu.memory_space<hbm>>
      tpu.enqueue_dma source(%dma_start3A_248 : memref<10x80xi32, #tpu.memory_space<hbm>>) target(%arg5 : memref<10x80xi32, #tpu.memory_space<vmem>>) target_semaphore(%run_scoped3A : memref<!tpu.dma_semaphore, #tpu.memory_space<semaphore_mem>>)
      %dma_wait3A_249 = arith.constant 0 : i32
      %dma_wait3A_250 = arith.constant 0 : i32
      %dma_wait3A_251 = tpu.memref_slice %arg3[%add3A, %dma_wait3A_249, %dma_wait3A_250] : memref<32x10x80xi32, #tpu.memory_space<hbm>> -> memref<1x10x80xi32, #tpu.memory_space<hbm>>
      %dma_wait3A_252 = tpu.memref_squeeze %dma_wait3A_251 : memref<1x10x80xi32, #tpu.memory_space<hbm>> -> memref<10x80xi32, #tpu.memory_space<hbm>>
      %dma_wait3A_253 = arith.constant 0 : i32
      %dma_wait3A_254 = arith.constant 0 : i32
      %dma_wait3A_255 = tpu.memref_slice %arg3[%add3A, %dma_wait3A_253, %dma_wait3A_254] : memref<32x10x80xi32, #tpu.memory_space<hbm>> -> memref<1x10x80xi32, #tpu.memory_space<hbm>>
      %dma_wait3A_256 = tpu.memref_squeeze %dma_wait3A_255 : memref<1x10x80xi32, #tpu.memory_space<hbm>> -> memref<10x80xi32, #tpu.memory_space<hbm>>
      tpu.wait_dma2 semaphore(%run_scoped3A : memref<!tpu.dma_semaphore, #tpu.memory_space<semaphore_mem>>) src(%dma_wait3A_256 : memref<10x80xi32, #tpu.memory_space<hbm>>) dst(%arg5 : memref<10x80xi32, #tpu.memory_space<vmem>>)
      tpu.yield
    }) : () -> ()
    %dma_start3A = arith.constant 0 : i32
    %dma_start3A_3 = arith.constant 0 : i32
    %dma_start3A_4 = tpu.memref_slice %arg5[%dma_start3A, %dma_start3A_3] : memref<10x80xi32, #tpu.memory_space<vmem>> -> memref<1x80xi32, #tpu.memory_space<vmem>>
    %dma_start3A_5 = tpu.memref_squeeze %dma_start3A_4 : memref<1x80xi32, #tpu.memory_space<vmem>> -> memref<80xi32, #tpu.memory_space<vmem>>
    %dma_start3A_6 = arith.constant 0 : i32
    %dma_start3A_7 = arith.constant 0 : i32
    %dma_start3A_8 = tpu.memref_slice %arg2[%dma_start3A_6, %dma_start3A_7] : memref<50000x128xf32, #tpu.memory_space<hbm>> -> memref<50000x128xf32, #tpu.memory_space<hbm>>
    tpu.enqueue_indirect_dma source(%dma_start3A_8 : memref<50000x128xf32, #tpu.memory_space<hbm>>) target(%arg6 : memref<80x128xf32, #tpu.memory_space<vmem>>) offsets(%dma_start3A_5 : memref<80xi32, #tpu.memory_space<vmem>>) semaphore(%arg8 : memref<!tpu.dma_semaphore, #tpu.memory_space<semaphore_mem>>)
    %dma_wait3A = arith.constant 0 : i32
    %dma_wait3A_9 = arith.constant 0 : i32
    %dma_wait3A_10 = tpu.memref_slice %arg5[%dma_wait3A, %dma_wait3A_9] : memref<10x80xi32, #tpu.memory_space<vmem>> -> memref<1x80xi32, #tpu.memory_space<vmem>>
    %dma_wait3A_11 = tpu.memref_squeeze %dma_wait3A_10 : memref<1x80xi32, #tpu.memory_space<vmem>> -> memref<80xi32, #tpu.memory_space<vmem>>
    %dma_wait3A_12 = arith.constant 0 : i32
    %dma_wait3A_13 = arith.constant 0 : i32
    %dma_wait3A_14 = tpu.memref_slice %arg2[%dma_wait3A_12, %dma_wait3A_13] : memref<50000x128xf32, #tpu.memory_space<hbm>> -> memref<50000x128xf32, #tpu.memory_space<hbm>>
    tpu.wait_indirect_dma semaphore(%arg8 : memref<!tpu.dma_semaphore, #tpu.memory_space<semaphore_mem>>) src(%dma_wait3A_14 : memref<50000x128xf32, #tpu.memory_space<hbm>>) dst(%arg6 : memref<80x128xf32, #tpu.memory_space<vmem>>)
    %add3A_15 = arith.constant 0 : i32
    %add3A_16 = arith.addi %mul3A_2, %add3A_15 : i32
    %dma_start3A_17 = arith.constant 0 : i32
    %dma_start3A_18 = tpu.memref_slice %arg4[%add3A_16, %dma_start3A_17] : memref<25600x128xf32, #tpu.memory_space<hbm>> -> memref<80x128xf32, #tpu.memory_space<hbm>>
    %dma_start3A_19 = arith.constant 0 : i32
    %dma_start3A_20 = tpu.memref_slice %arg4[%add3A_16, %dma_start3A_19] : memref<25600x128xf32, #tpu.memory_space<hbm>> -> memref<80x128xf32, #tpu.memory_space<hbm>>
    tpu.enqueue_dma source(%arg6 : memref<80x128xf32, #tpu.memory_space<vmem>>) target(%dma_start3A_20 : memref<80x128xf32, #tpu.memory_space<hbm>>) target_semaphore(%arg10 : memref<!tpu.dma_semaphore, #tpu.memory_space<semaphore_mem>>)
    %dma_start3A_21 = arith.constant 1 : i32
    %dma_start3A_22 = arith.constant 0 : i32
    %dma_start3A_23 = tpu.memref_slice %arg5[%dma_start3A_21, %dma_start3A_22] : memref<10x80xi32, #tpu.memory_space<vmem>> -> memref<1x80xi32, #tpu.memory_space<vmem>>
    %dma_start3A_24 = tpu.memref_squeeze %dma_start3A_23 : memref<1x80xi32, #tpu.memory_space<vmem>> -> memref<80xi32, #tpu.memory_space<vmem>>
    %dma_start3A_25 = arith.constant 0 : i32
    %dma_start3A_26 = arith.constant 0 : i32
    %dma_start3A_27 = tpu.memref_slice %arg2[%dma_start3A_25, %dma_start3A_26] : memref<50000x128xf32, #tpu.memory_space<hbm>> -> memref<50000x128xf32, #tpu.memory_space<hbm>>
    tpu.enqueue_indirect_dma source(%dma_start3A_27 : memref<50000x128xf32, #tpu.memory_space<hbm>>) target(%arg7 : memref<80x128xf32, #tpu.memory_space<vmem>>) offsets(%dma_start3A_24 : memref<80xi32, #tpu.memory_space<vmem>>) semaphore(%arg9 : memref<!tpu.dma_semaphore, #tpu.memory_space<semaphore_mem>>)
    %dma_wait3A_28 = arith.constant 1 : i32
    %dma_wait3A_29 = arith.constant 0 : i32
    %dma_wait3A_30 = tpu.memref_slice %arg5[%dma_wait3A_28, %dma_wait3A_29] : memref<10x80xi32, #tpu.memory_space<vmem>> -> memref<1x80xi32, #tpu.memory_space<vmem>>
    %dma_wait3A_31 = tpu.memref_squeeze %dma_wait3A_30 : memref<1x80xi32, #tpu.memory_space<vmem>> -> memref<80xi32, #tpu.memory_space<vmem>>
    %dma_wait3A_32 = arith.constant 0 : i32
    %dma_wait3A_33 = arith.constant 0 : i32
    %dma_wait3A_34 = tpu.memref_slice %arg2[%dma_wait3A_32, %dma_wait3A_33] : memref<50000x128xf32, #tpu.memory_space<hbm>> -> memref<50000x128xf32, #tpu.memory_space<hbm>>
    tpu.wait_indirect_dma semaphore(%arg9 : memref<!tpu.dma_semaphore, #tpu.memory_space<semaphore_mem>>) src(%dma_wait3A_34 : memref<50000x128xf32, #tpu.memory_space<hbm>>) dst(%arg7 : memref<80x128xf32, #tpu.memory_space<vmem>>)
    %add3A_35 = arith.constant 80 : i32
    %add3A_36 = arith.addi %mul3A_2, %add3A_35 : i32
    %dma_start3A_37 = arith.constant 0 : i32
    %dma_start3A_38 = tpu.memref_slice %arg4[%add3A_36, %dma_start3A_37] : memref<25600x128xf32, #tpu.memory_space<hbm>> -> memref<80x128xf32, #tpu.memory_space<hbm>>
    %dma_start3A_39 = arith.constant 0 : i32
    %dma_start3A_40 = tpu.memref_slice %arg4[%add3A_36, %dma_start3A_39] : memref<25600x128xf32, #tpu.memory_space<hbm>> -> memref<80x128xf32, #tpu.memory_space<hbm>>
    tpu.enqueue_dma source(%arg7 : memref<80x128xf32, #tpu.memory_space<vmem>>) target(%dma_start3A_40 : memref<80x128xf32, #tpu.memory_space<hbm>>) target_semaphore(%arg11 : memref<!tpu.dma_semaphore, #tpu.memory_space<semaphore_mem>>)
    %dma_wait3A_41 = arith.constant 0 : i32
    %dma_wait3A_42 = tpu.memref_slice %arg4[%add3A_16, %dma_wait3A_41] : memref<25600x128xf32, #tpu.memory_space<hbm>> -> memref<80x128xf32, #tpu.memory_space<hbm>>
    %dma_wait3A_43 = arith.constant 0 : i32
    %dma_wait3A_44 = tpu.memref_slice %arg4[%add3A_16, %dma_wait3A_43] : memref<25600x128xf32, #tpu.memory_space<hbm>> -> memref<80x128xf32, #tpu.memory_space<hbm>>
    tpu.wait_dma2 semaphore(%arg10 : memref<!tpu.dma_semaphore, #tpu.memory_space<semaphore_mem>>) src(%arg6 : memref<80x128xf32, #tpu.memory_space<vmem>>) dst(%dma_wait3A_44 : memref<80x128xf32, #tpu.memory_space<hbm>>)
    %dma_start3A_45 = arith.constant 2 : i32
    %dma_start3A_46 = arith.constant 0 : i32
    %dma_start3A_47 = tpu.memref_slice %arg5[%dma_start3A_45, %dma_start3A_46] : memref<10x80xi32, #tpu.memory_space<vmem>> -> memref<1x80xi32, #tpu.memory_space<vmem>>
    %dma_start3A_48 = tpu.memref_squeeze %dma_start3A_47 : memref<1x80xi32, #tpu.memory_space<vmem>> -> memref<80xi32, #tpu.memory_space<vmem>>
    %dma_start3A_49 = arith.constant 0 : i32
    %dma_start3A_50 = arith.constant 0 : i32
    %dma_start3A_51 = tpu.memref_slice %arg2[%dma_start3A_49, %dma_start3A_50] : memref<50000x128xf32, #tpu.memory_space<hbm>> -> memref<50000x128xf32, #tpu.memory_space<hbm>>
    tpu.enqueue_indirect_dma source(%dma_start3A_51 : memref<50000x128xf32, #tpu.memory_space<hbm>>) target(%arg6 : memref<80x128xf32, #tpu.memory_space<vmem>>) offsets(%dma_start3A_48 : memref<80xi32, #tpu.memory_space<vmem>>) semaphore(%arg8 : memref<!tpu.dma_semaphore, #tpu.memory_space<semaphore_mem>>)
    %dma_wait3A_52 = arith.constant 2 : i32
    %dma_wait3A_53 = arith.constant 0 : i32
    %dma_wait3A_54 = tpu.memref_slice %arg5[%dma_wait3A_52, %dma_wait3A_53] : memref<10x80xi32, #tpu.memory_space<vmem>> -> memref<1x80xi32, #tpu.memory_space<vmem>>
    %dma_wait3A_55 = tpu.memref_squeeze %dma_wait3A_54 : memref<1x80xi32, #tpu.memory_space<vmem>> -> memref<80xi32, #tpu.memory_space<vmem>>
    %dma_wait3A_56 = arith.constant 0 : i32
    %dma_wait3A_57 = arith.constant 0 : i32
    %dma_wait3A_58 = tpu.memref_slice %arg2[%dma_wait3A_56, %dma_wait3A_57] : memref<50000x128xf32, #tpu.memory_space<hbm>> -> memref<50000x128xf32, #tpu.memory_space<hbm>>
    tpu.wait_indirect_dma semaphore(%arg8 : memref<!tpu.dma_semaphore, #tpu.memory_space<semaphore_mem>>) src(%dma_wait3A_58 : memref<50000x128xf32, #tpu.memory_space<hbm>>) dst(%arg6 : memref<80x128xf32, #tpu.memory_space<vmem>>)
    %add3A_59 = arith.constant 160 : i32
    %add3A_60 = arith.addi %mul3A_2, %add3A_59 : i32
    %dma_start3A_61 = arith.constant 0 : i32
    %dma_start3A_62 = tpu.memref_slice %arg4[%add3A_60, %dma_start3A_61] : memref<25600x128xf32, #tpu.memory_space<hbm>> -> memref<80x128xf32, #tpu.memory_space<hbm>>
    %dma_start3A_63 = arith.constant 0 : i32
    %dma_start3A_64 = tpu.memref_slice %arg4[%add3A_60, %dma_start3A_63] : memref<25600x128xf32, #tpu.memory_space<hbm>> -> memref<80x128xf32, #tpu.memory_space<hbm>>
    tpu.enqueue_dma source(%arg6 : memref<80x128xf32, #tpu.memory_space<vmem>>) target(%dma_start3A_64 : memref<80x128xf32, #tpu.memory_space<hbm>>) target_semaphore(%arg10 : memref<!tpu.dma_semaphore, #tpu.memory_space<semaphore_mem>>)
    %dma_wait3A_65 = arith.constant 0 : i32
    %dma_wait3A_66 = tpu.memref_slice %arg4[%add3A_36, %dma_wait3A_65] : memref<25600x128xf32, #tpu.memory_space<hbm>> -> memref<80x128xf32, #tpu.memory_space<hbm>>
    %dma_wait3A_67 = arith.constant 0 : i32
    %dma_wait3A_68 = tpu.memref_slice %arg4[%add3A_36, %dma_wait3A_67] : memref<25600x128xf32, #tpu.memory_space<hbm>> -> memref<80x128xf32, #tpu.memory_space<hbm>>
    tpu.wait_dma2 semaphore(%arg11 : memref<!tpu.dma_semaphore, #tpu.memory_space<semaphore_mem>>) src(%arg7 : memref<80x128xf32, #tpu.memory_space<vmem>>) dst(%dma_wait3A_68 : memref<80x128xf32, #tpu.memory_space<hbm>>)
    %dma_start3A_69 = arith.constant 3 : i32
    %dma_start3A_70 = arith.constant 0 : i32
    %dma_start3A_71 = tpu.memref_slice %arg5[%dma_start3A_69, %dma_start3A_70] : memref<10x80xi32, #tpu.memory_space<vmem>> -> memref<1x80xi32, #tpu.memory_space<vmem>>
    %dma_start3A_72 = tpu.memref_squeeze %dma_start3A_71 : memref<1x80xi32, #tpu.memory_space<vmem>> -> memref<80xi32, #tpu.memory_space<vmem>>
    %dma_start3A_73 = arith.constant 0 : i32
    %dma_start3A_74 = arith.constant 0 : i32
    %dma_start3A_75 = tpu.memref_slice %arg2[%dma_start3A_73, %dma_start3A_74] : memref<50000x128xf32, #tpu.memory_space<hbm>> -> memref<50000x128xf32, #tpu.memory_space<hbm>>
    tpu.enqueue_indirect_dma source(%dma_start3A_75 : memref<50000x128xf32, #tpu.memory_space<hbm>>) target(%arg7 : memref<80x128xf32, #tpu.memory_space<vmem>>) offsets(%dma_start3A_72 : memref<80xi32, #tpu.memory_space<vmem>>) semaphore(%arg9 : memref<!tpu.dma_semaphore, #tpu.memory_space<semaphore_mem>>)
    %dma_wait3A_76 = arith.constant 3 : i32
    %dma_wait3A_77 = arith.constant 0 : i32
    %dma_wait3A_78 = tpu.memref_slice %arg5[%dma_wait3A_76, %dma_wait3A_77] : memref<10x80xi32, #tpu.memory_space<vmem>> -> memref<1x80xi32, #tpu.memory_space<vmem>>
    %dma_wait3A_79 = tpu.memref_squeeze %dma_wait3A_78 : memref<1x80xi32, #tpu.memory_space<vmem>> -> memref<80xi32, #tpu.memory_space<vmem>>
    %dma_wait3A_80 = arith.constant 0 : i32
    %dma_wait3A_81 = arith.constant 0 : i32
    %dma_wait3A_82 = tpu.memref_slice %arg2[%dma_wait3A_80, %dma_wait3A_81] : memref<50000x128xf32, #tpu.memory_space<hbm>> -> memref<50000x128xf32, #tpu.memory_space<hbm>>
    tpu.wait_indirect_dma semaphore(%arg9 : memref<!tpu.dma_semaphore, #tpu.memory_space<semaphore_mem>>) src(%dma_wait3A_82 : memref<50000x128xf32, #tpu.memory_space<hbm>>) dst(%arg7 : memref<80x128xf32, #tpu.memory_space<vmem>>)
    %add3A_83 = arith.constant 240 : i32
    %add3A_84 = arith.addi %mul3A_2, %add3A_83 : i32
    %dma_start3A_85 = arith.constant 0 : i32
    %dma_start3A_86 = tpu.memref_slice %arg4[%add3A_84, %dma_start3A_85] : memref<25600x128xf32, #tpu.memory_space<hbm>> -> memref<80x128xf32, #tpu.memory_space<hbm>>
    %dma_start3A_87 = arith.constant 0 : i32
    %dma_start3A_88 = tpu.memref_slice %arg4[%add3A_84, %dma_start3A_87] : memref<25600x128xf32, #tpu.memory_space<hbm>> -> memref<80x128xf32, #tpu.memory_space<hbm>>
    tpu.enqueue_dma source(%arg7 : memref<80x128xf32, #tpu.memory_space<vmem>>) target(%dma_start3A_88 : memref<80x128xf32, #tpu.memory_space<hbm>>) target_semaphore(%arg11 : memref<!tpu.dma_semaphore, #tpu.memory_space<semaphore_mem>>)
    %dma_wait3A_89 = arith.constant 0 : i32
    %dma_wait3A_90 = tpu.memref_slice %arg4[%add3A_60, %dma_wait3A_89] : memref<25600x128xf32, #tpu.memory_space<hbm>> -> memref<80x128xf32, #tpu.memory_space<hbm>>
    %dma_wait3A_91 = arith.constant 0 : i32
    %dma_wait3A_92 = tpu.memref_slice %arg4[%add3A_60, %dma_wait3A_91] : memref<25600x128xf32, #tpu.memory_space<hbm>> -> memref<80x128xf32, #tpu.memory_space<hbm>>
    tpu.wait_dma2 semaphore(%arg10 : memref<!tpu.dma_semaphore, #tpu.memory_space<semaphore_mem>>) src(%arg6 : memref<80x128xf32, #tpu.memory_space<vmem>>) dst(%dma_wait3A_92 : memref<80x128xf32, #tpu.memory_space<hbm>>)
    %dma_start3A_93 = arith.constant 4 : i32
    %dma_start3A_94 = arith.constant 0 : i32
    %dma_start3A_95 = tpu.memref_slice %arg5[%dma_start3A_93, %dma_start3A_94] : memref<10x80xi32, #tpu.memory_space<vmem>> -> memref<1x80xi32, #tpu.memory_space<vmem>>
    %dma_start3A_96 = tpu.memref_squeeze %dma_start3A_95 : memref<1x80xi32, #tpu.memory_space<vmem>> -> memref<80xi32, #tpu.memory_space<vmem>>
    %dma_start3A_97 = arith.constant 0 : i32
    %dma_start3A_98 = arith.constant 0 : i32
    %dma_start3A_99 = tpu.memref_slice %arg2[%dma_start3A_97, %dma_start3A_98] : memref<50000x128xf32, #tpu.memory_space<hbm>> -> memref<50000x128xf32, #tpu.memory_space<hbm>>
    tpu.enqueue_indirect_dma source(%dma_start3A_99 : memref<50000x128xf32, #tpu.memory_space<hbm>>) target(%arg6 : memref<80x128xf32, #tpu.memory_space<vmem>>) offsets(%dma_start3A_96 : memref<80xi32, #tpu.memory_space<vmem>>) semaphore(%arg8 : memref<!tpu.dma_semaphore, #tpu.memory_space<semaphore_mem>>)
    %dma_wait3A_100 = arith.constant 4 : i32
    %dma_wait3A_101 = arith.constant 0 : i32
    %dma_wait3A_102 = tpu.memref_slice %arg5[%dma_wait3A_100, %dma_wait3A_101] : memref<10x80xi32, #tpu.memory_space<vmem>> -> memref<1x80xi32, #tpu.memory_space<vmem>>
    %dma_wait3A_103 = tpu.memref_squeeze %dma_wait3A_102 : memref<1x80xi32, #tpu.memory_space<vmem>> -> memref<80xi32, #tpu.memory_space<vmem>>
    %dma_wait3A_104 = arith.constant 0 : i32
    %dma_wait3A_105 = arith.constant 0 : i32
    %dma_wait3A_106 = tpu.memref_slice %arg2[%dma_wait3A_104, %dma_wait3A_105] : memref<50000x128xf32, #tpu.memory_space<hbm>> -> memref<50000x128xf32, #tpu.memory_space<hbm>>
    tpu.wait_indirect_dma semaphore(%arg8 : memref<!tpu.dma_semaphore, #tpu.memory_space<semaphore_mem>>) src(%dma_wait3A_106 : memref<50000x128xf32, #tpu.memory_space<hbm>>) dst(%arg6 : memref<80x128xf32, #tpu.memory_space<vmem>>)
    %add3A_107 = arith.constant 320 : i32
    %add3A_108 = arith.addi %mul3A_2, %add3A_107 : i32
    %dma_start3A_109 = arith.constant 0 : i32
    %dma_start3A_110 = tpu.memref_slice %arg4[%add3A_108, %dma_start3A_109] : memref<25600x128xf32, #tpu.memory_space<hbm>> -> memref<80x128xf32, #tpu.memory_space<hbm>>
    %dma_start3A_111 = arith.constant 0 : i32
    %dma_start3A_112 = tpu.memref_slice %arg4[%add3A_108, %dma_start3A_111] : memref<25600x128xf32, #tpu.memory_space<hbm>> -> memref<80x128xf32, #tpu.memory_space<hbm>>
    tpu.enqueue_dma source(%arg6 : memref<80x128xf32, #tpu.memory_space<vmem>>) target(%dma_start3A_112 : memref<80x128xf32, #tpu.memory_space<hbm>>) target_semaphore(%arg10 : memref<!tpu.dma_semaphore, #tpu.memory_space<semaphore_mem>>)
    %dma_wait3A_113 = arith.constant 0 : i32
    %dma_wait3A_114 = tpu.memref_slice %arg4[%add3A_84, %dma_wait3A_113] : memref<25600x128xf32, #tpu.memory_space<hbm>> -> memref<80x128xf32, #tpu.memory_space<hbm>>
    %dma_wait3A_115 = arith.constant 0 : i32
    %dma_wait3A_116 = tpu.memref_slice %arg4[%add3A_84, %dma_wait3A_115] : memref<25600x128xf32, #tpu.memory_space<hbm>> -> memref<80x128xf32, #tpu.memory_space<hbm>>
    tpu.wait_dma2 semaphore(%arg11 : memref<!tpu.dma_semaphore, #tpu.memory_space<semaphore_mem>>) src(%arg7 : memref<80x128xf32, #tpu.memory_space<vmem>>) dst(%dma_wait3A_116 : memref<80x128xf32, #tpu.memory_space<hbm>>)
    %dma_start3A_117 = arith.constant 5 : i32
    %dma_start3A_118 = arith.constant 0 : i32
    %dma_start3A_119 = tpu.memref_slice %arg5[%dma_start3A_117, %dma_start3A_118] : memref<10x80xi32, #tpu.memory_space<vmem>> -> memref<1x80xi32, #tpu.memory_space<vmem>>
    %dma_start3A_120 = tpu.memref_squeeze %dma_start3A_119 : memref<1x80xi32, #tpu.memory_space<vmem>> -> memref<80xi32, #tpu.memory_space<vmem>>
    %dma_start3A_121 = arith.constant 0 : i32
    %dma_start3A_122 = arith.constant 0 : i32
    %dma_start3A_123 = tpu.memref_slice %arg2[%dma_start3A_121, %dma_start3A_122] : memref<50000x128xf32, #tpu.memory_space<hbm>> -> memref<50000x128xf32, #tpu.memory_space<hbm>>
    tpu.enqueue_indirect_dma source(%dma_start3A_123 : memref<50000x128xf32, #tpu.memory_space<hbm>>) target(%arg7 : memref<80x128xf32, #tpu.memory_space<vmem>>) offsets(%dma_start3A_120 : memref<80xi32, #tpu.memory_space<vmem>>) semaphore(%arg9 : memref<!tpu.dma_semaphore, #tpu.memory_space<semaphore_mem>>)
    %dma_wait3A_124 = arith.constant 5 : i32
    %dma_wait3A_125 = arith.constant 0 : i32
    %dma_wait3A_126 = tpu.memref_slice %arg5[%dma_wait3A_124, %dma_wait3A_125] : memref<10x80xi32, #tpu.memory_space<vmem>> -> memref<1x80xi32, #tpu.memory_space<vmem>>
    %dma_wait3A_127 = tpu.memref_squeeze %dma_wait3A_126 : memref<1x80xi32, #tpu.memory_space<vmem>> -> memref<80xi32, #tpu.memory_space<vmem>>
    %dma_wait3A_128 = arith.constant 0 : i32
    %dma_wait3A_129 = arith.constant 0 : i32
    %dma_wait3A_130 = tpu.memref_slice %arg2[%dma_wait3A_128, %dma_wait3A_129] : memref<50000x128xf32, #tpu.memory_space<hbm>> -> memref<50000x128xf32, #tpu.memory_space<hbm>>
    tpu.wait_indirect_dma semaphore(%arg9 : memref<!tpu.dma_semaphore, #tpu.memory_space<semaphore_mem>>) src(%dma_wait3A_130 : memref<50000x128xf32, #tpu.memory_space<hbm>>) dst(%arg7 : memref<80x128xf32, #tpu.memory_space<vmem>>)
    %add3A_131 = arith.constant 400 : i32
    %add3A_132 = arith.addi %mul3A_2, %add3A_131 : i32
    %dma_start3A_133 = arith.constant 0 : i32
    %dma_start3A_134 = tpu.memref_slice %arg4[%add3A_132, %dma_start3A_133] : memref<25600x128xf32, #tpu.memory_space<hbm>> -> memref<80x128xf32, #tpu.memory_space<hbm>>
    %dma_start3A_135 = arith.constant 0 : i32
    %dma_start3A_136 = tpu.memref_slice %arg4[%add3A_132, %dma_start3A_135] : memref<25600x128xf32, #tpu.memory_space<hbm>> -> memref<80x128xf32, #tpu.memory_space<hbm>>
    tpu.enqueue_dma source(%arg7 : memref<80x128xf32, #tpu.memory_space<vmem>>) target(%dma_start3A_136 : memref<80x128xf32, #tpu.memory_space<hbm>>) target_semaphore(%arg11 : memref<!tpu.dma_semaphore, #tpu.memory_space<semaphore_mem>>)
    %dma_wait3A_137 = arith.constant 0 : i32
    %dma_wait3A_138 = tpu.memref_slice %arg4[%add3A_108, %dma_wait3A_137] : memref<25600x128xf32, #tpu.memory_space<hbm>> -> memref<80x128xf32, #tpu.memory_space<hbm>>
    %dma_wait3A_139 = arith.constant 0 : i32
    %dma_wait3A_140 = tpu.memref_slice %arg4[%add3A_108, %dma_wait3A_139] : memref<25600x128xf32, #tpu.memory_space<hbm>> -> memref<80x128xf32, #tpu.memory_space<hbm>>
    tpu.wait_dma2 semaphore(%arg10 : memref<!tpu.dma_semaphore, #tpu.memory_space<semaphore_mem>>) src(%arg6 : memref<80x128xf32, #tpu.memory_space<vmem>>) dst(%dma_wait3A_140 : memref<80x128xf32, #tpu.memory_space<hbm>>)
    %dma_start3A_141 = arith.constant 6 : i32
    %dma_start3A_142 = arith.constant 0 : i32
    %dma_start3A_143 = tpu.memref_slice %arg5[%dma_start3A_141, %dma_start3A_142] : memref<10x80xi32, #tpu.memory_space<vmem>> -> memref<1x80xi32, #tpu.memory_space<vmem>>
    %dma_start3A_144 = tpu.memref_squeeze %dma_start3A_143 : memref<1x80xi32, #tpu.memory_space<vmem>> -> memref<80xi32, #tpu.memory_space<vmem>>
    %dma_start3A_145 = arith.constant 0 : i32
    %dma_start3A_146 = arith.constant 0 : i32
    %dma_start3A_147 = tpu.memref_slice %arg2[%dma_start3A_145, %dma_start3A_146] : memref<50000x128xf32, #tpu.memory_space<hbm>> -> memref<50000x128xf32, #tpu.memory_space<hbm>>
    tpu.enqueue_indirect_dma source(%dma_start3A_147 : memref<50000x128xf32, #tpu.memory_space<hbm>>) target(%arg6 : memref<80x128xf32, #tpu.memory_space<vmem>>) offsets(%dma_start3A_144 : memref<80xi32, #tpu.memory_space<vmem>>) semaphore(%arg8 : memref<!tpu.dma_semaphore, #tpu.memory_space<semaphore_mem>>)
    %dma_wait3A_148 = arith.constant 6 : i32
    %dma_wait3A_149 = arith.constant 0 : i32
    %dma_wait3A_150 = tpu.memref_slice %arg5[%dma_wait3A_148, %dma_wait3A_149] : memref<10x80xi32, #tpu.memory_space<vmem>> -> memref<1x80xi32, #tpu.memory_space<vmem>>
    %dma_wait3A_151 = tpu.memref_squeeze %dma_wait3A_150 : memref<1x80xi32, #tpu.memory_space<vmem>> -> memref<80xi32, #tpu.memory_space<vmem>>
    %dma_wait3A_152 = arith.constant 0 : i32
    %dma_wait3A_153 = arith.constant 0 : i32
    %dma_wait3A_154 = tpu.memref_slice %arg2[%dma_wait3A_152, %dma_wait3A_153] : memref<50000x128xf32, #tpu.memory_space<hbm>> -> memref<50000x128xf32, #tpu.memory_space<hbm>>
    tpu.wait_indirect_dma semaphore(%arg8 : memref<!tpu.dma_semaphore, #tpu.memory_space<semaphore_mem>>) src(%dma_wait3A_154 : memref<50000x128xf32, #tpu.memory_space<hbm>>) dst(%arg6 : memref<80x128xf32, #tpu.memory_space<vmem>>)
    %add3A_155 = arith.constant 480 : i32
    %add3A_156 = arith.addi %mul3A_2, %add3A_155 : i32
    %dma_start3A_157 = arith.constant 0 : i32
    %dma_start3A_158 = tpu.memref_slice %arg4[%add3A_156, %dma_start3A_157] : memref<25600x128xf32, #tpu.memory_space<hbm>> -> memref<80x128xf32, #tpu.memory_space<hbm>>
    %dma_start3A_159 = arith.constant 0 : i32
    %dma_start3A_160 = tpu.memref_slice %arg4[%add3A_156, %dma_start3A_159] : memref<25600x128xf32, #tpu.memory_space<hbm>> -> memref<80x128xf32, #tpu.memory_space<hbm>>
    tpu.enqueue_dma source(%arg6 : memref<80x128xf32, #tpu.memory_space<vmem>>) target(%dma_start3A_160 : memref<80x128xf32, #tpu.memory_space<hbm>>) target_semaphore(%arg10 : memref<!tpu.dma_semaphore, #tpu.memory_space<semaphore_mem>>)
    %dma_wait3A_161 = arith.constant 0 : i32
    %dma_wait3A_162 = tpu.memref_slice %arg4[%add3A_132, %dma_wait3A_161] : memref<25600x128xf32, #tpu.memory_space<hbm>> -> memref<80x128xf32, #tpu.memory_space<hbm>>
    %dma_wait3A_163 = arith.constant 0 : i32
    %dma_wait3A_164 = tpu.memref_slice %arg4[%add3A_132, %dma_wait3A_163] : memref<25600x128xf32, #tpu.memory_space<hbm>> -> memref<80x128xf32, #tpu.memory_space<hbm>>
    tpu.wait_dma2 semaphore(%arg11 : memref<!tpu.dma_semaphore, #tpu.memory_space<semaphore_mem>>) src(%arg7 : memref<80x128xf32, #tpu.memory_space<vmem>>) dst(%dma_wait3A_164 : memref<80x128xf32, #tpu.memory_space<hbm>>)
    %dma_start3A_165 = arith.constant 7 : i32
    %dma_start3A_166 = arith.constant 0 : i32
    %dma_start3A_167 = tpu.memref_slice %arg5[%dma_start3A_165, %dma_start3A_166] : memref<10x80xi32, #tpu.memory_space<vmem>> -> memref<1x80xi32, #tpu.memory_space<vmem>>
    %dma_start3A_168 = tpu.memref_squeeze %dma_start3A_167 : memref<1x80xi32, #tpu.memory_space<vmem>> -> memref<80xi32, #tpu.memory_space<vmem>>
    %dma_start3A_169 = arith.constant 0 : i32
    %dma_start3A_170 = arith.constant 0 : i32
    %dma_start3A_171 = tpu.memref_slice %arg2[%dma_start3A_169, %dma_start3A_170] : memref<50000x128xf32, #tpu.memory_space<hbm>> -> memref<50000x128xf32, #tpu.memory_space<hbm>>
    tpu.enqueue_indirect_dma source(%dma_start3A_171 : memref<50000x128xf32, #tpu.memory_space<hbm>>) target(%arg7 : memref<80x128xf32, #tpu.memory_space<vmem>>) offsets(%dma_start3A_168 : memref<80xi32, #tpu.memory_space<vmem>>) semaphore(%arg9 : memref<!tpu.dma_semaphore, #tpu.memory_space<semaphore_mem>>)
    %dma_wait3A_172 = arith.constant 7 : i32
    %dma_wait3A_173 = arith.constant 0 : i32
    %dma_wait3A_174 = tpu.memref_slice %arg5[%dma_wait3A_172, %dma_wait3A_173] : memref<10x80xi32, #tpu.memory_space<vmem>> -> memref<1x80xi32, #tpu.memory_space<vmem>>
    %dma_wait3A_175 = tpu.memref_squeeze %dma_wait3A_174 : memref<1x80xi32, #tpu.memory_space<vmem>> -> memref<80xi32, #tpu.memory_space<vmem>>
    %dma_wait3A_176 = arith.constant 0 : i32
    %dma_wait3A_177 = arith.constant 0 : i32
    %dma_wait3A_178 = tpu.memref_slice %arg2[%dma_wait3A_176, %dma_wait3A_177] : memref<50000x128xf32, #tpu.memory_space<hbm>> -> memref<50000x128xf32, #tpu.memory_space<hbm>>
    tpu.wait_indirect_dma semaphore(%arg9 : memref<!tpu.dma_semaphore, #tpu.memory_space<semaphore_mem>>) src(%dma_wait3A_178 : memref<50000x128xf32, #tpu.memory_space<hbm>>) dst(%arg7 : memref<80x128xf32, #tpu.memory_space<vmem>>)
    %add3A_179 = arith.constant 560 : i32
    %add3A_180 = arith.addi %mul3A_2, %add3A_179 : i32
    %dma_start3A_181 = arith.constant 0 : i32
    %dma_start3A_182 = tpu.memref_slice %arg4[%add3A_180, %dma_start3A_181] : memref<25600x128xf32, #tpu.memory_space<hbm>> -> memref<80x128xf32, #tpu.memory_space<hbm>>
    %dma_start3A_183 = arith.constant 0 : i32
    %dma_start3A_184 = tpu.memref_slice %arg4[%add3A_180, %dma_start3A_183] : memref<25600x128xf32, #tpu.memory_space<hbm>> -> memref<80x128xf32, #tpu.memory_space<hbm>>
    tpu.enqueue_dma source(%arg7 : memref<80x128xf32, #tpu.memory_space<vmem>>) target(%dma_start3A_184 : memref<80x128xf32, #tpu.memory_space<hbm>>) target_semaphore(%arg11 : memref<!tpu.dma_semaphore, #tpu.memory_space<semaphore_mem>>)
    %dma_wait3A_185 = arith.constant 0 : i32
    %dma_wait3A_186 = tpu.memref_slice %arg4[%add3A_156, %dma_wait3A_185] : memref<25600x128xf32, #tpu.memory_space<hbm>> -> memref<80x128xf32, #tpu.memory_space<hbm>>
    %dma_wait3A_187 = arith.constant 0 : i32
    %dma_wait3A_188 = tpu.memref_slice %arg4[%add3A_156, %dma_wait3A_187] : memref<25600x128xf32, #tpu.memory_space<hbm>> -> memref<80x128xf32, #tpu.memory_space<hbm>>
    tpu.wait_dma2 semaphore(%arg10 : memref<!tpu.dma_semaphore, #tpu.memory_space<semaphore_mem>>) src(%arg6 : memref<80x128xf32, #tpu.memory_space<vmem>>) dst(%dma_wait3A_188 : memref<80x128xf32, #tpu.memory_space<hbm>>)
    %dma_start3A_189 = arith.constant 8 : i32
    %dma_start3A_190 = arith.constant 0 : i32
    %dma_start3A_191 = tpu.memref_slice %arg5[%dma_start3A_189, %dma_start3A_190] : memref<10x80xi32, #tpu.memory_space<vmem>> -> memref<1x80xi32, #tpu.memory_space<vmem>>
    %dma_start3A_192 = tpu.memref_squeeze %dma_start3A_191 : memref<1x80xi32, #tpu.memory_space<vmem>> -> memref<80xi32, #tpu.memory_space<vmem>>
    %dma_start3A_193 = arith.constant 0 : i32
    %dma_start3A_194 = arith.constant 0 : i32
    %dma_start3A_195 = tpu.memref_slice %arg2[%dma_start3A_193, %dma_start3A_194] : memref<50000x128xf32, #tpu.memory_space<hbm>> -> memref<50000x128xf32, #tpu.memory_space<hbm>>
    tpu.enqueue_indirect_dma source(%dma_start3A_195 : memref<50000x128xf32, #tpu.memory_space<hbm>>) target(%arg6 : memref<80x128xf32, #tpu.memory_space<vmem>>) offsets(%dma_start3A_192 : memref<80xi32, #tpu.memory_space<vmem>>) semaphore(%arg8 : memref<!tpu.dma_semaphore, #tpu.memory_space<semaphore_mem>>)
    %dma_wait3A_196 = arith.constant 8 : i32
    %dma_wait3A_197 = arith.constant 0 : i32
    %dma_wait3A_198 = tpu.memref_slice %arg5[%dma_wait3A_196, %dma_wait3A_197] : memref<10x80xi32, #tpu.memory_space<vmem>> -> memref<1x80xi32, #tpu.memory_space<vmem>>
    %dma_wait3A_199 = tpu.memref_squeeze %dma_wait3A_198 : memref<1x80xi32, #tpu.memory_space<vmem>> -> memref<80xi32, #tpu.memory_space<vmem>>
    %dma_wait3A_200 = arith.constant 0 : i32
    %dma_wait3A_201 = arith.constant 0 : i32
    %dma_wait3A_202 = tpu.memref_slice %arg2[%dma_wait3A_200, %dma_wait3A_201] : memref<50000x128xf32, #tpu.memory_space<hbm>> -> memref<50000x128xf32, #tpu.memory_space<hbm>>
    tpu.wait_indirect_dma semaphore(%arg8 : memref<!tpu.dma_semaphore, #tpu.memory_space<semaphore_mem>>) src(%dma_wait3A_202 : memref<50000x128xf32, #tpu.memory_space<hbm>>) dst(%arg6 : memref<80x128xf32, #tpu.memory_space<vmem>>)
    %add3A_203 = arith.constant 640 : i32
    %add3A_204 = arith.addi %mul3A_2, %add3A_203 : i32
    %dma_start3A_205 = arith.constant 0 : i32
    %dma_start3A_206 = tpu.memref_slice %arg4[%add3A_204, %dma_start3A_205] : memref<25600x128xf32, #tpu.memory_space<hbm>> -> memref<80x128xf32, #tpu.memory_space<hbm>>
    %dma_start3A_207 = arith.constant 0 : i32
    %dma_start3A_208 = tpu.memref_slice %arg4[%add3A_204, %dma_start3A_207] : memref<25600x128xf32, #tpu.memory_space<hbm>> -> memref<80x128xf32, #tpu.memory_space<hbm>>
    tpu.enqueue_dma source(%arg6 : memref<80x128xf32, #tpu.memory_space<vmem>>) target(%dma_start3A_208 : memref<80x128xf32, #tpu.memory_space<hbm>>) target_semaphore(%arg10 : memref<!tpu.dma_semaphore, #tpu.memory_space<semaphore_mem>>)
    %dma_wait3A_209 = arith.constant 0 : i32
    %dma_wait3A_210 = tpu.memref_slice %arg4[%add3A_180, %dma_wait3A_209] : memref<25600x128xf32, #tpu.memory_space<hbm>> -> memref<80x128xf32, #tpu.memory_space<hbm>>
    %dma_wait3A_211 = arith.constant 0 : i32
    %dma_wait3A_212 = tpu.memref_slice %arg4[%add3A_180, %dma_wait3A_211] : memref<25600x128xf32, #tpu.memory_space<hbm>> -> memref<80x128xf32, #tpu.memory_space<hbm>>
    tpu.wait_dma2 semaphore(%arg11 : memref<!tpu.dma_semaphore, #tpu.memory_space<semaphore_mem>>) src(%arg7 : memref<80x128xf32, #tpu.memory_space<vmem>>) dst(%dma_wait3A_212 : memref<80x128xf32, #tpu.memory_space<hbm>>)
    %dma_start3A_213 = arith.constant 9 : i32
    %dma_start3A_214 = arith.constant 0 : i32
    %dma_start3A_215 = tpu.memref_slice %arg5[%dma_start3A_213, %dma_start3A_214] : memref<10x80xi32, #tpu.memory_space<vmem>> -> memref<1x80xi32, #tpu.memory_space<vmem>>
    %dma_start3A_216 = tpu.memref_squeeze %dma_start3A_215 : memref<1x80xi32, #tpu.memory_space<vmem>> -> memref<80xi32, #tpu.memory_space<vmem>>
    %dma_start3A_217 = arith.constant 0 : i32
    %dma_start3A_218 = arith.constant 0 : i32
    %dma_start3A_219 = tpu.memref_slice %arg2[%dma_start3A_217, %dma_start3A_218] : memref<50000x128xf32, #tpu.memory_space<hbm>> -> memref<50000x128xf32, #tpu.memory_space<hbm>>
    tpu.enqueue_indirect_dma source(%dma_start3A_219 : memref<50000x128xf32, #tpu.memory_space<hbm>>) target(%arg7 : memref<80x128xf32, #tpu.memory_space<vmem>>) offsets(%dma_start3A_216 : memref<80xi32, #tpu.memory_space<vmem>>) semaphore(%arg9 : memref<!tpu.dma_semaphore, #tpu.memory_space<semaphore_mem>>)
    %dma_wait3A_220 = arith.constant 9 : i32
    %dma_wait3A_221 = arith.constant 0 : i32
    %dma_wait3A_222 = tpu.memref_slice %arg5[%dma_wait3A_220, %dma_wait3A_221] : memref<10x80xi32, #tpu.memory_space<vmem>> -> memref<1x80xi32, #tpu.memory_space<vmem>>
    %dma_wait3A_223 = tpu.memref_squeeze %dma_wait3A_222 : memref<1x80xi32, #tpu.memory_space<vmem>> -> memref<80xi32, #tpu.memory_space<vmem>>
    %dma_wait3A_224 = arith.constant 0 : i32
    %dma_wait3A_225 = arith.constant 0 : i32
    %dma_wait3A_226 = tpu.memref_slice %arg2[%dma_wait3A_224, %dma_wait3A_225] : memref<50000x128xf32, #tpu.memory_space<hbm>> -> memref<50000x128xf32, #tpu.memory_space<hbm>>
    tpu.wait_indirect_dma semaphore(%arg9 : memref<!tpu.dma_semaphore, #tpu.memory_space<semaphore_mem>>) src(%dma_wait3A_226 : memref<50000x128xf32, #tpu.memory_space<hbm>>) dst(%arg7 : memref<80x128xf32, #tpu.memory_space<vmem>>)
    %add3A_227 = arith.constant 720 : i32
    %add3A_228 = arith.addi %mul3A_2, %add3A_227 : i32
    %dma_start3A_229 = arith.constant 0 : i32
    %dma_start3A_230 = tpu.memref_slice %arg4[%add3A_228, %dma_start3A_229] : memref<25600x128xf32, #tpu.memory_space<hbm>> -> memref<80x128xf32, #tpu.memory_space<hbm>>
    %dma_start3A_231 = arith.constant 0 : i32
    %dma_start3A_232 = tpu.memref_slice %arg4[%add3A_228, %dma_start3A_231] : memref<25600x128xf32, #tpu.memory_space<hbm>> -> memref<80x128xf32, #tpu.memory_space<hbm>>
    tpu.enqueue_dma source(%arg7 : memref<80x128xf32, #tpu.memory_space<vmem>>) target(%dma_start3A_232 : memref<80x128xf32, #tpu.memory_space<hbm>>) target_semaphore(%arg11 : memref<!tpu.dma_semaphore, #tpu.memory_space<semaphore_mem>>)
    %dma_wait3A_233 = arith.constant 0 : i32
    %dma_wait3A_234 = tpu.memref_slice %arg4[%add3A_204, %dma_wait3A_233] : memref<25600x128xf32, #tpu.memory_space<hbm>> -> memref<80x128xf32, #tpu.memory_space<hbm>>
    %dma_wait3A_235 = arith.constant 0 : i32
    %dma_wait3A_236 = tpu.memref_slice %arg4[%add3A_204, %dma_wait3A_235] : memref<25600x128xf32, #tpu.memory_space<hbm>> -> memref<80x128xf32, #tpu.memory_space<hbm>>
    tpu.wait_dma2 semaphore(%arg10 : memref<!tpu.dma_semaphore, #tpu.memory_space<semaphore_mem>>) src(%arg6 : memref<80x128xf32, #tpu.memory_space<vmem>>) dst(%dma_wait3A_236 : memref<80x128xf32, #tpu.memory_space<hbm>>)
    %dma_wait3A_237 = arith.constant 0 : i32
    %dma_wait3A_238 = tpu.memref_slice %arg4[%add3A_228, %dma_wait3A_237] : memref<25600x128xf32, #tpu.memory_space<hbm>> -> memref<80x128xf32, #tpu.memory_space<hbm>>
    %dma_wait3A_239 = arith.constant 0 : i32
    %dma_wait3A_240 = tpu.memref_slice %arg4[%add3A_228, %dma_wait3A_239] : memref<25600x128xf32, #tpu.memory_space<hbm>> -> memref<80x128xf32, #tpu.memory_space<hbm>>
    tpu.wait_dma2 semaphore(%arg11 : memref<!tpu.dma_semaphore, #tpu.memory_space<semaphore_mem>>) src(%arg7 : memref<80x128xf32, #tpu.memory_space<vmem>>) dst(%dma_wait3A_240 : memref<80x128xf32, #tpu.memory_space<hbm>>)
    return
  }
}

#map = affine_map<(d0, d1) -> (0, 0)>
#map1 = affine_map<(d0, d1) -> (0, 0, 0)>
module attributes {stable_mosaic.version = 14 : i64} {
  func.func @k(%arg0: i32, %arg1: i32, %arg2: memref<50000x128xf32, #tpu.memory_space<hbm>>, %arg3: memref<32x10x80xi32, #tpu.memory_space<hbm>>, %arg4: memref<25600x128xf32, #tpu.memory_space<hbm>>, %arg5: memref<10x80xi32, #tpu.memory_space<vmem>>, %arg6: memref<80x128xf32, #tpu.memory_space<vmem>>, %arg7: memref<80x128xf32, #tpu.memory_space<vmem>>, %arg8: memref<!tpu.dma_semaphore, #tpu.memory_space<semaphore_mem>>, %arg9: memref<!tpu.dma_semaphore, #tpu.memory_space<semaphore_mem>>, %arg10: memref<!tpu.dma_semaphore, #tpu.memory_space<semaphore_mem>>, %arg11: memref<!tpu.dma_semaphore, #tpu.memory_space<semaphore_mem>>) attributes {dimension_semantics = [#tpu.dimension_semantics<core_parallel>, #tpu.dimension_semantics<subcore_parallel>], iteration_bounds = array<i64: 2, 16>, scalar_prefetch = 0 : i64, scratch_operands = 7 : i64, tpu.core_type = #tpu.core_type<sc_vector_subcore>, window_params = [{transform_indices = #map}, {transform_indices = #map1}, {transform_indices = #map}]} {
    %mul3A = arith.constant 2 : i32
    %mul3A_0 = arith.muli %arg1, %mul3A : i32
    %add3A = arith.addi %mul3A_0, %arg0 : i32
    %mul3A_1 = arith.constant 800 : i32
    %mul3A_2 = arith.muli %add3A, %mul3A_1 : i32
    "tpu.region"() ({
      %run_scoped3A = tpu.sem_alloc : memref<!tpu.dma_semaphore, #tpu.memory_space<semaphore_mem>>
      %dma_start3A_241 = arith.constant 0 : i32
      %dma_start3A_242 = arith.constant 0 : i32
      %dma_start3A_243 = tpu.memref_slice %arg3[%add3A, %dma_start3A_241, %dma_start3A_242] : memref<32x10x80xi32, #tpu.memory_space<hbm>> -> memref<1x10x80xi32, #tpu.memory_space<hbm>>
      %dma_start3A_244 = tpu.memref_squeeze %dma_start3A_243 : memref<1x10x80xi32, #tpu.memory_space<hbm>> -> memref<10x80xi32, #tpu.memory_space<hbm>>
      %dma_start3A_245 = arith.constant 0 : i32
      %dma_start3A_246 = arith.constant 0 : i32
      %dma_start3A_247 = tpu.memref_slice %arg3[%add3A, %dma_start3A_245, %dma_start3A_246] : memref<32x10x80xi32, #tpu.memory_space<hbm>> -> memref<1x10x80xi32, #tpu.memory_space<hbm>>
      %dma_start3A_248 = tpu.memref_squeeze %dma_start3A_247 : memref<1x10x80xi32, #tpu.memory_space<hbm>> -> memref<10x80xi32, #tpu.memory_space<hbm>>
      tpu.enqueue_dma source(%dma_start3A_248 : memref<10x80xi32, #tpu.memory_space<hbm>>) target(%arg5 : memref<10x80xi32, #tpu.memory_space<vmem>>) target_semaphore(%run_scoped3A : memref<!tpu.dma_semaphore, #tpu.memory_space<semaphore_mem>>)
      %dma_wait3A_249 = arith.constant 0 : i32
      %dma_wait3A_250 = arith.constant 0 : i32
      %dma_wait3A_251 = tpu.memref_slice %arg3[%add3A, %dma_wait3A_249, %dma_wait3A_250] : memref<32x10x80xi32, #tpu.memory_space<hbm>> -> memref<1x10x80xi32, #tpu.memory_space<hbm>>
      %dma_wait3A_252 = tpu.memref_squeeze %dma_wait3A_251 : memref<1x10x80xi32, #tpu.memory_space<hbm>> -> memref<10x80xi32, #tpu.memory_space<hbm>>
      %dma_wait3A_253 = arith.constant 0 : i32
      %dma_wait3A_254 = arith.constant 0 : i32
      %dma_wait3A_255 = tpu.memref_slice %arg3[%add3A, %dma_wait3A_253, %dma_wait3A_254] : memref<32x10x80xi32, #tpu.memory_space<hbm>> -> memref<1x10x80xi32, #tpu.memory_space<hbm>>
      %dma_wait3A_256 = tpu.memref_squeeze %dma_wait3A_255 : memref<1x10x80xi32, #tpu.memory_space<hbm>> -> memref<10x80xi32, #tpu.memory_space<hbm>>
      tpu.wait_dma2 semaphore(%run_scoped3A : memref<!tpu.dma_semaphore, #tpu.memory_space<semaphore_mem>>) src(%dma_wait3A_256 : memref<10x80xi32, #tpu.memory_space<hbm>>) dst(%arg5 : memref<10x80xi32, #tpu.memory_space<vmem>>)
      tpu.yield
    }) : () -> ()
    %dma_start3A = arith.constant 0 : i32
    %dma_start3A_3 = arith.constant 0 : i32
    %dma_start3A_4 = tpu.memref_slice %arg5[%dma_start3A, %dma_start3A_3] : memref<10x80xi32, #tpu.memory_space<vmem>> -> memref<1x80xi32, #tpu.memory_space<vmem>>
    %dma_start3A_5 = tpu.memref_squeeze %dma_start3A_4 : memref<1x80xi32, #tpu.memory_space<vmem>> -> memref<80xi32, #tpu.memory_space<vmem>>
    %dma_start3A_6 = arith.constant 0 : i32
    %dma_start3A_7 = arith.constant 0 : i32
    %dma_start3A_8 = tpu.memref_slice %arg2[%dma_start3A_6, %dma_start3A_7] : memref<50000x128xf32, #tpu.memory_space<hbm>> -> memref<50000x128xf32, #tpu.memory_space<hbm>>
    tpu.enqueue_indirect_dma source(%dma_start3A_8 : memref<50000x128xf32, #tpu.memory_space<hbm>>) target(%arg6 : memref<80x128xf32, #tpu.memory_space<vmem>>) offsets(%dma_start3A_5 : memref<80xi32, #tpu.memory_space<vmem>>) semaphore(%arg8 : memref<!tpu.dma_semaphore, #tpu.memory_space<semaphore_mem>>)
    %dma_wait3A = arith.constant 0 : i32
    %dma_wait3A_9 = arith.constant 0 : i32
    %dma_wait3A_10 = tpu.memref_slice %arg5[%dma_wait3A, %dma_wait3A_9] : memref<10x80xi32, #tpu.memory_space<vmem>> -> memref<1x80xi32, #tpu.memory_space<vmem>>
    %dma_wait3A_11 = tpu.memref_squeeze %dma_wait3A_10 : memref<1x80xi32, #tpu.memory_space<vmem>> -> memref<80xi32, #tpu.memory_space<vmem>>
    %dma_wait3A_12 = arith.constant 0 : i32
    %dma_wait3A_13 = arith.constant 0 : i32
    %dma_wait3A_14 = tpu.memref_slice %arg2[%dma_wait3A_12, %dma_wait3A_13] : memref<50000x128xf32, #tpu.memory_space<hbm>> -> memref<50000x128xf32, #tpu.memory_space<hbm>>
    tpu.wait_indirect_dma semaphore(%arg8 : memref<!tpu.dma_semaphore, #tpu.memory_space<semaphore_mem>>) src(%dma_wait3A_14 : memref<50000x128xf32, #tpu.memory_space<hbm>>) dst(%arg6 : memref<80x128xf32, #tpu.memory_space<vmem>>)
    %add3A_15 = arith.constant 0 : i32
    %add3A_16 = arith.addi %mul3A_2, %add3A_15 : i32
    %dma_start3A_17 = arith.constant 0 : i32
    %dma_start3A_18 = tpu.memref_slice %arg4[%add3A_16, %dma_start3A_17] : memref<25600x128xf32, #tpu.memory_space<hbm>> -> memref<80x128xf32, #tpu.memory_space<hbm>>
    %dma_start3A_19 = arith.constant 0 : i32
    %dma_start3A_20 = tpu.memref_slice %arg4[%add3A_16, %dma_start3A_19] : memref<25600x128xf32, #tpu.memory_space<hbm>> -> memref<80x128xf32, #tpu.memory_space<hbm>>
    tpu.enqueue_dma source(%arg6 : memref<80x128xf32, #tpu.memory_space<vmem>>) target(%dma_start3A_20 : memref<80x128xf32, #tpu.memory_space<hbm>>) target_semaphore(%arg10 : memref<!tpu.dma_semaphore, #tpu.memory_space<semaphore_mem>>)
    %dma_start3A_21 = arith.constant 1 : i32
    %dma_start3A_22 = arith.constant 0 : i32
    %dma_start3A_23 = tpu.memref_slice %arg5[%dma_start3A_21, %dma_start3A_22] : memref<10x80xi32, #tpu.memory_space<vmem>> -> memref<1x80xi32, #tpu.memory_space<vmem>>
    %dma_start3A_24 = tpu.memref_squeeze %dma_start3A_23 : memref<1x80xi32, #tpu.memory_space<vmem>> -> memref<80xi32, #tpu.memory_space<vmem>>
    %dma_start3A_25 = arith.constant 0 : i32
    %dma_start3A_26 = arith.constant 0 : i32
    %dma_start3A_27 = tpu.memref_slice %arg2[%dma_start3A_25, %dma_start3A_26] : memref<50000x128xf32, #tpu.memory_space<hbm>> -> memref<50000x128xf32, #tpu.memory_space<hbm>>
    tpu.enqueue_indirect_dma source(%dma_start3A_27 : memref<50000x128xf32, #tpu.memory_space<hbm>>) target(%arg7 : memref<80x128xf32, #tpu.memory_space<vmem>>) offsets(%dma_start3A_24 : memref<80xi32, #tpu.memory_space<vmem>>) semaphore(%arg9 : memref<!tpu.dma_semaphore, #tpu.memory_space<semaphore_mem>>)
    %dma_wait3A_28 = arith.constant 1 : i32
    %dma_wait3A_29 = arith.constant 0 : i32
    %dma_wait3A_30 = tpu.memref_slice %arg5[%dma_wait3A_28, %dma_wait3A_29] : memref<10x80xi32, #tpu.memory_space<vmem>> -> memref<1x80xi32, #tpu.memory_space<vmem>>
    %dma_wait3A_31 = tpu.memref_squeeze %dma_wait3A_30 : memref<1x80xi32, #tpu.memory_space<vmem>> -> memref<80xi32, #tpu.memory_space<vmem>>
    %dma_wait3A_32 = arith.constant 0 : i32
    %dma_wait3A_33 = arith.constant 0 : i32
    %dma_wait3A_34 = tpu.memref_slice %arg2[%dma_wait3A_32, %dma_wait3A_33] : memref<50000x128xf32, #tpu.memory_space<hbm>> -> memref<50000x128xf32, #tpu.memory_space<hbm>>
    tpu.wait_indirect_dma semaphore(%arg9 : memref<!tpu.dma_semaphore, #tpu.memory_space<semaphore_mem>>) src(%dma_wait3A_34 : memref<50000x128xf32, #tpu.memory_space<hbm>>) dst(%arg7 : memref<80x128xf32, #tpu.memory_space<vmem>>)
    %add3A_35 = arith.constant 80 : i32
    %add3A_36 = arith.addi %mul3A_2, %add3A_35 : i32
    %dma_start3A_37 = arith.constant 0 : i32
    %dma_start3A_38 = tpu.memref_slice %arg4[%add3A_36, %dma_start3A_37] : memref<25600x128xf32, #tpu.memory_space<hbm>> -> memref<80x128xf32, #tpu.memory_space<hbm>>
    %dma_start3A_39 = arith.constant 0 : i32
    %dma_start3A_40 = tpu.memref_slice %arg4[%add3A_36, %dma_start3A_39] : memref<25600x128xf32, #tpu.memory_space<hbm>> -> memref<80x128xf32, #tpu.memory_space<hbm>>
    tpu.enqueue_dma source(%arg7 : memref<80x128xf32, #tpu.memory_space<vmem>>) target(%dma_start3A_40 : memref<80x128xf32, #tpu.memory_space<hbm>>) target_semaphore(%arg11 : memref<!tpu.dma_semaphore, #tpu.memory_space<semaphore_mem>>)
    %dma_wait3A_41 = arith.constant 0 : i32
    %dma_wait3A_42 = tpu.memref_slice %arg4[%add3A_16, %dma_wait3A_41] : memref<25600x128xf32, #tpu.memory_space<hbm>> -> memref<80x128xf32, #tpu.memory_space<hbm>>
    %dma_wait3A_43 = arith.constant 0 : i32
    %dma_wait3A_44 = tpu.memref_slice %arg4[%add3A_16, %dma_wait3A_43] : memref<25600x128xf32, #tpu.memory_space<hbm>> -> memref<80x128xf32, #tpu.memory_space<hbm>>
    tpu.wait_dma2 semaphore(%arg10 : memref<!tpu.dma_semaphore, #tpu.memory_space<semaphore_mem>>) src(%arg6 : memref<80x128xf32, #tpu.memory_space<vmem>>) dst(%dma_wait3A_44 : memref<80x128xf32, #tpu.memory_space<hbm>>)
    %dma_start3A_45 = arith.constant 2 : i32
    %dma_start3A_46 = arith.constant 0 : i32
    %dma_start3A_47 = tpu.memref_slice %arg5[%dma_start3A_45, %dma_start3A_46] : memref<10x80xi32, #tpu.memory_space<vmem>> -> memref<1x80xi32, #tpu.memory_space<vmem>>
    %dma_start3A_48 = tpu.memref_squeeze %dma_start3A_47 : memref<1x80xi32, #tpu.memory_space<vmem>> -> memref<80xi32, #tpu.memory_space<vmem>>
    %dma_start3A_49 = arith.constant 0 : i32
    %dma_start3A_50 = arith.constant 0 : i32
    %dma_start3A_51 = tpu.memref_slice %arg2[%dma_start3A_49, %dma_start3A_50] : memref<50000x128xf32, #tpu.memory_space<hbm>> -> memref<50000x128xf32, #tpu.memory_space<hbm>>
    tpu.enqueue_indirect_dma source(%dma_start3A_51 : memref<50000x128xf32, #tpu.memory_space<hbm>>) target(%arg6 : memref<80x128xf32, #tpu.memory_space<vmem>>) offsets(%dma_start3A_48 : memref<80xi32, #tpu.memory_space<vmem>>) semaphore(%arg8 : memref<!tpu.dma_semaphore, #tpu.memory_space<semaphore_mem>>)
    %dma_wait3A_52 = arith.constant 2 : i32
    %dma_wait3A_53 = arith.constant 0 : i32
    %dma_wait3A_54 = tpu.memref_slice %arg5[%dma_wait3A_52, %dma_wait3A_53] : memref<10x80xi32, #tpu.memory_space<vmem>> -> memref<1x80xi32, #tpu.memory_space<vmem>>
    %dma_wait3A_55 = tpu.memref_squeeze %dma_wait3A_54 : memref<1x80xi32, #tpu.memory_space<vmem>> -> memref<80xi32, #tpu.memory_space<vmem>>
    %dma_wait3A_56 = arith.constant 0 : i32
    %dma_wait3A_57 = arith.constant 0 : i32
    %dma_wait3A_58 = tpu.memref_slice %arg2[%dma_wait3A_56, %dma_wait3A_57] : memref<50000x128xf32, #tpu.memory_space<hbm>> -> memref<50000x128xf32, #tpu.memory_space<hbm>>
    tpu.wait_indirect_dma semaphore(%arg8 : memref<!tpu.dma_semaphore, #tpu.memory_space<semaphore_mem>>) src(%dma_wait3A_58 : memref<50000x128xf32, #tpu.memory_space<hbm>>) dst(%arg6 : memref<80x128xf32, #tpu.memory_space<vmem>>)
    %add3A_59 = arith.constant 160 : i32
    %add3A_60 = arith.addi %mul3A_2, %add3A_59 : i32
    %dma_start3A_61 = arith.constant 0 : i32
    %dma_start3A_62 = tpu.memref_slice %arg4[%add3A_60, %dma_start3A_61] : memref<25600x128xf32, #tpu.memory_space<hbm>> -> memref<80x128xf32, #tpu.memory_space<hbm>>
    %dma_start3A_63 = arith.constant 0 : i32
    %dma_start3A_64 = tpu.memref_slice %arg4[%add3A_60, %dma_start3A_63] : memref<25600x128xf32, #tpu.memory_space<hbm>> -> memref<80x128xf32, #tpu.memory_space<hbm>>
    tpu.enqueue_dma source(%arg6 : memref<80x128xf32, #tpu.memory_space<vmem>>) target(%dma_start3A_64 : memref<80x128xf32, #tpu.memory_space<hbm>>) target_semaphore(%arg10 : memref<!tpu.dma_semaphore, #tpu.memory_space<semaphore_mem>>)
    %dma_wait3A_65 = arith.constant 0 : i32
    %dma_wait3A_66 = tpu.memref_slice %arg4[%add3A_36, %dma_wait3A_65] : memref<25600x128xf32, #tpu.memory_space<hbm>> -> memref<80x128xf32, #tpu.memory_space<hbm>>
    %dma_wait3A_67 = arith.constant 0 : i32
    %dma_wait3A_68 = tpu.memref_slice %arg4[%add3A_36, %dma_wait3A_67] : memref<25600x128xf32, #tpu.memory_space<hbm>> -> memref<80x128xf32, #tpu.memory_space<hbm>>
    tpu.wait_dma2 semaphore(%arg11 : memref<!tpu.dma_semaphore, #tpu.memory_space<semaphore_mem>>) src(%arg7 : memref<80x128xf32, #tpu.memory_space<vmem>>) dst(%dma_wait3A_68 : memref<80x128xf32, #tpu.memory_space<hbm>>)
    %dma_start3A_69 = arith.constant 3 : i32
    %dma_start3A_70 = arith.constant 0 : i32
    %dma_start3A_71 = tpu.memref_slice %arg5[%dma_start3A_69, %dma_start3A_70] : memref<10x80xi32, #tpu.memory_space<vmem>> -> memref<1x80xi32, #tpu.memory_space<vmem>>
    %dma_start3A_72 = tpu.memref_squeeze %dma_start3A_71 : memref<1x80xi32, #tpu.memory_space<vmem>> -> memref<80xi32, #tpu.memory_space<vmem>>
    %dma_start3A_73 = arith.constant 0 : i32
    %dma_start3A_74 = arith.constant 0 : i32
    %dma_start3A_75 = tpu.memref_slice %arg2[%dma_start3A_73, %dma_start3A_74] : memref<50000x128xf32, #tpu.memory_space<hbm>> -> memref<50000x128xf32, #tpu.memory_space<hbm>>
    tpu.enqueue_indirect_dma source(%dma_start3A_75 : memref<50000x128xf32, #tpu.memory_space<hbm>>) target(%arg7 : memref<80x128xf32, #tpu.memory_space<vmem>>) offsets(%dma_start3A_72 : memref<80xi32, #tpu.memory_space<vmem>>) semaphore(%arg9 : memref<!tpu.dma_semaphore, #tpu.memory_space<semaphore_mem>>)
    %dma_wait3A_76 = arith.constant 3 : i32
    %dma_wait3A_77 = arith.constant 0 : i32
    %dma_wait3A_78 = tpu.memref_slice %arg5[%dma_wait3A_76, %dma_wait3A_77] : memref<10x80xi32, #tpu.memory_space<vmem>> -> memref<1x80xi32, #tpu.memory_space<vmem>>
    %dma_wait3A_79 = tpu.memref_squeeze %dma_wait3A_78 : memref<1x80xi32, #tpu.memory_space<vmem>> -> memref<80xi32, #tpu.memory_space<vmem>>
    %dma_wait3A_80 = arith.constant 0 : i32
    %dma_wait3A_81 = arith.constant 0 : i32
    %dma_wait3A_82 = tpu.memref_slice %arg2[%dma_wait3A_80, %dma_wait3A_81] : memref<50000x128xf32, #tpu.memory_space<hbm>> -> memref<50000x128xf32, #tpu.memory_space<hbm>>
    tpu.wait_indirect_dma semaphore(%arg9 : memref<!tpu.dma_semaphore, #tpu.memory_space<semaphore_mem>>) src(%dma_wait3A_82 : memref<50000x128xf32, #tpu.memory_space<hbm>>) dst(%arg7 : memref<80x128xf32, #tpu.memory_space<vmem>>)
    %add3A_83 = arith.constant 240 : i32
    %add3A_84 = arith.addi %mul3A_2, %add3A_83 : i32
    %dma_start3A_85 = arith.constant 0 : i32
    %dma_start3A_86 = tpu.memref_slice %arg4[%add3A_84, %dma_start3A_85] : memref<25600x128xf32, #tpu.memory_space<hbm>> -> memref<80x128xf32, #tpu.memory_space<hbm>>
    %dma_start3A_87 = arith.constant 0 : i32
    %dma_start3A_88 = tpu.memref_slice %arg4[%add3A_84, %dma_start3A_87] : memref<25600x128xf32, #tpu.memory_space<hbm>> -> memref<80x128xf32, #tpu.memory_space<hbm>>
    tpu.enqueue_dma source(%arg7 : memref<80x128xf32, #tpu.memory_space<vmem>>) target(%dma_start3A_88 : memref<80x128xf32, #tpu.memory_space<hbm>>) target_semaphore(%arg11 : memref<!tpu.dma_semaphore, #tpu.memory_space<semaphore_mem>>)
    %dma_wait3A_89 = arith.constant 0 : i32
    %dma_wait3A_90 = tpu.memref_slice %arg4[%add3A_60, %dma_wait3A_89] : memref<25600x128xf32, #tpu.memory_space<hbm>> -> memref<80x128xf32, #tpu.memory_space<hbm>>
    %dma_wait3A_91 = arith.constant 0 : i32
    %dma_wait3A_92 = tpu.memref_slice %arg4[%add3A_60, %dma_wait3A_91] : memref<25600x128xf32, #tpu.memory_space<hbm>> -> memref<80x128xf32, #tpu.memory_space<hbm>>
    tpu.wait_dma2 semaphore(%arg10 : memref<!tpu.dma_semaphore, #tpu.memory_space<semaphore_mem>>) src(%arg6 : memref<80x128xf32, #tpu.memory_space<vmem>>) dst(%dma_wait3A_92 : memref<80x128xf32, #tpu.memory_space<hbm>>)
    %dma_start3A_93 = arith.constant 4 : i32
    %dma_start3A_94 = arith.constant 0 : i32
    %dma_start3A_95 = tpu.memref_slice %arg5[%dma_start3A_93, %dma_start3A_94] : memref<10x80xi32, #tpu.memory_space<vmem>> -> memref<1x80xi32, #tpu.memory_space<vmem>>
    %dma_start3A_96 = tpu.memref_squeeze %dma_start3A_95 : memref<1x80xi32, #tpu.memory_space<vmem>> -> memref<80xi32, #tpu.memory_space<vmem>>
    %dma_start3A_97 = arith.constant 0 : i32
    %dma_start3A_98 = arith.constant 0 : i32
    %dma_start3A_99 = tpu.memref_slice %arg2[%dma_start3A_97, %dma_start3A_98] : memref<50000x128xf32, #tpu.memory_space<hbm>> -> memref<50000x128xf32, #tpu.memory_space<hbm>>
    tpu.enqueue_indirect_dma source(%dma_start3A_99 : memref<50000x128xf32, #tpu.memory_space<hbm>>) target(%arg6 : memref<80x128xf32, #tpu.memory_space<vmem>>) offsets(%dma_start3A_96 : memref<80xi32, #tpu.memory_space<vmem>>) semaphore(%arg8 : memref<!tpu.dma_semaphore, #tpu.memory_space<semaphore_mem>>)
    %dma_wait3A_100 = arith.constant 4 : i32
    %dma_wait3A_101 = arith.constant 0 : i32
    %dma_wait3A_102 = tpu.memref_slice %arg5[%dma_wait3A_100, %dma_wait3A_101] : memref<10x80xi32, #tpu.memory_space<vmem>> -> memref<1x80xi32, #tpu.memory_space<vmem>>
    %dma_wait3A_103 = tpu.memref_squeeze %dma_wait3A_102 : memref<1x80xi32, #tpu.memory_space<vmem>> -> memref<80xi32, #tpu.memory_space<vmem>>
    %dma_wait3A_104 = arith.constant 0 : i32
    %dma_wait3A_105 = arith.constant 0 : i32
    %dma_wait3A_106 = tpu.memref_slice %arg2[%dma_wait3A_104, %dma_wait3A_105] : memref<50000x128xf32, #tpu.memory_space<hbm>> -> memref<50000x128xf32, #tpu.memory_space<hbm>>
    tpu.wait_indirect_dma semaphore(%arg8 : memref<!tpu.dma_semaphore, #tpu.memory_space<semaphore_mem>>) src(%dma_wait3A_106 : memref<50000x128xf32, #tpu.memory_space<hbm>>) dst(%arg6 : memref<80x128xf32, #tpu.memory_space<vmem>>)
    %add3A_107 = arith.constant 320 : i32
    %add3A_108 = arith.addi %mul3A_2, %add3A_107 : i32
    %dma_start3A_109 = arith.constant 0 : i32
    %dma_start3A_110 = tpu.memref_slice %arg4[%add3A_108, %dma_start3A_109] : memref<25600x128xf32, #tpu.memory_space<hbm>> -> memref<80x128xf32, #tpu.memory_space<hbm>>
    %dma_start3A_111 = arith.constant 0 : i32
    %dma_start3A_112 = tpu.memref_slice %arg4[%add3A_108, %dma_start3A_111] : memref<25600x128xf32, #tpu.memory_space<hbm>> -> memref<80x128xf32, #tpu.memory_space<hbm>>
    tpu.enqueue_dma source(%arg6 : memref<80x128xf32, #tpu.memory_space<vmem>>) target(%dma_start3A_112 : memref<80x128xf32, #tpu.memory_space<hbm>>) target_semaphore(%arg10 : memref<!tpu.dma_semaphore, #tpu.memory_space<semaphore_mem>>)
    %dma_wait3A_113 = arith.constant 0 : i32
    %dma_wait3A_114 = tpu.memref_slice %arg4[%add3A_84, %dma_wait3A_113] : memref<25600x128xf32, #tpu.memory_space<hbm>> -> memref<80x128xf32, #tpu.memory_space<hbm>>
    %dma_wait3A_115 = arith.constant 0 : i32
    %dma_wait3A_116 = tpu.memref_slice %arg4[%add3A_84, %dma_wait3A_115] : memref<25600x128xf32, #tpu.memory_space<hbm>> -> memref<80x128xf32, #tpu.memory_space<hbm>>
    tpu.wait_dma2 semaphore(%arg11 : memref<!tpu.dma_semaphore, #tpu.memory_space<semaphore_mem>>) src(%arg7 : memref<80x128xf32, #tpu.memory_space<vmem>>) dst(%dma_wait3A_116 : memref<80x128xf32, #tpu.memory_space<hbm>>)
    %dma_start3A_117 = arith.constant 5 : i32
    %dma_start3A_118 = arith.constant 0 : i32
    %dma_start3A_119 = tpu.memref_slice %arg5[%dma_start3A_117, %dma_start3A_118] : memref<10x80xi32, #tpu.memory_space<vmem>> -> memref<1x80xi32, #tpu.memory_space<vmem>>
    %dma_start3A_120 = tpu.memref_squeeze %dma_start3A_119 : memref<1x80xi32, #tpu.memory_space<vmem>> -> memref<80xi32, #tpu.memory_space<vmem>>
    %dma_start3A_121 = arith.constant 0 : i32
    %dma_start3A_122 = arith.constant 0 : i32
    %dma_start3A_123 = tpu.memref_slice %arg2[%dma_start3A_121, %dma_start3A_122] : memref<50000x128xf32, #tpu.memory_space<hbm>> -> memref<50000x128xf32, #tpu.memory_space<hbm>>
    tpu.enqueue_indirect_dma source(%dma_start3A_123 : memref<50000x128xf32, #tpu.memory_space<hbm>>) target(%arg7 : memref<80x128xf32, #tpu.memory_space<vmem>>) offsets(%dma_start3A_120 : memref<80xi32, #tpu.memory_space<vmem>>) semaphore(%arg9 : memref<!tpu.dma_semaphore, #tpu.memory_space<semaphore_mem>>)
    %dma_wait3A_124 = arith.constant 5 : i32
    %dma_wait3A_125 = arith.constant 0 : i32
    %dma_wait3A_126 = tpu.memref_slice %arg5[%dma_wait3A_124, %dma_wait3A_125] : memref<10x80xi32, #tpu.memory_space<vmem>> -> memref<1x80xi32, #tpu.memory_space<vmem>>
    %dma_wait3A_127 = tpu.memref_squeeze %dma_wait3A_126 : memref<1x80xi32, #tpu.memory_space<vmem>> -> memref<80xi32, #tpu.memory_space<vmem>>
    %dma_wait3A_128 = arith.constant 0 : i32
    %dma_wait3A_129 = arith.constant 0 : i32
    %dma_wait3A_130 = tpu.memref_slice %arg2[%dma_wait3A_128, %dma_wait3A_129] : memref<50000x128xf32, #tpu.memory_space<hbm>> -> memref<50000x128xf32, #tpu.memory_space<hbm>>
    tpu.wait_indirect_dma semaphore(%arg9 : memref<!tpu.dma_semaphore, #tpu.memory_space<semaphore_mem>>) src(%dma_wait3A_130 : memref<50000x128xf32, #tpu.memory_space<hbm>>) dst(%arg7 : memref<80x128xf32, #tpu.memory_space<vmem>>)
    %add3A_131 = arith.constant 400 : i32
    %add3A_132 = arith.addi %mul3A_2, %add3A_131 : i32
    %dma_start3A_133 = arith.constant 0 : i32
    %dma_start3A_134 = tpu.memref_slice %arg4[%add3A_132, %dma_start3A_133] : memref<25600x128xf32, #tpu.memory_space<hbm>> -> memref<80x128xf32, #tpu.memory_space<hbm>>
    %dma_start3A_135 = arith.constant 0 : i32
    %dma_start3A_136 = tpu.memref_slice %arg4[%add3A_132, %dma_start3A_135] : memref<25600x128xf32, #tpu.memory_space<hbm>> -> memref<80x128xf32, #tpu.memory_space<hbm>>
    tpu.enqueue_dma source(%arg7 : memref<80x128xf32, #tpu.memory_space<vmem>>) target(%dma_start3A_136 : memref<80x128xf32, #tpu.memory_space<hbm>>) target_semaphore(%arg11 : memref<!tpu.dma_semaphore, #tpu.memory_space<semaphore_mem>>)
    %dma_wait3A_137 = arith.constant 0 : i32
    %dma_wait3A_138 = tpu.memref_slice %arg4[%add3A_108, %dma_wait3A_137] : memref<25600x128xf32, #tpu.memory_space<hbm>> -> memref<80x128xf32, #tpu.memory_space<hbm>>
    %dma_wait3A_139 = arith.constant 0 : i32
    %dma_wait3A_140 = tpu.memref_slice %arg4[%add3A_108, %dma_wait3A_139] : memref<25600x128xf32, #tpu.memory_space<hbm>> -> memref<80x128xf32, #tpu.memory_space<hbm>>
    tpu.wait_dma2 semaphore(%arg10 : memref<!tpu.dma_semaphore, #tpu.memory_space<semaphore_mem>>) src(%arg6 : memref<80x128xf32, #tpu.memory_space<vmem>>) dst(%dma_wait3A_140 : memref<80x128xf32, #tpu.memory_space<hbm>>)
    %dma_start3A_141 = arith.constant 6 : i32
    %dma_start3A_142 = arith.constant 0 : i32
    %dma_start3A_143 = tpu.memref_slice %arg5[%dma_start3A_141, %dma_start3A_142] : memref<10x80xi32, #tpu.memory_space<vmem>> -> memref<1x80xi32, #tpu.memory_space<vmem>>
    %dma_start3A_144 = tpu.memref_squeeze %dma_start3A_143 : memref<1x80xi32, #tpu.memory_space<vmem>> -> memref<80xi32, #tpu.memory_space<vmem>>
    %dma_start3A_145 = arith.constant 0 : i32
    %dma_start3A_146 = arith.constant 0 : i32
    %dma_start3A_147 = tpu.memref_slice %arg2[%dma_start3A_145, %dma_start3A_146] : memref<50000x128xf32, #tpu.memory_space<hbm>> -> memref<50000x128xf32, #tpu.memory_space<hbm>>
    tpu.enqueue_indirect_dma source(%dma_start3A_147 : memref<50000x128xf32, #tpu.memory_space<hbm>>) target(%arg6 : memref<80x128xf32, #tpu.memory_space<vmem>>) offsets(%dma_start3A_144 : memref<80xi32, #tpu.memory_space<vmem>>) semaphore(%arg8 : memref<!tpu.dma_semaphore, #tpu.memory_space<semaphore_mem>>)
    %dma_wait3A_148 = arith.constant 6 : i32
    %dma_wait3A_149 = arith.constant 0 : i32
    %dma_wait3A_150 = tpu.memref_slice %arg5[%dma_wait3A_148, %dma_wait3A_149] : memref<10x80xi32, #tpu.memory_space<vmem>> -> memref<1x80xi32, #tpu.memory_space<vmem>>
    %dma_wait3A_151 = tpu.memref_squeeze %dma_wait3A_150 : memref<1x80xi32, #tpu.memory_space<vmem>> -> memref<80xi32, #tpu.memory_space<vmem>>
    %dma_wait3A_152 = arith.constant 0 : i32
    %dma_wait3A_153 = arith.constant 0 : i32
    %dma_wait3A_154 = tpu.memref_slice %arg2[%dma_wait3A_152, %dma_wait3A_153] : memref<50000x128xf32, #tpu.memory_space<hbm>> -> memref<50000x128xf32, #tpu.memory_space<hbm>>
    tpu.wait_indirect_dma semaphore(%arg8 : memref<!tpu.dma_semaphore, #tpu.memory_space<semaphore_mem>>) src(%dma_wait3A_154 : memref<50000x128xf32, #tpu.memory_space<hbm>>) dst(%arg6 : memref<80x128xf32, #tpu.memory_space<vmem>>)
    %add3A_155 = arith.constant 480 : i32
    %add3A_156 = arith.addi %mul3A_2, %add3A_155 : i32
    %dma_start3A_157 = arith.constant 0 : i32
    %dma_start3A_158 = tpu.memref_slice %arg4[%add3A_156, %dma_start3A_157] : memref<25600x128xf32, #tpu.memory_space<hbm>> -> memref<80x128xf32, #tpu.memory_space<hbm>>
    %dma_start3A_159 = arith.constant 0 : i32
    %dma_start3A_160 = tpu.memref_slice %arg4[%add3A_156, %dma_start3A_159] : memref<25600x128xf32, #tpu.memory_space<hbm>> -> memref<80x128xf32, #tpu.memory_space<hbm>>
    tpu.enqueue_dma source(%arg6 : memref<80x128xf32, #tpu.memory_space<vmem>>) target(%dma_start3A_160 : memref<80x128xf32, #tpu.memory_space<hbm>>) target_semaphore(%arg10 : memref<!tpu.dma_semaphore, #tpu.memory_space<semaphore_mem>>)
    %dma_wait3A_161 = arith.constant 0 : i32
    %dma_wait3A_162 = tpu.memref_slice %arg4[%add3A_132, %dma_wait3A_161] : memref<25600x128xf32, #tpu.memory_space<hbm>> -> memref<80x128xf32, #tpu.memory_space<hbm>>
    %dma_wait3A_163 = arith.constant 0 : i32
    %dma_wait3A_164 = tpu.memref_slice %arg4[%add3A_132, %dma_wait3A_163] : memref<25600x128xf32, #tpu.memory_space<hbm>> -> memref<80x128xf32, #tpu.memory_space<hbm>>
    tpu.wait_dma2 semaphore(%arg11 : memref<!tpu.dma_semaphore, #tpu.memory_space<semaphore_mem>>) src(%arg7 : memref<80x128xf32, #tpu.memory_space<vmem>>) dst(%dma_wait3A_164 : memref<80x128xf32, #tpu.memory_space<hbm>>)
    %dma_start3A_165 = arith.constant 7 : i32
    %dma_start3A_166 = arith.constant 0 : i32
    %dma_start3A_167 = tpu.memref_slice %arg5[%dma_start3A_165, %dma_start3A_166] : memref<10x80xi32, #tpu.memory_space<vmem>> -> memref<1x80xi32, #tpu.memory_space<vmem>>
    %dma_start3A_168 = tpu.memref_squeeze %dma_start3A_167 : memref<1x80xi32, #tpu.memory_space<vmem>> -> memref<80xi32, #tpu.memory_space<vmem>>
    %dma_start3A_169 = arith.constant 0 : i32
    %dma_start3A_170 = arith.constant 0 : i32
    %dma_start3A_171 = tpu.memref_slice %arg2[%dma_start3A_169, %dma_start3A_170] : memref<50000x128xf32, #tpu.memory_space<hbm>> -> memref<50000x128xf32, #tpu.memory_space<hbm>>
    tpu.enqueue_indirect_dma source(%dma_start3A_171 : memref<50000x128xf32, #tpu.memory_space<hbm>>) target(%arg7 : memref<80x128xf32, #tpu.memory_space<vmem>>) offsets(%dma_start3A_168 : memref<80xi32, #tpu.memory_space<vmem>>) semaphore(%arg9 : memref<!tpu.dma_semaphore, #tpu.memory_space<semaphore_mem>>)
    %dma_wait3A_172 = arith.constant 7 : i32
    %dma_wait3A_173 = arith.constant 0 : i32
    %dma_wait3A_174 = tpu.memref_slice %arg5[%dma_wait3A_172, %dma_wait3A_173] : memref<10x80xi32, #tpu.memory_space<vmem>> -> memref<1x80xi32, #tpu.memory_space<vmem>>
    %dma_wait3A_175 = tpu.memref_squeeze %dma_wait3A_174 : memref<1x80xi32, #tpu.memory_space<vmem>> -> memref<80xi32, #tpu.memory_space<vmem>>
    %dma_wait3A_176 = arith.constant 0 : i32
    %dma_wait3A_177 = arith.constant 0 : i32
    %dma_wait3A_178 = tpu.memref_slice %arg2[%dma_wait3A_176, %dma_wait3A_177] : memref<50000x128xf32, #tpu.memory_space<hbm>> -> memref<50000x128xf32, #tpu.memory_space<hbm>>
    tpu.wait_indirect_dma semaphore(%arg9 : memref<!tpu.dma_semaphore, #tpu.memory_space<semaphore_mem>>) src(%dma_wait3A_178 : memref<50000x128xf32, #tpu.memory_space<hbm>>) dst(%arg7 : memref<80x128xf32, #tpu.memory_space<vmem>>)
    %add3A_179 = arith.constant 560 : i32
    %add3A_180 = arith.addi %mul3A_2, %add3A_179 : i32
    %dma_start3A_181 = arith.constant 0 : i32
    %dma_start3A_182 = tpu.memref_slice %arg4[%add3A_180, %dma_start3A_181] : memref<25600x128xf32, #tpu.memory_space<hbm>> -> memref<80x128xf32, #tpu.memory_space<hbm>>
    %dma_start3A_183 = arith.constant 0 : i32
    %dma_start3A_184 = tpu.memref_slice %arg4[%add3A_180, %dma_start3A_183] : memref<25600x128xf32, #tpu.memory_space<hbm>> -> memref<80x128xf32, #tpu.memory_space<hbm>>
    tpu.enqueue_dma source(%arg7 : memref<80x128xf32, #tpu.memory_space<vmem>>) target(%dma_start3A_184 : memref<80x128xf32, #tpu.memory_space<hbm>>) target_semaphore(%arg11 : memref<!tpu.dma_semaphore, #tpu.memory_space<semaphore_mem>>)
    %dma_wait3A_185 = arith.constant 0 : i32
    %dma_wait3A_186 = tpu.memref_slice %arg4[%add3A_156, %dma_wait3A_185] : memref<25600x128xf32, #tpu.memory_space<hbm>> -> memref<80x128xf32, #tpu.memory_space<hbm>>
    %dma_wait3A_187 = arith.constant 0 : i32
    %dma_wait3A_188 = tpu.memref_slice %arg4[%add3A_156, %dma_wait3A_187] : memref<25600x128xf32, #tpu.memory_space<hbm>> -> memref<80x128xf32, #tpu.memory_space<hbm>>
    tpu.wait_dma2 semaphore(%arg10 : memref<!tpu.dma_semaphore, #tpu.memory_space<semaphore_mem>>) src(%arg6 : memref<80x128xf32, #tpu.memory_space<vmem>>) dst(%dma_wait3A_188 : memref<80x128xf32, #tpu.memory_space<hbm>>)
    %dma_start3A_189 = arith.constant 8 : i32
    %dma_start3A_190 = arith.constant 0 : i32
    %dma_start3A_191 = tpu.memref_slice %arg5[%dma_start3A_189, %dma_start3A_190] : memref<10x80xi32, #tpu.memory_space<vmem>> -> memref<1x80xi32, #tpu.memory_space<vmem>>
    %dma_start3A_192 = tpu.memref_squeeze %dma_start3A_191 : memref<1x80xi32, #tpu.memory_space<vmem>> -> memref<80xi32, #tpu.memory_space<vmem>>
    %dma_start3A_193 = arith.constant 0 : i32
    %dma_start3A_194 = arith.constant 0 : i32
    %dma_start3A_195 = tpu.memref_slice %arg2[%dma_start3A_193, %dma_start3A_194] : memref<50000x128xf32, #tpu.memory_space<hbm>> -> memref<50000x128xf32, #tpu.memory_space<hbm>>
    tpu.enqueue_indirect_dma source(%dma_start3A_195 : memref<50000x128xf32, #tpu.memory_space<hbm>>) target(%arg6 : memref<80x128xf32, #tpu.memory_space<vmem>>) offsets(%dma_start3A_192 : memref<80xi32, #tpu.memory_space<vmem>>) semaphore(%arg8 : memref<!tpu.dma_semaphore, #tpu.memory_space<semaphore_mem>>)
    %dma_wait3A_196 = arith.constant 8 : i32
    %dma_wait3A_197 = arith.constant 0 : i32
    %dma_wait3A_198 = tpu.memref_slice %arg5[%dma_wait3A_196, %dma_wait3A_197] : memref<10x80xi32, #tpu.memory_space<vmem>> -> memref<1x80xi32, #tpu.memory_space<vmem>>
    %dma_wait3A_199 = tpu.memref_squeeze %dma_wait3A_198 : memref<1x80xi32, #tpu.memory_space<vmem>> -> memref<80xi32, #tpu.memory_space<vmem>>
    %dma_wait3A_200 = arith.constant 0 : i32
    %dma_wait3A_201 = arith.constant 0 : i32
    %dma_wait3A_202 = tpu.memref_slice %arg2[%dma_wait3A_200, %dma_wait3A_201] : memref<50000x128xf32, #tpu.memory_space<hbm>> -> memref<50000x128xf32, #tpu.memory_space<hbm>>
    tpu.wait_indirect_dma semaphore(%arg8 : memref<!tpu.dma_semaphore, #tpu.memory_space<semaphore_mem>>) src(%dma_wait3A_202 : memref<50000x128xf32, #tpu.memory_space<hbm>>) dst(%arg6 : memref<80x128xf32, #tpu.memory_space<vmem>>)
    %add3A_203 = arith.constant 640 : i32
    %add3A_204 = arith.addi %mul3A_2, %add3A_203 : i32
    %dma_start3A_205 = arith.constant 0 : i32
    %dma_start3A_206 = tpu.memref_slice %arg4[%add3A_204, %dma_start3A_205] : memref<25600x128xf32, #tpu.memory_space<hbm>> -> memref<80x128xf32, #tpu.memory_space<hbm>>
    %dma_start3A_207 = arith.constant 0 : i32
    %dma_start3A_208 = tpu.memref_slice %arg4[%add3A_204, %dma_start3A_207] : memref<25600x128xf32, #tpu.memory_space<hbm>> -> memref<80x128xf32, #tpu.memory_space<hbm>>
    tpu.enqueue_dma source(%arg6 : memref<80x128xf32, #tpu.memory_space<vmem>>) target(%dma_start3A_208 : memref<80x128xf32, #tpu.memory_space<hbm>>) target_semaphore(%arg10 : memref<!tpu.dma_semaphore, #tpu.memory_space<semaphore_mem>>)
    %dma_wait3A_209 = arith.constant 0 : i32
    %dma_wait3A_210 = tpu.memref_slice %arg4[%add3A_180, %dma_wait3A_209] : memref<25600x128xf32, #tpu.memory_space<hbm>> -> memref<80x128xf32, #tpu.memory_space<hbm>>
    %dma_wait3A_211 = arith.constant 0 : i32
    %dma_wait3A_212 = tpu.memref_slice %arg4[%add3A_180, %dma_wait3A_211] : memref<25600x128xf32, #tpu.memory_space<hbm>> -> memref<80x128xf32, #tpu.memory_space<hbm>>
    tpu.wait_dma2 semaphore(%arg11 : memref<!tpu.dma_semaphore, #tpu.memory_space<semaphore_mem>>) src(%arg7 : memref<80x128xf32, #tpu.memory_space<vmem>>) dst(%dma_wait3A_212 : memref<80x128xf32, #tpu.memory_space<hbm>>)
    %dma_start3A_213 = arith.constant 9 : i32
    %dma_start3A_214 = arith.constant 0 : i32
    %dma_start3A_215 = tpu.memref_slice %arg5[%dma_start3A_213, %dma_start3A_214] : memref<10x80xi32, #tpu.memory_space<vmem>> -> memref<1x80xi32, #tpu.memory_space<vmem>>
    %dma_start3A_216 = tpu.memref_squeeze %dma_start3A_215 : memref<1x80xi32, #tpu.memory_space<vmem>> -> memref<80xi32, #tpu.memory_space<vmem>>
    %dma_start3A_217 = arith.constant 0 : i32
    %dma_start3A_218 = arith.constant 0 : i32
    %dma_start3A_219 = tpu.memref_slice %arg2[%dma_start3A_217, %dma_start3A_218] : memref<50000x128xf32, #tpu.memory_space<hbm>> -> memref<50000x128xf32, #tpu.memory_space<hbm>>
    tpu.enqueue_indirect_dma source(%dma_start3A_219 : memref<50000x128xf32, #tpu.memory_space<hbm>>) target(%arg7 : memref<80x128xf32, #tpu.memory_space<vmem>>) offsets(%dma_start3A_216 : memref<80xi32, #tpu.memory_space<vmem>>) semaphore(%arg9 : memref<!tpu.dma_semaphore, #tpu.memory_space<semaphore_mem>>)
    %dma_wait3A_220 = arith.constant 9 : i32
    %dma_wait3A_221 = arith.constant 0 : i32
    %dma_wait3A_222 = tpu.memref_slice %arg5[%dma_wait3A_220, %dma_wait3A_221] : memref<10x80xi32, #tpu.memory_space<vmem>> -> memref<1x80xi32, #tpu.memory_space<vmem>>
    %dma_wait3A_223 = tpu.memref_squeeze %dma_wait3A_222 : memref<1x80xi32, #tpu.memory_space<vmem>> -> memref<80xi32, #tpu.memory_space<vmem>>
    %dma_wait3A_224 = arith.constant 0 : i32
    %dma_wait3A_225 = arith.constant 0 : i32
    %dma_wait3A_226 = tpu.memref_slice %arg2[%dma_wait3A_224, %dma_wait3A_225] : memref<50000x128xf32, #tpu.memory_space<hbm>> -> memref<50000x128xf32, #tpu.memory_space<hbm>>
    tpu.wait_indirect_dma semaphore(%arg9 : memref<!tpu.dma_semaphore, #tpu.memory_space<semaphore_mem>>) src(%dma_wait3A_226 : memref<50000x128xf32, #tpu.memory_space<hbm>>) dst(%arg7 : memref<80x128xf32, #tpu.memory_space<vmem>>)
    %add3A_227 = arith.constant 720 : i32
    %add3A_228 = arith.addi %mul3A_2, %add3A_227 : i32
    %dma_start3A_229 = arith.constant 0 : i32
    %dma_start3A_230 = tpu.memref_slice %arg4[%add3A_228, %dma_start3A_229] : memref<25600x128xf32, #tpu.memory_space<hbm>> -> memref<80x128xf32, #tpu.memory_space<hbm>>
    %dma_start3A_231 = arith.constant 0 : i32
    %dma_start3A_232 = tpu.memref_slice %arg4[%add3A_228, %dma_start3A_231] : memref<25600x128xf32, #tpu.memory_space<hbm>> -> memref<80x128xf32, #tpu.memory_space<hbm>>
    tpu.enqueue_dma source(%arg7 : memref<80x128xf32, #tpu.memory_space<vmem>>) target(%dma_start3A_232 : memref<80x128xf32, #tpu.memory_space<hbm>>) target_semaphore(%arg11 : memref<!tpu.dma_semaphore, #tpu.memory_space<semaphore_mem>>)
    %dma_wait3A_233 = arith.constant 0 : i32
    %dma_wait3A_234 = tpu.memref_slice %arg4[%add3A_204, %dma_wait3A_233] : memref<25600x128xf32, #tpu.memory_space<hbm>> -> memref<80x128xf32, #tpu.memory_space<hbm>>
    %dma_wait3A_235 = arith.constant 0 : i32
    %dma_wait3A_236 = tpu.memref_slice %arg4[%add3A_204, %dma_wait3A_235] : memref<25600x128xf32, #tpu.memory_space<hbm>> -> memref<80x128xf32, #tpu.memory_space<hbm>>
    tpu.wait_dma2 semaphore(%arg10 : memref<!tpu.dma_semaphore, #tpu.memory_space<semaphore_mem>>) src(%arg6 : memref<80x128xf32, #tpu.memory_space<vmem>>) dst(%dma_wait3A_236 : memref<80x128xf32, #tpu.memory_space<hbm>>)
    %dma_wait3A_237 = arith.constant 0 : i32
    %dma_wait3A_238 = tpu.memref_slice %arg4[%add3A_228, %dma_wait3A_237] : memref<25600x128xf32, #tpu.memory_space<hbm>> -> memref<80x128xf32, #tpu.memory_space<hbm>>
    %dma_wait3A_239 = arith.constant 0 : i32
    %dma_wait3A_240 = tpu.memref_slice %arg4[%add3A_228, %dma_wait3A_239] : memref<25600x128xf32, #tpu.memory_space<hbm>> -> memref<80x128xf32, #tpu.memory_space<hbm>>
    tpu.wait_dma2 semaphore(%arg11 : memref<!tpu.dma_semaphore, #tpu.memory_space<semaphore_mem>>) src(%arg7 : memref<80x128xf32, #tpu.memory_space<vmem>>) dst(%dma_wait3A_240 : memref<80x128xf32, #tpu.memory_space<hbm>>)
    return
  }
}

module attributes {stable_mosaic.version = 14 : i64} {
  func.func @_tc_body(%arg0: i32, %arg1: memref<50x512x128xf32, #tpu.memory_space<vmem>>, %arg2: memref<50x512x1xi8, #tpu.memory_space<vmem>>, %arg3: memref<512x1xi32, #tpu.memory_space<vmem>>, %arg4: memref<256x512xf32, #tpu.memory_space<vmem>>, %arg5: memref<1x512xf32, #tpu.memory_space<vmem>>, %arg6: memref<10x128xf32, #tpu.memory_space<vmem>>, %arg7: memref<10x1xf32, #tpu.memory_space<vmem>>, %arg8: memref<10x50x512xf32, #tpu.memory_space<vmem>>, %arg9: memref<50x512x128xf32, #tpu.memory_space<vmem>>) attributes {dimension_semantics = [#tpu.dimension_semantics<parallel>], iteration_bounds = array<i64: 1>, scalar_prefetch = 0 : i64, scratch_operands = 1 : i64, tpu.core_type = #tpu.core_type<tc>, window_params = [{transform_indices = @transform_0, window_bounds = array<i64: 50, 512, 128>}, {transform_indices = @transform_1, window_bounds = array<i64: 50, 512, 1>}, {transform_indices = @transform_2, window_bounds = array<i64: 512, 1>}, {pipeline_mode = #tpu.pipeline_mode<synchronous>, transform_indices = @transform_3, window_bounds = array<i64: 256, 512>}, {pipeline_mode = #tpu.pipeline_mode<synchronous>, transform_indices = @transform_4, window_bounds = array<i64: 1, 512>}, {pipeline_mode = #tpu.pipeline_mode<synchronous>, transform_indices = @transform_5, window_bounds = array<i64: 10, 128>}, {pipeline_mode = #tpu.pipeline_mode<synchronous>, transform_indices = @transform_6, window_bounds = array<i64: 10, 1>}, {transform_indices = @transform_7, window_bounds = array<i64: 10, 50, 512>}]} {
    %get3A = arith.constant 0 : index
    %get3A_0 = arith.constant 0 : index
    %get3A_1 = vector.load %arg3[%get3A, %get3A_0] : memref<512x1xi32, #tpu.memory_space<vmem>>, vector<512x1xi32>
    %get3A_2 = arith.constant 0 : index
    %get3A_3 = arith.constant 0 : index
    %get3A_4 = vector.load %arg4[%get3A_2, %get3A_3] : memref<256x512xf32, #tpu.memory_space<vmem>>, vector<256x512xf32>
    %get3A_5 = arith.constant 0 : index
    %get3A_6 = arith.constant 0 : index
    %get3A_7 = vector.load %arg5[%get3A_5, %get3A_6] : memref<1x512xf32, #tpu.memory_space<vmem>>, vector<1x512xf32>
    %iota3A = tpu.iota {dimensions = array<i32: 1>} : vector<512x128xi32>
    %lt3A = arith.constant 64 : i32
    %lt3A_8 = vector.broadcast %lt3A : i32 to vector<512x128xi32>
    %lt3A_9 = arith.cmpi slt, %iota3A, %lt3A_8 : vector<512x128xi32>
    %broadcast_in_dim3A = arith.constant 0.000000e+00 : f32
    %broadcast_in_dim3A_10 = vector.broadcast %broadcast_in_dim3A : f32 to vector<512x128xf32>
    %scan3A = arith.constant 0 : i32
    %scan3A_11 = arith.constant 2 : i32
    %scan3A_12 = arith.addi %scan3A, %scan3A_11 : i32
    %scan3A_13 = arith.constant 1 : i32
    %scan3A_14:2 = scf.for %scan3A_32 = %scan3A to %scan3A_12 step %scan3A_13 iter_args(%scan3A_33 = %broadcast_in_dim3A_10, %scan3A_34 = %broadcast_in_dim3A_10) -> (vector<512x128xf32>, vector<512x128xf32>)  : i32 {
      %mul3A = arith.constant 25 : i32
      %mul3A_35 = arith.muli %mul3A, %scan3A_32 : i32
      %add3A_36 = arith.constant 0 : i32
      %add3A_37 = arith.addi %mul3A_35, %add3A_36 : i32
      %sub3A = arith.constant 49 : i32
      %sub3A_38 = arith.subi %sub3A, %add3A_37 : i32
      %get3A_39 = arith.index_cast %add3A_37 : i32 to index
      %get3A_40 = arith.constant 0 : index
      %get3A_41 = arith.constant 0 : index
      %get3A_42 = vector.load %arg1[%get3A_39, %get3A_40, %get3A_41] : memref<50x512x128xf32, #tpu.memory_space<vmem>>, vector<1x512x128xf32>
      %get3A_43 = vector.shape_cast %get3A_42 : vector<1x512x128xf32> to vector<512x128xf32>
      %get3A_44 = arith.index_cast %add3A_37 : i32 to index
      %get3A_45 = arith.constant 0 : index
      %get3A_46 = arith.constant 0 : index
      %get3A_47 = vector.load %arg2[%get3A_44, %get3A_45, %get3A_46] : memref<50x512x1xi8, #tpu.memory_space<vmem>>, vector<1x512x1xi8>
      %get3A_48 = vector.shape_cast %get3A_47 : vector<1x512x1xi8> to vector<512x1xi8>
      %ne3A = arith.constant 0 : i8
      %ne3A_49 = vector.broadcast %ne3A : i8 to vector<512x1xi8>
      %ne3A_50 = arith.cmpi ne, %get3A_48, %ne3A_49 : vector<512x1xi8>
      %slice3A = vector.extract_strided_slice %get3A_43 {offsets = [0, 64], sizes = [512, 64], strides = [1, 1]} : vector<512x128xf32> to vector<512x64xf32>
      %slice3A_51 = vector.extract_strided_slice %get3A_43 {offsets = [0, 0], sizes = [512, 64], strides = [1, 1]} : vector<512x128xf32> to vector<512x64xf32>
      %broadcast_in_dim3A_52 = vector.shape_cast %ne3A_50 : vector<512x1xi1> to vector<512x1xi1>
      %broadcast_in_dim3A_53 = vector.broadcast %broadcast_in_dim3A_52 : vector<512x1xi1> to vector<512x64xi1>
      %select_n3A = arith.select %broadcast_in_dim3A_53, %slice3A, %slice3A_51 : vector<512x64xi1>, vector<512x64xf32>
      %get3A_54 = arith.index_cast %sub3A_38 : i32 to index
      %get3A_55 = arith.constant 0 : index
      %get3A_56 = arith.constant 0 : index
      %get3A_57 = vector.load %arg1[%get3A_54, %get3A_55, %get3A_56] : memref<50x512x128xf32, #tpu.memory_space<vmem>>, vector<1x512x128xf32>
      %get3A_58 = vector.shape_cast %get3A_57 : vector<1x512x128xf32> to vector<512x128xf32>
      %get3A_59 = arith.index_cast %sub3A_38 : i32 to index
      %get3A_60 = arith.constant 0 : index
      %get3A_61 = arith.constant 0 : index
      %get3A_62 = vector.load %arg2[%get3A_59, %get3A_60, %get3A_61] : memref<50x512x1xi8, #tpu.memory_space<vmem>>, vector<1x512x1xi8>
      %get3A_63 = vector.shape_cast %get3A_62 : vector<1x512x1xi8> to vector<512x1xi8>
      %ne3A_64 = arith.constant 0 : i8
      %ne3A_65 = vector.broadcast %ne3A_64 : i8 to vector<512x1xi8>
      %ne3A_66 = arith.cmpi ne, %get3A_63, %ne3A_65 : vector<512x1xi8>
      %slice3A_67 = vector.extract_strided_slice %get3A_58 {offsets = [0, 64], sizes = [512, 64], strides = [1, 1]} : vector<512x128xf32> to vector<512x64xf32>
      %slice3A_68 = vector.extract_strided_slice %get3A_58 {offsets = [0, 0], sizes = [512, 64], strides = [1, 1]} : vector<512x128xf32> to vector<512x64xf32>
      %broadcast_in_dim3A_69 = vector.shape_cast %ne3A_66 : vector<512x1xi1> to vector<512x1xi1>
      %broadcast_in_dim3A_70 = vector.broadcast %broadcast_in_dim3A_69 : vector<512x1xi1> to vector<512x64xi1>
      %select_n3A_71 = arith.select %broadcast_in_dim3A_70, %slice3A_67, %slice3A_68 : vector<512x64xi1>, vector<512x64xf32>
      %concatenate3A = tpu.concatenate %select_n3A, %select_n3A_71 in 1 : vector<512x64xf32>, vector<512x64xf32> -> vector<512x128xf32>
      %slice3A_72 = vector.extract_strided_slice %get3A_4 {offsets = [0, 0], sizes = [128, 512], strides = [1, 1]} : vector<256x512xf32> to vector<128x512xf32>
      %dot_general3A_73 = arith.constant dense<0.000000e+00> : vector<512x512xf32>
      %dot_general3A_74 = tpu.matmul %concatenate3A, %slice3A_72, %dot_general3A_73 {dimension_numbers = #tpu.dot_dimension_numbers<[1], [0], [0], [1], [0, 0, 1, 1], [], []>, transpose_lhs_hint = false} : vector<512x128xf32>, vector<128x512xf32>, vector<512x512xf32> -> vector<512x512xf32>
      %slice3A_75 = vector.extract_strided_slice %get3A_4 {offsets = [128, 0], sizes = [128, 512], strides = [1, 1]} : vector<256x512xf32> to vector<128x512xf32>
      %dot_general3A_76 = arith.constant dense<0.000000e+00> : vector<512x512xf32>
      %dot_general3A_77 = tpu.matmul %scan3A_33, %slice3A_75, %dot_general3A_76 {dimension_numbers = #tpu.dot_dimension_numbers<[1], [0], [0], [1], [0, 0, 1, 1], [], []>, transpose_lhs_hint = false} : vector<512x128xf32>, vector<128x512xf32>, vector<512x512xf32> -> vector<512x512xf32>
      %add3A_78 = arith.addf %dot_general3A_74, %dot_general3A_77 : vector<512x512xf32>
      %add3A_79 = vector.broadcast %get3A_7 : vector<1x512xf32> to vector<512x512xf32>
      %add3A_80 = arith.addf %add3A_78, %add3A_79 : vector<512x512xf32>
      %slice3A_81 = vector.extract_strided_slice %add3A_80 {offsets = [0, 0], sizes = [512, 128], strides = [1, 1]} : vector<512x512xf32> to vector<512x128xf32>
      %logistic3A = arith.negf %slice3A_81 : vector<512x128xf32>
      %logistic3A_82 = math.exp %logistic3A : vector<512x128xf32>
      %logistic3A_83 = arith.constant 1.000000e+00 : f32
      %logistic3A_84 = vector.broadcast %logistic3A_83 : f32 to vector<512x128xf32>
      %logistic3A_85 = arith.addf %logistic3A_84, %logistic3A_82 : vector<512x128xf32>
      %logistic3A_86 = arith.divf %logistic3A_84, %logistic3A_85 : vector<512x128xf32>
      %slice3A_87 = vector.extract_strided_slice %add3A_80 {offsets = [0, 128], sizes = [512, 128], strides = [1, 1]} : vector<512x512xf32> to vector<512x128xf32>
      %logistic3A_88 = arith.negf %slice3A_87 : vector<512x128xf32>
      %logistic3A_89 = math.exp %logistic3A_88 : vector<512x128xf32>
      %logistic3A_90 = arith.constant 1.000000e+00 : f32
      %logistic3A_91 = vector.broadcast %logistic3A_90 : f32 to vector<512x128xf32>
      %logistic3A_92 = arith.addf %logistic3A_91, %logistic3A_89 : vector<512x128xf32>
      %logistic3A_93 = arith.divf %logistic3A_91, %logistic3A_92 : vector<512x128xf32>
      %slice3A_94 = vector.extract_strided_slice %add3A_80 {offsets = [0, 256], sizes = [512, 128], strides = [1, 1]} : vector<512x512xf32> to vector<512x128xf32>
      %tanh3A = math.tanh %slice3A_94 : vector<512x128xf32>
      %slice3A_95 = vector.extract_strided_slice %add3A_80 {offsets = [0, 384], sizes = [512, 128], strides = [1, 1]} : vector<512x512xf32> to vector<512x128xf32>
      %logistic3A_96 = arith.negf %slice3A_95 : vector<512x128xf32>
      %logistic3A_97 = math.exp %logistic3A_96 : vector<512x128xf32>
      %logistic3A_98 = arith.constant 1.000000e+00 : f32
      %logistic3A_99 = vector.broadcast %logistic3A_98 : f32 to vector<512x128xf32>
      %logistic3A_100 = arith.addf %logistic3A_99, %logistic3A_97 : vector<512x128xf32>
      %logistic3A_101 = arith.divf %logistic3A_99, %logistic3A_100 : vector<512x128xf32>
      %mul3A_102 = arith.mulf %logistic3A_93, %scan3A_34 : vector<512x128xf32>
      %mul3A_103 = arith.mulf %logistic3A_86, %tanh3A : vector<512x128xf32>
      %add3A_104 = arith.addf %mul3A_102, %mul3A_103 : vector<512x128xf32>
      %tanh3A_105 = math.tanh %add3A_104 : vector<512x128xf32>
      %mul3A_106 = arith.mulf %logistic3A_101, %tanh3A_105 : vector<512x128xf32>
      %broadcast_in_dim3A_107 = vector.broadcast %add3A_37 : i32 to vector<512x128xi32>
      %broadcast_in_dim3A_108 = vector.broadcast %sub3A_38 : i32 to vector<512x128xi32>
      %select_n3A_109 = arith.select %lt3A_9, %broadcast_in_dim3A_107, %broadcast_in_dim3A_108 : vector<512x128xi1>, vector<512x128xi32>
      %gt3A = vector.broadcast %get3A_1 : vector<512x1xi32> to vector<512x128xi32>
      %gt3A_110 = arith.cmpi sgt, %gt3A, %select_n3A_109 : vector<512x128xi32>
      %jit3A = arith.constant 0.000000e+00 : f32
      %broadcast_in_dim3A_111 = vector.broadcast %jit3A : f32 to vector<512x128xf32>
      %select_n3A_112 = arith.select %gt3A_110, %mul3A_106, %broadcast_in_dim3A_111 : vector<512x128xi1>, vector<512x128xf32>
      %slice3A_113 = vector.extract_strided_slice %select_n3A_112 {offsets = [0, 0], sizes = [512, 64], strides = [1, 1]} : vector<512x128xf32> to vector<512x64xf32>
      %swap3A_114 = arith.index_cast %add3A_37 : i32 to index
      %swap3A_115 = arith.constant 0 : index
      %swap3A_116 = arith.constant 0 : index
      %swap3A_117 = vector.load %arg9[%swap3A_114, %swap3A_115, %swap3A_116] : memref<50x512x128xf32, #tpu.memory_space<vmem>>, vector<1x512x64xf32>
      %swap3A_118 = vector.shape_cast %swap3A_117 : vector<1x512x64xf32> to vector<512x64xf32>
      %swap3A_119 = vector.shape_cast %slice3A_113 : vector<512x64xf32> to vector<1x512x64xf32>
      tpu.vector_store %arg9[%swap3A_114, %swap3A_115, %swap3A_116], %swap3A_119 {strides = array<i32>} : memref<50x512x128xf32, #tpu.memory_space<vmem>>, vector<1x512x64xf32>,
      %slice3A_120 = vector.extract_strided_slice %select_n3A_112 {offsets = [0, 64], sizes = [512, 64], strides = [1, 1]} : vector<512x128xf32> to vector<512x64xf32>
      %swap3A_121 = arith.index_cast %sub3A_38 : i32 to index
      %swap3A_122 = arith.constant 0 : index
      %swap3A_123 = arith.constant 64 : index
      %swap3A_124 = vector.load %arg9[%swap3A_121, %swap3A_122, %swap3A_123] : memref<50x512x128xf32, #tpu.memory_space<vmem>>, vector<1x512x64xf32>
      %swap3A_125 = vector.shape_cast %swap3A_124 : vector<1x512x64xf32> to vector<512x64xf32>
      %swap3A_126 = vector.shape_cast %slice3A_120 : vector<512x64xf32> to vector<1x512x64xf32>
      tpu.vector_store %arg9[%swap3A_121, %swap3A_122, %swap3A_123], %swap3A_126 {strides = array<i32>} : memref<50x512x128xf32, #tpu.memory_space<vmem>>, vector<1x512x64xf32>,
      %select_n3A_127 = arith.select %gt3A_110, %mul3A_106, %scan3A_33 : vector<512x128xi1>, vector<512x128xf32>
      %select_n3A_128 = arith.select %gt3A_110, %add3A_104, %scan3A_34 : vector<512x128xi1>, vector<512x128xf32>
      %mul3A_129 = arith.constant 25 : i32
      %mul3A_130 = arith.muli %mul3A_129, %scan3A_32 : i32
      %add3A_131 = arith.constant 1 : i32
      %add3A_132 = arith.addi %mul3A_130, %add3A_131 : i32
      %sub3A_133 = arith.constant 49 : i32
      %sub3A_134 = arith.subi %sub3A_133, %add3A_132 : i32
      %get3A_135 = arith.index_cast %add3A_132 : i32 to index
      %get3A_136 = arith.constant 0 : index
      %get3A_137 = arith.constant 0 : index
      %get3A_138 = vector.load %arg1[%get3A_135, %get3A_136, %get3A_137] : memref<50x512x128xf32, #tpu.memory_space<vmem>>, vector<1x512x128xf32>
      %get3A_139 = vector.shape_cast %get3A_138 : vector<1x512x128xf32> to vector<512x128xf32>
      %get3A_140 = arith.index_cast %add3A_132 : i32 to index
      %get3A_141 = arith.constant 0 : index
      %get3A_142 = arith.constant 0 : index
      %get3A_143 = vector.load %arg2[%get3A_140, %get3A_141, %get3A_142] : memref<50x512x1xi8, #tpu.memory_space<vmem>>, vector<1x512x1xi8>
      %get3A_144 = vector.shape_cast %get3A_143 : vector<1x512x1xi8> to vector<512x1xi8>
      %ne3A_145 = arith.constant 0 : i8
      %ne3A_146 = vector.broadcast %ne3A_145 : i8 to vector<512x1xi8>
      %ne3A_147 = arith.cmpi ne, %get3A_144, %ne3A_146 : vector<512x1xi8>
      %slice3A_148 = vector.extract_strided_slice %get3A_139 {offsets = [0, 64], sizes = [512, 64], strides = [1, 1]} : vector<512x128xf32> to vector<512x64xf32>
      %slice3A_149 = vector.extract_strided_slice %get3A_139 {offsets = [0, 0], sizes = [512, 64], strides = [1, 1]} : vector<512x128xf32> to vector<512x64xf32>
      %broadcast_in_dim3A_150 = vector.shape_cast %ne3A_147 : vector<512x1xi1> to vector<512x1xi1>
      %broadcast_in_dim3A_151 = vector.broadcast %broadcast_in_dim3A_150 : vector<512x1xi1> to vector<512x64xi1>
      %select_n3A_152 = arith.select %broadcast_in_dim3A_151, %slice3A_148, %slice3A_149 : vector<512x64xi1>, vector<512x64xf32>
      %get3A_153 = arith.index_cast %sub3A_134 : i32 to index
      %get3A_154 = arith.constant 0 : index
      %get3A_155 = arith.constant 0 : index
      %get3A_156 = vector.load %arg1[%get3A_153, %get3A_154, %get3A_155] : memref<50x512x128xf32, #tpu.memory_space<vmem>>, vector<1x512x128xf32>
      %get3A_157 = vector.shape_cast %get3A_156 : vector<1x512x128xf32> to vector<512x128xf32>
      %get3A_158 = arith.index_cast %sub3A_134 : i32 to index
      %get3A_159 = arith.constant 0 : index
      %get3A_160 = arith.constant 0 : index
      %get3A_161 = vector.load %arg2[%get3A_158, %get3A_159, %get3A_160] : memref<50x512x1xi8, #tpu.memory_space<vmem>>, vector<1x512x1xi8>
      %get3A_162 = vector.shape_cast %get3A_161 : vector<1x512x1xi8> to vector<512x1xi8>
      %ne3A_163 = arith.constant 0 : i8
      %ne3A_164 = vector.broadcast %ne3A_163 : i8 to vector<512x1xi8>
      %ne3A_165 = arith.cmpi ne, %get3A_162, %ne3A_164 : vector<512x1xi8>
      %slice3A_166 = vector.extract_strided_slice %get3A_157 {offsets = [0, 64], sizes = [512, 64], strides = [1, 1]} : vector<512x128xf32> to vector<512x64xf32>
      %slice3A_167 = vector.extract_strided_slice %get3A_157 {offsets = [0, 0], sizes = [512, 64], strides = [1, 1]} : vector<512x128xf32> to vector<512x64xf32>
      %broadcast_in_dim3A_168 = vector.shape_cast %ne3A_165 : vector<512x1xi1> to vector<512x1xi1>
      %broadcast_in_dim3A_169 = vector.broadcast %broadcast_in_dim3A_168 : vector<512x1xi1> to vector<512x64xi1>
      %select_n3A_170 = arith.select %broadcast_in_dim3A_169, %slice3A_166, %slice3A_167 : vector<512x64xi1>, vector<512x64xf32>
      %concatenate3A_171 = tpu.concatenate %select_n3A_152, %select_n3A_170 in 1 : vector<512x64xf32>, vector<512x64xf32> -> vector<512x128xf32>
      %slice3A_172 = vector.extract_strided_slice %get3A_4 {offsets = [0, 0], sizes = [128, 512], strides = [1, 1]} : vector<256x512xf32> to vector<128x512xf32>
      %dot_general3A_173 = arith.constant dense<0.000000e+00> : vector<512x512xf32>
      %dot_general3A_174 = tpu.matmul %concatenate3A_171, %slice3A_172, %dot_general3A_173 {dimension_numbers = #tpu.dot_dimension_numbers<[1], [0], [0], [1], [0, 0, 1, 1], [], []>, transpose_lhs_hint = false} : vector<512x128xf32>, vector<128x512xf32>, vector<512x512xf32> -> vector<512x512xf32>
      %slice3A_175 = vector.extract_strided_slice %get3A_4 {offsets = [128, 0], sizes = [128, 512], strides = [1, 1]} : vector<256x512xf32> to vector<128x512xf32>
      %dot_general3A_176 = arith.constant dense<0.000000e+00> : vector<512x512xf32>
      %dot_general3A_177 = tpu.matmul %select_n3A_127, %slice3A_175, %dot_general3A_176 {dimension_numbers = #tpu.dot_dimension_numbers<[1], [0], [0], [1], [0, 0, 1, 1], [], []>, transpose_lhs_hint = false} : vector<512x128xf32>, vector<128x512xf32>, vector<512x512xf32> -> vector<512x512xf32>
      %add3A_178 = arith.addf %dot_general3A_174, %dot_general3A_177 : vector<512x512xf32>
      %add3A_179 = vector.broadcast %get3A_7 : vector<1x512xf32> to vector<512x512xf32>
      %add3A_180 = arith.addf %add3A_178, %add3A_179 : vector<512x512xf32>
      %slice3A_181 = vector.extract_strided_slice %add3A_180 {offsets = [0, 0], sizes = [512, 128], strides = [1, 1]} : vector<512x512xf32> to vector<512x128xf32>
      %logistic3A_182 = arith.negf %slice3A_181 : vector<512x128xf32>
      %logistic3A_183 = math.exp %logistic3A_182 : vector<512x128xf32>
      %logistic3A_184 = arith.constant 1.000000e+00 : f32
      %logistic3A_185 = vector.broadcast %logistic3A_184 : f32 to vector<512x128xf32>
      %logistic3A_186 = arith.addf %logistic3A_185, %logistic3A_183 : vector<512x128xf32>
      %logistic3A_187 = arith.divf %logistic3A_185, %logistic3A_186 : vector<512x128xf32>
      %slice3A_188 = vector.extract_strided_slice %add3A_180 {offsets = [0, 128], sizes = [512, 128], strides = [1, 1]} : vector<512x512xf32> to vector<512x128xf32>
      %logistic3A_189 = arith.negf %slice3A_188 : vector<512x128xf32>
      %logistic3A_190 = math.exp %logistic3A_189 : vector<512x128xf32>
      %logistic3A_191 = arith.constant 1.000000e+00 : f32
      %logistic3A_192 = vector.broadcast %logistic3A_191 : f32 to vector<512x128xf32>
      %logistic3A_193 = arith.addf %logistic3A_192, %logistic3A_190 : vector<512x128xf32>
      %logistic3A_194 = arith.divf %logistic3A_192, %logistic3A_193 : vector<512x128xf32>
      %slice3A_195 = vector.extract_strided_slice %add3A_180 {offsets = [0, 256], sizes = [512, 128], strides = [1, 1]} : vector<512x512xf32> to vector<512x128xf32>
      %tanh3A_196 = math.tanh %slice3A_195 : vector<512x128xf32>
      %slice3A_197 = vector.extract_strided_slice %add3A_180 {offsets = [0, 384], sizes = [512, 128], strides = [1, 1]} : vector<512x512xf32> to vector<512x128xf32>
      %logistic3A_198 = arith.negf %slice3A_197 : vector<512x128xf32>
      %logistic3A_199 = math.exp %logistic3A_198 : vector<512x128xf32>
      %logistic3A_200 = arith.constant 1.000000e+00 : f32
      %logistic3A_201 = vector.broadcast %logistic3A_200 : f32 to vector<512x128xf32>
      %logistic3A_202 = arith.addf %logistic3A_201, %logistic3A_199 : vector<512x128xf32>
      %logistic3A_203 = arith.divf %logistic3A_201, %logistic3A_202 : vector<512x128xf32>
      %mul3A_204 = arith.mulf %logistic3A_194, %select_n3A_128 : vector<512x128xf32>
      %mul3A_205 = arith.mulf %logistic3A_187, %tanh3A_196 : vector<512x128xf32>
      %add3A_206 = arith.addf %mul3A_204, %mul3A_205 : vector<512x128xf32>
      %tanh3A_207 = math.tanh %add3A_206 : vector<512x128xf32>
      %mul3A_208 = arith.mulf %logistic3A_203, %tanh3A_207 : vector<512x128xf32>
      %broadcast_in_dim3A_209 = vector.broadcast %add3A_132 : i32 to vector<512x128xi32>
      %broadcast_in_dim3A_210 = vector.broadcast %sub3A_134 : i32 to vector<512x128xi32>
      %select_n3A_211 = arith.select %lt3A_9, %broadcast_in_dim3A_209, %broadcast_in_dim3A_210 : vector<512x128xi1>, vector<512x128xi32>
      %gt3A_212 = vector.broadcast %get3A_1 : vector<512x1xi32> to vector<512x128xi32>
      %gt3A_213 = arith.cmpi sgt, %gt3A_212, %select_n3A_211 : vector<512x128xi32>
      %jit3A_214 = arith.constant 0.000000e+00 : f32
      %broadcast_in_dim3A_215 = vector.broadcast %jit3A_214 : f32 to vector<512x128xf32>
      %select_n3A_216 = arith.select %gt3A_213, %mul3A_208, %broadcast_in_dim3A_215 : vector<512x128xi1>, vector<512x128xf32>
      %slice3A_217 = vector.extract_strided_slice %select_n3A_216 {offsets = [0, 0], sizes = [512, 64], strides = [1, 1]} : vector<512x128xf32> to vector<512x64xf32>
      %swap3A_218 = arith.index_cast %add3A_132 : i32 to index
      %swap3A_219 = arith.constant 0 : index
      %swap3A_220 = arith.constant 0 : index
      %swap3A_221 = vector.load %arg9[%swap3A_218, %swap3A_219, %swap3A_220] : memref<50x512x128xf32, #tpu.memory_space<vmem>>, vector<1x512x64xf32>
      %swap3A_222 = vector.shape_cast %swap3A_221 : vector<1x512x64xf32> to vector<512x64xf32>
      %swap3A_223 = vector.shape_cast %slice3A_217 : vector<512x64xf32> to vector<1x512x64xf32>
      tpu.vector_store %arg9[%swap3A_218, %swap3A_219, %swap3A_220], %swap3A_223 {strides = array<i32>} : memref<50x512x128xf32, #tpu.memory_space<vmem>>, vector<1x512x64xf32>,
      %slice3A_224 = vector.extract_strided_slice %select_n3A_216 {offsets = [0, 64], sizes = [512, 64], strides = [1, 1]} : vector<512x128xf32> to vector<512x64xf32>
      %swap3A_225 = arith.index_cast %sub3A_134 : i32 to index
      %swap3A_226 = arith.constant 0 : index
      %swap3A_227 = arith.constant 64 : index
      %swap3A_228 = vector.load %arg9[%swap3A_225, %swap3A_226, %swap3A_227] : memref<50x512x128xf32, #tpu.memory_space<vmem>>, vector<1x512x64xf32>
      %swap3A_229 = vector.shape_cast %swap3A_228 : vector<1x512x64xf32> to vector<512x64xf32>
      %swap3A_230 = vector.shape_cast %slice3A_224 : vector<512x64xf32> to vector<1x512x64xf32>
      tpu.vector_store %arg9[%swap3A_225, %swap3A_226, %swap3A_227], %swap3A_230 {strides = array<i32>} : memref<50x512x128xf32, #tpu.memory_space<vmem>>, vector<1x512x64xf32>,
      %select_n3A_231 = arith.select %gt3A_213, %mul3A_208, %select_n3A_127 : vector<512x128xi1>, vector<512x128xf32>
      %select_n3A_232 = arith.select %gt3A_213, %add3A_206, %select_n3A_128 : vector<512x128xi1>, vector<512x128xf32>
      %mul3A_233 = arith.constant 25 : i32
      %mul3A_234 = arith.muli %mul3A_233, %scan3A_32 : i32
      %add3A_235 = arith.constant 2 : i32
      %add3A_236 = arith.addi %mul3A_234, %add3A_235 : i32
      %sub3A_237 = arith.constant 49 : i32
      %sub3A_238 = arith.subi %sub3A_237, %add3A_236 : i32
      %get3A_239 = arith.index_cast %add3A_236 : i32 to index
      %get3A_240 = arith.constant 0 : index
      %get3A_241 = arith.constant 0 : index
      %get3A_242 = vector.load %arg1[%get3A_239, %get3A_240, %get3A_241] : memref<50x512x128xf32, #tpu.memory_space<vmem>>, vector<1x512x128xf32>
      %get3A_243 = vector.shape_cast %get3A_242 : vector<1x512x128xf32> to vector<512x128xf32>
      %get3A_244 = arith.index_cast %add3A_236 : i32 to index
      %get3A_245 = arith.constant 0 : index
      %get3A_246 = arith.constant 0 : index
      %get3A_247 = vector.load %arg2[%get3A_244, %get3A_245, %get3A_246] : memref<50x512x1xi8, #tpu.memory_space<vmem>>, vector<1x512x1xi8>
      %get3A_248 = vector.shape_cast %get3A_247 : vector<1x512x1xi8> to vector<512x1xi8>
      %ne3A_249 = arith.constant 0 : i8
      %ne3A_250 = vector.broadcast %ne3A_249 : i8 to vector<512x1xi8>
      %ne3A_251 = arith.cmpi ne, %get3A_248, %ne3A_250 : vector<512x1xi8>
      %slice3A_252 = vector.extract_strided_slice %get3A_243 {offsets = [0, 64], sizes = [512, 64], strides = [1, 1]} : vector<512x128xf32> to vector<512x64xf32>
      %slice3A_253 = vector.extract_strided_slice %get3A_243 {offsets = [0, 0], sizes = [512, 64], strides = [1, 1]} : vector<512x128xf32> to vector<512x64xf32>
      %broadcast_in_dim3A_254 = vector.shape_cast %ne3A_251 : vector<512x1xi1> to vector<512x1xi1>
      %broadcast_in_dim3A_255 = vector.broadcast %broadcast_in_dim3A_254 : vector<512x1xi1> to vector<512x64xi1>
      %select_n3A_256 = arith.select %broadcast_in_dim3A_255, %slice3A_252, %slice3A_253 : vector<512x64xi1>, vector<512x64xf32>
      %get3A_257 = arith.index_cast %sub3A_238 : i32 to index
      %get3A_258 = arith.constant 0 : index
      %get3A_259 = arith.constant 0 : index
      %get3A_260 = vector.load %arg1[%get3A_257, %get3A_258, %get3A_259] : memref<50x512x128xf32, #tpu.memory_space<vmem>>, vector<1x512x128xf32>
      %get3A_261 = vector.shape_cast %get3A_260 : vector<1x512x128xf32> to vector<512x128xf32>
      %get3A_262 = arith.index_cast %sub3A_238 : i32 to index
      %get3A_263 = arith.constant 0 : index
      %get3A_264 = arith.constant 0 : index
      %get3A_265 = vector.load %arg2[%get3A_262, %get3A_263, %get3A_264] : memref<50x512x1xi8, #tpu.memory_space<vmem>>, vector<1x512x1xi8>
      %get3A_266 = vector.shape_cast %get3A_265 : vector<1x512x1xi8> to vector<512x1xi8>
      %ne3A_267 = arith.constant 0 : i8
      %ne3A_268 = vector.broadcast %ne3A_267 : i8 to vector<512x1xi8>
      %ne3A_269 = arith.cmpi ne, %get3A_266, %ne3A_268 : vector<512x1xi8>
      %slice3A_270 = vector.extract_strided_slice %get3A_261 {offsets = [0, 64], sizes = [512, 64], strides = [1, 1]} : vector<512x128xf32> to vector<512x64xf32>
      %slice3A_271 = vector.extract_strided_slice %get3A_261 {offsets = [0, 0], sizes = [512, 64], strides = [1, 1]} : vector<512x128xf32> to vector<512x64xf32>
      %broadcast_in_dim3A_272 = vector.shape_cast %ne3A_269 : vector<512x1xi1> to vector<512x1xi1>
      %broadcast_in_dim3A_273 = vector.broadcast %broadcast_in_dim3A_272 : vector<512x1xi1> to vector<512x64xi1>
      %select_n3A_274 = arith.select %broadcast_in_dim3A_273, %slice3A_270, %slice3A_271 : vector<512x64xi1>, vector<512x64xf32>
      %concatenate3A_275 = tpu.concatenate %select_n3A_256, %select_n3A_274 in 1 : vector<512x64xf32>, vector<512x64xf32> -> vector<512x128xf32>
      %slice3A_276 = vector.extract_strided_slice %get3A_4 {offsets = [0, 0], sizes = [128, 512], strides = [1, 1]} : vector<256x512xf32> to vector<128x512xf32>
      %dot_general3A_277 = arith.constant dense<0.000000e+00> : vector<512x512xf32>
      %dot_general3A_278 = tpu.matmul %concatenate3A_275, %slice3A_276, %dot_general3A_277 {dimension_numbers = #tpu.dot_dimension_numbers<[1], [0], [0], [1], [0, 0, 1, 1], [], []>, transpose_lhs_hint = false} : vector<512x128xf32>, vector<128x512xf32>, vector<512x512xf32> -> vector<512x512xf32>
      %slice3A_279 = vector.extract_strided_slice %get3A_4 {offsets = [128, 0], sizes = [128, 512], strides = [1, 1]} : vector<256x512xf32> to vector<128x512xf32>
      %dot_general3A_280 = arith.constant dense<0.000000e+00> : vector<512x512xf32>
      %dot_general3A_281 = tpu.matmul %select_n3A_231, %slice3A_279, %dot_general3A_280 {dimension_numbers = #tpu.dot_dimension_numbers<[1], [0], [0], [1], [0, 0, 1, 1], [], []>, transpose_lhs_hint = false} : vector<512x128xf32>, vector<128x512xf32>, vector<512x512xf32> -> vector<512x512xf32>
      %add3A_282 = arith.addf %dot_general3A_278, %dot_general3A_281 : vector<512x512xf32>
      %add3A_283 = vector.broadcast %get3A_7 : vector<1x512xf32> to vector<512x512xf32>
      %add3A_284 = arith.addf %add3A_282, %add3A_283 : vector<512x512xf32>
      %slice3A_285 = vector.extract_strided_slice %add3A_284 {offsets = [0, 0], sizes = [512, 128], strides = [1, 1]} : vector<512x512xf32> to vector<512x128xf32>
      %logistic3A_286 = arith.negf %slice3A_285 : vector<512x128xf32>
      %logistic3A_287 = math.exp %logistic3A_286 : vector<512x128xf32>
      %logistic3A_288 = arith.constant 1.000000e+00 : f32
      %logistic3A_289 = vector.broadcast %logistic3A_288 : f32 to vector<512x128xf32>
      %logistic3A_290 = arith.addf %logistic3A_289, %logistic3A_287 : vector<512x128xf32>
      %logistic3A_291 = arith.divf %logistic3A_289, %logistic3A_290 : vector<512x128xf32>
      %slice3A_292 = vector.extract_strided_slice %add3A_284 {offsets = [0, 128], sizes = [512, 128], strides = [1, 1]} : vector<512x512xf32> to vector<512x128xf32>
      %logistic3A_293 = arith.negf %slice3A_292 : vector<512x128xf32>
      %logistic3A_294 = math.exp %logistic3A_293 : vector<512x128xf32>
      %logistic3A_295 = arith.constant 1.000000e+00 : f32
      %logistic3A_296 = vector.broadcast %logistic3A_295 : f32 to vector<512x128xf32>
      %logistic3A_297 = arith.addf %logistic3A_296, %logistic3A_294 : vector<512x128xf32>
      %logistic3A_298 = arith.divf %logistic3A_296, %logistic3A_297 : vector<512x128xf32>
      %slice3A_299 = vector.extract_strided_slice %add3A_284 {offsets = [0, 256], sizes = [512, 128], strides = [1, 1]} : vector<512x512xf32> to vector<512x128xf32>
      %tanh3A_300 = math.tanh %slice3A_299 : vector<512x128xf32>
      %slice3A_301 = vector.extract_strided_slice %add3A_284 {offsets = [0, 384], sizes = [512, 128], strides = [1, 1]} : vector<512x512xf32> to vector<512x128xf32>
      %logistic3A_302 = arith.negf %slice3A_301 : vector<512x128xf32>
      %logistic3A_303 = math.exp %logistic3A_302 : vector<512x128xf32>
      %logistic3A_304 = arith.constant 1.000000e+00 : f32
      %logistic3A_305 = vector.broadcast %logistic3A_304 : f32 to vector<512x128xf32>
      %logistic3A_306 = arith.addf %logistic3A_305, %logistic3A_303 : vector<512x128xf32>
      %logistic3A_307 = arith.divf %logistic3A_305, %logistic3A_306 : vector<512x128xf32>
      %mul3A_308 = arith.mulf %logistic3A_298, %select_n3A_232 : vector<512x128xf32>
      %mul3A_309 = arith.mulf %logistic3A_291, %tanh3A_300 : vector<512x128xf32>
      %add3A_310 = arith.addf %mul3A_308, %mul3A_309 : vector<512x128xf32>
      %tanh3A_311 = math.tanh %add3A_310 : vector<512x128xf32>
      %mul3A_312 = arith.mulf %logistic3A_307, %tanh3A_311 : vector<512x128xf32>
      %broadcast_in_dim3A_313 = vector.broadcast %add3A_236 : i32 to vector<512x128xi32>
      %broadcast_in_dim3A_314 = vector.broadcast %sub3A_238 : i32 to vector<512x128xi32>
      %select_n3A_315 = arith.select %lt3A_9, %broadcast_in_dim3A_313, %broadcast_in_dim3A_314 : vector<512x128xi1>, vector<512x128xi32>
      %gt3A_316 = vector.broadcast %get3A_1 : vector<512x1xi32> to vector<512x128xi32>
      %gt3A_317 = arith.cmpi sgt, %gt3A_316, %select_n3A_315 : vector<512x128xi32>
      %jit3A_318 = arith.constant 0.000000e+00 : f32
      %broadcast_in_dim3A_319 = vector.broadcast %jit3A_318 : f32 to vector<512x128xf32>
      %select_n3A_320 = arith.select %gt3A_317, %mul3A_312, %broadcast_in_dim3A_319 : vector<512x128xi1>, vector<512x128xf32>
      %slice3A_321 = vector.extract_strided_slice %select_n3A_320 {offsets = [0, 0], sizes = [512, 64], strides = [1, 1]} : vector<512x128xf32> to vector<512x64xf32>
      %swap3A_322 = arith.index_cast %add3A_236 : i32 to index
      %swap3A_323 = arith.constant 0 : index
      %swap3A_324 = arith.constant 0 : index
      %swap3A_325 = vector.load %arg9[%swap3A_322, %swap3A_323, %swap3A_324] : memref<50x512x128xf32, #tpu.memory_space<vmem>>, vector<1x512x64xf32>
      %swap3A_326 = vector.shape_cast %swap3A_325 : vector<1x512x64xf32> to vector<512x64xf32>
      %swap3A_327 = vector.shape_cast %slice3A_321 : vector<512x64xf32> to vector<1x512x64xf32>
      tpu.vector_store %arg9[%swap3A_322, %swap3A_323, %swap3A_324], %swap3A_327 {strides = array<i32>} : memref<50x512x128xf32, #tpu.memory_space<vmem>>, vector<1x512x64xf32>,
      %slice3A_328 = vector.extract_strided_slice %select_n3A_320 {offsets = [0, 64], sizes = [512, 64], strides = [1, 1]} : vector<512x128xf32> to vector<512x64xf32>
      %swap3A_329 = arith.index_cast %sub3A_238 : i32 to index
      %swap3A_330 = arith.constant 0 : index
      %swap3A_331 = arith.constant 64 : index
      %swap3A_332 = vector.load %arg9[%swap3A_329, %swap3A_330, %swap3A_331] : memref<50x512x128xf32, #tpu.memory_space<vmem>>, vector<1x512x64xf32>
      %swap3A_333 = vector.shape_cast %swap3A_332 : vector<1x512x64xf32> to vector<512x64xf32>
      %swap3A_334 = vector.shape_cast %slice3A_328 : vector<512x64xf32> to vector<1x512x64xf32>
      tpu.vector_store %arg9[%swap3A_329, %swap3A_330, %swap3A_331], %swap3A_334 {strides = array<i32>} : memref<50x512x128xf32, #tpu.memory_space<vmem>>, vector<1x512x64xf32>,
      %select_n3A_335 = arith.select %gt3A_317, %mul3A_312, %select_n3A_231 : vector<512x128xi1>, vector<512x128xf32>
      %select_n3A_336 = arith.select %gt3A_317, %add3A_310, %select_n3A_232 : vector<512x128xi1>, vector<512x128xf32>
      %mul3A_337 = arith.constant 25 : i32
      %mul3A_338 = arith.muli %mul3A_337, %scan3A_32 : i32
      %add3A_339 = arith.constant 3 : i32
      %add3A_340 = arith.addi %mul3A_338, %add3A_339 : i32
      %sub3A_341 = arith.constant 49 : i32
      %sub3A_342 = arith.subi %sub3A_341, %add3A_340 : i32
      %get3A_343 = arith.index_cast %add3A_340 : i32 to index
      %get3A_344 = arith.constant 0 : index
      %get3A_345 = arith.constant 0 : index
      %get3A_346 = vector.load %arg1[%get3A_343, %get3A_344, %get3A_345] : memref<50x512x128xf32, #tpu.memory_space<vmem>>, vector<1x512x128xf32>
      %get3A_347 = vector.shape_cast %get3A_346 : vector<1x512x128xf32> to vector<512x128xf32>
      %get3A_348 = arith.index_cast %add3A_340 : i32 to index
      %get3A_349 = arith.constant 0 : index
      %get3A_350 = arith.constant 0 : index
      %get3A_351 = vector.load %arg2[%get3A_348, %get3A_349, %get3A_350] : memref<50x512x1xi8, #tpu.memory_space<vmem>>, vector<1x512x1xi8>
      %get3A_352 = vector.shape_cast %get3A_351 : vector<1x512x1xi8> to vector<512x1xi8>
      %ne3A_353 = arith.constant 0 : i8
      %ne3A_354 = vector.broadcast %ne3A_353 : i8 to vector<512x1xi8>
      %ne3A_355 = arith.cmpi ne, %get3A_352, %ne3A_354 : vector<512x1xi8>
      %slice3A_356 = vector.extract_strided_slice %get3A_347 {offsets = [0, 64], sizes = [512, 64], strides = [1, 1]} : vector<512x128xf32> to vector<512x64xf32>
      %slice3A_357 = vector.extract_strided_slice %get3A_347 {offsets = [0, 0], sizes = [512, 64], strides = [1, 1]} : vector<512x128xf32> to vector<512x64xf32>
      %broadcast_in_dim3A_358 = vector.shape_cast %ne3A_355 : vector<512x1xi1> to vector<512x1xi1>
      %broadcast_in_dim3A_359 = vector.broadcast %broadcast_in_dim3A_358 : vector<512x1xi1> to vector<512x64xi1>
      %select_n3A_360 = arith.select %broadcast_in_dim3A_359, %slice3A_356, %slice3A_357 : vector<512x64xi1>, vector<512x64xf32>
      %get3A_361 = arith.index_cast %sub3A_342 : i32 to index
      %get3A_362 = arith.constant 0 : index
      %get3A_363 = arith.constant 0 : index
      %get3A_364 = vector.load %arg1[%get3A_361, %get3A_362, %get3A_363] : memref<50x512x128xf32, #tpu.memory_space<vmem>>, vector<1x512x128xf32>
      %get3A_365 = vector.shape_cast %get3A_364 : vector<1x512x128xf32> to vector<512x128xf32>
      %get3A_366 = arith.index_cast %sub3A_342 : i32 to index
      %get3A_367 = arith.constant 0 : index
      %get3A_368 = arith.constant 0 : index
      %get3A_369 = vector.load %arg2[%get3A_366, %get3A_367, %get3A_368] : memref<50x512x1xi8, #tpu.memory_space<vmem>>, vector<1x512x1xi8>
      %get3A_370 = vector.shape_cast %get3A_369 : vector<1x512x1xi8> to vector<512x1xi8>
      %ne3A_371 = arith.constant 0 : i8
      %ne3A_372 = vector.broadcast %ne3A_371 : i8 to vector<512x1xi8>
      %ne3A_373 = arith.cmpi ne, %get3A_370, %ne3A_372 : vector<512x1xi8>
      %slice3A_374 = vector.extract_strided_slice %get3A_365 {offsets = [0, 64], sizes = [512, 64], strides = [1, 1]} : vector<512x128xf32> to vector<512x64xf32>
      %slice3A_375 = vector.extract_strided_slice %get3A_365 {offsets = [0, 0], sizes = [512, 64], strides = [1, 1]} : vector<512x128xf32> to vector<512x64xf32>
      %broadcast_in_dim3A_376 = vector.shape_cast %ne3A_373 : vector<512x1xi1> to vector<512x1xi1>
      %broadcast_in_dim3A_377 = vector.broadcast %broadcast_in_dim3A_376 : vector<512x1xi1> to vector<512x64xi1>
      %select_n3A_378 = arith.select %broadcast_in_dim3A_377, %slice3A_374, %slice3A_375 : vector<512x64xi1>, vector<512x64xf32>
      %concatenate3A_379 = tpu.concatenate %select_n3A_360, %select_n3A_378 in 1 : vector<512x64xf32>, vector<512x64xf32> -> vector<512x128xf32>
      %slice3A_380 = vector.extract_strided_slice %get3A_4 {offsets = [0, 0], sizes = [128, 512], strides = [1, 1]} : vector<256x512xf32> to vector<128x512xf32>
      %dot_general3A_381 = arith.constant dense<0.000000e+00> : vector<512x512xf32>
      %dot_general3A_382 = tpu.matmul %concatenate3A_379, %slice3A_380, %dot_general3A_381 {dimension_numbers = #tpu.dot_dimension_numbers<[1], [0], [0], [1], [0, 0, 1, 1], [], []>, transpose_lhs_hint = false} : vector<512x128xf32>, vector<128x512xf32>, vector<512x512xf32> -> vector<512x512xf32>
      %slice3A_383 = vector.extract_strided_slice %get3A_4 {offsets = [128, 0], sizes = [128, 512], strides = [1, 1]} : vector<256x512xf32> to vector<128x512xf32>
      %dot_general3A_384 = arith.constant dense<0.000000e+00> : vector<512x512xf32>
      %dot_general3A_385 = tpu.matmul %select_n3A_335, %slice3A_383, %dot_general3A_384 {dimension_numbers = #tpu.dot_dimension_numbers<[1], [0], [0], [1], [0, 0, 1, 1], [], []>, transpose_lhs_hint = false} : vector<512x128xf32>, vector<128x512xf32>, vector<512x512xf32> -> vector<512x512xf32>
      %add3A_386 = arith.addf %dot_general3A_382, %dot_general3A_385 : vector<512x512xf32>
      %add3A_387 = vector.broadcast %get3A_7 : vector<1x512xf32> to vector<512x512xf32>
      %add3A_388 = arith.addf %add3A_386, %add3A_387 : vector<512x512xf32>
      %slice3A_389 = vector.extract_strided_slice %add3A_388 {offsets = [0, 0], sizes = [512, 128], strides = [1, 1]} : vector<512x512xf32> to vector<512x128xf32>
      %logistic3A_390 = arith.negf %slice3A_389 : vector<512x128xf32>
      %logistic3A_391 = math.exp %logistic3A_390 : vector<512x128xf32>
      %logistic3A_392 = arith.constant 1.000000e+00 : f32
      %logistic3A_393 = vector.broadcast %logistic3A_392 : f32 to vector<512x128xf32>
      %logistic3A_394 = arith.addf %logistic3A_393, %logistic3A_391 : vector<512x128xf32>
      %logistic3A_395 = arith.divf %logistic3A_393, %logistic3A_394 : vector<512x128xf32>
      %slice3A_396 = vector.extract_strided_slice %add3A_388 {offsets = [0, 128], sizes = [512, 128], strides = [1, 1]} : vector<512x512xf32> to vector<512x128xf32>
      %logistic3A_397 = arith.negf %slice3A_396 : vector<512x128xf32>
      %logistic3A_398 = math.exp %logistic3A_397 : vector<512x128xf32>
      %logistic3A_399 = arith.constant 1.000000e+00 : f32
      %logistic3A_400 = vector.broadcast %logistic3A_399 : f32 to vector<512x128xf32>
      %logistic3A_401 = arith.addf %logistic3A_400, %logistic3A_398 : vector<512x128xf32>
      %logistic3A_402 = arith.divf %logistic3A_400, %logistic3A_401 : vector<512x128xf32>
      %slice3A_403 = vector.extract_strided_slice %add3A_388 {offsets = [0, 256], sizes = [512, 128], strides = [1, 1]} : vector<512x512xf32> to vector<512x128xf32>
      %tanh3A_404 = math.tanh %slice3A_403 : vector<512x128xf32>
      %slice3A_405 = vector.extract_strided_slice %add3A_388 {offsets = [0, 384], sizes = [512, 128], strides = [1, 1]} : vector<512x512xf32> to vector<512x128xf32>
      %logistic3A_406 = arith.negf %slice3A_405 : vector<512x128xf32>
      %logistic3A_407 = math.exp %logistic3A_406 : vector<512x128xf32>
      %logistic3A_408 = arith.constant 1.000000e+00 : f32
      %logistic3A_409 = vector.broadcast %logistic3A_408 : f32 to vector<512x128xf32>
      %logistic3A_410 = arith.addf %logistic3A_409, %logistic3A_407 : vector<512x128xf32>
      %logistic3A_411 = arith.divf %logistic3A_409, %logistic3A_410 : vector<512x128xf32>
      %mul3A_412 = arith.mulf %logistic3A_402, %select_n3A_336 : vector<512x128xf32>
      %mul3A_413 = arith.mulf %logistic3A_395, %tanh3A_404 : vector<512x128xf32>
      %add3A_414 = arith.addf %mul3A_412, %mul3A_413 : vector<512x128xf32>
      %tanh3A_415 = math.tanh %add3A_414 : vector<512x128xf32>
      %mul3A_416 = arith.mulf %logistic3A_411, %tanh3A_415 : vector<512x128xf32>
      %broadcast_in_dim3A_417 = vector.broadcast %add3A_340 : i32 to vector<512x128xi32>
      %broadcast_in_dim3A_418 = vector.broadcast %sub3A_342 : i32 to vector<512x128xi32>
      %select_n3A_419 = arith.select %lt3A_9, %broadcast_in_dim3A_417, %broadcast_in_dim3A_418 : vector<512x128xi1>, vector<512x128xi32>
      %gt3A_420 = vector.broadcast %get3A_1 : vector<512x1xi32> to vector<512x128xi32>
      %gt3A_421 = arith.cmpi sgt, %gt3A_420, %select_n3A_419 : vector<512x128xi32>
      %jit3A_422 = arith.constant 0.000000e+00 : f32
      %broadcast_in_dim3A_423 = vector.broadcast %jit3A_422 : f32 to vector<512x128xf32>
      %select_n3A_424 = arith.select %gt3A_421, %mul3A_416, %broadcast_in_dim3A_423 : vector<512x128xi1>, vector<512x128xf32>
      %slice3A_425 = vector.extract_strided_slice %select_n3A_424 {offsets = [0, 0], sizes = [512, 64], strides = [1, 1]} : vector<512x128xf32> to vector<512x64xf32>
      %swap3A_426 = arith.index_cast %add3A_340 : i32 to index
      %swap3A_427 = arith.constant 0 : index
      %swap3A_428 = arith.constant 0 : index
      %swap3A_429 = vector.load %arg9[%swap3A_426, %swap3A_427, %swap3A_428] : memref<50x512x128xf32, #tpu.memory_space<vmem>>, vector<1x512x64xf32>
      %swap3A_430 = vector.shape_cast %swap3A_429 : vector<1x512x64xf32> to vector<512x64xf32>
      %swap3A_431 = vector.shape_cast %slice3A_425 : vector<512x64xf32> to vector<1x512x64xf32>
      tpu.vector_store %arg9[%swap3A_426, %swap3A_427, %swap3A_428], %swap3A_431 {strides = array<i32>} : memref<50x512x128xf32, #tpu.memory_space<vmem>>, vector<1x512x64xf32>,
      %slice3A_432 = vector.extract_strided_slice %select_n3A_424 {offsets = [0, 64], sizes = [512, 64], strides = [1, 1]} : vector<512x128xf32> to vector<512x64xf32>
      %swap3A_433 = arith.index_cast %sub3A_342 : i32 to index
      %swap3A_434 = arith.constant 0 : index
      %swap3A_435 = arith.constant 64 : index
      %swap3A_436 = vector.load %arg9[%swap3A_433, %swap3A_434, %swap3A_435] : memref<50x512x128xf32, #tpu.memory_space<vmem>>, vector<1x512x64xf32>
      %swap3A_437 = vector.shape_cast %swap3A_436 : vector<1x512x64xf32> to vector<512x64xf32>
      %swap3A_438 = vector.shape_cast %slice3A_432 : vector<512x64xf32> to vector<1x512x64xf32>
      tpu.vector_store %arg9[%swap3A_433, %swap3A_434, %swap3A_435], %swap3A_438 {strides = array<i32>} : memref<50x512x128xf32, #tpu.memory_space<vmem>>, vector<1x512x64xf32>,
      %select_n3A_439 = arith.select %gt3A_421, %mul3A_416, %select_n3A_335 : vector<512x128xi1>, vector<512x128xf32>
      %select_n3A_440 = arith.select %gt3A_421, %add3A_414, %select_n3A_336 : vector<512x128xi1>, vector<512x128xf32>
      %mul3A_441 = arith.constant 25 : i32
      %mul3A_442 = arith.muli %mul3A_441, %scan3A_32 : i32
      %add3A_443 = arith.constant 4 : i32
      %add3A_444 = arith.addi %mul3A_442, %add3A_443 : i32
      %sub3A_445 = arith.constant 49 : i32
      %sub3A_446 = arith.subi %sub3A_445, %add3A_444 : i32
      %get3A_447 = arith.index_cast %add3A_444 : i32 to index
      %get3A_448 = arith.constant 0 : index
      %get3A_449 = arith.constant 0 : index
      %get3A_450 = vector.load %arg1[%get3A_447, %get3A_448, %get3A_449] : memref<50x512x128xf32, #tpu.memory_space<vmem>>, vector<1x512x128xf32>
      %get3A_451 = vector.shape_cast %get3A_450 : vector<1x512x128xf32> to vector<512x128xf32>
      %get3A_452 = arith.index_cast %add3A_444 : i32 to index
      %get3A_453 = arith.constant 0 : index
      %get3A_454 = arith.constant 0 : index
      %get3A_455 = vector.load %arg2[%get3A_452, %get3A_453, %get3A_454] : memref<50x512x1xi8, #tpu.memory_space<vmem>>, vector<1x512x1xi8>
      %get3A_456 = vector.shape_cast %get3A_455 : vector<1x512x1xi8> to vector<512x1xi8>
      %ne3A_457 = arith.constant 0 : i8
      %ne3A_458 = vector.broadcast %ne3A_457 : i8 to vector<512x1xi8>
      %ne3A_459 = arith.cmpi ne, %get3A_456, %ne3A_458 : vector<512x1xi8>
      %slice3A_460 = vector.extract_strided_slice %get3A_451 {offsets = [0, 64], sizes = [512, 64], strides = [1, 1]} : vector<512x128xf32> to vector<512x64xf32>
      %slice3A_461 = vector.extract_strided_slice %get3A_451 {offsets = [0, 0], sizes = [512, 64], strides = [1, 1]} : vector<512x128xf32> to vector<512x64xf32>
      %broadcast_in_dim3A_462 = vector.shape_cast %ne3A_459 : vector<512x1xi1> to vector<512x1xi1>
      %broadcast_in_dim3A_463 = vector.broadcast %broadcast_in_dim3A_462 : vector<512x1xi1> to vector<512x64xi1>
      %select_n3A_464 = arith.select %broadcast_in_dim3A_463, %slice3A_460, %slice3A_461 : vector<512x64xi1>, vector<512x64xf32>
      %get3A_465 = arith.index_cast %sub3A_446 : i32 to index
      %get3A_466 = arith.constant 0 : index
      %get3A_467 = arith.constant 0 : index
      %get3A_468 = vector.load %arg1[%get3A_465, %get3A_466, %get3A_467] : memref<50x512x128xf32, #tpu.memory_space<vmem>>, vector<1x512x128xf32>
      %get3A_469 = vector.shape_cast %get3A_468 : vector<1x512x128xf32> to vector<512x128xf32>
      %get3A_470 = arith.index_cast %sub3A_446 : i32 to index
      %get3A_471 = arith.constant 0 : index
      %get3A_472 = arith.constant 0 : index
      %get3A_473 = vector.load %arg2[%get3A_470, %get3A_471, %get3A_472] : memref<50x512x1xi8, #tpu.memory_space<vmem>>, vector<1x512x1xi8>
      %get3A_474 = vector.shape_cast %get3A_473 : vector<1x512x1xi8> to vector<512x1xi8>
      %ne3A_475 = arith.constant 0 : i8
      %ne3A_476 = vector.broadcast %ne3A_475 : i8 to vector<512x1xi8>
      %ne3A_477 = arith.cmpi ne, %get3A_474, %ne3A_476 : vector<512x1xi8>
      %slice3A_478 = vector.extract_strided_slice %get3A_469 {offsets = [0, 64], sizes = [512, 64], strides = [1, 1]} : vector<512x128xf32> to vector<512x64xf32>
      %slice3A_479 = vector.extract_strided_slice %get3A_469 {offsets = [0, 0], sizes = [512, 64], strides = [1, 1]} : vector<512x128xf32> to vector<512x64xf32>
      %broadcast_in_dim3A_480 = vector.shape_cast %ne3A_477 : vector<512x1xi1> to vector<512x1xi1>
      %broadcast_in_dim3A_481 = vector.broadcast %broadcast_in_dim3A_480 : vector<512x1xi1> to vector<512x64xi1>
      %select_n3A_482 = arith.select %broadcast_in_dim3A_481, %slice3A_478, %slice3A_479 : vector<512x64xi1>, vector<512x64xf32>
      %concatenate3A_483 = tpu.concatenate %select_n3A_464, %select_n3A_482 in 1 : vector<512x64xf32>, vector<512x64xf32> -> vector<512x128xf32>
      %slice3A_484 = vector.extract_strided_slice %get3A_4 {offsets = [0, 0], sizes = [128, 512], strides = [1, 1]} : vector<256x512xf32> to vector<128x512xf32>
      %dot_general3A_485 = arith.constant dense<0.000000e+00> : vector<512x512xf32>
      %dot_general3A_486 = tpu.matmul %concatenate3A_483, %slice3A_484, %dot_general3A_485 {dimension_numbers = #tpu.dot_dimension_numbers<[1], [0], [0], [1], [0, 0, 1, 1], [], []>, transpose_lhs_hint = false} : vector<512x128xf32>, vector<128x512xf32>, vector<512x512xf32> -> vector<512x512xf32>
      %slice3A_487 = vector.extract_strided_slice %get3A_4 {offsets = [128, 0], sizes = [128, 512], strides = [1, 1]} : vector<256x512xf32> to vector<128x512xf32>
      %dot_general3A_488 = arith.constant dense<0.000000e+00> : vector<512x512xf32>
      %dot_general3A_489 = tpu.matmul %select_n3A_439, %slice3A_487, %dot_general3A_488 {dimension_numbers = #tpu.dot_dimension_numbers<[1], [0], [0], [1], [0, 0, 1, 1], [], []>, transpose_lhs_hint = false} : vector<512x128xf32>, vector<128x512xf32>, vector<512x512xf32> -> vector<512x512xf32>
      %add3A_490 = arith.addf %dot_general3A_486, %dot_general3A_489 : vector<512x512xf32>
      %add3A_491 = vector.broadcast %get3A_7 : vector<1x512xf32> to vector<512x512xf32>
      %add3A_492 = arith.addf %add3A_490, %add3A_491 : vector<512x512xf32>
      %slice3A_493 = vector.extract_strided_slice %add3A_492 {offsets = [0, 0], sizes = [512, 128], strides = [1, 1]} : vector<512x512xf32> to vector<512x128xf32>
      %logistic3A_494 = arith.negf %slice3A_493 : vector<512x128xf32>
      %logistic3A_495 = math.exp %logistic3A_494 : vector<512x128xf32>
      %logistic3A_496 = arith.constant 1.000000e+00 : f32
      %logistic3A_497 = vector.broadcast %logistic3A_496 : f32 to vector<512x128xf32>
      %logistic3A_498 = arith.addf %logistic3A_497, %logistic3A_495 : vector<512x128xf32>
      %logistic3A_499 = arith.divf %logistic3A_497, %logistic3A_498 : vector<512x128xf32>
      %slice3A_500 = vector.extract_strided_slice %add3A_492 {offsets = [0, 128], sizes = [512, 128], strides = [1, 1]} : vector<512x512xf32> to vector<512x128xf32>
      %logistic3A_501 = arith.negf %slice3A_500 : vector<512x128xf32>
      %logistic3A_502 = math.exp %logistic3A_501 : vector<512x128xf32>
      %logistic3A_503 = arith.constant 1.000000e+00 : f32
      %logistic3A_504 = vector.broadcast %logistic3A_503 : f32 to vector<512x128xf32>
      %logistic3A_505 = arith.addf %logistic3A_504, %logistic3A_502 : vector<512x128xf32>
      %logistic3A_506 = arith.divf %logistic3A_504, %logistic3A_505 : vector<512x128xf32>
      %slice3A_507 = vector.extract_strided_slice %add3A_492 {offsets = [0, 256], sizes = [512, 128], strides = [1, 1]} : vector<512x512xf32> to vector<512x128xf32>
      %tanh3A_508 = math.tanh %slice3A_507 : vector<512x128xf32>
      %slice3A_509 = vector.extract_strided_slice %add3A_492 {offsets = [0, 384], sizes = [512, 128], strides = [1, 1]} : vector<512x512xf32> to vector<512x128xf32>
      %logistic3A_510 = arith.negf %slice3A_509 : vector<512x128xf32>
      %logistic3A_511 = math.exp %logistic3A_510 : vector<512x128xf32>
      %logistic3A_512 = arith.constant 1.000000e+00 : f32
      %logistic3A_513 = vector.broadcast %logistic3A_512 : f32 to vector<512x128xf32>
      %logistic3A_514 = arith.addf %logistic3A_513, %logistic3A_511 : vector<512x128xf32>
      %logistic3A_515 = arith.divf %logistic3A_513, %logistic3A_514 : vector<512x128xf32>
      %mul3A_516 = arith.mulf %logistic3A_506, %select_n3A_440 : vector<512x128xf32>
      %mul3A_517 = arith.mulf %logistic3A_499, %tanh3A_508 : vector<512x128xf32>
      %add3A_518 = arith.addf %mul3A_516, %mul3A_517 : vector<512x128xf32>
      %tanh3A_519 = math.tanh %add3A_518 : vector<512x128xf32>
      %mul3A_520 = arith.mulf %logistic3A_515, %tanh3A_519 : vector<512x128xf32>
      %broadcast_in_dim3A_521 = vector.broadcast %add3A_444 : i32 to vector<512x128xi32>
      %broadcast_in_dim3A_522 = vector.broadcast %sub3A_446 : i32 to vector<512x128xi32>
      %select_n3A_523 = arith.select %lt3A_9, %broadcast_in_dim3A_521, %broadcast_in_dim3A_522 : vector<512x128xi1>, vector<512x128xi32>
      %gt3A_524 = vector.broadcast %get3A_1 : vector<512x1xi32> to vector<512x128xi32>
      %gt3A_525 = arith.cmpi sgt, %gt3A_524, %select_n3A_523 : vector<512x128xi32>
      %jit3A_526 = arith.constant 0.000000e+00 : f32
      %broadcast_in_dim3A_527 = vector.broadcast %jit3A_526 : f32 to vector<512x128xf32>
      %select_n3A_528 = arith.select %gt3A_525, %mul3A_520, %broadcast_in_dim3A_527 : vector<512x128xi1>, vector<512x128xf32>
      %slice3A_529 = vector.extract_strided_slice %select_n3A_528 {offsets = [0, 0], sizes = [512, 64], strides = [1, 1]} : vector<512x128xf32> to vector<512x64xf32>
      %swap3A_530 = arith.index_cast %add3A_444 : i32 to index
      %swap3A_531 = arith.constant 0 : index
      %swap3A_532 = arith.constant 0 : index
      %swap3A_533 = vector.load %arg9[%swap3A_530, %swap3A_531, %swap3A_532] : memref<50x512x128xf32, #tpu.memory_space<vmem>>, vector<1x512x64xf32>
      %swap3A_534 = vector.shape_cast %swap3A_533 : vector<1x512x64xf32> to vector<512x64xf32>
      %swap3A_535 = vector.shape_cast %slice3A_529 : vector<512x64xf32> to vector<1x512x64xf32>
      tpu.vector_store %arg9[%swap3A_530, %swap3A_531, %swap3A_532], %swap3A_535 {strides = array<i32>} : memref<50x512x128xf32, #tpu.memory_space<vmem>>, vector<1x512x64xf32>,
      %slice3A_536 = vector.extract_strided_slice %select_n3A_528 {offsets = [0, 64], sizes = [512, 64], strides = [1, 1]} : vector<512x128xf32> to vector<512x64xf32>
      %swap3A_537 = arith.index_cast %sub3A_446 : i32 to index
      %swap3A_538 = arith.constant 0 : index
      %swap3A_539 = arith.constant 64 : index
      %swap3A_540 = vector.load %arg9[%swap3A_537, %swap3A_538, %swap3A_539] : memref<50x512x128xf32, #tpu.memory_space<vmem>>, vector<1x512x64xf32>
      %swap3A_541 = vector.shape_cast %swap3A_540 : vector<1x512x64xf32> to vector<512x64xf32>
      %swap3A_542 = vector.shape_cast %slice3A_536 : vector<512x64xf32> to vector<1x512x64xf32>
      tpu.vector_store %arg9[%swap3A_537, %swap3A_538, %swap3A_539], %swap3A_542 {strides = array<i32>} : memref<50x512x128xf32, #tpu.memory_space<vmem>>, vector<1x512x64xf32>,
      %select_n3A_543 = arith.select %gt3A_525, %mul3A_520, %select_n3A_439 : vector<512x128xi1>, vector<512x128xf32>
      %select_n3A_544 = arith.select %gt3A_525, %add3A_518, %select_n3A_440 : vector<512x128xi1>, vector<512x128xf32>
      %mul3A_545 = arith.constant 25 : i32
      %mul3A_546 = arith.muli %mul3A_545, %scan3A_32 : i32
      %add3A_547 = arith.constant 5 : i32
      %add3A_548 = arith.addi %mul3A_546, %add3A_547 : i32
      %sub3A_549 = arith.constant 49 : i32
      %sub3A_550 = arith.subi %sub3A_549, %add3A_548 : i32
      %get3A_551 = arith.index_cast %add3A_548 : i32 to index
      %get3A_552 = arith.constant 0 : index
      %get3A_553 = arith.constant 0 : index
      %get3A_554 = vector.load %arg1[%get3A_551, %get3A_552, %get3A_553] : memref<50x512x128xf32, #tpu.memory_space<vmem>>, vector<1x512x128xf32>
      %get3A_555 = vector.shape_cast %get3A_554 : vector<1x512x128xf32> to vector<512x128xf32>
      %get3A_556 = arith.index_cast %add3A_548 : i32 to index
      %get3A_557 = arith.constant 0 : index
      %get3A_558 = arith.constant 0 : index
      %get3A_559 = vector.load %arg2[%get3A_556, %get3A_557, %get3A_558] : memref<50x512x1xi8, #tpu.memory_space<vmem>>, vector<1x512x1xi8>
      %get3A_560 = vector.shape_cast %get3A_559 : vector<1x512x1xi8> to vector<512x1xi8>
      %ne3A_561 = arith.constant 0 : i8
      %ne3A_562 = vector.broadcast %ne3A_561 : i8 to vector<512x1xi8>
      %ne3A_563 = arith.cmpi ne, %get3A_560, %ne3A_562 : vector<512x1xi8>
      %slice3A_564 = vector.extract_strided_slice %get3A_555 {offsets = [0, 64], sizes = [512, 64], strides = [1, 1]} : vector<512x128xf32> to vector<512x64xf32>
      %slice3A_565 = vector.extract_strided_slice %get3A_555 {offsets = [0, 0], sizes = [512, 64], strides = [1, 1]} : vector<512x128xf32> to vector<512x64xf32>
      %broadcast_in_dim3A_566 = vector.shape_cast %ne3A_563 : vector<512x1xi1> to vector<512x1xi1>
      %broadcast_in_dim3A_567 = vector.broadcast %broadcast_in_dim3A_566 : vector<512x1xi1> to vector<512x64xi1>
      %select_n3A_568 = arith.select %broadcast_in_dim3A_567, %slice3A_564, %slice3A_565 : vector<512x64xi1>, vector<512x64xf32>
      %get3A_569 = arith.index_cast %sub3A_550 : i32 to index
      %get3A_570 = arith.constant 0 : index
      %get3A_571 = arith.constant 0 : index
      %get3A_572 = vector.load %arg1[%get3A_569, %get3A_570, %get3A_571] : memref<50x512x128xf32, #tpu.memory_space<vmem>>, vector<1x512x128xf32>
      %get3A_573 = vector.shape_cast %get3A_572 : vector<1x512x128xf32> to vector<512x128xf32>
      %get3A_574 = arith.index_cast %sub3A_550 : i32 to index
      %get3A_575 = arith.constant 0 : index
      %get3A_576 = arith.constant 0 : index
      %get3A_577 = vector.load %arg2[%get3A_574, %get3A_575, %get3A_576] : memref<50x512x1xi8, #tpu.memory_space<vmem>>, vector<1x512x1xi8>
      %get3A_578 = vector.shape_cast %get3A_577 : vector<1x512x1xi8> to vector<512x1xi8>
      %ne3A_579 = arith.constant 0 : i8
      %ne3A_580 = vector.broadcast %ne3A_579 : i8 to vector<512x1xi8>
      %ne3A_581 = arith.cmpi ne, %get3A_578, %ne3A_580 : vector<512x1xi8>
      %slice3A_582 = vector.extract_strided_slice %get3A_573 {offsets = [0, 64], sizes = [512, 64], strides = [1, 1]} : vector<512x128xf32> to vector<512x64xf32>
      %slice3A_583 = vector.extract_strided_slice %get3A_573 {offsets = [0, 0], sizes = [512, 64], strides = [1, 1]} : vector<512x128xf32> to vector<512x64xf32>
      %broadcast_in_dim3A_584 = vector.shape_cast %ne3A_581 : vector<512x1xi1> to vector<512x1xi1>
      %broadcast_in_dim3A_585 = vector.broadcast %broadcast_in_dim3A_584 : vector<512x1xi1> to vector<512x64xi1>
      %select_n3A_586 = arith.select %broadcast_in_dim3A_585, %slice3A_582, %slice3A_583 : vector<512x64xi1>, vector<512x64xf32>
      %concatenate3A_587 = tpu.concatenate %select_n3A_568, %select_n3A_586 in 1 : vector<512x64xf32>, vector<512x64xf32> -> vector<512x128xf32>
      %slice3A_588 = vector.extract_strided_slice %get3A_4 {offsets = [0, 0], sizes = [128, 512], strides = [1, 1]} : vector<256x512xf32> to vector<128x512xf32>
      %dot_general3A_589 = arith.constant dense<0.000000e+00> : vector<512x512xf32>
      %dot_general3A_590 = tpu.matmul %concatenate3A_587, %slice3A_588, %dot_general3A_589 {dimension_numbers = #tpu.dot_dimension_numbers<[1], [0], [0], [1], [0, 0, 1, 1], [], []>, transpose_lhs_hint = false} : vector<512x128xf32>, vector<128x512xf32>, vector<512x512xf32> -> vector<512x512xf32>
      %slice3A_591 = vector.extract_strided_slice %get3A_4 {offsets = [128, 0], sizes = [128, 512], strides = [1, 1]} : vector<256x512xf32> to vector<128x512xf32>
      %dot_general3A_592 = arith.constant dense<0.000000e+00> : vector<512x512xf32>
      %dot_general3A_593 = tpu.matmul %select_n3A_543, %slice3A_591, %dot_general3A_592 {dimension_numbers = #tpu.dot_dimension_numbers<[1], [0], [0], [1], [0, 0, 1, 1], [], []>, transpose_lhs_hint = false} : vector<512x128xf32>, vector<128x512xf32>, vector<512x512xf32> -> vector<512x512xf32>
      %add3A_594 = arith.addf %dot_general3A_590, %dot_general3A_593 : vector<512x512xf32>
      %add3A_595 = vector.broadcast %get3A_7 : vector<1x512xf32> to vector<512x512xf32>
      %add3A_596 = arith.addf %add3A_594, %add3A_595 : vector<512x512xf32>
      %slice3A_597 = vector.extract_strided_slice %add3A_596 {offsets = [0, 0], sizes = [512, 128], strides = [1, 1]} : vector<512x512xf32> to vector<512x128xf32>
      %logistic3A_598 = arith.negf %slice3A_597 : vector<512x128xf32>
      %logistic3A_599 = math.exp %logistic3A_598 : vector<512x128xf32>
      %logistic3A_600 = arith.constant 1.000000e+00 : f32
      %logistic3A_601 = vector.broadcast %logistic3A_600 : f32 to vector<512x128xf32>
      %logistic3A_602 = arith.addf %logistic3A_601, %logistic3A_599 : vector<512x128xf32>
      %logistic3A_603 = arith.divf %logistic3A_601, %logistic3A_602 : vector<512x128xf32>
      %slice3A_604 = vector.extract_strided_slice %add3A_596 {offsets = [0, 128], sizes = [512, 128], strides = [1, 1]} : vector<512x512xf32> to vector<512x128xf32>
      %logistic3A_605 = arith.negf %slice3A_604 : vector<512x128xf32>
      %logistic3A_606 = math.exp %logistic3A_605 : vector<512x128xf32>
      %logistic3A_607 = arith.constant 1.000000e+00 : f32
      %logistic3A_608 = vector.broadcast %logistic3A_607 : f32 to vector<512x128xf32>
      %logistic3A_609 = arith.addf %logistic3A_608, %logistic3A_606 : vector<512x128xf32>
      %logistic3A_610 = arith.divf %logistic3A_608, %logistic3A_609 : vector<512x128xf32>
      %slice3A_611 = vector.extract_strided_slice %add3A_596 {offsets = [0, 256], sizes = [512, 128], strides = [1, 1]} : vector<512x512xf32> to vector<512x128xf32>
      %tanh3A_612 = math.tanh %slice3A_611 : vector<512x128xf32>
      %slice3A_613 = vector.extract_strided_slice %add3A_596 {offsets = [0, 384], sizes = [512, 128], strides = [1, 1]} : vector<512x512xf32> to vector<512x128xf32>
      %logistic3A_614 = arith.negf %slice3A_613 : vector<512x128xf32>
      %logistic3A_615 = math.exp %logistic3A_614 : vector<512x128xf32>
      %logistic3A_616 = arith.constant 1.000000e+00 : f32
      %logistic3A_617 = vector.broadcast %logistic3A_616 : f32 to vector<512x128xf32>
      %logistic3A_618 = arith.addf %logistic3A_617, %logistic3A_615 : vector<512x128xf32>
      %logistic3A_619 = arith.divf %logistic3A_617, %logistic3A_618 : vector<512x128xf32>
      %mul3A_620 = arith.mulf %logistic3A_610, %select_n3A_544 : vector<512x128xf32>
      %mul3A_621 = arith.mulf %logistic3A_603, %tanh3A_612 : vector<512x128xf32>
      %add3A_622 = arith.addf %mul3A_620, %mul3A_621 : vector<512x128xf32>
      %tanh3A_623 = math.tanh %add3A_622 : vector<512x128xf32>
      %mul3A_624 = arith.mulf %logistic3A_619, %tanh3A_623 : vector<512x128xf32>
      %broadcast_in_dim3A_625 = vector.broadcast %add3A_548 : i32 to vector<512x128xi32>
      %broadcast_in_dim3A_626 = vector.broadcast %sub3A_550 : i32 to vector<512x128xi32>
      %select_n3A_627 = arith.select %lt3A_9, %broadcast_in_dim3A_625, %broadcast_in_dim3A_626 : vector<512x128xi1>, vector<512x128xi32>
      %gt3A_628 = vector.broadcast %get3A_1 : vector<512x1xi32> to vector<512x128xi32>
      %gt3A_629 = arith.cmpi sgt, %gt3A_628, %select_n3A_627 : vector<512x128xi32>
      %jit3A_630 = arith.constant 0.000000e+00 : f32
      %broadcast_in_dim3A_631 = vector.broadcast %jit3A_630 : f32 to vector<512x128xf32>
      %select_n3A_632 = arith.select %gt3A_629, %mul3A_624, %broadcast_in_dim3A_631 : vector<512x128xi1>, vector<512x128xf32>
      %slice3A_633 = vector.extract_strided_slice %select_n3A_632 {offsets = [0, 0], sizes = [512, 64], strides = [1, 1]} : vector<512x128xf32> to vector<512x64xf32>
      %swap3A_634 = arith.index_cast %add3A_548 : i32 to index
      %swap3A_635 = arith.constant 0 : index
      %swap3A_636 = arith.constant 0 : index
      %swap3A_637 = vector.load %arg9[%swap3A_634, %swap3A_635, %swap3A_636] : memref<50x512x128xf32, #tpu.memory_space<vmem>>, vector<1x512x64xf32>
      %swap3A_638 = vector.shape_cast %swap3A_637 : vector<1x512x64xf32> to vector<512x64xf32>
      %swap3A_639 = vector.shape_cast %slice3A_633 : vector<512x64xf32> to vector<1x512x64xf32>
      tpu.vector_store %arg9[%swap3A_634, %swap3A_635, %swap3A_636], %swap3A_639 {strides = array<i32>} : memref<50x512x128xf32, #tpu.memory_space<vmem>>, vector<1x512x64xf32>,
      %slice3A_640 = vector.extract_strided_slice %select_n3A_632 {offsets = [0, 64], sizes = [512, 64], strides = [1, 1]} : vector<512x128xf32> to vector<512x64xf32>
      %swap3A_641 = arith.index_cast %sub3A_550 : i32 to index
      %swap3A_642 = arith.constant 0 : index
      %swap3A_643 = arith.constant 64 : index
      %swap3A_644 = vector.load %arg9[%swap3A_641, %swap3A_642, %swap3A_643] : memref<50x512x128xf32, #tpu.memory_space<vmem>>, vector<1x512x64xf32>
      %swap3A_645 = vector.shape_cast %swap3A_644 : vector<1x512x64xf32> to vector<512x64xf32>
      %swap3A_646 = vector.shape_cast %slice3A_640 : vector<512x64xf32> to vector<1x512x64xf32>
      tpu.vector_store %arg9[%swap3A_641, %swap3A_642, %swap3A_643], %swap3A_646 {strides = array<i32>} : memref<50x512x128xf32, #tpu.memory_space<vmem>>, vector<1x512x64xf32>,
      %select_n3A_647 = arith.select %gt3A_629, %mul3A_624, %select_n3A_543 : vector<512x128xi1>, vector<512x128xf32>
      %select_n3A_648 = arith.select %gt3A_629, %add3A_622, %select_n3A_544 : vector<512x128xi1>, vector<512x128xf32>
      %mul3A_649 = arith.constant 25 : i32
      %mul3A_650 = arith.muli %mul3A_649, %scan3A_32 : i32
      %add3A_651 = arith.constant 6 : i32
      %add3A_652 = arith.addi %mul3A_650, %add3A_651 : i32
      %sub3A_653 = arith.constant 49 : i32
      %sub3A_654 = arith.subi %sub3A_653, %add3A_652 : i32
      %get3A_655 = arith.index_cast %add3A_652 : i32 to index
      %get3A_656 = arith.constant 0 : index
      %get3A_657 = arith.constant 0 : index
      %get3A_658 = vector.load %arg1[%get3A_655, %get3A_656, %get3A_657] : memref<50x512x128xf32, #tpu.memory_space<vmem>>, vector<1x512x128xf32>
      %get3A_659 = vector.shape_cast %get3A_658 : vector<1x512x128xf32> to vector<512x128xf32>
      %get3A_660 = arith.index_cast %add3A_652 : i32 to index
      %get3A_661 = arith.constant 0 : index
      %get3A_662 = arith.constant 0 : index
      %get3A_663 = vector.load %arg2[%get3A_660, %get3A_661, %get3A_662] : memref<50x512x1xi8, #tpu.memory_space<vmem>>, vector<1x512x1xi8>
      %get3A_664 = vector.shape_cast %get3A_663 : vector<1x512x1xi8> to vector<512x1xi8>
      %ne3A_665 = arith.constant 0 : i8
      %ne3A_666 = vector.broadcast %ne3A_665 : i8 to vector<512x1xi8>
      %ne3A_667 = arith.cmpi ne, %get3A_664, %ne3A_666 : vector<512x1xi8>
      %slice3A_668 = vector.extract_strided_slice %get3A_659 {offsets = [0, 64], sizes = [512, 64], strides = [1, 1]} : vector<512x128xf32> to vector<512x64xf32>
      %slice3A_669 = vector.extract_strided_slice %get3A_659 {offsets = [0, 0], sizes = [512, 64], strides = [1, 1]} : vector<512x128xf32> to vector<512x64xf32>
      %broadcast_in_dim3A_670 = vector.shape_cast %ne3A_667 : vector<512x1xi1> to vector<512x1xi1>
      %broadcast_in_dim3A_671 = vector.broadcast %broadcast_in_dim3A_670 : vector<512x1xi1> to vector<512x64xi1>
      %select_n3A_672 = arith.select %broadcast_in_dim3A_671, %slice3A_668, %slice3A_669 : vector<512x64xi1>, vector<512x64xf32>
      %get3A_673 = arith.index_cast %sub3A_654 : i32 to index
      %get3A_674 = arith.constant 0 : index
      %get3A_675 = arith.constant 0 : index
      %get3A_676 = vector.load %arg1[%get3A_673, %get3A_674, %get3A_675] : memref<50x512x128xf32, #tpu.memory_space<vmem>>, vector<1x512x128xf32>
      %get3A_677 = vector.shape_cast %get3A_676 : vector<1x512x128xf32> to vector<512x128xf32>
      %get3A_678 = arith.index_cast %sub3A_654 : i32 to index
      %get3A_679 = arith.constant 0 : index
      %get3A_680 = arith.constant 0 : index
      %get3A_681 = vector.load %arg2[%get3A_678, %get3A_679, %get3A_680] : memref<50x512x1xi8, #tpu.memory_space<vmem>>, vector<1x512x1xi8>
      %get3A_682 = vector.shape_cast %get3A_681 : vector<1x512x1xi8> to vector<512x1xi8>
      %ne3A_683 = arith.constant 0 : i8
      %ne3A_684 = vector.broadcast %ne3A_683 : i8 to vector<512x1xi8>
      %ne3A_685 = arith.cmpi ne, %get3A_682, %ne3A_684 : vector<512x1xi8>
      %slice3A_686 = vector.extract_strided_slice %get3A_677 {offsets = [0, 64], sizes = [512, 64], strides = [1, 1]} : vector<512x128xf32> to vector<512x64xf32>
      %slice3A_687 = vector.extract_strided_slice %get3A_677 {offsets = [0, 0], sizes = [512, 64], strides = [1, 1]} : vector<512x128xf32> to vector<512x64xf32>
      %broadcast_in_dim3A_688 = vector.shape_cast %ne3A_685 : vector<512x1xi1> to vector<512x1xi1>
      %broadcast_in_dim3A_689 = vector.broadcast %broadcast_in_dim3A_688 : vector<512x1xi1> to vector<512x64xi1>
      %select_n3A_690 = arith.select %broadcast_in_dim3A_689, %slice3A_686, %slice3A_687 : vector<512x64xi1>, vector<512x64xf32>
      %concatenate3A_691 = tpu.concatenate %select_n3A_672, %select_n3A_690 in 1 : vector<512x64xf32>, vector<512x64xf32> -> vector<512x128xf32>
      %slice3A_692 = vector.extract_strided_slice %get3A_4 {offsets = [0, 0], sizes = [128, 512], strides = [1, 1]} : vector<256x512xf32> to vector<128x512xf32>
      %dot_general3A_693 = arith.constant dense<0.000000e+00> : vector<512x512xf32>
      %dot_general3A_694 = tpu.matmul %concatenate3A_691, %slice3A_692, %dot_general3A_693 {dimension_numbers = #tpu.dot_dimension_numbers<[1], [0], [0], [1], [0, 0, 1, 1], [], []>, transpose_lhs_hint = false} : vector<512x128xf32>, vector<128x512xf32>, vector<512x512xf32> -> vector<512x512xf32>
      %slice3A_695 = vector.extract_strided_slice %get3A_4 {offsets = [128, 0], sizes = [128, 512], strides = [1, 1]} : vector<256x512xf32> to vector<128x512xf32>
      %dot_general3A_696 = arith.constant dense<0.000000e+00> : vector<512x512xf32>
      %dot_general3A_697 = tpu.matmul %select_n3A_647, %slice3A_695, %dot_general3A_696 {dimension_numbers = #tpu.dot_dimension_numbers<[1], [0], [0], [1], [0, 0, 1, 1], [], []>, transpose_lhs_hint = false} : vector<512x128xf32>, vector<128x512xf32>, vector<512x512xf32> -> vector<512x512xf32>
      %add3A_698 = arith.addf %dot_general3A_694, %dot_general3A_697 : vector<512x512xf32>
      %add3A_699 = vector.broadcast %get3A_7 : vector<1x512xf32> to vector<512x512xf32>
      %add3A_700 = arith.addf %add3A_698, %add3A_699 : vector<512x512xf32>
      %slice3A_701 = vector.extract_strided_slice %add3A_700 {offsets = [0, 0], sizes = [512, 128], strides = [1, 1]} : vector<512x512xf32> to vector<512x128xf32>
      %logistic3A_702 = arith.negf %slice3A_701 : vector<512x128xf32>
      %logistic3A_703 = math.exp %logistic3A_702 : vector<512x128xf32>
      %logistic3A_704 = arith.constant 1.000000e+00 : f32
      %logistic3A_705 = vector.broadcast %logistic3A_704 : f32 to vector<512x128xf32>
      %logistic3A_706 = arith.addf %logistic3A_705, %logistic3A_703 : vector<512x128xf32>
      %logistic3A_707 = arith.divf %logistic3A_705, %logistic3A_706 : vector<512x128xf32>
      %slice3A_708 = vector.extract_strided_slice %add3A_700 {offsets = [0, 128], sizes = [512, 128], strides = [1, 1]} : vector<512x512xf32> to vector<512x128xf32>
      %logistic3A_709 = arith.negf %slice3A_708 : vector<512x128xf32>
      %logistic3A_710 = math.exp %logistic3A_709 : vector<512x128xf32>
      %logistic3A_711 = arith.constant 1.000000e+00 : f32
      %logistic3A_712 = vector.broadcast %logistic3A_711 : f32 to vector<512x128xf32>
      %logistic3A_713 = arith.addf %logistic3A_712, %logistic3A_710 : vector<512x128xf32>
      %logistic3A_714 = arith.divf %logistic3A_712, %logistic3A_713 : vector<512x128xf32>
      %slice3A_715 = vector.extract_strided_slice %add3A_700 {offsets = [0, 256], sizes = [512, 128], strides = [1, 1]} : vector<512x512xf32> to vector<512x128xf32>
      %tanh3A_716 = math.tanh %slice3A_715 : vector<512x128xf32>
      %slice3A_717 = vector.extract_strided_slice %add3A_700 {offsets = [0, 384], sizes = [512, 128], strides = [1, 1]} : vector<512x512xf32> to vector<512x128xf32>
      %logistic3A_718 = arith.negf %slice3A_717 : vector<512x128xf32>
      %logistic3A_719 = math.exp %logistic3A_718 : vector<512x128xf32>
      %logistic3A_720 = arith.constant 1.000000e+00 : f32
      %logistic3A_721 = vector.broadcast %logistic3A_720 : f32 to vector<512x128xf32>
      %logistic3A_722 = arith.addf %logistic3A_721, %logistic3A_719 : vector<512x128xf32>
      %logistic3A_723 = arith.divf %logistic3A_721, %logistic3A_722 : vector<512x128xf32>
      %mul3A_724 = arith.mulf %logistic3A_714, %select_n3A_648 : vector<512x128xf32>
      %mul3A_725 = arith.mulf %logistic3A_707, %tanh3A_716 : vector<512x128xf32>
      %add3A_726 = arith.addf %mul3A_724, %mul3A_725 : vector<512x128xf32>
      %tanh3A_727 = math.tanh %add3A_726 : vector<512x128xf32>
      %mul3A_728 = arith.mulf %logistic3A_723, %tanh3A_727 : vector<512x128xf32>
      %broadcast_in_dim3A_729 = vector.broadcast %add3A_652 : i32 to vector<512x128xi32>
      %broadcast_in_dim3A_730 = vector.broadcast %sub3A_654 : i32 to vector<512x128xi32>
      %select_n3A_731 = arith.select %lt3A_9, %broadcast_in_dim3A_729, %broadcast_in_dim3A_730 : vector<512x128xi1>, vector<512x128xi32>
      %gt3A_732 = vector.broadcast %get3A_1 : vector<512x1xi32> to vector<512x128xi32>
      %gt3A_733 = arith.cmpi sgt, %gt3A_732, %select_n3A_731 : vector<512x128xi32>
      %jit3A_734 = arith.constant 0.000000e+00 : f32
      %broadcast_in_dim3A_735 = vector.broadcast %jit3A_734 : f32 to vector<512x128xf32>
      %select_n3A_736 = arith.select %gt3A_733, %mul3A_728, %broadcast_in_dim3A_735 : vector<512x128xi1>, vector<512x128xf32>
      %slice3A_737 = vector.extract_strided_slice %select_n3A_736 {offsets = [0, 0], sizes = [512, 64], strides = [1, 1]} : vector<512x128xf32> to vector<512x64xf32>
      %swap3A_738 = arith.index_cast %add3A_652 : i32 to index
      %swap3A_739 = arith.constant 0 : index
      %swap3A_740 = arith.constant 0 : index
      %swap3A_741 = vector.load %arg9[%swap3A_738, %swap3A_739, %swap3A_740] : memref<50x512x128xf32, #tpu.memory_space<vmem>>, vector<1x512x64xf32>
      %swap3A_742 = vector.shape_cast %swap3A_741 : vector<1x512x64xf32> to vector<512x64xf32>
      %swap3A_743 = vector.shape_cast %slice3A_737 : vector<512x64xf32> to vector<1x512x64xf32>
      tpu.vector_store %arg9[%swap3A_738, %swap3A_739, %swap3A_740], %swap3A_743 {strides = array<i32>} : memref<50x512x128xf32, #tpu.memory_space<vmem>>, vector<1x512x64xf32>,
      %slice3A_744 = vector.extract_strided_slice %select_n3A_736 {offsets = [0, 64], sizes = [512, 64], strides = [1, 1]} : vector<512x128xf32> to vector<512x64xf32>
      %swap3A_745 = arith.index_cast %sub3A_654 : i32 to index
      %swap3A_746 = arith.constant 0 : index
      %swap3A_747 = arith.constant 64 : index
      %swap3A_748 = vector.load %arg9[%swap3A_745, %swap3A_746, %swap3A_747] : memref<50x512x128xf32, #tpu.memory_space<vmem>>, vector<1x512x64xf32>
      %swap3A_749 = vector.shape_cast %swap3A_748 : vector<1x512x64xf32> to vector<512x64xf32>
      %swap3A_750 = vector.shape_cast %slice3A_744 : vector<512x64xf32> to vector<1x512x64xf32>
      tpu.vector_store %arg9[%swap3A_745, %swap3A_746, %swap3A_747], %swap3A_750 {strides = array<i32>} : memref<50x512x128xf32, #tpu.memory_space<vmem>>, vector<1x512x64xf32>,
      %select_n3A_751 = arith.select %gt3A_733, %mul3A_728, %select_n3A_647 : vector<512x128xi1>, vector<512x128xf32>
      %select_n3A_752 = arith.select %gt3A_733, %add3A_726, %select_n3A_648 : vector<512x128xi1>, vector<512x128xf32>
      %mul3A_753 = arith.constant 25 : i32
      %mul3A_754 = arith.muli %mul3A_753, %scan3A_32 : i32
      %add3A_755 = arith.constant 7 : i32
      %add3A_756 = arith.addi %mul3A_754, %add3A_755 : i32
      %sub3A_757 = arith.constant 49 : i32
      %sub3A_758 = arith.subi %sub3A_757, %add3A_756 : i32
      %get3A_759 = arith.index_cast %add3A_756 : i32 to index
      %get3A_760 = arith.constant 0 : index
      %get3A_761 = arith.constant 0 : index
      %get3A_762 = vector.load %arg1[%get3A_759, %get3A_760, %get3A_761] : memref<50x512x128xf32, #tpu.memory_space<vmem>>, vector<1x512x128xf32>
      %get3A_763 = vector.shape_cast %get3A_762 : vector<1x512x128xf32> to vector<512x128xf32>
      %get3A_764 = arith.index_cast %add3A_756 : i32 to index
      %get3A_765 = arith.constant 0 : index
      %get3A_766 = arith.constant 0 : index
      %get3A_767 = vector.load %arg2[%get3A_764, %get3A_765, %get3A_766] : memref<50x512x1xi8, #tpu.memory_space<vmem>>, vector<1x512x1xi8>
      %get3A_768 = vector.shape_cast %get3A_767 : vector<1x512x1xi8> to vector<512x1xi8>
      %ne3A_769 = arith.constant 0 : i8
      %ne3A_770 = vector.broadcast %ne3A_769 : i8 to vector<512x1xi8>
      %ne3A_771 = arith.cmpi ne, %get3A_768, %ne3A_770 : vector<512x1xi8>
      %slice3A_772 = vector.extract_strided_slice %get3A_763 {offsets = [0, 64], sizes = [512, 64], strides = [1, 1]} : vector<512x128xf32> to vector<512x64xf32>
      %slice3A_773 = vector.extract_strided_slice %get3A_763 {offsets = [0, 0], sizes = [512, 64], strides = [1, 1]} : vector<512x128xf32> to vector<512x64xf32>
      %broadcast_in_dim3A_774 = vector.shape_cast %ne3A_771 : vector<512x1xi1> to vector<512x1xi1>
      %broadcast_in_dim3A_775 = vector.broadcast %broadcast_in_dim3A_774 : vector<512x1xi1> to vector<512x64xi1>
      %select_n3A_776 = arith.select %broadcast_in_dim3A_775, %slice3A_772, %slice3A_773 : vector<512x64xi1>, vector<512x64xf32>
      %get3A_777 = arith.index_cast %sub3A_758 : i32 to index
      %get3A_778 = arith.constant 0 : index
      %get3A_779 = arith.constant 0 : index
      %get3A_780 = vector.load %arg1[%get3A_777, %get3A_778, %get3A_779] : memref<50x512x128xf32, #tpu.memory_space<vmem>>, vector<1x512x128xf32>
      %get3A_781 = vector.shape_cast %get3A_780 : vector<1x512x128xf32> to vector<512x128xf32>
      %get3A_782 = arith.index_cast %sub3A_758 : i32 to index
      %get3A_783 = arith.constant 0 : index
      %get3A_784 = arith.constant 0 : index
      %get3A_785 = vector.load %arg2[%get3A_782, %get3A_783, %get3A_784] : memref<50x512x1xi8, #tpu.memory_space<vmem>>, vector<1x512x1xi8>
      %get3A_786 = vector.shape_cast %get3A_785 : vector<1x512x1xi8> to vector<512x1xi8>
      %ne3A_787 = arith.constant 0 : i8
      %ne3A_788 = vector.broadcast %ne3A_787 : i8 to vector<512x1xi8>
      %ne3A_789 = arith.cmpi ne, %get3A_786, %ne3A_788 : vector<512x1xi8>
      %slice3A_790 = vector.extract_strided_slice %get3A_781 {offsets = [0, 64], sizes = [512, 64], strides = [1, 1]} : vector<512x128xf32> to vector<512x64xf32>
      %slice3A_791 = vector.extract_strided_slice %get3A_781 {offsets = [0, 0], sizes = [512, 64], strides = [1, 1]} : vector<512x128xf32> to vector<512x64xf32>
      %broadcast_in_dim3A_792 = vector.shape_cast %ne3A_789 : vector<512x1xi1> to vector<512x1xi1>
      %broadcast_in_dim3A_793 = vector.broadcast %broadcast_in_dim3A_792 : vector<512x1xi1> to vector<512x64xi1>
      %select_n3A_794 = arith.select %broadcast_in_dim3A_793, %slice3A_790, %slice3A_791 : vector<512x64xi1>, vector<512x64xf32>
      %concatenate3A_795 = tpu.concatenate %select_n3A_776, %select_n3A_794 in 1 : vector<512x64xf32>, vector<512x64xf32> -> vector<512x128xf32>
      %slice3A_796 = vector.extract_strided_slice %get3A_4 {offsets = [0, 0], sizes = [128, 512], strides = [1, 1]} : vector<256x512xf32> to vector<128x512xf32>
      %dot_general3A_797 = arith.constant dense<0.000000e+00> : vector<512x512xf32>
      %dot_general3A_798 = tpu.matmul %concatenate3A_795, %slice3A_796, %dot_general3A_797 {dimension_numbers = #tpu.dot_dimension_numbers<[1], [0], [0], [1], [0, 0, 1, 1], [], []>, transpose_lhs_hint = false} : vector<512x128xf32>, vector<128x512xf32>, vector<512x512xf32> -> vector<512x512xf32>
      %slice3A_799 = vector.extract_strided_slice %get3A_4 {offsets = [128, 0], sizes = [128, 512], strides = [1, 1]} : vector<256x512xf32> to vector<128x512xf32>
      %dot_general3A_800 = arith.constant dense<0.000000e+00> : vector<512x512xf32>
      %dot_general3A_801 = tpu.matmul %select_n3A_751, %slice3A_799, %dot_general3A_800 {dimension_numbers = #tpu.dot_dimension_numbers<[1], [0], [0], [1], [0, 0, 1, 1], [], []>, transpose_lhs_hint = false} : vector<512x128xf32>, vector<128x512xf32>, vector<512x512xf32> -> vector<512x512xf32>
      %add3A_802 = arith.addf %dot_general3A_798, %dot_general3A_801 : vector<512x512xf32>
      %add3A_803 = vector.broadcast %get3A_7 : vector<1x512xf32> to vector<512x512xf32>
      %add3A_804 = arith.addf %add3A_802, %add3A_803 : vector<512x512xf32>
      %slice3A_805 = vector.extract_strided_slice %add3A_804 {offsets = [0, 0], sizes = [512, 128], strides = [1, 1]} : vector<512x512xf32> to vector<512x128xf32>
      %logistic3A_806 = arith.negf %slice3A_805 : vector<512x128xf32>
      %logistic3A_807 = math.exp %logistic3A_806 : vector<512x128xf32>
      %logistic3A_808 = arith.constant 1.000000e+00 : f32
      %logistic3A_809 = vector.broadcast %logistic3A_808 : f32 to vector<512x128xf32>
      %logistic3A_810 = arith.addf %logistic3A_809, %logistic3A_807 : vector<512x128xf32>
      %logistic3A_811 = arith.divf %logistic3A_809, %logistic3A_810 : vector<512x128xf32>
      %slice3A_812 = vector.extract_strided_slice %add3A_804 {offsets = [0, 128], sizes = [512, 128], strides = [1, 1]} : vector<512x512xf32> to vector<512x128xf32>
      %logistic3A_813 = arith.negf %slice3A_812 : vector<512x128xf32>
      %logistic3A_814 = math.exp %logistic3A_813 : vector<512x128xf32>
      %logistic3A_815 = arith.constant 1.000000e+00 : f32
      %logistic3A_816 = vector.broadcast %logistic3A_815 : f32 to vector<512x128xf32>
      %logistic3A_817 = arith.addf %logistic3A_816, %logistic3A_814 : vector<512x128xf32>
      %logistic3A_818 = arith.divf %logistic3A_816, %logistic3A_817 : vector<512x128xf32>
      %slice3A_819 = vector.extract_strided_slice %add3A_804 {offsets = [0, 256], sizes = [512, 128], strides = [1, 1]} : vector<512x512xf32> to vector<512x128xf32>
      %tanh3A_820 = math.tanh %slice3A_819 : vector<512x128xf32>
      %slice3A_821 = vector.extract_strided_slice %add3A_804 {offsets = [0, 384], sizes = [512, 128], strides = [1, 1]} : vector<512x512xf32> to vector<512x128xf32>
      %logistic3A_822 = arith.negf %slice3A_821 : vector<512x128xf32>
      %logistic3A_823 = math.exp %logistic3A_822 : vector<512x128xf32>
      %logistic3A_824 = arith.constant 1.000000e+00 : f32
      %logistic3A_825 = vector.broadcast %logistic3A_824 : f32 to vector<512x128xf32>
      %logistic3A_826 = arith.addf %logistic3A_825, %logistic3A_823 : vector<512x128xf32>
      %logistic3A_827 = arith.divf %logistic3A_825, %logistic3A_826 : vector<512x128xf32>
      %mul3A_828 = arith.mulf %logistic3A_818, %select_n3A_752 : vector<512x128xf32>
      %mul3A_829 = arith.mulf %logistic3A_811, %tanh3A_820 : vector<512x128xf32>
      %add3A_830 = arith.addf %mul3A_828, %mul3A_829 : vector<512x128xf32>
      %tanh3A_831 = math.tanh %add3A_830 : vector<512x128xf32>
      %mul3A_832 = arith.mulf %logistic3A_827, %tanh3A_831 : vector<512x128xf32>
      %broadcast_in_dim3A_833 = vector.broadcast %add3A_756 : i32 to vector<512x128xi32>
      %broadcast_in_dim3A_834 = vector.broadcast %sub3A_758 : i32 to vector<512x128xi32>
      %select_n3A_835 = arith.select %lt3A_9, %broadcast_in_dim3A_833, %broadcast_in_dim3A_834 : vector<512x128xi1>, vector<512x128xi32>
      %gt3A_836 = vector.broadcast %get3A_1 : vector<512x1xi32> to vector<512x128xi32>
      %gt3A_837 = arith.cmpi sgt, %gt3A_836, %select_n3A_835 : vector<512x128xi32>
      %jit3A_838 = arith.constant 0.000000e+00 : f32
      %broadcast_in_dim3A_839 = vector.broadcast %jit3A_838 : f32 to vector<512x128xf32>
      %select_n3A_840 = arith.select %gt3A_837, %mul3A_832, %broadcast_in_dim3A_839 : vector<512x128xi1>, vector<512x128xf32>
      %slice3A_841 = vector.extract_strided_slice %select_n3A_840 {offsets = [0, 0], sizes = [512, 64], strides = [1, 1]} : vector<512x128xf32> to vector<512x64xf32>
      %swap3A_842 = arith.index_cast %add3A_756 : i32 to index
      %swap3A_843 = arith.constant 0 : index
      %swap3A_844 = arith.constant 0 : index
      %swap3A_845 = vector.load %arg9[%swap3A_842, %swap3A_843, %swap3A_844] : memref<50x512x128xf32, #tpu.memory_space<vmem>>, vector<1x512x64xf32>
      %swap3A_846 = vector.shape_cast %swap3A_845 : vector<1x512x64xf32> to vector<512x64xf32>
      %swap3A_847 = vector.shape_cast %slice3A_841 : vector<512x64xf32> to vector<1x512x64xf32>
      tpu.vector_store %arg9[%swap3A_842, %swap3A_843, %swap3A_844], %swap3A_847 {strides = array<i32>} : memref<50x512x128xf32, #tpu.memory_space<vmem>>, vector<1x512x64xf32>,
      %slice3A_848 = vector.extract_strided_slice %select_n3A_840 {offsets = [0, 64], sizes = [512, 64], strides = [1, 1]} : vector<512x128xf32> to vector<512x64xf32>
      %swap3A_849 = arith.index_cast %sub3A_758 : i32 to index
      %swap3A_850 = arith.constant 0 : index
      %swap3A_851 = arith.constant 64 : index
      %swap3A_852 = vector.load %arg9[%swap3A_849, %swap3A_850, %swap3A_851] : memref<50x512x128xf32, #tpu.memory_space<vmem>>, vector<1x512x64xf32>
      %swap3A_853 = vector.shape_cast %swap3A_852 : vector<1x512x64xf32> to vector<512x64xf32>
      %swap3A_854 = vector.shape_cast %slice3A_848 : vector<512x64xf32> to vector<1x512x64xf32>
      tpu.vector_store %arg9[%swap3A_849, %swap3A_850, %swap3A_851], %swap3A_854 {strides = array<i32>} : memref<50x512x128xf32, #tpu.memory_space<vmem>>, vector<1x512x64xf32>,
      %select_n3A_855 = arith.select %gt3A_837, %mul3A_832, %select_n3A_751 : vector<512x128xi1>, vector<512x128xf32>
      %select_n3A_856 = arith.select %gt3A_837, %add3A_830, %select_n3A_752 : vector<512x128xi1>, vector<512x128xf32>
      %mul3A_857 = arith.constant 25 : i32
      %mul3A_858 = arith.muli %mul3A_857, %scan3A_32 : i32
      %add3A_859 = arith.constant 8 : i32
      %add3A_860 = arith.addi %mul3A_858, %add3A_859 : i32
      %sub3A_861 = arith.constant 49 : i32
      %sub3A_862 = arith.subi %sub3A_861, %add3A_860 : i32
      %get3A_863 = arith.index_cast %add3A_860 : i32 to index
      %get3A_864 = arith.constant 0 : index
      %get3A_865 = arith.constant 0 : index
      %get3A_866 = vector.load %arg1[%get3A_863, %get3A_864, %get3A_865] : memref<50x512x128xf32, #tpu.memory_space<vmem>>, vector<1x512x128xf32>
      %get3A_867 = vector.shape_cast %get3A_866 : vector<1x512x128xf32> to vector<512x128xf32>
      %get3A_868 = arith.index_cast %add3A_860 : i32 to index
      %get3A_869 = arith.constant 0 : index
      %get3A_870 = arith.constant 0 : index
      %get3A_871 = vector.load %arg2[%get3A_868, %get3A_869, %get3A_870] : memref<50x512x1xi8, #tpu.memory_space<vmem>>, vector<1x512x1xi8>
      %get3A_872 = vector.shape_cast %get3A_871 : vector<1x512x1xi8> to vector<512x1xi8>
      %ne3A_873 = arith.constant 0 : i8
      %ne3A_874 = vector.broadcast %ne3A_873 : i8 to vector<512x1xi8>
      %ne3A_875 = arith.cmpi ne, %get3A_872, %ne3A_874 : vector<512x1xi8>
      %slice3A_876 = vector.extract_strided_slice %get3A_867 {offsets = [0, 64], sizes = [512, 64], strides = [1, 1]} : vector<512x128xf32> to vector<512x64xf32>
      %slice3A_877 = vector.extract_strided_slice %get3A_867 {offsets = [0, 0], sizes = [512, 64], strides = [1, 1]} : vector<512x128xf32> to vector<512x64xf32>
      %broadcast_in_dim3A_878 = vector.shape_cast %ne3A_875 : vector<512x1xi1> to vector<512x1xi1>
      %broadcast_in_dim3A_879 = vector.broadcast %broadcast_in_dim3A_878 : vector<512x1xi1> to vector<512x64xi1>
      %select_n3A_880 = arith.select %broadcast_in_dim3A_879, %slice3A_876, %slice3A_877 : vector<512x64xi1>, vector<512x64xf32>
      %get3A_881 = arith.index_cast %sub3A_862 : i32 to index
      %get3A_882 = arith.constant 0 : index
      %get3A_883 = arith.constant 0 : index
      %get3A_884 = vector.load %arg1[%get3A_881, %get3A_882, %get3A_883] : memref<50x512x128xf32, #tpu.memory_space<vmem>>, vector<1x512x128xf32>
      %get3A_885 = vector.shape_cast %get3A_884 : vector<1x512x128xf32> to vector<512x128xf32>
      %get3A_886 = arith.index_cast %sub3A_862 : i32 to index
      %get3A_887 = arith.constant 0 : index
      %get3A_888 = arith.constant 0 : index
      %get3A_889 = vector.load %arg2[%get3A_886, %get3A_887, %get3A_888] : memref<50x512x1xi8, #tpu.memory_space<vmem>>, vector<1x512x1xi8>
      %get3A_890 = vector.shape_cast %get3A_889 : vector<1x512x1xi8> to vector<512x1xi8>
      %ne3A_891 = arith.constant 0 : i8
      %ne3A_892 = vector.broadcast %ne3A_891 : i8 to vector<512x1xi8>
      %ne3A_893 = arith.cmpi ne, %get3A_890, %ne3A_892 : vector<512x1xi8>
      %slice3A_894 = vector.extract_strided_slice %get3A_885 {offsets = [0, 64], sizes = [512, 64], strides = [1, 1]} : vector<512x128xf32> to vector<512x64xf32>
      %slice3A_895 = vector.extract_strided_slice %get3A_885 {offsets = [0, 0], sizes = [512, 64], strides = [1, 1]} : vector<512x128xf32> to vector<512x64xf32>
      %broadcast_in_dim3A_896 = vector.shape_cast %ne3A_893 : vector<512x1xi1> to vector<512x1xi1>
      %broadcast_in_dim3A_897 = vector.broadcast %broadcast_in_dim3A_896 : vector<512x1xi1> to vector<512x64xi1>
      %select_n3A_898 = arith.select %broadcast_in_dim3A_897, %slice3A_894, %slice3A_895 : vector<512x64xi1>, vector<512x64xf32>
      %concatenate3A_899 = tpu.concatenate %select_n3A_880, %select_n3A_898 in 1 : vector<512x64xf32>, vector<512x64xf32> -> vector<512x128xf32>
      %slice3A_900 = vector.extract_strided_slice %get3A_4 {offsets = [0, 0], sizes = [128, 512], strides = [1, 1]} : vector<256x512xf32> to vector<128x512xf32>
      %dot_general3A_901 = arith.constant dense<0.000000e+00> : vector<512x512xf32>
      %dot_general3A_902 = tpu.matmul %concatenate3A_899, %slice3A_900, %dot_general3A_901 {dimension_numbers = #tpu.dot_dimension_numbers<[1], [0], [0], [1], [0, 0, 1, 1], [], []>, transpose_lhs_hint = false} : vector<512x128xf32>, vector<128x512xf32>, vector<512x512xf32> -> vector<512x512xf32>
      %slice3A_903 = vector.extract_strided_slice %get3A_4 {offsets = [128, 0], sizes = [128, 512], strides = [1, 1]} : vector<256x512xf32> to vector<128x512xf32>
      %dot_general3A_904 = arith.constant dense<0.000000e+00> : vector<512x512xf32>
      %dot_general3A_905 = tpu.matmul %select_n3A_855, %slice3A_903, %dot_general3A_904 {dimension_numbers = #tpu.dot_dimension_numbers<[1], [0], [0], [1], [0, 0, 1, 1], [], []>, transpose_lhs_hint = false} : vector<512x128xf32>, vector<128x512xf32>, vector<512x512xf32> -> vector<512x512xf32>
      %add3A_906 = arith.addf %dot_general3A_902, %dot_general3A_905 : vector<512x512xf32>
      %add3A_907 = vector.broadcast %get3A_7 : vector<1x512xf32> to vector<512x512xf32>
      %add3A_908 = arith.addf %add3A_906, %add3A_907 : vector<512x512xf32>
      %slice3A_909 = vector.extract_strided_slice %add3A_908 {offsets = [0, 0], sizes = [512, 128], strides = [1, 1]} : vector<512x512xf32> to vector<512x128xf32>
      %logistic3A_910 = arith.negf %slice3A_909 : vector<512x128xf32>
      %logistic3A_911 = math.exp %logistic3A_910 : vector<512x128xf32>
      %logistic3A_912 = arith.constant 1.000000e+00 : f32
      %logistic3A_913 = vector.broadcast %logistic3A_912 : f32 to vector<512x128xf32>
      %logistic3A_914 = arith.addf %logistic3A_913, %logistic3A_911 : vector<512x128xf32>
      %logistic3A_915 = arith.divf %logistic3A_913, %logistic3A_914 : vector<512x128xf32>
      %slice3A_916 = vector.extract_strided_slice %add3A_908 {offsets = [0, 128], sizes = [512, 128], strides = [1, 1]} : vector<512x512xf32> to vector<512x128xf32>
      %logistic3A_917 = arith.negf %slice3A_916 : vector<512x128xf32>
      %logistic3A_918 = math.exp %logistic3A_917 : vector<512x128xf32>
      %logistic3A_919 = arith.constant 1.000000e+00 : f32
      %logistic3A_920 = vector.broadcast %logistic3A_919 : f32 to vector<512x128xf32>
      %logistic3A_921 = arith.addf %logistic3A_920, %logistic3A_918 : vector<512x128xf32>
      %logistic3A_922 = arith.divf %logistic3A_920, %logistic3A_921 : vector<512x128xf32>
      %slice3A_923 = vector.extract_strided_slice %add3A_908 {offsets = [0, 256], sizes = [512, 128], strides = [1, 1]} : vector<512x512xf32> to vector<512x128xf32>
      %tanh3A_924 = math.tanh %slice3A_923 : vector<512x128xf32>
      %slice3A_925 = vector.extract_strided_slice %add3A_908 {offsets = [0, 384], sizes = [512, 128], strides = [1, 1]} : vector<512x512xf32> to vector<512x128xf32>
      %logistic3A_926 = arith.negf %slice3A_925 : vector<512x128xf32>
      %logistic3A_927 = math.exp %logistic3A_926 : vector<512x128xf32>
      %logistic3A_928 = arith.constant 1.000000e+00 : f32
      %logistic3A_929 = vector.broadcast %logistic3A_928 : f32 to vector<512x128xf32>
      %logistic3A_930 = arith.addf %logistic3A_929, %logistic3A_927 : vector<512x128xf32>
      %logistic3A_931 = arith.divf %logistic3A_929, %logistic3A_930 : vector<512x128xf32>
      %mul3A_932 = arith.mulf %logistic3A_922, %select_n3A_856 : vector<512x128xf32>
      %mul3A_933 = arith.mulf %logistic3A_915, %tanh3A_924 : vector<512x128xf32>
      %add3A_934 = arith.addf %mul3A_932, %mul3A_933 : vector<512x128xf32>
      %tanh3A_935 = math.tanh %add3A_934 : vector<512x128xf32>
      %mul3A_936 = arith.mulf %logistic3A_931, %tanh3A_935 : vector<512x128xf32>
      %broadcast_in_dim3A_937 = vector.broadcast %add3A_860 : i32 to vector<512x128xi32>
      %broadcast_in_dim3A_938 = vector.broadcast %sub3A_862 : i32 to vector<512x128xi32>
      %select_n3A_939 = arith.select %lt3A_9, %broadcast_in_dim3A_937, %broadcast_in_dim3A_938 : vector<512x128xi1>, vector<512x128xi32>
      %gt3A_940 = vector.broadcast %get3A_1 : vector<512x1xi32> to vector<512x128xi32>
      %gt3A_941 = arith.cmpi sgt, %gt3A_940, %select_n3A_939 : vector<512x128xi32>
      %jit3A_942 = arith.constant 0.000000e+00 : f32
      %broadcast_in_dim3A_943 = vector.broadcast %jit3A_942 : f32 to vector<512x128xf32>
      %select_n3A_944 = arith.select %gt3A_941, %mul3A_936, %broadcast_in_dim3A_943 : vector<512x128xi1>, vector<512x128xf32>
      %slice3A_945 = vector.extract_strided_slice %select_n3A_944 {offsets = [0, 0], sizes = [512, 64], strides = [1, 1]} : vector<512x128xf32> to vector<512x64xf32>
      %swap3A_946 = arith.index_cast %add3A_860 : i32 to index
      %swap3A_947 = arith.constant 0 : index
      %swap3A_948 = arith.constant 0 : index
      %swap3A_949 = vector.load %arg9[%swap3A_946, %swap3A_947, %swap3A_948] : memref<50x512x128xf32, #tpu.memory_space<vmem>>, vector<1x512x64xf32>
      %swap3A_950 = vector.shape_cast %swap3A_949 : vector<1x512x64xf32> to vector<512x64xf32>
      %swap3A_951 = vector.shape_cast %slice3A_945 : vector<512x64xf32> to vector<1x512x64xf32>
      tpu.vector_store %arg9[%swap3A_946, %swap3A_947, %swap3A_948], %swap3A_951 {strides = array<i32>} : memref<50x512x128xf32, #tpu.memory_space<vmem>>, vector<1x512x64xf32>,
      %slice3A_952 = vector.extract_strided_slice %select_n3A_944 {offsets = [0, 64], sizes = [512, 64], strides = [1, 1]} : vector<512x128xf32> to vector<512x64xf32>
      %swap3A_953 = arith.index_cast %sub3A_862 : i32 to index
      %swap3A_954 = arith.constant 0 : index
      %swap3A_955 = arith.constant 64 : index
      %swap3A_956 = vector.load %arg9[%swap3A_953, %swap3A_954, %swap3A_955] : memref<50x512x128xf32, #tpu.memory_space<vmem>>, vector<1x512x64xf32>
      %swap3A_957 = vector.shape_cast %swap3A_956 : vector<1x512x64xf32> to vector<512x64xf32>
      %swap3A_958 = vector.shape_cast %slice3A_952 : vector<512x64xf32> to vector<1x512x64xf32>
      tpu.vector_store %arg9[%swap3A_953, %swap3A_954, %swap3A_955], %swap3A_958 {strides = array<i32>} : memref<50x512x128xf32, #tpu.memory_space<vmem>>, vector<1x512x64xf32>,
      %select_n3A_959 = arith.select %gt3A_941, %mul3A_936, %select_n3A_855 : vector<512x128xi1>, vector<512x128xf32>
      %select_n3A_960 = arith.select %gt3A_941, %add3A_934, %select_n3A_856 : vector<512x128xi1>, vector<512x128xf32>
      %mul3A_961 = arith.constant 25 : i32
      %mul3A_962 = arith.muli %mul3A_961, %scan3A_32 : i32
      %add3A_963 = arith.constant 9 : i32
      %add3A_964 = arith.addi %mul3A_962, %add3A_963 : i32
      %sub3A_965 = arith.constant 49 : i32
      %sub3A_966 = arith.subi %sub3A_965, %add3A_964 : i32
      %get3A_967 = arith.index_cast %add3A_964 : i32 to index
      %get3A_968 = arith.constant 0 : index
      %get3A_969 = arith.constant 0 : index
      %get3A_970 = vector.load %arg1[%get3A_967, %get3A_968, %get3A_969] : memref<50x512x128xf32, #tpu.memory_space<vmem>>, vector<1x512x128xf32>
      %get3A_971 = vector.shape_cast %get3A_970 : vector<1x512x128xf32> to vector<512x128xf32>
      %get3A_972 = arith.index_cast %add3A_964 : i32 to index
      %get3A_973 = arith.constant 0 : index
      %get3A_974 = arith.constant 0 : index
      %get3A_975 = vector.load %arg2[%get3A_972, %get3A_973, %get3A_974] : memref<50x512x1xi8, #tpu.memory_space<vmem>>, vector<1x512x1xi8>
      %get3A_976 = vector.shape_cast %get3A_975 : vector<1x512x1xi8> to vector<512x1xi8>
      %ne3A_977 = arith.constant 0 : i8
      %ne3A_978 = vector.broadcast %ne3A_977 : i8 to vector<512x1xi8>
      %ne3A_979 = arith.cmpi ne, %get3A_976, %ne3A_978 : vector<512x1xi8>
      %slice3A_980 = vector.extract_strided_slice %get3A_971 {offsets = [0, 64], sizes = [512, 64], strides = [1, 1]} : vector<512x128xf32> to vector<512x64xf32>
      %slice3A_981 = vector.extract_strided_slice %get3A_971 {offsets = [0, 0], sizes = [512, 64], strides = [1, 1]} : vector<512x128xf32> to vector<512x64xf32>
      %broadcast_in_dim3A_982 = vector.shape_cast %ne3A_979 : vector<512x1xi1> to vector<512x1xi1>
      %broadcast_in_dim3A_983 = vector.broadcast %broadcast_in_dim3A_982 : vector<512x1xi1> to vector<512x64xi1>
      %select_n3A_984 = arith.select %broadcast_in_dim3A_983, %slice3A_980, %slice3A_981 : vector<512x64xi1>, vector<512x64xf32>
      %get3A_985 = arith.index_cast %sub3A_966 : i32 to index
      %get3A_986 = arith.constant 0 : index
      %get3A_987 = arith.constant 0 : index
      %get3A_988 = vector.load %arg1[%get3A_985, %get3A_986, %get3A_987] : memref<50x512x128xf32, #tpu.memory_space<vmem>>, vector<1x512x128xf32>
      %get3A_989 = vector.shape_cast %get3A_988 : vector<1x512x128xf32> to vector<512x128xf32>
      %get3A_990 = arith.index_cast %sub3A_966 : i32 to index
      %get3A_991 = arith.constant 0 : index
      %get3A_992 = arith.constant 0 : index
      %get3A_993 = vector.load %arg2[%get3A_990, %get3A_991, %get3A_992] : memref<50x512x1xi8, #tpu.memory_space<vmem>>, vector<1x512x1xi8>
      %get3A_994 = vector.shape_cast %get3A_993 : vector<1x512x1xi8> to vector<512x1xi8>
      %ne3A_995 = arith.constant 0 : i8
      %ne3A_996 = vector.broadcast %ne3A_995 : i8 to vector<512x1xi8>
      %ne3A_997 = arith.cmpi ne, %get3A_994, %ne3A_996 : vector<512x1xi8>
      %slice3A_998 = vector.extract_strided_slice %get3A_989 {offsets = [0, 64], sizes = [512, 64], strides = [1, 1]} : vector<512x128xf32> to vector<512x64xf32>
      %slice3A_999 = vector.extract_strided_slice %get3A_989 {offsets = [0, 0], sizes = [512, 64], strides = [1, 1]} : vector<512x128xf32> to vector<512x64xf32>
      %broadcast_in_dim3A_1000 = vector.shape_cast %ne3A_997 : vector<512x1xi1> to vector<512x1xi1>
      %broadcast_in_dim3A_1001 = vector.broadcast %broadcast_in_dim3A_1000 : vector<512x1xi1> to vector<512x64xi1>
      %select_n3A_1002 = arith.select %broadcast_in_dim3A_1001, %slice3A_998, %slice3A_999 : vector<512x64xi1>, vector<512x64xf32>
      %concatenate3A_1003 = tpu.concatenate %select_n3A_984, %select_n3A_1002 in 1 : vector<512x64xf32>, vector<512x64xf32> -> vector<512x128xf32>
      %slice3A_1004 = vector.extract_strided_slice %get3A_4 {offsets = [0, 0], sizes = [128, 512], strides = [1, 1]} : vector<256x512xf32> to vector<128x512xf32>
      %dot_general3A_1005 = arith.constant dense<0.000000e+00> : vector<512x512xf32>
      %dot_general3A_1006 = tpu.matmul %concatenate3A_1003, %slice3A_1004, %dot_general3A_1005 {dimension_numbers = #tpu.dot_dimension_numbers<[1], [0], [0], [1], [0, 0, 1, 1], [], []>, transpose_lhs_hint = false} : vector<512x128xf32>, vector<128x512xf32>, vector<512x512xf32> -> vector<512x512xf32>
      %slice3A_1007 = vector.extract_strided_slice %get3A_4 {offsets = [128, 0], sizes = [128, 512], strides = [1, 1]} : vector<256x512xf32> to vector<128x512xf32>
      %dot_general3A_1008 = arith.constant dense<0.000000e+00> : vector<512x512xf32>
      %dot_general3A_1009 = tpu.matmul %select_n3A_959, %slice3A_1007, %dot_general3A_1008 {dimension_numbers = #tpu.dot_dimension_numbers<[1], [0], [0], [1], [0, 0, 1, 1], [], []>, transpose_lhs_hint = false} : vector<512x128xf32>, vector<128x512xf32>, vector<512x512xf32> -> vector<512x512xf32>
      %add3A_1010 = arith.addf %dot_general3A_1006, %dot_general3A_1009 : vector<512x512xf32>
      %add3A_1011 = vector.broadcast %get3A_7 : vector<1x512xf32> to vector<512x512xf32>
      %add3A_1012 = arith.addf %add3A_1010, %add3A_1011 : vector<512x512xf32>
      %slice3A_1013 = vector.extract_strided_slice %add3A_1012 {offsets = [0, 0], sizes = [512, 128], strides = [1, 1]} : vector<512x512xf32> to vector<512x128xf32>
      %logistic3A_1014 = arith.negf %slice3A_1013 : vector<512x128xf32>
      %logistic3A_1015 = math.exp %logistic3A_1014 : vector<512x128xf32>
      %logistic3A_1016 = arith.constant 1.000000e+00 : f32
      %logistic3A_1017 = vector.broadcast %logistic3A_1016 : f32 to vector<512x128xf32>
      %logistic3A_1018 = arith.addf %logistic3A_1017, %logistic3A_1015 : vector<512x128xf32>
      %logistic3A_1019 = arith.divf %logistic3A_1017, %logistic3A_1018 : vector<512x128xf32>
      %slice3A_1020 = vector.extract_strided_slice %add3A_1012 {offsets = [0, 128], sizes = [512, 128], strides = [1, 1]} : vector<512x512xf32> to vector<512x128xf32>
      %logistic3A_1021 = arith.negf %slice3A_1020 : vector<512x128xf32>
      %logistic3A_1022 = math.exp %logistic3A_1021 : vector<512x128xf32>
      %logistic3A_1023 = arith.constant 1.000000e+00 : f32
      %logistic3A_1024 = vector.broadcast %logistic3A_1023 : f32 to vector<512x128xf32>
      %logistic3A_1025 = arith.addf %logistic3A_1024, %logistic3A_1022 : vector<512x128xf32>
      %logistic3A_1026 = arith.divf %logistic3A_1024, %logistic3A_1025 : vector<512x128xf32>
      %slice3A_1027 = vector.extract_strided_slice %add3A_1012 {offsets = [0, 256], sizes = [512, 128], strides = [1, 1]} : vector<512x512xf32> to vector<512x128xf32>
      %tanh3A_1028 = math.tanh %slice3A_1027 : vector<512x128xf32>
      %slice3A_1029 = vector.extract_strided_slice %add3A_1012 {offsets = [0, 384], sizes = [512, 128], strides = [1, 1]} : vector<512x512xf32> to vector<512x128xf32>
      %logistic3A_1030 = arith.negf %slice3A_1029 : vector<512x128xf32>
      %logistic3A_1031 = math.exp %logistic3A_1030 : vector<512x128xf32>
      %logistic3A_1032 = arith.constant 1.000000e+00 : f32
      %logistic3A_1033 = vector.broadcast %logistic3A_1032 : f32 to vector<512x128xf32>
      %logistic3A_1034 = arith.addf %logistic3A_1033, %logistic3A_1031 : vector<512x128xf32>
      %logistic3A_1035 = arith.divf %logistic3A_1033, %logistic3A_1034 : vector<512x128xf32>
      %mul3A_1036 = arith.mulf %logistic3A_1026, %select_n3A_960 : vector<512x128xf32>
      %mul3A_1037 = arith.mulf %logistic3A_1019, %tanh3A_1028 : vector<512x128xf32>
      %add3A_1038 = arith.addf %mul3A_1036, %mul3A_1037 : vector<512x128xf32>
      %tanh3A_1039 = math.tanh %add3A_1038 : vector<512x128xf32>
      %mul3A_1040 = arith.mulf %logistic3A_1035, %tanh3A_1039 : vector<512x128xf32>
      %broadcast_in_dim3A_1041 = vector.broadcast %add3A_964 : i32 to vector<512x128xi32>
      %broadcast_in_dim3A_1042 = vector.broadcast %sub3A_966 : i32 to vector<512x128xi32>
      %select_n3A_1043 = arith.select %lt3A_9, %broadcast_in_dim3A_1041, %broadcast_in_dim3A_1042 : vector<512x128xi1>, vector<512x128xi32>
      %gt3A_1044 = vector.broadcast %get3A_1 : vector<512x1xi32> to vector<512x128xi32>
      %gt3A_1045 = arith.cmpi sgt, %gt3A_1044, %select_n3A_1043 : vector<512x128xi32>
      %jit3A_1046 = arith.constant 0.000000e+00 : f32
      %broadcast_in_dim3A_1047 = vector.broadcast %jit3A_1046 : f32 to vector<512x128xf32>
      %select_n3A_1048 = arith.select %gt3A_1045, %mul3A_1040, %broadcast_in_dim3A_1047 : vector<512x128xi1>, vector<512x128xf32>
      %slice3A_1049 = vector.extract_strided_slice %select_n3A_1048 {offsets = [0, 0], sizes = [512, 64], strides = [1, 1]} : vector<512x128xf32> to vector<512x64xf32>
      %swap3A_1050 = arith.index_cast %add3A_964 : i32 to index
      %swap3A_1051 = arith.constant 0 : index
      %swap3A_1052 = arith.constant 0 : index
      %swap3A_1053 = vector.load %arg9[%swap3A_1050, %swap3A_1051, %swap3A_1052] : memref<50x512x128xf32, #tpu.memory_space<vmem>>, vector<1x512x64xf32>
      %swap3A_1054 = vector.shape_cast %swap3A_1053 : vector<1x512x64xf32> to vector<512x64xf32>
      %swap3A_1055 = vector.shape_cast %slice3A_1049 : vector<512x64xf32> to vector<1x512x64xf32>
      tpu.vector_store %arg9[%swap3A_1050, %swap3A_1051, %swap3A_1052], %swap3A_1055 {strides = array<i32>} : memref<50x512x128xf32, #tpu.memory_space<vmem>>, vector<1x512x64xf32>,
      %slice3A_1056 = vector.extract_strided_slice %select_n3A_1048 {offsets = [0, 64], sizes = [512, 64], strides = [1, 1]} : vector<512x128xf32> to vector<512x64xf32>
      %swap3A_1057 = arith.index_cast %sub3A_966 : i32 to index
      %swap3A_1058 = arith.constant 0 : index
      %swap3A_1059 = arith.constant 64 : index
      %swap3A_1060 = vector.load %arg9[%swap3A_1057, %swap3A_1058, %swap3A_1059] : memref<50x512x128xf32, #tpu.memory_space<vmem>>, vector<1x512x64xf32>
      %swap3A_1061 = vector.shape_cast %swap3A_1060 : vector<1x512x64xf32> to vector<512x64xf32>
      %swap3A_1062 = vector.shape_cast %slice3A_1056 : vector<512x64xf32> to vector<1x512x64xf32>
      tpu.vector_store %arg9[%swap3A_1057, %swap3A_1058, %swap3A_1059], %swap3A_1062 {strides = array<i32>} : memref<50x512x128xf32, #tpu.memory_space<vmem>>, vector<1x512x64xf32>,
      %select_n3A_1063 = arith.select %gt3A_1045, %mul3A_1040, %select_n3A_959 : vector<512x128xi1>, vector<512x128xf32>
      %select_n3A_1064 = arith.select %gt3A_1045, %add3A_1038, %select_n3A_960 : vector<512x128xi1>, vector<512x128xf32>
      %mul3A_1065 = arith.constant 25 : i32
      %mul3A_1066 = arith.muli %mul3A_1065, %scan3A_32 : i32
      %add3A_1067 = arith.constant 10 : i32
      %add3A_1068 = arith.addi %mul3A_1066, %add3A_1067 : i32
      %sub3A_1069 = arith.constant 49 : i32
      %sub3A_1070 = arith.subi %sub3A_1069, %add3A_1068 : i32
      %get3A_1071 = arith.index_cast %add3A_1068 : i32 to index
      %get3A_1072 = arith.constant 0 : index
      %get3A_1073 = arith.constant 0 : index
      %get3A_1074 = vector.load %arg1[%get3A_1071, %get3A_1072, %get3A_1073] : memref<50x512x128xf32, #tpu.memory_space<vmem>>, vector<1x512x128xf32>
      %get3A_1075 = vector.shape_cast %get3A_1074 : vector<1x512x128xf32> to vector<512x128xf32>
      %get3A_1076 = arith.index_cast %add3A_1068 : i32 to index
      %get3A_1077 = arith.constant 0 : index
      %get3A_1078 = arith.constant 0 : index
      %get3A_1079 = vector.load %arg2[%get3A_1076, %get3A_1077, %get3A_1078] : memref<50x512x1xi8, #tpu.memory_space<vmem>>, vector<1x512x1xi8>
      %get3A_1080 = vector.shape_cast %get3A_1079 : vector<1x512x1xi8> to vector<512x1xi8>
      %ne3A_1081 = arith.constant 0 : i8
      %ne3A_1082 = vector.broadcast %ne3A_1081 : i8 to vector<512x1xi8>
      %ne3A_1083 = arith.cmpi ne, %get3A_1080, %ne3A_1082 : vector<512x1xi8>
      %slice3A_1084 = vector.extract_strided_slice %get3A_1075 {offsets = [0, 64], sizes = [512, 64], strides = [1, 1]} : vector<512x128xf32> to vector<512x64xf32>
      %slice3A_1085 = vector.extract_strided_slice %get3A_1075 {offsets = [0, 0], sizes = [512, 64], strides = [1, 1]} : vector<512x128xf32> to vector<512x64xf32>
      %broadcast_in_dim3A_1086 = vector.shape_cast %ne3A_1083 : vector<512x1xi1> to vector<512x1xi1>
      %broadcast_in_dim3A_1087 = vector.broadcast %broadcast_in_dim3A_1086 : vector<512x1xi1> to vector<512x64xi1>
      %select_n3A_1088 = arith.select %broadcast_in_dim3A_1087, %slice3A_1084, %slice3A_1085 : vector<512x64xi1>, vector<512x64xf32>
      %get3A_1089 = arith.index_cast %sub3A_1070 : i32 to index
      %get3A_1090 = arith.constant 0 : index
      %get3A_1091 = arith.constant 0 : index
      %get3A_1092 = vector.load %arg1[%get3A_1089, %get3A_1090, %get3A_1091] : memref<50x512x128xf32, #tpu.memory_space<vmem>>, vector<1x512x128xf32>
      %get3A_1093 = vector.shape_cast %get3A_1092 : vector<1x512x128xf32> to vector<512x128xf32>
      %get3A_1094 = arith.index_cast %sub3A_1070 : i32 to index
      %get3A_1095 = arith.constant 0 : index
      %get3A_1096 = arith.constant 0 : index
      %get3A_1097 = vector.load %arg2[%get3A_1094, %get3A_1095, %get3A_1096] : memref<50x512x1xi8, #tpu.memory_space<vmem>>, vector<1x512x1xi8>
      %get3A_1098 = vector.shape_cast %get3A_1097 : vector<1x512x1xi8> to vector<512x1xi8>
      %ne3A_1099 = arith.constant 0 : i8
      %ne3A_1100 = vector.broadcast %ne3A_1099 : i8 to vector<512x1xi8>
      %ne3A_1101 = arith.cmpi ne, %get3A_1098, %ne3A_1100 : vector<512x1xi8>
      %slice3A_1102 = vector.extract_strided_slice %get3A_1093 {offsets = [0, 64], sizes = [512, 64], strides = [1, 1]} : vector<512x128xf32> to vector<512x64xf32>
      %slice3A_1103 = vector.extract_strided_slice %get3A_1093 {offsets = [0, 0], sizes = [512, 64], strides = [1, 1]} : vector<512x128xf32> to vector<512x64xf32>
      %broadcast_in_dim3A_1104 = vector.shape_cast %ne3A_1101 : vector<512x1xi1> to vector<512x1xi1>
      %broadcast_in_dim3A_1105 = vector.broadcast %broadcast_in_dim3A_1104 : vector<512x1xi1> to vector<512x64xi1>
      %select_n3A_1106 = arith.select %broadcast_in_dim3A_1105, %slice3A_1102, %slice3A_1103 : vector<512x64xi1>, vector<512x64xf32>
      %concatenate3A_1107 = tpu.concatenate %select_n3A_1088, %select_n3A_1106 in 1 : vector<512x64xf32>, vector<512x64xf32> -> vector<512x128xf32>
      %slice3A_1108 = vector.extract_strided_slice %get3A_4 {offsets = [0, 0], sizes = [128, 512], strides = [1, 1]} : vector<256x512xf32> to vector<128x512xf32>
      %dot_general3A_1109 = arith.constant dense<0.000000e+00> : vector<512x512xf32>
      %dot_general3A_1110 = tpu.matmul %concatenate3A_1107, %slice3A_1108, %dot_general3A_1109 {dimension_numbers = #tpu.dot_dimension_numbers<[1], [0], [0], [1], [0, 0, 1, 1], [], []>, transpose_lhs_hint = false} : vector<512x128xf32>, vector<128x512xf32>, vector<512x512xf32> -> vector<512x512xf32>
      %slice3A_1111 = vector.extract_strided_slice %get3A_4 {offsets = [128, 0], sizes = [128, 512], strides = [1, 1]} : vector<256x512xf32> to vector<128x512xf32>
      %dot_general3A_1112 = arith.constant dense<0.000000e+00> : vector<512x512xf32>
      %dot_general3A_1113 = tpu.matmul %select_n3A_1063, %slice3A_1111, %dot_general3A_1112 {dimension_numbers = #tpu.dot_dimension_numbers<[1], [0], [0], [1], [0, 0, 1, 1], [], []>, transpose_lhs_hint = false} : vector<512x128xf32>, vector<128x512xf32>, vector<512x512xf32> -> vector<512x512xf32>
      %add3A_1114 = arith.addf %dot_general3A_1110, %dot_general3A_1113 : vector<512x512xf32>
      %add3A_1115 = vector.broadcast %get3A_7 : vector<1x512xf32> to vector<512x512xf32>
      %add3A_1116 = arith.addf %add3A_1114, %add3A_1115 : vector<512x512xf32>
      %slice3A_1117 = vector.extract_strided_slice %add3A_1116 {offsets = [0, 0], sizes = [512, 128], strides = [1, 1]} : vector<512x512xf32> to vector<512x128xf32>
      %logistic3A_1118 = arith.negf %slice3A_1117 : vector<512x128xf32>
      %logistic3A_1119 = math.exp %logistic3A_1118 : vector<512x128xf32>
      %logistic3A_1120 = arith.constant 1.000000e+00 : f32
      %logistic3A_1121 = vector.broadcast %logistic3A_1120 : f32 to vector<512x128xf32>
      %logistic3A_1122 = arith.addf %logistic3A_1121, %logistic3A_1119 : vector<512x128xf32>
      %logistic3A_1123 = arith.divf %logistic3A_1121, %logistic3A_1122 : vector<512x128xf32>
      %slice3A_1124 = vector.extract_strided_slice %add3A_1116 {offsets = [0, 128], sizes = [512, 128], strides = [1, 1]} : vector<512x512xf32> to vector<512x128xf32>
      %logistic3A_1125 = arith.negf %slice3A_1124 : vector<512x128xf32>
      %logistic3A_1126 = math.exp %logistic3A_1125 : vector<512x128xf32>
      %logistic3A_1127 = arith.constant 1.000000e+00 : f32
      %logistic3A_1128 = vector.broadcast %logistic3A_1127 : f32 to vector<512x128xf32>
      %logistic3A_1129 = arith.addf %logistic3A_1128, %logistic3A_1126 : vector<512x128xf32>
      %logistic3A_1130 = arith.divf %logistic3A_1128, %logistic3A_1129 : vector<512x128xf32>
      %slice3A_1131 = vector.extract_strided_slice %add3A_1116 {offsets = [0, 256], sizes = [512, 128], strides = [1, 1]} : vector<512x512xf32> to vector<512x128xf32>
      %tanh3A_1132 = math.tanh %slice3A_1131 : vector<512x128xf32>
      %slice3A_1133 = vector.extract_strided_slice %add3A_1116 {offsets = [0, 384], sizes = [512, 128], strides = [1, 1]} : vector<512x512xf32> to vector<512x128xf32>
      %logistic3A_1134 = arith.negf %slice3A_1133 : vector<512x128xf32>
      %logistic3A_1135 = math.exp %logistic3A_1134 : vector<512x128xf32>
      %logistic3A_1136 = arith.constant 1.000000e+00 : f32
      %logistic3A_1137 = vector.broadcast %logistic3A_1136 : f32 to vector<512x128xf32>
      %logistic3A_1138 = arith.addf %logistic3A_1137, %logistic3A_1135 : vector<512x128xf32>
      %logistic3A_1139 = arith.divf %logistic3A_1137, %logistic3A_1138 : vector<512x128xf32>
      %mul3A_1140 = arith.mulf %logistic3A_1130, %select_n3A_1064 : vector<512x128xf32>
      %mul3A_1141 = arith.mulf %logistic3A_1123, %tanh3A_1132 : vector<512x128xf32>
      %add3A_1142 = arith.addf %mul3A_1140, %mul3A_1141 : vector<512x128xf32>
      %tanh3A_1143 = math.tanh %add3A_1142 : vector<512x128xf32>
      %mul3A_1144 = arith.mulf %logistic3A_1139, %tanh3A_1143 : vector<512x128xf32>
      %broadcast_in_dim3A_1145 = vector.broadcast %add3A_1068 : i32 to vector<512x128xi32>
      %broadcast_in_dim3A_1146 = vector.broadcast %sub3A_1070 : i32 to vector<512x128xi32>
      %select_n3A_1147 = arith.select %lt3A_9, %broadcast_in_dim3A_1145, %broadcast_in_dim3A_1146 : vector<512x128xi1>, vector<512x128xi32>
      %gt3A_1148 = vector.broadcast %get3A_1 : vector<512x1xi32> to vector<512x128xi32>
      %gt3A_1149 = arith.cmpi sgt, %gt3A_1148, %select_n3A_1147 : vector<512x128xi32>
      %jit3A_1150 = arith.constant 0.000000e+00 : f32
      %broadcast_in_dim3A_1151 = vector.broadcast %jit3A_1150 : f32 to vector<512x128xf32>
      %select_n3A_1152 = arith.select %gt3A_1149, %mul3A_1144, %broadcast_in_dim3A_1151 : vector<512x128xi1>, vector<512x128xf32>
      %slice3A_1153 = vector.extract_strided_slice %select_n3A_1152 {offsets = [0, 0], sizes = [512, 64], strides = [1, 1]} : vector<512x128xf32> to vector<512x64xf32>
      %swap3A_1154 = arith.index_cast %add3A_1068 : i32 to index
      %swap3A_1155 = arith.constant 0 : index
      %swap3A_1156 = arith.constant 0 : index
      %swap3A_1157 = vector.load %arg9[%swap3A_1154, %swap3A_1155, %swap3A_1156] : memref<50x512x128xf32, #tpu.memory_space<vmem>>, vector<1x512x64xf32>
      %swap3A_1158 = vector.shape_cast %swap3A_1157 : vector<1x512x64xf32> to vector<512x64xf32>
      %swap3A_1159 = vector.shape_cast %slice3A_1153 : vector<512x64xf32> to vector<1x512x64xf32>
      tpu.vector_store %arg9[%swap3A_1154, %swap3A_1155, %swap3A_1156], %swap3A_1159 {strides = array<i32>} : memref<50x512x128xf32, #tpu.memory_space<vmem>>, vector<1x512x64xf32>,
      %slice3A_1160 = vector.extract_strided_slice %select_n3A_1152 {offsets = [0, 64], sizes = [512, 64], strides = [1, 1]} : vector<512x128xf32> to vector<512x64xf32>
      %swap3A_1161 = arith.index_cast %sub3A_1070 : i32 to index
      %swap3A_1162 = arith.constant 0 : index
      %swap3A_1163 = arith.constant 64 : index
      %swap3A_1164 = vector.load %arg9[%swap3A_1161, %swap3A_1162, %swap3A_1163] : memref<50x512x128xf32, #tpu.memory_space<vmem>>, vector<1x512x64xf32>
      %swap3A_1165 = vector.shape_cast %swap3A_1164 : vector<1x512x64xf32> to vector<512x64xf32>
      %swap3A_1166 = vector.shape_cast %slice3A_1160 : vector<512x64xf32> to vector<1x512x64xf32>
      tpu.vector_store %arg9[%swap3A_1161, %swap3A_1162, %swap3A_1163], %swap3A_1166 {strides = array<i32>} : memref<50x512x128xf32, #tpu.memory_space<vmem>>, vector<1x512x64xf32>,
      %select_n3A_1167 = arith.select %gt3A_1149, %mul3A_1144, %select_n3A_1063 : vector<512x128xi1>, vector<512x128xf32>
      %select_n3A_1168 = arith.select %gt3A_1149, %add3A_1142, %select_n3A_1064 : vector<512x128xi1>, vector<512x128xf32>
      %mul3A_1169 = arith.constant 25 : i32
      %mul3A_1170 = arith.muli %mul3A_1169, %scan3A_32 : i32
      %add3A_1171 = arith.constant 11 : i32
      %add3A_1172 = arith.addi %mul3A_1170, %add3A_1171 : i32
      %sub3A_1173 = arith.constant 49 : i32
      %sub3A_1174 = arith.subi %sub3A_1173, %add3A_1172 : i32
      %get3A_1175 = arith.index_cast %add3A_1172 : i32 to index
      %get3A_1176 = arith.constant 0 : index
      %get3A_1177 = arith.constant 0 : index
      %get3A_1178 = vector.load %arg1[%get3A_1175, %get3A_1176, %get3A_1177] : memref<50x512x128xf32, #tpu.memory_space<vmem>>, vector<1x512x128xf32>
      %get3A_1179 = vector.shape_cast %get3A_1178 : vector<1x512x128xf32> to vector<512x128xf32>
      %get3A_1180 = arith.index_cast %add3A_1172 : i32 to index
      %get3A_1181 = arith.constant 0 : index
      %get3A_1182 = arith.constant 0 : index
      %get3A_1183 = vector.load %arg2[%get3A_1180, %get3A_1181, %get3A_1182] : memref<50x512x1xi8, #tpu.memory_space<vmem>>, vector<1x512x1xi8>
      %get3A_1184 = vector.shape_cast %get3A_1183 : vector<1x512x1xi8> to vector<512x1xi8>
      %ne3A_1185 = arith.constant 0 : i8
      %ne3A_1186 = vector.broadcast %ne3A_1185 : i8 to vector<512x1xi8>
      %ne3A_1187 = arith.cmpi ne, %get3A_1184, %ne3A_1186 : vector<512x1xi8>
      %slice3A_1188 = vector.extract_strided_slice %get3A_1179 {offsets = [0, 64], sizes = [512, 64], strides = [1, 1]} : vector<512x128xf32> to vector<512x64xf32>
      %slice3A_1189 = vector.extract_strided_slice %get3A_1179 {offsets = [0, 0], sizes = [512, 64], strides = [1, 1]} : vector<512x128xf32> to vector<512x64xf32>
      %broadcast_in_dim3A_1190 = vector.shape_cast %ne3A_1187 : vector<512x1xi1> to vector<512x1xi1>
      %broadcast_in_dim3A_1191 = vector.broadcast %broadcast_in_dim3A_1190 : vector<512x1xi1> to vector<512x64xi1>
      %select_n3A_1192 = arith.select %broadcast_in_dim3A_1191, %slice3A_1188, %slice3A_1189 : vector<512x64xi1>, vector<512x64xf32>
      %get3A_1193 = arith.index_cast %sub3A_1174 : i32 to index
      %get3A_1194 = arith.constant 0 : index
      %get3A_1195 = arith.constant 0 : index
      %get3A_1196 = vector.load %arg1[%get3A_1193, %get3A_1194, %get3A_1195] : memref<50x512x128xf32, #tpu.memory_space<vmem>>, vector<1x512x128xf32>
      %get3A_1197 = vector.shape_cast %get3A_1196 : vector<1x512x128xf32> to vector<512x128xf32>
      %get3A_1198 = arith.index_cast %sub3A_1174 : i32 to index
      %get3A_1199 = arith.constant 0 : index
      %get3A_1200 = arith.constant 0 : index
      %get3A_1201 = vector.load %arg2[%get3A_1198, %get3A_1199, %get3A_1200] : memref<50x512x1xi8, #tpu.memory_space<vmem>>, vector<1x512x1xi8>
      %get3A_1202 = vector.shape_cast %get3A_1201 : vector<1x512x1xi8> to vector<512x1xi8>
      %ne3A_1203 = arith.constant 0 : i8
      %ne3A_1204 = vector.broadcast %ne3A_1203 : i8 to vector<512x1xi8>
      %ne3A_1205 = arith.cmpi ne, %get3A_1202, %ne3A_1204 : vector<512x1xi8>
      %slice3A_1206 = vector.extract_strided_slice %get3A_1197 {offsets = [0, 64], sizes = [512, 64], strides = [1, 1]} : vector<512x128xf32> to vector<512x64xf32>
      %slice3A_1207 = vector.extract_strided_slice %get3A_1197 {offsets = [0, 0], sizes = [512, 64], strides = [1, 1]} : vector<512x128xf32> to vector<512x64xf32>
      %broadcast_in_dim3A_1208 = vector.shape_cast %ne3A_1205 : vector<512x1xi1> to vector<512x1xi1>
      %broadcast_in_dim3A_1209 = vector.broadcast %broadcast_in_dim3A_1208 : vector<512x1xi1> to vector<512x64xi1>
      %select_n3A_1210 = arith.select %broadcast_in_dim3A_1209, %slice3A_1206, %slice3A_1207 : vector<512x64xi1>, vector<512x64xf32>
      %concatenate3A_1211 = tpu.concatenate %select_n3A_1192, %select_n3A_1210 in 1 : vector<512x64xf32>, vector<512x64xf32> -> vector<512x128xf32>
      %slice3A_1212 = vector.extract_strided_slice %get3A_4 {offsets = [0, 0], sizes = [128, 512], strides = [1, 1]} : vector<256x512xf32> to vector<128x512xf32>
      %dot_general3A_1213 = arith.constant dense<0.000000e+00> : vector<512x512xf32>
      %dot_general3A_1214 = tpu.matmul %concatenate3A_1211, %slice3A_1212, %dot_general3A_1213 {dimension_numbers = #tpu.dot_dimension_numbers<[1], [0], [0], [1], [0, 0, 1, 1], [], []>, transpose_lhs_hint = false} : vector<512x128xf32>, vector<128x512xf32>, vector<512x512xf32> -> vector<512x512xf32>
      %slice3A_1215 = vector.extract_strided_slice %get3A_4 {offsets = [128, 0], sizes = [128, 512], strides = [1, 1]} : vector<256x512xf32> to vector<128x512xf32>
      %dot_general3A_1216 = arith.constant dense<0.000000e+00> : vector<512x512xf32>
      %dot_general3A_1217 = tpu.matmul %select_n3A_1167, %slice3A_1215, %dot_general3A_1216 {dimension_numbers = #tpu.dot_dimension_numbers<[1], [0], [0], [1], [0, 0, 1, 1], [], []>, transpose_lhs_hint = false} : vector<512x128xf32>, vector<128x512xf32>, vector<512x512xf32> -> vector<512x512xf32>
      %add3A_1218 = arith.addf %dot_general3A_1214, %dot_general3A_1217 : vector<512x512xf32>
      %add3A_1219 = vector.broadcast %get3A_7 : vector<1x512xf32> to vector<512x512xf32>
      %add3A_1220 = arith.addf %add3A_1218, %add3A_1219 : vector<512x512xf32>
      %slice3A_1221 = vector.extract_strided_slice %add3A_1220 {offsets = [0, 0], sizes = [512, 128], strides = [1, 1]} : vector<512x512xf32> to vector<512x128xf32>
      %logistic3A_1222 = arith.negf %slice3A_1221 : vector<512x128xf32>
      %logistic3A_1223 = math.exp %logistic3A_1222 : vector<512x128xf32>
      %logistic3A_1224 = arith.constant 1.000000e+00 : f32
      %logistic3A_1225 = vector.broadcast %logistic3A_1224 : f32 to vector<512x128xf32>
      %logistic3A_1226 = arith.addf %logistic3A_1225, %logistic3A_1223 : vector<512x128xf32>
      %logistic3A_1227 = arith.divf %logistic3A_1225, %logistic3A_1226 : vector<512x128xf32>
      %slice3A_1228 = vector.extract_strided_slice %add3A_1220 {offsets = [0, 128], sizes = [512, 128], strides = [1, 1]} : vector<512x512xf32> to vector<512x128xf32>
      %logistic3A_1229 = arith.negf %slice3A_1228 : vector<512x128xf32>
      %logistic3A_1230 = math.exp %logistic3A_1229 : vector<512x128xf32>
      %logistic3A_1231 = arith.constant 1.000000e+00 : f32
      %logistic3A_1232 = vector.broadcast %logistic3A_1231 : f32 to vector<512x128xf32>
      %logistic3A_1233 = arith.addf %logistic3A_1232, %logistic3A_1230 : vector<512x128xf32>
      %logistic3A_1234 = arith.divf %logistic3A_1232, %logistic3A_1233 : vector<512x128xf32>
      %slice3A_1235 = vector.extract_strided_slice %add3A_1220 {offsets = [0, 256], sizes = [512, 128], strides = [1, 1]} : vector<512x512xf32> to vector<512x128xf32>
      %tanh3A_1236 = math.tanh %slice3A_1235 : vector<512x128xf32>
      %slice3A_1237 = vector.extract_strided_slice %add3A_1220 {offsets = [0, 384], sizes = [512, 128], strides = [1, 1]} : vector<512x512xf32> to vector<512x128xf32>
      %logistic3A_1238 = arith.negf %slice3A_1237 : vector<512x128xf32>
      %logistic3A_1239 = math.exp %logistic3A_1238 : vector<512x128xf32>
      %logistic3A_1240 = arith.constant 1.000000e+00 : f32
      %logistic3A_1241 = vector.broadcast %logistic3A_1240 : f32 to vector<512x128xf32>
      %logistic3A_1242 = arith.addf %logistic3A_1241, %logistic3A_1239 : vector<512x128xf32>
      %logistic3A_1243 = arith.divf %logistic3A_1241, %logistic3A_1242 : vector<512x128xf32>
      %mul3A_1244 = arith.mulf %logistic3A_1234, %select_n3A_1168 : vector<512x128xf32>
      %mul3A_1245 = arith.mulf %logistic3A_1227, %tanh3A_1236 : vector<512x128xf32>
      %add3A_1246 = arith.addf %mul3A_1244, %mul3A_1245 : vector<512x128xf32>
      %tanh3A_1247 = math.tanh %add3A_1246 : vector<512x128xf32>
      %mul3A_1248 = arith.mulf %logistic3A_1243, %tanh3A_1247 : vector<512x128xf32>
      %broadcast_in_dim3A_1249 = vector.broadcast %add3A_1172 : i32 to vector<512x128xi32>
      %broadcast_in_dim3A_1250 = vector.broadcast %sub3A_1174 : i32 to vector<512x128xi32>
      %select_n3A_1251 = arith.select %lt3A_9, %broadcast_in_dim3A_1249, %broadcast_in_dim3A_1250 : vector<512x128xi1>, vector<512x128xi32>
      %gt3A_1252 = vector.broadcast %get3A_1 : vector<512x1xi32> to vector<512x128xi32>
      %gt3A_1253 = arith.cmpi sgt, %gt3A_1252, %select_n3A_1251 : vector<512x128xi32>
      %jit3A_1254 = arith.constant 0.000000e+00 : f32
      %broadcast_in_dim3A_1255 = vector.broadcast %jit3A_1254 : f32 to vector<512x128xf32>
      %select_n3A_1256 = arith.select %gt3A_1253, %mul3A_1248, %broadcast_in_dim3A_1255 : vector<512x128xi1>, vector<512x128xf32>
      %slice3A_1257 = vector.extract_strided_slice %select_n3A_1256 {offsets = [0, 0], sizes = [512, 64], strides = [1, 1]} : vector<512x128xf32> to vector<512x64xf32>
      %swap3A_1258 = arith.index_cast %add3A_1172 : i32 to index
      %swap3A_1259 = arith.constant 0 : index
      %swap3A_1260 = arith.constant 0 : index
      %swap3A_1261 = vector.load %arg9[%swap3A_1258, %swap3A_1259, %swap3A_1260] : memref<50x512x128xf32, #tpu.memory_space<vmem>>, vector<1x512x64xf32>
      %swap3A_1262 = vector.shape_cast %swap3A_1261 : vector<1x512x64xf32> to vector<512x64xf32>
      %swap3A_1263 = vector.shape_cast %slice3A_1257 : vector<512x64xf32> to vector<1x512x64xf32>
      tpu.vector_store %arg9[%swap3A_1258, %swap3A_1259, %swap3A_1260], %swap3A_1263 {strides = array<i32>} : memref<50x512x128xf32, #tpu.memory_space<vmem>>, vector<1x512x64xf32>,
      %slice3A_1264 = vector.extract_strided_slice %select_n3A_1256 {offsets = [0, 64], sizes = [512, 64], strides = [1, 1]} : vector<512x128xf32> to vector<512x64xf32>
      %swap3A_1265 = arith.index_cast %sub3A_1174 : i32 to index
      %swap3A_1266 = arith.constant 0 : index
      %swap3A_1267 = arith.constant 64 : index
      %swap3A_1268 = vector.load %arg9[%swap3A_1265, %swap3A_1266, %swap3A_1267] : memref<50x512x128xf32, #tpu.memory_space<vmem>>, vector<1x512x64xf32>
      %swap3A_1269 = vector.shape_cast %swap3A_1268 : vector<1x512x64xf32> to vector<512x64xf32>
      %swap3A_1270 = vector.shape_cast %slice3A_1264 : vector<512x64xf32> to vector<1x512x64xf32>
      tpu.vector_store %arg9[%swap3A_1265, %swap3A_1266, %swap3A_1267], %swap3A_1270 {strides = array<i32>} : memref<50x512x128xf32, #tpu.memory_space<vmem>>, vector<1x512x64xf32>,
      %select_n3A_1271 = arith.select %gt3A_1253, %mul3A_1248, %select_n3A_1167 : vector<512x128xi1>, vector<512x128xf32>
      %select_n3A_1272 = arith.select %gt3A_1253, %add3A_1246, %select_n3A_1168 : vector<512x128xi1>, vector<512x128xf32>
      %mul3A_1273 = arith.constant 25 : i32
      %mul3A_1274 = arith.muli %mul3A_1273, %scan3A_32 : i32
      %add3A_1275 = arith.constant 12 : i32
      %add3A_1276 = arith.addi %mul3A_1274, %add3A_1275 : i32
      %sub3A_1277 = arith.constant 49 : i32
      %sub3A_1278 = arith.subi %sub3A_1277, %add3A_1276 : i32
      %get3A_1279 = arith.index_cast %add3A_1276 : i32 to index
      %get3A_1280 = arith.constant 0 : index
      %get3A_1281 = arith.constant 0 : index
      %get3A_1282 = vector.load %arg1[%get3A_1279, %get3A_1280, %get3A_1281] : memref<50x512x128xf32, #tpu.memory_space<vmem>>, vector<1x512x128xf32>
      %get3A_1283 = vector.shape_cast %get3A_1282 : vector<1x512x128xf32> to vector<512x128xf32>
      %get3A_1284 = arith.index_cast %add3A_1276 : i32 to index
      %get3A_1285 = arith.constant 0 : index
      %get3A_1286 = arith.constant 0 : index
      %get3A_1287 = vector.load %arg2[%get3A_1284, %get3A_1285, %get3A_1286] : memref<50x512x1xi8, #tpu.memory_space<vmem>>, vector<1x512x1xi8>
      %get3A_1288 = vector.shape_cast %get3A_1287 : vector<1x512x1xi8> to vector<512x1xi8>
      %ne3A_1289 = arith.constant 0 : i8
      %ne3A_1290 = vector.broadcast %ne3A_1289 : i8 to vector<512x1xi8>
      %ne3A_1291 = arith.cmpi ne, %get3A_1288, %ne3A_1290 : vector<512x1xi8>
      %slice3A_1292 = vector.extract_strided_slice %get3A_1283 {offsets = [0, 64], sizes = [512, 64], strides = [1, 1]} : vector<512x128xf32> to vector<512x64xf32>
      %slice3A_1293 = vector.extract_strided_slice %get3A_1283 {offsets = [0, 0], sizes = [512, 64], strides = [1, 1]} : vector<512x128xf32> to vector<512x64xf32>
      %broadcast_in_dim3A_1294 = vector.shape_cast %ne3A_1291 : vector<512x1xi1> to vector<512x1xi1>
      %broadcast_in_dim3A_1295 = vector.broadcast %broadcast_in_dim3A_1294 : vector<512x1xi1> to vector<512x64xi1>
      %select_n3A_1296 = arith.select %broadcast_in_dim3A_1295, %slice3A_1292, %slice3A_1293 : vector<512x64xi1>, vector<512x64xf32>
      %get3A_1297 = arith.index_cast %sub3A_1278 : i32 to index
      %get3A_1298 = arith.constant 0 : index
      %get3A_1299 = arith.constant 0 : index
      %get3A_1300 = vector.load %arg1[%get3A_1297, %get3A_1298, %get3A_1299] : memref<50x512x128xf32, #tpu.memory_space<vmem>>, vector<1x512x128xf32>
      %get3A_1301 = vector.shape_cast %get3A_1300 : vector<1x512x128xf32> to vector<512x128xf32>
      %get3A_1302 = arith.index_cast %sub3A_1278 : i32 to index
      %get3A_1303 = arith.constant 0 : index
      %get3A_1304 = arith.constant 0 : index
      %get3A_1305 = vector.load %arg2[%get3A_1302, %get3A_1303, %get3A_1304] : memref<50x512x1xi8, #tpu.memory_space<vmem>>, vector<1x512x1xi8>
      %get3A_1306 = vector.shape_cast %get3A_1305 : vector<1x512x1xi8> to vector<512x1xi8>
      %ne3A_1307 = arith.constant 0 : i8
      %ne3A_1308 = vector.broadcast %ne3A_1307 : i8 to vector<512x1xi8>
      %ne3A_1309 = arith.cmpi ne, %get3A_1306, %ne3A_1308 : vector<512x1xi8>
      %slice3A_1310 = vector.extract_strided_slice %get3A_1301 {offsets = [0, 64], sizes = [512, 64], strides = [1, 1]} : vector<512x128xf32> to vector<512x64xf32>
      %slice3A_1311 = vector.extract_strided_slice %get3A_1301 {offsets = [0, 0], sizes = [512, 64], strides = [1, 1]} : vector<512x128xf32> to vector<512x64xf32>
      %broadcast_in_dim3A_1312 = vector.shape_cast %ne3A_1309 : vector<512x1xi1> to vector<512x1xi1>
      %broadcast_in_dim3A_1313 = vector.broadcast %broadcast_in_dim3A_1312 : vector<512x1xi1> to vector<512x64xi1>
      %select_n3A_1314 = arith.select %broadcast_in_dim3A_1313, %slice3A_1310, %slice3A_1311 : vector<512x64xi1>, vector<512x64xf32>
      %concatenate3A_1315 = tpu.concatenate %select_n3A_1296, %select_n3A_1314 in 1 : vector<512x64xf32>, vector<512x64xf32> -> vector<512x128xf32>
      %slice3A_1316 = vector.extract_strided_slice %get3A_4 {offsets = [0, 0], sizes = [128, 512], strides = [1, 1]} : vector<256x512xf32> to vector<128x512xf32>
      %dot_general3A_1317 = arith.constant dense<0.000000e+00> : vector<512x512xf32>
      %dot_general3A_1318 = tpu.matmul %concatenate3A_1315, %slice3A_1316, %dot_general3A_1317 {dimension_numbers = #tpu.dot_dimension_numbers<[1], [0], [0], [1], [0, 0, 1, 1], [], []>, transpose_lhs_hint = false} : vector<512x128xf32>, vector<128x512xf32>, vector<512x512xf32> -> vector<512x512xf32>
      %slice3A_1319 = vector.extract_strided_slice %get3A_4 {offsets = [128, 0], sizes = [128, 512], strides = [1, 1]} : vector<256x512xf32> to vector<128x512xf32>
      %dot_general3A_1320 = arith.constant dense<0.000000e+00> : vector<512x512xf32>
      %dot_general3A_1321 = tpu.matmul %select_n3A_1271, %slice3A_1319, %dot_general3A_1320 {dimension_numbers = #tpu.dot_dimension_numbers<[1], [0], [0], [1], [0, 0, 1, 1], [], []>, transpose_lhs_hint = false} : vector<512x128xf32>, vector<128x512xf32>, vector<512x512xf32> -> vector<512x512xf32>
      %add3A_1322 = arith.addf %dot_general3A_1318, %dot_general3A_1321 : vector<512x512xf32>
      %add3A_1323 = vector.broadcast %get3A_7 : vector<1x512xf32> to vector<512x512xf32>
      %add3A_1324 = arith.addf %add3A_1322, %add3A_1323 : vector<512x512xf32>
      %slice3A_1325 = vector.extract_strided_slice %add3A_1324 {offsets = [0, 0], sizes = [512, 128], strides = [1, 1]} : vector<512x512xf32> to vector<512x128xf32>
      %logistic3A_1326 = arith.negf %slice3A_1325 : vector<512x128xf32>
      %logistic3A_1327 = math.exp %logistic3A_1326 : vector<512x128xf32>
      %logistic3A_1328 = arith.constant 1.000000e+00 : f32
      %logistic3A_1329 = vector.broadcast %logistic3A_1328 : f32 to vector<512x128xf32>
      %logistic3A_1330 = arith.addf %logistic3A_1329, %logistic3A_1327 : vector<512x128xf32>
      %logistic3A_1331 = arith.divf %logistic3A_1329, %logistic3A_1330 : vector<512x128xf32>
      %slice3A_1332 = vector.extract_strided_slice %add3A_1324 {offsets = [0, 128], sizes = [512, 128], strides = [1, 1]} : vector<512x512xf32> to vector<512x128xf32>
      %logistic3A_1333 = arith.negf %slice3A_1332 : vector<512x128xf32>
      %logistic3A_1334 = math.exp %logistic3A_1333 : vector<512x128xf32>
      %logistic3A_1335 = arith.constant 1.000000e+00 : f32
      %logistic3A_1336 = vector.broadcast %logistic3A_1335 : f32 to vector<512x128xf32>
      %logistic3A_1337 = arith.addf %logistic3A_1336, %logistic3A_1334 : vector<512x128xf32>
      %logistic3A_1338 = arith.divf %logistic3A_1336, %logistic3A_1337 : vector<512x128xf32>
      %slice3A_1339 = vector.extract_strided_slice %add3A_1324 {offsets = [0, 256], sizes = [512, 128], strides = [1, 1]} : vector<512x512xf32> to vector<512x128xf32>
      %tanh3A_1340 = math.tanh %slice3A_1339 : vector<512x128xf32>
      %slice3A_1341 = vector.extract_strided_slice %add3A_1324 {offsets = [0, 384], sizes = [512, 128], strides = [1, 1]} : vector<512x512xf32> to vector<512x128xf32>
      %logistic3A_1342 = arith.negf %slice3A_1341 : vector<512x128xf32>
      %logistic3A_1343 = math.exp %logistic3A_1342 : vector<512x128xf32>
      %logistic3A_1344 = arith.constant 1.000000e+00 : f32
      %logistic3A_1345 = vector.broadcast %logistic3A_1344 : f32 to vector<512x128xf32>
      %logistic3A_1346 = arith.addf %logistic3A_1345, %logistic3A_1343 : vector<512x128xf32>
      %logistic3A_1347 = arith.divf %logistic3A_1345, %logistic3A_1346 : vector<512x128xf32>
      %mul3A_1348 = arith.mulf %logistic3A_1338, %select_n3A_1272 : vector<512x128xf32>
      %mul3A_1349 = arith.mulf %logistic3A_1331, %tanh3A_1340 : vector<512x128xf32>
      %add3A_1350 = arith.addf %mul3A_1348, %mul3A_1349 : vector<512x128xf32>
      %tanh3A_1351 = math.tanh %add3A_1350 : vector<512x128xf32>
      %mul3A_1352 = arith.mulf %logistic3A_1347, %tanh3A_1351 : vector<512x128xf32>
      %broadcast_in_dim3A_1353 = vector.broadcast %add3A_1276 : i32 to vector<512x128xi32>
      %broadcast_in_dim3A_1354 = vector.broadcast %sub3A_1278 : i32 to vector<512x128xi32>
      %select_n3A_1355 = arith.select %lt3A_9, %broadcast_in_dim3A_1353, %broadcast_in_dim3A_1354 : vector<512x128xi1>, vector<512x128xi32>
      %gt3A_1356 = vector.broadcast %get3A_1 : vector<512x1xi32> to vector<512x128xi32>
      %gt3A_1357 = arith.cmpi sgt, %gt3A_1356, %select_n3A_1355 : vector<512x128xi32>
      %jit3A_1358 = arith.constant 0.000000e+00 : f32
      %broadcast_in_dim3A_1359 = vector.broadcast %jit3A_1358 : f32 to vector<512x128xf32>
      %select_n3A_1360 = arith.select %gt3A_1357, %mul3A_1352, %broadcast_in_dim3A_1359 : vector<512x128xi1>, vector<512x128xf32>
      %slice3A_1361 = vector.extract_strided_slice %select_n3A_1360 {offsets = [0, 0], sizes = [512, 64], strides = [1, 1]} : vector<512x128xf32> to vector<512x64xf32>
      %swap3A_1362 = arith.index_cast %add3A_1276 : i32 to index
      %swap3A_1363 = arith.constant 0 : index
      %swap3A_1364 = arith.constant 0 : index
      %swap3A_1365 = vector.load %arg9[%swap3A_1362, %swap3A_1363, %swap3A_1364] : memref<50x512x128xf32, #tpu.memory_space<vmem>>, vector<1x512x64xf32>
      %swap3A_1366 = vector.shape_cast %swap3A_1365 : vector<1x512x64xf32> to vector<512x64xf32>
      %swap3A_1367 = vector.shape_cast %slice3A_1361 : vector<512x64xf32> to vector<1x512x64xf32>
      tpu.vector_store %arg9[%swap3A_1362, %swap3A_1363, %swap3A_1364], %swap3A_1367 {strides = array<i32>} : memref<50x512x128xf32, #tpu.memory_space<vmem>>, vector<1x512x64xf32>,
      %slice3A_1368 = vector.extract_strided_slice %select_n3A_1360 {offsets = [0, 64], sizes = [512, 64], strides = [1, 1]} : vector<512x128xf32> to vector<512x64xf32>
      %swap3A_1369 = arith.index_cast %sub3A_1278 : i32 to index
      %swap3A_1370 = arith.constant 0 : index
      %swap3A_1371 = arith.constant 64 : index
      %swap3A_1372 = vector.load %arg9[%swap3A_1369, %swap3A_1370, %swap3A_1371] : memref<50x512x128xf32, #tpu.memory_space<vmem>>, vector<1x512x64xf32>
      %swap3A_1373 = vector.shape_cast %swap3A_1372 : vector<1x512x64xf32> to vector<512x64xf32>
      %swap3A_1374 = vector.shape_cast %slice3A_1368 : vector<512x64xf32> to vector<1x512x64xf32>
      tpu.vector_store %arg9[%swap3A_1369, %swap3A_1370, %swap3A_1371], %swap3A_1374 {strides = array<i32>} : memref<50x512x128xf32, #tpu.memory_space<vmem>>, vector<1x512x64xf32>,
      %select_n3A_1375 = arith.select %gt3A_1357, %mul3A_1352, %select_n3A_1271 : vector<512x128xi1>, vector<512x128xf32>
      %select_n3A_1376 = arith.select %gt3A_1357, %add3A_1350, %select_n3A_1272 : vector<512x128xi1>, vector<512x128xf32>
      %mul3A_1377 = arith.constant 25 : i32
      %mul3A_1378 = arith.muli %mul3A_1377, %scan3A_32 : i32
      %add3A_1379 = arith.constant 13 : i32
      %add3A_1380 = arith.addi %mul3A_1378, %add3A_1379 : i32
      %sub3A_1381 = arith.constant 49 : i32
      %sub3A_1382 = arith.subi %sub3A_1381, %add3A_1380 : i32
      %get3A_1383 = arith.index_cast %add3A_1380 : i32 to index
      %get3A_1384 = arith.constant 0 : index
      %get3A_1385 = arith.constant 0 : index
      %get3A_1386 = vector.load %arg1[%get3A_1383, %get3A_1384, %get3A_1385] : memref<50x512x128xf32, #tpu.memory_space<vmem>>, vector<1x512x128xf32>
      %get3A_1387 = vector.shape_cast %get3A_1386 : vector<1x512x128xf32> to vector<512x128xf32>
      %get3A_1388 = arith.index_cast %add3A_1380 : i32 to index
      %get3A_1389 = arith.constant 0 : index
      %get3A_1390 = arith.constant 0 : index
      %get3A_1391 = vector.load %arg2[%get3A_1388, %get3A_1389, %get3A_1390] : memref<50x512x1xi8, #tpu.memory_space<vmem>>, vector<1x512x1xi8>
      %get3A_1392 = vector.shape_cast %get3A_1391 : vector<1x512x1xi8> to vector<512x1xi8>
      %ne3A_1393 = arith.constant 0 : i8
      %ne3A_1394 = vector.broadcast %ne3A_1393 : i8 to vector<512x1xi8>
      %ne3A_1395 = arith.cmpi ne, %get3A_1392, %ne3A_1394 : vector<512x1xi8>
      %slice3A_1396 = vector.extract_strided_slice %get3A_1387 {offsets = [0, 64], sizes = [512, 64], strides = [1, 1]} : vector<512x128xf32> to vector<512x64xf32>
      %slice3A_1397 = vector.extract_strided_slice %get3A_1387 {offsets = [0, 0], sizes = [512, 64], strides = [1, 1]} : vector<512x128xf32> to vector<512x64xf32>
      %broadcast_in_dim3A_1398 = vector.shape_cast %ne3A_1395 : vector<512x1xi1> to vector<512x1xi1>
      %broadcast_in_dim3A_1399 = vector.broadcast %broadcast_in_dim3A_1398 : vector<512x1xi1> to vector<512x64xi1>
      %select_n3A_1400 = arith.select %broadcast_in_dim3A_1399, %slice3A_1396, %slice3A_1397 : vector<512x64xi1>, vector<512x64xf32>
      %get3A_1401 = arith.index_cast %sub3A_1382 : i32 to index
      %get3A_1402 = arith.constant 0 : index
      %get3A_1403 = arith.constant 0 : index
      %get3A_1404 = vector.load %arg1[%get3A_1401, %get3A_1402, %get3A_1403] : memref<50x512x128xf32, #tpu.memory_space<vmem>>, vector<1x512x128xf32>
      %get3A_1405 = vector.shape_cast %get3A_1404 : vector<1x512x128xf32> to vector<512x128xf32>
      %get3A_1406 = arith.index_cast %sub3A_1382 : i32 to index
      %get3A_1407 = arith.constant 0 : index
      %get3A_1408 = arith.constant 0 : index
      %get3A_1409 = vector.load %arg2[%get3A_1406, %get3A_1407, %get3A_1408] : memref<50x512x1xi8, #tpu.memory_space<vmem>>, vector<1x512x1xi8>
      %get3A_1410 = vector.shape_cast %get3A_1409 : vector<1x512x1xi8> to vector<512x1xi8>
      %ne3A_1411 = arith.constant 0 : i8
      %ne3A_1412 = vector.broadcast %ne3A_1411 : i8 to vector<512x1xi8>
      %ne3A_1413 = arith.cmpi ne, %get3A_1410, %ne3A_1412 : vector<512x1xi8>
      %slice3A_1414 = vector.extract_strided_slice %get3A_1405 {offsets = [0, 64], sizes = [512, 64], strides = [1, 1]} : vector<512x128xf32> to vector<512x64xf32>
      %slice3A_1415 = vector.extract_strided_slice %get3A_1405 {offsets = [0, 0], sizes = [512, 64], strides = [1, 1]} : vector<512x128xf32> to vector<512x64xf32>
      %broadcast_in_dim3A_1416 = vector.shape_cast %ne3A_1413 : vector<512x1xi1> to vector<512x1xi1>
      %broadcast_in_dim3A_1417 = vector.broadcast %broadcast_in_dim3A_1416 : vector<512x1xi1> to vector<512x64xi1>
      %select_n3A_1418 = arith.select %broadcast_in_dim3A_1417, %slice3A_1414, %slice3A_1415 : vector<512x64xi1>, vector<512x64xf32>
      %concatenate3A_1419 = tpu.concatenate %select_n3A_1400, %select_n3A_1418 in 1 : vector<512x64xf32>, vector<512x64xf32> -> vector<512x128xf32>
      %slice3A_1420 = vector.extract_strided_slice %get3A_4 {offsets = [0, 0], sizes = [128, 512], strides = [1, 1]} : vector<256x512xf32> to vector<128x512xf32>
      %dot_general3A_1421 = arith.constant dense<0.000000e+00> : vector<512x512xf32>
      %dot_general3A_1422 = tpu.matmul %concatenate3A_1419, %slice3A_1420, %dot_general3A_1421 {dimension_numbers = #tpu.dot_dimension_numbers<[1], [0], [0], [1], [0, 0, 1, 1], [], []>, transpose_lhs_hint = false} : vector<512x128xf32>, vector<128x512xf32>, vector<512x512xf32> -> vector<512x512xf32>
      %slice3A_1423 = vector.extract_strided_slice %get3A_4 {offsets = [128, 0], sizes = [128, 512], strides = [1, 1]} : vector<256x512xf32> to vector<128x512xf32>
      %dot_general3A_1424 = arith.constant dense<0.000000e+00> : vector<512x512xf32>
      %dot_general3A_1425 = tpu.matmul %select_n3A_1375, %slice3A_1423, %dot_general3A_1424 {dimension_numbers = #tpu.dot_dimension_numbers<[1], [0], [0], [1], [0, 0, 1, 1], [], []>, transpose_lhs_hint = false} : vector<512x128xf32>, vector<128x512xf32>, vector<512x512xf32> -> vector<512x512xf32>
      %add3A_1426 = arith.addf %dot_general3A_1422, %dot_general3A_1425 : vector<512x512xf32>
      %add3A_1427 = vector.broadcast %get3A_7 : vector<1x512xf32> to vector<512x512xf32>
      %add3A_1428 = arith.addf %add3A_1426, %add3A_1427 : vector<512x512xf32>
      %slice3A_1429 = vector.extract_strided_slice %add3A_1428 {offsets = [0, 0], sizes = [512, 128], strides = [1, 1]} : vector<512x512xf32> to vector<512x128xf32>
      %logistic3A_1430 = arith.negf %slice3A_1429 : vector<512x128xf32>
      %logistic3A_1431 = math.exp %logistic3A_1430 : vector<512x128xf32>
      %logistic3A_1432 = arith.constant 1.000000e+00 : f32
      %logistic3A_1433 = vector.broadcast %logistic3A_1432 : f32 to vector<512x128xf32>
      %logistic3A_1434 = arith.addf %logistic3A_1433, %logistic3A_1431 : vector<512x128xf32>
      %logistic3A_1435 = arith.divf %logistic3A_1433, %logistic3A_1434 : vector<512x128xf32>
      %slice3A_1436 = vector.extract_strided_slice %add3A_1428 {offsets = [0, 128], sizes = [512, 128], strides = [1, 1]} : vector<512x512xf32> to vector<512x128xf32>
      %logistic3A_1437 = arith.negf %slice3A_1436 : vector<512x128xf32>
      %logistic3A_1438 = math.exp %logistic3A_1437 : vector<512x128xf32>
      %logistic3A_1439 = arith.constant 1.000000e+00 : f32
      %logistic3A_1440 = vector.broadcast %logistic3A_1439 : f32 to vector<512x128xf32>
      %logistic3A_1441 = arith.addf %logistic3A_1440, %logistic3A_1438 : vector<512x128xf32>
      %logistic3A_1442 = arith.divf %logistic3A_1440, %logistic3A_1441 : vector<512x128xf32>
      %slice3A_1443 = vector.extract_strided_slice %add3A_1428 {offsets = [0, 256], sizes = [512, 128], strides = [1, 1]} : vector<512x512xf32> to vector<512x128xf32>
      %tanh3A_1444 = math.tanh %slice3A_1443 : vector<512x128xf32>
      %slice3A_1445 = vector.extract_strided_slice %add3A_1428 {offsets = [0, 384], sizes = [512, 128], strides = [1, 1]} : vector<512x512xf32> to vector<512x128xf32>
      %logistic3A_1446 = arith.negf %slice3A_1445 : vector<512x128xf32>
      %logistic3A_1447 = math.exp %logistic3A_1446 : vector<512x128xf32>
      %logistic3A_1448 = arith.constant 1.000000e+00 : f32
      %logistic3A_1449 = vector.broadcast %logistic3A_1448 : f32 to vector<512x128xf32>
      %logistic3A_1450 = arith.addf %logistic3A_1449, %logistic3A_1447 : vector<512x128xf32>
      %logistic3A_1451 = arith.divf %logistic3A_1449, %logistic3A_1450 : vector<512x128xf32>
      %mul3A_1452 = arith.mulf %logistic3A_1442, %select_n3A_1376 : vector<512x128xf32>
      %mul3A_1453 = arith.mulf %logistic3A_1435, %tanh3A_1444 : vector<512x128xf32>
      %add3A_1454 = arith.addf %mul3A_1452, %mul3A_1453 : vector<512x128xf32>
      %tanh3A_1455 = math.tanh %add3A_1454 : vector<512x128xf32>
      %mul3A_1456 = arith.mulf %logistic3A_1451, %tanh3A_1455 : vector<512x128xf32>
      %broadcast_in_dim3A_1457 = vector.broadcast %add3A_1380 : i32 to vector<512x128xi32>
      %broadcast_in_dim3A_1458 = vector.broadcast %sub3A_1382 : i32 to vector<512x128xi32>
      %select_n3A_1459 = arith.select %lt3A_9, %broadcast_in_dim3A_1457, %broadcast_in_dim3A_1458 : vector<512x128xi1>, vector<512x128xi32>
      %gt3A_1460 = vector.broadcast %get3A_1 : vector<512x1xi32> to vector<512x128xi32>
      %gt3A_1461 = arith.cmpi sgt, %gt3A_1460, %select_n3A_1459 : vector<512x128xi32>
      %jit3A_1462 = arith.constant 0.000000e+00 : f32
      %broadcast_in_dim3A_1463 = vector.broadcast %jit3A_1462 : f32 to vector<512x128xf32>
      %select_n3A_1464 = arith.select %gt3A_1461, %mul3A_1456, %broadcast_in_dim3A_1463 : vector<512x128xi1>, vector<512x128xf32>
      %slice3A_1465 = vector.extract_strided_slice %select_n3A_1464 {offsets = [0, 0], sizes = [512, 64], strides = [1, 1]} : vector<512x128xf32> to vector<512x64xf32>
      %swap3A_1466 = arith.index_cast %add3A_1380 : i32 to index
      %swap3A_1467 = arith.constant 0 : index
      %swap3A_1468 = arith.constant 0 : index
      %swap3A_1469 = vector.load %arg9[%swap3A_1466, %swap3A_1467, %swap3A_1468] : memref<50x512x128xf32, #tpu.memory_space<vmem>>, vector<1x512x64xf32>
      %swap3A_1470 = vector.shape_cast %swap3A_1469 : vector<1x512x64xf32> to vector<512x64xf32>
      %swap3A_1471 = vector.shape_cast %slice3A_1465 : vector<512x64xf32> to vector<1x512x64xf32>
      tpu.vector_store %arg9[%swap3A_1466, %swap3A_1467, %swap3A_1468], %swap3A_1471 {strides = array<i32>} : memref<50x512x128xf32, #tpu.memory_space<vmem>>, vector<1x512x64xf32>,
      %slice3A_1472 = vector.extract_strided_slice %select_n3A_1464 {offsets = [0, 64], sizes = [512, 64], strides = [1, 1]} : vector<512x128xf32> to vector<512x64xf32>
      %swap3A_1473 = arith.index_cast %sub3A_1382 : i32 to index
      %swap3A_1474 = arith.constant 0 : index
      %swap3A_1475 = arith.constant 64 : index
      %swap3A_1476 = vector.load %arg9[%swap3A_1473, %swap3A_1474, %swap3A_1475] : memref<50x512x128xf32, #tpu.memory_space<vmem>>, vector<1x512x64xf32>
      %swap3A_1477 = vector.shape_cast %swap3A_1476 : vector<1x512x64xf32> to vector<512x64xf32>
      %swap3A_1478 = vector.shape_cast %slice3A_1472 : vector<512x64xf32> to vector<1x512x64xf32>
      tpu.vector_store %arg9[%swap3A_1473, %swap3A_1474, %swap3A_1475], %swap3A_1478 {strides = array<i32>} : memref<50x512x128xf32, #tpu.memory_space<vmem>>, vector<1x512x64xf32>,
      %select_n3A_1479 = arith.select %gt3A_1461, %mul3A_1456, %select_n3A_1375 : vector<512x128xi1>, vector<512x128xf32>
      %select_n3A_1480 = arith.select %gt3A_1461, %add3A_1454, %select_n3A_1376 : vector<512x128xi1>, vector<512x128xf32>
      %mul3A_1481 = arith.constant 25 : i32
      %mul3A_1482 = arith.muli %mul3A_1481, %scan3A_32 : i32
      %add3A_1483 = arith.constant 14 : i32
      %add3A_1484 = arith.addi %mul3A_1482, %add3A_1483 : i32
      %sub3A_1485 = arith.constant 49 : i32
      %sub3A_1486 = arith.subi %sub3A_1485, %add3A_1484 : i32
      %get3A_1487 = arith.index_cast %add3A_1484 : i32 to index
      %get3A_1488 = arith.constant 0 : index
      %get3A_1489 = arith.constant 0 : index
      %get3A_1490 = vector.load %arg1[%get3A_1487, %get3A_1488, %get3A_1489] : memref<50x512x128xf32, #tpu.memory_space<vmem>>, vector<1x512x128xf32>
      %get3A_1491 = vector.shape_cast %get3A_1490 : vector<1x512x128xf32> to vector<512x128xf32>
      %get3A_1492 = arith.index_cast %add3A_1484 : i32 to index
      %get3A_1493 = arith.constant 0 : index
      %get3A_1494 = arith.constant 0 : index
      %get3A_1495 = vector.load %arg2[%get3A_1492, %get3A_1493, %get3A_1494] : memref<50x512x1xi8, #tpu.memory_space<vmem>>, vector<1x512x1xi8>
      %get3A_1496 = vector.shape_cast %get3A_1495 : vector<1x512x1xi8> to vector<512x1xi8>
      %ne3A_1497 = arith.constant 0 : i8
      %ne3A_1498 = vector.broadcast %ne3A_1497 : i8 to vector<512x1xi8>
      %ne3A_1499 = arith.cmpi ne, %get3A_1496, %ne3A_1498 : vector<512x1xi8>
      %slice3A_1500 = vector.extract_strided_slice %get3A_1491 {offsets = [0, 64], sizes = [512, 64], strides = [1, 1]} : vector<512x128xf32> to vector<512x64xf32>
      %slice3A_1501 = vector.extract_strided_slice %get3A_1491 {offsets = [0, 0], sizes = [512, 64], strides = [1, 1]} : vector<512x128xf32> to vector<512x64xf32>
      %broadcast_in_dim3A_1502 = vector.shape_cast %ne3A_1499 : vector<512x1xi1> to vector<512x1xi1>
      %broadcast_in_dim3A_1503 = vector.broadcast %broadcast_in_dim3A_1502 : vector<512x1xi1> to vector<512x64xi1>
      %select_n3A_1504 = arith.select %broadcast_in_dim3A_1503, %slice3A_1500, %slice3A_1501 : vector<512x64xi1>, vector<512x64xf32>
      %get3A_1505 = arith.index_cast %sub3A_1486 : i32 to index
      %get3A_1506 = arith.constant 0 : index
      %get3A_1507 = arith.constant 0 : index
      %get3A_1508 = vector.load %arg1[%get3A_1505, %get3A_1506, %get3A_1507] : memref<50x512x128xf32, #tpu.memory_space<vmem>>, vector<1x512x128xf32>
      %get3A_1509 = vector.shape_cast %get3A_1508 : vector<1x512x128xf32> to vector<512x128xf32>
      %get3A_1510 = arith.index_cast %sub3A_1486 : i32 to index
      %get3A_1511 = arith.constant 0 : index
      %get3A_1512 = arith.constant 0 : index
      %get3A_1513 = vector.load %arg2[%get3A_1510, %get3A_1511, %get3A_1512] : memref<50x512x1xi8, #tpu.memory_space<vmem>>, vector<1x512x1xi8>
      %get3A_1514 = vector.shape_cast %get3A_1513 : vector<1x512x1xi8> to vector<512x1xi8>
      %ne3A_1515 = arith.constant 0 : i8
      %ne3A_1516 = vector.broadcast %ne3A_1515 : i8 to vector<512x1xi8>
      %ne3A_1517 = arith.cmpi ne, %get3A_1514, %ne3A_1516 : vector<512x1xi8>
      %slice3A_1518 = vector.extract_strided_slice %get3A_1509 {offsets = [0, 64], sizes = [512, 64], strides = [1, 1]} : vector<512x128xf32> to vector<512x64xf32>
      %slice3A_1519 = vector.extract_strided_slice %get3A_1509 {offsets = [0, 0], sizes = [512, 64], strides = [1, 1]} : vector<512x128xf32> to vector<512x64xf32>
      %broadcast_in_dim3A_1520 = vector.shape_cast %ne3A_1517 : vector<512x1xi1> to vector<512x1xi1>
      %broadcast_in_dim3A_1521 = vector.broadcast %broadcast_in_dim3A_1520 : vector<512x1xi1> to vector<512x64xi1>
      %select_n3A_1522 = arith.select %broadcast_in_dim3A_1521, %slice3A_1518, %slice3A_1519 : vector<512x64xi1>, vector<512x64xf32>
      %concatenate3A_1523 = tpu.concatenate %select_n3A_1504, %select_n3A_1522 in 1 : vector<512x64xf32>, vector<512x64xf32> -> vector<512x128xf32>
      %slice3A_1524 = vector.extract_strided_slice %get3A_4 {offsets = [0, 0], sizes = [128, 512], strides = [1, 1]} : vector<256x512xf32> to vector<128x512xf32>
      %dot_general3A_1525 = arith.constant dense<0.000000e+00> : vector<512x512xf32>
      %dot_general3A_1526 = tpu.matmul %concatenate3A_1523, %slice3A_1524, %dot_general3A_1525 {dimension_numbers = #tpu.dot_dimension_numbers<[1], [0], [0], [1], [0, 0, 1, 1], [], []>, transpose_lhs_hint = false} : vector<512x128xf32>, vector<128x512xf32>, vector<512x512xf32> -> vector<512x512xf32>
      %slice3A_1527 = vector.extract_strided_slice %get3A_4 {offsets = [128, 0], sizes = [128, 512], strides = [1, 1]} : vector<256x512xf32> to vector<128x512xf32>
      %dot_general3A_1528 = arith.constant dense<0.000000e+00> : vector<512x512xf32>
      %dot_general3A_1529 = tpu.matmul %select_n3A_1479, %slice3A_1527, %dot_general3A_1528 {dimension_numbers = #tpu.dot_dimension_numbers<[1], [0], [0], [1], [0, 0, 1, 1], [], []>, transpose_lhs_hint = false} : vector<512x128xf32>, vector<128x512xf32>, vector<512x512xf32> -> vector<512x512xf32>
      %add3A_1530 = arith.addf %dot_general3A_1526, %dot_general3A_1529 : vector<512x512xf32>
      %add3A_1531 = vector.broadcast %get3A_7 : vector<1x512xf32> to vector<512x512xf32>
      %add3A_1532 = arith.addf %add3A_1530, %add3A_1531 : vector<512x512xf32>
      %slice3A_1533 = vector.extract_strided_slice %add3A_1532 {offsets = [0, 0], sizes = [512, 128], strides = [1, 1]} : vector<512x512xf32> to vector<512x128xf32>
      %logistic3A_1534 = arith.negf %slice3A_1533 : vector<512x128xf32>
      %logistic3A_1535 = math.exp %logistic3A_1534 : vector<512x128xf32>
      %logistic3A_1536 = arith.constant 1.000000e+00 : f32
      %logistic3A_1537 = vector.broadcast %logistic3A_1536 : f32 to vector<512x128xf32>
      %logistic3A_1538 = arith.addf %logistic3A_1537, %logistic3A_1535 : vector<512x128xf32>
      %logistic3A_1539 = arith.divf %logistic3A_1537, %logistic3A_1538 : vector<512x128xf32>
      %slice3A_1540 = vector.extract_strided_slice %add3A_1532 {offsets = [0, 128], sizes = [512, 128], strides = [1, 1]} : vector<512x512xf32> to vector<512x128xf32>
      %logistic3A_1541 = arith.negf %slice3A_1540 : vector<512x128xf32>
      %logistic3A_1542 = math.exp %logistic3A_1541 : vector<512x128xf32>
      %logistic3A_1543 = arith.constant 1.000000e+00 : f32
      %logistic3A_1544 = vector.broadcast %logistic3A_1543 : f32 to vector<512x128xf32>
      %logistic3A_1545 = arith.addf %logistic3A_1544, %logistic3A_1542 : vector<512x128xf32>
      %logistic3A_1546 = arith.divf %logistic3A_1544, %logistic3A_1545 : vector<512x128xf32>
      %slice3A_1547 = vector.extract_strided_slice %add3A_1532 {offsets = [0, 256], sizes = [512, 128], strides = [1, 1]} : vector<512x512xf32> to vector<512x128xf32>
      %tanh3A_1548 = math.tanh %slice3A_1547 : vector<512x128xf32>
      %slice3A_1549 = vector.extract_strided_slice %add3A_1532 {offsets = [0, 384], sizes = [512, 128], strides = [1, 1]} : vector<512x512xf32> to vector<512x128xf32>
      %logistic3A_1550 = arith.negf %slice3A_1549 : vector<512x128xf32>
      %logistic3A_1551 = math.exp %logistic3A_1550 : vector<512x128xf32>
      %logistic3A_1552 = arith.constant 1.000000e+00 : f32
      %logistic3A_1553 = vector.broadcast %logistic3A_1552 : f32 to vector<512x128xf32>
      %logistic3A_1554 = arith.addf %logistic3A_1553, %logistic3A_1551 : vector<512x128xf32>
      %logistic3A_1555 = arith.divf %logistic3A_1553, %logistic3A_1554 : vector<512x128xf32>
      %mul3A_1556 = arith.mulf %logistic3A_1546, %select_n3A_1480 : vector<512x128xf32>
      %mul3A_1557 = arith.mulf %logistic3A_1539, %tanh3A_1548 : vector<512x128xf32>
      %add3A_1558 = arith.addf %mul3A_1556, %mul3A_1557 : vector<512x128xf32>
      %tanh3A_1559 = math.tanh %add3A_1558 : vector<512x128xf32>
      %mul3A_1560 = arith.mulf %logistic3A_1555, %tanh3A_1559 : vector<512x128xf32>
      %broadcast_in_dim3A_1561 = vector.broadcast %add3A_1484 : i32 to vector<512x128xi32>
      %broadcast_in_dim3A_1562 = vector.broadcast %sub3A_1486 : i32 to vector<512x128xi32>
      %select_n3A_1563 = arith.select %lt3A_9, %broadcast_in_dim3A_1561, %broadcast_in_dim3A_1562 : vector<512x128xi1>, vector<512x128xi32>
      %gt3A_1564 = vector.broadcast %get3A_1 : vector<512x1xi32> to vector<512x128xi32>
      %gt3A_1565 = arith.cmpi sgt, %gt3A_1564, %select_n3A_1563 : vector<512x128xi32>
      %jit3A_1566 = arith.constant 0.000000e+00 : f32
      %broadcast_in_dim3A_1567 = vector.broadcast %jit3A_1566 : f32 to vector<512x128xf32>
      %select_n3A_1568 = arith.select %gt3A_1565, %mul3A_1560, %broadcast_in_dim3A_1567 : vector<512x128xi1>, vector<512x128xf32>
      %slice3A_1569 = vector.extract_strided_slice %select_n3A_1568 {offsets = [0, 0], sizes = [512, 64], strides = [1, 1]} : vector<512x128xf32> to vector<512x64xf32>
      %swap3A_1570 = arith.index_cast %add3A_1484 : i32 to index
      %swap3A_1571 = arith.constant 0 : index
      %swap3A_1572 = arith.constant 0 : index
      %swap3A_1573 = vector.load %arg9[%swap3A_1570, %swap3A_1571, %swap3A_1572] : memref<50x512x128xf32, #tpu.memory_space<vmem>>, vector<1x512x64xf32>
      %swap3A_1574 = vector.shape_cast %swap3A_1573 : vector<1x512x64xf32> to vector<512x64xf32>
      %swap3A_1575 = vector.shape_cast %slice3A_1569 : vector<512x64xf32> to vector<1x512x64xf32>
      tpu.vector_store %arg9[%swap3A_1570, %swap3A_1571, %swap3A_1572], %swap3A_1575 {strides = array<i32>} : memref<50x512x128xf32, #tpu.memory_space<vmem>>, vector<1x512x64xf32>,
      %slice3A_1576 = vector.extract_strided_slice %select_n3A_1568 {offsets = [0, 64], sizes = [512, 64], strides = [1, 1]} : vector<512x128xf32> to vector<512x64xf32>
      %swap3A_1577 = arith.index_cast %sub3A_1486 : i32 to index
      %swap3A_1578 = arith.constant 0 : index
      %swap3A_1579 = arith.constant 64 : index
      %swap3A_1580 = vector.load %arg9[%swap3A_1577, %swap3A_1578, %swap3A_1579] : memref<50x512x128xf32, #tpu.memory_space<vmem>>, vector<1x512x64xf32>
      %swap3A_1581 = vector.shape_cast %swap3A_1580 : vector<1x512x64xf32> to vector<512x64xf32>
      %swap3A_1582 = vector.shape_cast %slice3A_1576 : vector<512x64xf32> to vector<1x512x64xf32>
      tpu.vector_store %arg9[%swap3A_1577, %swap3A_1578, %swap3A_1579], %swap3A_1582 {strides = array<i32>} : memref<50x512x128xf32, #tpu.memory_space<vmem>>, vector<1x512x64xf32>,
      %select_n3A_1583 = arith.select %gt3A_1565, %mul3A_1560, %select_n3A_1479 : vector<512x128xi1>, vector<512x128xf32>
      %select_n3A_1584 = arith.select %gt3A_1565, %add3A_1558, %select_n3A_1480 : vector<512x128xi1>, vector<512x128xf32>
      %mul3A_1585 = arith.constant 25 : i32
      %mul3A_1586 = arith.muli %mul3A_1585, %scan3A_32 : i32
      %add3A_1587 = arith.constant 15 : i32
      %add3A_1588 = arith.addi %mul3A_1586, %add3A_1587 : i32
      %sub3A_1589 = arith.constant 49 : i32
      %sub3A_1590 = arith.subi %sub3A_1589, %add3A_1588 : i32
      %get3A_1591 = arith.index_cast %add3A_1588 : i32 to index
      %get3A_1592 = arith.constant 0 : index
      %get3A_1593 = arith.constant 0 : index
      %get3A_1594 = vector.load %arg1[%get3A_1591, %get3A_1592, %get3A_1593] : memref<50x512x128xf32, #tpu.memory_space<vmem>>, vector<1x512x128xf32>
      %get3A_1595 = vector.shape_cast %get3A_1594 : vector<1x512x128xf32> to vector<512x128xf32>
      %get3A_1596 = arith.index_cast %add3A_1588 : i32 to index
      %get3A_1597 = arith.constant 0 : index
      %get3A_1598 = arith.constant 0 : index
      %get3A_1599 = vector.load %arg2[%get3A_1596, %get3A_1597, %get3A_1598] : memref<50x512x1xi8, #tpu.memory_space<vmem>>, vector<1x512x1xi8>
      %get3A_1600 = vector.shape_cast %get3A_1599 : vector<1x512x1xi8> to vector<512x1xi8>
      %ne3A_1601 = arith.constant 0 : i8
      %ne3A_1602 = vector.broadcast %ne3A_1601 : i8 to vector<512x1xi8>
      %ne3A_1603 = arith.cmpi ne, %get3A_1600, %ne3A_1602 : vector<512x1xi8>
      %slice3A_1604 = vector.extract_strided_slice %get3A_1595 {offsets = [0, 64], sizes = [512, 64], strides = [1, 1]} : vector<512x128xf32> to vector<512x64xf32>
      %slice3A_1605 = vector.extract_strided_slice %get3A_1595 {offsets = [0, 0], sizes = [512, 64], strides = [1, 1]} : vector<512x128xf32> to vector<512x64xf32>
      %broadcast_in_dim3A_1606 = vector.shape_cast %ne3A_1603 : vector<512x1xi1> to vector<512x1xi1>
      %broadcast_in_dim3A_1607 = vector.broadcast %broadcast_in_dim3A_1606 : vector<512x1xi1> to vector<512x64xi1>
      %select_n3A_1608 = arith.select %broadcast_in_dim3A_1607, %slice3A_1604, %slice3A_1605 : vector<512x64xi1>, vector<512x64xf32>
      %get3A_1609 = arith.index_cast %sub3A_1590 : i32 to index
      %get3A_1610 = arith.constant 0 : index
      %get3A_1611 = arith.constant 0 : index
      %get3A_1612 = vector.load %arg1[%get3A_1609, %get3A_1610, %get3A_1611] : memref<50x512x128xf32, #tpu.memory_space<vmem>>, vector<1x512x128xf32>
      %get3A_1613 = vector.shape_cast %get3A_1612 : vector<1x512x128xf32> to vector<512x128xf32>
      %get3A_1614 = arith.index_cast %sub3A_1590 : i32 to index
      %get3A_1615 = arith.constant 0 : index
      %get3A_1616 = arith.constant 0 : index
      %get3A_1617 = vector.load %arg2[%get3A_1614, %get3A_1615, %get3A_1616] : memref<50x512x1xi8, #tpu.memory_space<vmem>>, vector<1x512x1xi8>
      %get3A_1618 = vector.shape_cast %get3A_1617 : vector<1x512x1xi8> to vector<512x1xi8>
      %ne3A_1619 = arith.constant 0 : i8
      %ne3A_1620 = vector.broadcast %ne3A_1619 : i8 to vector<512x1xi8>
      %ne3A_1621 = arith.cmpi ne, %get3A_1618, %ne3A_1620 : vector<512x1xi8>
      %slice3A_1622 = vector.extract_strided_slice %get3A_1613 {offsets = [0, 64], sizes = [512, 64], strides = [1, 1]} : vector<512x128xf32> to vector<512x64xf32>
      %slice3A_1623 = vector.extract_strided_slice %get3A_1613 {offsets = [0, 0], sizes = [512, 64], strides = [1, 1]} : vector<512x128xf32> to vector<512x64xf32>
      %broadcast_in_dim3A_1624 = vector.shape_cast %ne3A_1621 : vector<512x1xi1> to vector<512x1xi1>
      %broadcast_in_dim3A_1625 = vector.broadcast %broadcast_in_dim3A_1624 : vector<512x1xi1> to vector<512x64xi1>
      %select_n3A_1626 = arith.select %broadcast_in_dim3A_1625, %slice3A_1622, %slice3A_1623 : vector<512x64xi1>, vector<512x64xf32>
      %concatenate3A_1627 = tpu.concatenate %select_n3A_1608, %select_n3A_1626 in 1 : vector<512x64xf32>, vector<512x64xf32> -> vector<512x128xf32>
      %slice3A_1628 = vector.extract_strided_slice %get3A_4 {offsets = [0, 0], sizes = [128, 512], strides = [1, 1]} : vector<256x512xf32> to vector<128x512xf32>
      %dot_general3A_1629 = arith.constant dense<0.000000e+00> : vector<512x512xf32>
      %dot_general3A_1630 = tpu.matmul %concatenate3A_1627, %slice3A_1628, %dot_general3A_1629 {dimension_numbers = #tpu.dot_dimension_numbers<[1], [0], [0], [1], [0, 0, 1, 1], [], []>, transpose_lhs_hint = false} : vector<512x128xf32>, vector<128x512xf32>, vector<512x512xf32> -> vector<512x512xf32>
      %slice3A_1631 = vector.extract_strided_slice %get3A_4 {offsets = [128, 0], sizes = [128, 512], strides = [1, 1]} : vector<256x512xf32> to vector<128x512xf32>
      %dot_general3A_1632 = arith.constant dense<0.000000e+00> : vector<512x512xf32>
      %dot_general3A_1633 = tpu.matmul %select_n3A_1583, %slice3A_1631, %dot_general3A_1632 {dimension_numbers = #tpu.dot_dimension_numbers<[1], [0], [0], [1], [0, 0, 1, 1], [], []>, transpose_lhs_hint = false} : vector<512x128xf32>, vector<128x512xf32>, vector<512x512xf32> -> vector<512x512xf32>
      %add3A_1634 = arith.addf %dot_general3A_1630, %dot_general3A_1633 : vector<512x512xf32>
      %add3A_1635 = vector.broadcast %get3A_7 : vector<1x512xf32> to vector<512x512xf32>
      %add3A_1636 = arith.addf %add3A_1634, %add3A_1635 : vector<512x512xf32>
      %slice3A_1637 = vector.extract_strided_slice %add3A_1636 {offsets = [0, 0], sizes = [512, 128], strides = [1, 1]} : vector<512x512xf32> to vector<512x128xf32>
      %logistic3A_1638 = arith.negf %slice3A_1637 : vector<512x128xf32>
      %logistic3A_1639 = math.exp %logistic3A_1638 : vector<512x128xf32>
      %logistic3A_1640 = arith.constant 1.000000e+00 : f32
      %logistic3A_1641 = vector.broadcast %logistic3A_1640 : f32 to vector<512x128xf32>
      %logistic3A_1642 = arith.addf %logistic3A_1641, %logistic3A_1639 : vector<512x128xf32>
      %logistic3A_1643 = arith.divf %logistic3A_1641, %logistic3A_1642 : vector<512x128xf32>
      %slice3A_1644 = vector.extract_strided_slice %add3A_1636 {offsets = [0, 128], sizes = [512, 128], strides = [1, 1]} : vector<512x512xf32> to vector<512x128xf32>
      %logistic3A_1645 = arith.negf %slice3A_1644 : vector<512x128xf32>
      %logistic3A_1646 = math.exp %logistic3A_1645 : vector<512x128xf32>
      %logistic3A_1647 = arith.constant 1.000000e+00 : f32
      %logistic3A_1648 = vector.broadcast %logistic3A_1647 : f32 to vector<512x128xf32>
      %logistic3A_1649 = arith.addf %logistic3A_1648, %logistic3A_1646 : vector<512x128xf32>
      %logistic3A_1650 = arith.divf %logistic3A_1648, %logistic3A_1649 : vector<512x128xf32>
      %slice3A_1651 = vector.extract_strided_slice %add3A_1636 {offsets = [0, 256], sizes = [512, 128], strides = [1, 1]} : vector<512x512xf32> to vector<512x128xf32>
      %tanh3A_1652 = math.tanh %slice3A_1651 : vector<512x128xf32>
      %slice3A_1653 = vector.extract_strided_slice %add3A_1636 {offsets = [0, 384], sizes = [512, 128], strides = [1, 1]} : vector<512x512xf32> to vector<512x128xf32>
      %logistic3A_1654 = arith.negf %slice3A_1653 : vector<512x128xf32>
      %logistic3A_1655 = math.exp %logistic3A_1654 : vector<512x128xf32>
      %logistic3A_1656 = arith.constant 1.000000e+00 : f32
      %logistic3A_1657 = vector.broadcast %logistic3A_1656 : f32 to vector<512x128xf32>
      %logistic3A_1658 = arith.addf %logistic3A_1657, %logistic3A_1655 : vector<512x128xf32>
      %logistic3A_1659 = arith.divf %logistic3A_1657, %logistic3A_1658 : vector<512x128xf32>
      %mul3A_1660 = arith.mulf %logistic3A_1650, %select_n3A_1584 : vector<512x128xf32>
      %mul3A_1661 = arith.mulf %logistic3A_1643, %tanh3A_1652 : vector<512x128xf32>
      %add3A_1662 = arith.addf %mul3A_1660, %mul3A_1661 : vector<512x128xf32>
      %tanh3A_1663 = math.tanh %add3A_1662 : vector<512x128xf32>
      %mul3A_1664 = arith.mulf %logistic3A_1659, %tanh3A_1663 : vector<512x128xf32>
      %broadcast_in_dim3A_1665 = vector.broadcast %add3A_1588 : i32 to vector<512x128xi32>
      %broadcast_in_dim3A_1666 = vector.broadcast %sub3A_1590 : i32 to vector<512x128xi32>
      %select_n3A_1667 = arith.select %lt3A_9, %broadcast_in_dim3A_1665, %broadcast_in_dim3A_1666 : vector<512x128xi1>, vector<512x128xi32>
      %gt3A_1668 = vector.broadcast %get3A_1 : vector<512x1xi32> to vector<512x128xi32>
      %gt3A_1669 = arith.cmpi sgt, %gt3A_1668, %select_n3A_1667 : vector<512x128xi32>
      %jit3A_1670 = arith.constant 0.000000e+00 : f32
      %broadcast_in_dim3A_1671 = vector.broadcast %jit3A_1670 : f32 to vector<512x128xf32>
      %select_n3A_1672 = arith.select %gt3A_1669, %mul3A_1664, %broadcast_in_dim3A_1671 : vector<512x128xi1>, vector<512x128xf32>
      %slice3A_1673 = vector.extract_strided_slice %select_n3A_1672 {offsets = [0, 0], sizes = [512, 64], strides = [1, 1]} : vector<512x128xf32> to vector<512x64xf32>
      %swap3A_1674 = arith.index_cast %add3A_1588 : i32 to index
      %swap3A_1675 = arith.constant 0 : index
      %swap3A_1676 = arith.constant 0 : index
      %swap3A_1677 = vector.load %arg9[%swap3A_1674, %swap3A_1675, %swap3A_1676] : memref<50x512x128xf32, #tpu.memory_space<vmem>>, vector<1x512x64xf32>
      %swap3A_1678 = vector.shape_cast %swap3A_1677 : vector<1x512x64xf32> to vector<512x64xf32>
      %swap3A_1679 = vector.shape_cast %slice3A_1673 : vector<512x64xf32> to vector<1x512x64xf32>
      tpu.vector_store %arg9[%swap3A_1674, %swap3A_1675, %swap3A_1676], %swap3A_1679 {strides = array<i32>} : memref<50x512x128xf32, #tpu.memory_space<vmem>>, vector<1x512x64xf32>,
      %slice3A_1680 = vector.extract_strided_slice %select_n3A_1672 {offsets = [0, 64], sizes = [512, 64], strides = [1, 1]} : vector<512x128xf32> to vector<512x64xf32>
      %swap3A_1681 = arith.index_cast %sub3A_1590 : i32 to index
      %swap3A_1682 = arith.constant 0 : index
      %swap3A_1683 = arith.constant 64 : index
      %swap3A_1684 = vector.load %arg9[%swap3A_1681, %swap3A_1682, %swap3A_1683] : memref<50x512x128xf32, #tpu.memory_space<vmem>>, vector<1x512x64xf32>
      %swap3A_1685 = vector.shape_cast %swap3A_1684 : vector<1x512x64xf32> to vector<512x64xf32>
      %swap3A_1686 = vector.shape_cast %slice3A_1680 : vector<512x64xf32> to vector<1x512x64xf32>
      tpu.vector_store %arg9[%swap3A_1681, %swap3A_1682, %swap3A_1683], %swap3A_1686 {strides = array<i32>} : memref<50x512x128xf32, #tpu.memory_space<vmem>>, vector<1x512x64xf32>,
      %select_n3A_1687 = arith.select %gt3A_1669, %mul3A_1664, %select_n3A_1583 : vector<512x128xi1>, vector<512x128xf32>
      %select_n3A_1688 = arith.select %gt3A_1669, %add3A_1662, %select_n3A_1584 : vector<512x128xi1>, vector<512x128xf32>
      %mul3A_1689 = arith.constant 25 : i32
      %mul3A_1690 = arith.muli %mul3A_1689, %scan3A_32 : i32
      %add3A_1691 = arith.constant 16 : i32
      %add3A_1692 = arith.addi %mul3A_1690, %add3A_1691 : i32
      %sub3A_1693 = arith.constant 49 : i32
      %sub3A_1694 = arith.subi %sub3A_1693, %add3A_1692 : i32
      %get3A_1695 = arith.index_cast %add3A_1692 : i32 to index
      %get3A_1696 = arith.constant 0 : index
      %get3A_1697 = arith.constant 0 : index
      %get3A_1698 = vector.load %arg1[%get3A_1695, %get3A_1696, %get3A_1697] : memref<50x512x128xf32, #tpu.memory_space<vmem>>, vector<1x512x128xf32>
      %get3A_1699 = vector.shape_cast %get3A_1698 : vector<1x512x128xf32> to vector<512x128xf32>
      %get3A_1700 = arith.index_cast %add3A_1692 : i32 to index
      %get3A_1701 = arith.constant 0 : index
      %get3A_1702 = arith.constant 0 : index
      %get3A_1703 = vector.load %arg2[%get3A_1700, %get3A_1701, %get3A_1702] : memref<50x512x1xi8, #tpu.memory_space<vmem>>, vector<1x512x1xi8>
      %get3A_1704 = vector.shape_cast %get3A_1703 : vector<1x512x1xi8> to vector<512x1xi8>
      %ne3A_1705 = arith.constant 0 : i8
      %ne3A_1706 = vector.broadcast %ne3A_1705 : i8 to vector<512x1xi8>
      %ne3A_1707 = arith.cmpi ne, %get3A_1704, %ne3A_1706 : vector<512x1xi8>
      %slice3A_1708 = vector.extract_strided_slice %get3A_1699 {offsets = [0, 64], sizes = [512, 64], strides = [1, 1]} : vector<512x128xf32> to vector<512x64xf32>
      %slice3A_1709 = vector.extract_strided_slice %get3A_1699 {offsets = [0, 0], sizes = [512, 64], strides = [1, 1]} : vector<512x128xf32> to vector<512x64xf32>
      %broadcast_in_dim3A_1710 = vector.shape_cast %ne3A_1707 : vector<512x1xi1> to vector<512x1xi1>
      %broadcast_in_dim3A_1711 = vector.broadcast %broadcast_in_dim3A_1710 : vector<512x1xi1> to vector<512x64xi1>
      %select_n3A_1712 = arith.select %broadcast_in_dim3A_1711, %slice3A_1708, %slice3A_1709 : vector<512x64xi1>, vector<512x64xf32>
      %get3A_1713 = arith.index_cast %sub3A_1694 : i32 to index
      %get3A_1714 = arith.constant 0 : index
      %get3A_1715 = arith.constant 0 : index
      %get3A_1716 = vector.load %arg1[%get3A_1713, %get3A_1714, %get3A_1715] : memref<50x512x128xf32, #tpu.memory_space<vmem>>, vector<1x512x128xf32>
      %get3A_1717 = vector.shape_cast %get3A_1716 : vector<1x512x128xf32> to vector<512x128xf32>
      %get3A_1718 = arith.index_cast %sub3A_1694 : i32 to index
      %get3A_1719 = arith.constant 0 : index
      %get3A_1720 = arith.constant 0 : index
      %get3A_1721 = vector.load %arg2[%get3A_1718, %get3A_1719, %get3A_1720] : memref<50x512x1xi8, #tpu.memory_space<vmem>>, vector<1x512x1xi8>
      %get3A_1722 = vector.shape_cast %get3A_1721 : vector<1x512x1xi8> to vector<512x1xi8>
      %ne3A_1723 = arith.constant 0 : i8
      %ne3A_1724 = vector.broadcast %ne3A_1723 : i8 to vector<512x1xi8>
      %ne3A_1725 = arith.cmpi ne, %get3A_1722, %ne3A_1724 : vector<512x1xi8>
      %slice3A_1726 = vector.extract_strided_slice %get3A_1717 {offsets = [0, 64], sizes = [512, 64], strides = [1, 1]} : vector<512x128xf32> to vector<512x64xf32>
      %slice3A_1727 = vector.extract_strided_slice %get3A_1717 {offsets = [0, 0], sizes = [512, 64], strides = [1, 1]} : vector<512x128xf32> to vector<512x64xf32>
      %broadcast_in_dim3A_1728 = vector.shape_cast %ne3A_1725 : vector<512x1xi1> to vector<512x1xi1>
      %broadcast_in_dim3A_1729 = vector.broadcast %broadcast_in_dim3A_1728 : vector<512x1xi1> to vector<512x64xi1>
      %select_n3A_1730 = arith.select %broadcast_in_dim3A_1729, %slice3A_1726, %slice3A_1727 : vector<512x64xi1>, vector<512x64xf32>
      %concatenate3A_1731 = tpu.concatenate %select_n3A_1712, %select_n3A_1730 in 1 : vector<512x64xf32>, vector<512x64xf32> -> vector<512x128xf32>
      %slice3A_1732 = vector.extract_strided_slice %get3A_4 {offsets = [0, 0], sizes = [128, 512], strides = [1, 1]} : vector<256x512xf32> to vector<128x512xf32>
      %dot_general3A_1733 = arith.constant dense<0.000000e+00> : vector<512x512xf32>
      %dot_general3A_1734 = tpu.matmul %concatenate3A_1731, %slice3A_1732, %dot_general3A_1733 {dimension_numbers = #tpu.dot_dimension_numbers<[1], [0], [0], [1], [0, 0, 1, 1], [], []>, transpose_lhs_hint = false} : vector<512x128xf32>, vector<128x512xf32>, vector<512x512xf32> -> vector<512x512xf32>
      %slice3A_1735 = vector.extract_strided_slice %get3A_4 {offsets = [128, 0], sizes = [128, 512], strides = [1, 1]} : vector<256x512xf32> to vector<128x512xf32>
      %dot_general3A_1736 = arith.constant dense<0.000000e+00> : vector<512x512xf32>
      %dot_general3A_1737 = tpu.matmul %select_n3A_1687, %slice3A_1735, %dot_general3A_1736 {dimension_numbers = #tpu.dot_dimension_numbers<[1], [0], [0], [1], [0, 0, 1, 1], [], []>, transpose_lhs_hint = false} : vector<512x128xf32>, vector<128x512xf32>, vector<512x512xf32> -> vector<512x512xf32>
      %add3A_1738 = arith.addf %dot_general3A_1734, %dot_general3A_1737 : vector<512x512xf32>
      %add3A_1739 = vector.broadcast %get3A_7 : vector<1x512xf32> to vector<512x512xf32>
      %add3A_1740 = arith.addf %add3A_1738, %add3A_1739 : vector<512x512xf32>
      %slice3A_1741 = vector.extract_strided_slice %add3A_1740 {offsets = [0, 0], sizes = [512, 128], strides = [1, 1]} : vector<512x512xf32> to vector<512x128xf32>
      %logistic3A_1742 = arith.negf %slice3A_1741 : vector<512x128xf32>
      %logistic3A_1743 = math.exp %logistic3A_1742 : vector<512x128xf32>
      %logistic3A_1744 = arith.constant 1.000000e+00 : f32
      %logistic3A_1745 = vector.broadcast %logistic3A_1744 : f32 to vector<512x128xf32>
      %logistic3A_1746 = arith.addf %logistic3A_1745, %logistic3A_1743 : vector<512x128xf32>
      %logistic3A_1747 = arith.divf %logistic3A_1745, %logistic3A_1746 : vector<512x128xf32>
      %slice3A_1748 = vector.extract_strided_slice %add3A_1740 {offsets = [0, 128], sizes = [512, 128], strides = [1, 1]} : vector<512x512xf32> to vector<512x128xf32>
      %logistic3A_1749 = arith.negf %slice3A_1748 : vector<512x128xf32>
      %logistic3A_1750 = math.exp %logistic3A_1749 : vector<512x128xf32>
      %logistic3A_1751 = arith.constant 1.000000e+00 : f32
      %logistic3A_1752 = vector.broadcast %logistic3A_1751 : f32 to vector<512x128xf32>
      %logistic3A_1753 = arith.addf %logistic3A_1752, %logistic3A_1750 : vector<512x128xf32>
      %logistic3A_1754 = arith.divf %logistic3A_1752, %logistic3A_1753 : vector<512x128xf32>
      %slice3A_1755 = vector.extract_strided_slice %add3A_1740 {offsets = [0, 256], sizes = [512, 128], strides = [1, 1]} : vector<512x512xf32> to vector<512x128xf32>
      %tanh3A_1756 = math.tanh %slice3A_1755 : vector<512x128xf32>
      %slice3A_1757 = vector.extract_strided_slice %add3A_1740 {offsets = [0, 384], sizes = [512, 128], strides = [1, 1]} : vector<512x512xf32> to vector<512x128xf32>
      %logistic3A_1758 = arith.negf %slice3A_1757 : vector<512x128xf32>
      %logistic3A_1759 = math.exp %logistic3A_1758 : vector<512x128xf32>
      %logistic3A_1760 = arith.constant 1.000000e+00 : f32
      %logistic3A_1761 = vector.broadcast %logistic3A_1760 : f32 to vector<512x128xf32>
      %logistic3A_1762 = arith.addf %logistic3A_1761, %logistic3A_1759 : vector<512x128xf32>
      %logistic3A_1763 = arith.divf %logistic3A_1761, %logistic3A_1762 : vector<512x128xf32>
      %mul3A_1764 = arith.mulf %logistic3A_1754, %select_n3A_1688 : vector<512x128xf32>
      %mul3A_1765 = arith.mulf %logistic3A_1747, %tanh3A_1756 : vector<512x128xf32>
      %add3A_1766 = arith.addf %mul3A_1764, %mul3A_1765 : vector<512x128xf32>
      %tanh3A_1767 = math.tanh %add3A_1766 : vector<512x128xf32>
      %mul3A_1768 = arith.mulf %logistic3A_1763, %tanh3A_1767 : vector<512x128xf32>
      %broadcast_in_dim3A_1769 = vector.broadcast %add3A_1692 : i32 to vector<512x128xi32>
      %broadcast_in_dim3A_1770 = vector.broadcast %sub3A_1694 : i32 to vector<512x128xi32>
      %select_n3A_1771 = arith.select %lt3A_9, %broadcast_in_dim3A_1769, %broadcast_in_dim3A_1770 : vector<512x128xi1>, vector<512x128xi32>
      %gt3A_1772 = vector.broadcast %get3A_1 : vector<512x1xi32> to vector<512x128xi32>
      %gt3A_1773 = arith.cmpi sgt, %gt3A_1772, %select_n3A_1771 : vector<512x128xi32>
      %jit3A_1774 = arith.constant 0.000000e+00 : f32
      %broadcast_in_dim3A_1775 = vector.broadcast %jit3A_1774 : f32 to vector<512x128xf32>
      %select_n3A_1776 = arith.select %gt3A_1773, %mul3A_1768, %broadcast_in_dim3A_1775 : vector<512x128xi1>, vector<512x128xf32>
      %slice3A_1777 = vector.extract_strided_slice %select_n3A_1776 {offsets = [0, 0], sizes = [512, 64], strides = [1, 1]} : vector<512x128xf32> to vector<512x64xf32>
      %swap3A_1778 = arith.index_cast %add3A_1692 : i32 to index
      %swap3A_1779 = arith.constant 0 : index
      %swap3A_1780 = arith.constant 0 : index
      %swap3A_1781 = vector.load %arg9[%swap3A_1778, %swap3A_1779, %swap3A_1780] : memref<50x512x128xf32, #tpu.memory_space<vmem>>, vector<1x512x64xf32>
      %swap3A_1782 = vector.shape_cast %swap3A_1781 : vector<1x512x64xf32> to vector<512x64xf32>
      %swap3A_1783 = vector.shape_cast %slice3A_1777 : vector<512x64xf32> to vector<1x512x64xf32>
      tpu.vector_store %arg9[%swap3A_1778, %swap3A_1779, %swap3A_1780], %swap3A_1783 {strides = array<i32>} : memref<50x512x128xf32, #tpu.memory_space<vmem>>, vector<1x512x64xf32>,
      %slice3A_1784 = vector.extract_strided_slice %select_n3A_1776 {offsets = [0, 64], sizes = [512, 64], strides = [1, 1]} : vector<512x128xf32> to vector<512x64xf32>
      %swap3A_1785 = arith.index_cast %sub3A_1694 : i32 to index
      %swap3A_1786 = arith.constant 0 : index
      %swap3A_1787 = arith.constant 64 : index
      %swap3A_1788 = vector.load %arg9[%swap3A_1785, %swap3A_1786, %swap3A_1787] : memref<50x512x128xf32, #tpu.memory_space<vmem>>, vector<1x512x64xf32>
      %swap3A_1789 = vector.shape_cast %swap3A_1788 : vector<1x512x64xf32> to vector<512x64xf32>
      %swap3A_1790 = vector.shape_cast %slice3A_1784 : vector<512x64xf32> to vector<1x512x64xf32>
      tpu.vector_store %arg9[%swap3A_1785, %swap3A_1786, %swap3A_1787], %swap3A_1790 {strides = array<i32>} : memref<50x512x128xf32, #tpu.memory_space<vmem>>, vector<1x512x64xf32>,
      %select_n3A_1791 = arith.select %gt3A_1773, %mul3A_1768, %select_n3A_1687 : vector<512x128xi1>, vector<512x128xf32>
      %select_n3A_1792 = arith.select %gt3A_1773, %add3A_1766, %select_n3A_1688 : vector<512x128xi1>, vector<512x128xf32>
      %mul3A_1793 = arith.constant 25 : i32
      %mul3A_1794 = arith.muli %mul3A_1793, %scan3A_32 : i32
      %add3A_1795 = arith.constant 17 : i32
      %add3A_1796 = arith.addi %mul3A_1794, %add3A_1795 : i32
      %sub3A_1797 = arith.constant 49 : i32
      %sub3A_1798 = arith.subi %sub3A_1797, %add3A_1796 : i32
      %get3A_1799 = arith.index_cast %add3A_1796 : i32 to index
      %get3A_1800 = arith.constant 0 : index
      %get3A_1801 = arith.constant 0 : index
      %get3A_1802 = vector.load %arg1[%get3A_1799, %get3A_1800, %get3A_1801] : memref<50x512x128xf32, #tpu.memory_space<vmem>>, vector<1x512x128xf32>
      %get3A_1803 = vector.shape_cast %get3A_1802 : vector<1x512x128xf32> to vector<512x128xf32>
      %get3A_1804 = arith.index_cast %add3A_1796 : i32 to index
      %get3A_1805 = arith.constant 0 : index
      %get3A_1806 = arith.constant 0 : index
      %get3A_1807 = vector.load %arg2[%get3A_1804, %get3A_1805, %get3A_1806] : memref<50x512x1xi8, #tpu.memory_space<vmem>>, vector<1x512x1xi8>
      %get3A_1808 = vector.shape_cast %get3A_1807 : vector<1x512x1xi8> to vector<512x1xi8>
      %ne3A_1809 = arith.constant 0 : i8
      %ne3A_1810 = vector.broadcast %ne3A_1809 : i8 to vector<512x1xi8>
      %ne3A_1811 = arith.cmpi ne, %get3A_1808, %ne3A_1810 : vector<512x1xi8>
      %slice3A_1812 = vector.extract_strided_slice %get3A_1803 {offsets = [0, 64], sizes = [512, 64], strides = [1, 1]} : vector<512x128xf32> to vector<512x64xf32>
      %slice3A_1813 = vector.extract_strided_slice %get3A_1803 {offsets = [0, 0], sizes = [512, 64], strides = [1, 1]} : vector<512x128xf32> to vector<512x64xf32>
      %broadcast_in_dim3A_1814 = vector.shape_cast %ne3A_1811 : vector<512x1xi1> to vector<512x1xi1>
      %broadcast_in_dim3A_1815 = vector.broadcast %broadcast_in_dim3A_1814 : vector<512x1xi1> to vector<512x64xi1>
      %select_n3A_1816 = arith.select %broadcast_in_dim3A_1815, %slice3A_1812, %slice3A_1813 : vector<512x64xi1>, vector<512x64xf32>
      %get3A_1817 = arith.index_cast %sub3A_1798 : i32 to index
      %get3A_1818 = arith.constant 0 : index
      %get3A_1819 = arith.constant 0 : index
      %get3A_1820 = vector.load %arg1[%get3A_1817, %get3A_1818, %get3A_1819] : memref<50x512x128xf32, #tpu.memory_space<vmem>>, vector<1x512x128xf32>
      %get3A_1821 = vector.shape_cast %get3A_1820 : vector<1x512x128xf32> to vector<512x128xf32>
      %get3A_1822 = arith.index_cast %sub3A_1798 : i32 to index
      %get3A_1823 = arith.constant 0 : index
      %get3A_1824 = arith.constant 0 : index
      %get3A_1825 = vector.load %arg2[%get3A_1822, %get3A_1823, %get3A_1824] : memref<50x512x1xi8, #tpu.memory_space<vmem>>, vector<1x512x1xi8>
      %get3A_1826 = vector.shape_cast %get3A_1825 : vector<1x512x1xi8> to vector<512x1xi8>
      %ne3A_1827 = arith.constant 0 : i8
      %ne3A_1828 = vector.broadcast %ne3A_1827 : i8 to vector<512x1xi8>
      %ne3A_1829 = arith.cmpi ne, %get3A_1826, %ne3A_1828 : vector<512x1xi8>
      %slice3A_1830 = vector.extract_strided_slice %get3A_1821 {offsets = [0, 64], sizes = [512, 64], strides = [1, 1]} : vector<512x128xf32> to vector<512x64xf32>
      %slice3A_1831 = vector.extract_strided_slice %get3A_1821 {offsets = [0, 0], sizes = [512, 64], strides = [1, 1]} : vector<512x128xf32> to vector<512x64xf32>
      %broadcast_in_dim3A_1832 = vector.shape_cast %ne3A_1829 : vector<512x1xi1> to vector<512x1xi1>
      %broadcast_in_dim3A_1833 = vector.broadcast %broadcast_in_dim3A_1832 : vector<512x1xi1> to vector<512x64xi1>
      %select_n3A_1834 = arith.select %broadcast_in_dim3A_1833, %slice3A_1830, %slice3A_1831 : vector<512x64xi1>, vector<512x64xf32>
      %concatenate3A_1835 = tpu.concatenate %select_n3A_1816, %select_n3A_1834 in 1 : vector<512x64xf32>, vector<512x64xf32> -> vector<512x128xf32>
      %slice3A_1836 = vector.extract_strided_slice %get3A_4 {offsets = [0, 0], sizes = [128, 512], strides = [1, 1]} : vector<256x512xf32> to vector<128x512xf32>
      %dot_general3A_1837 = arith.constant dense<0.000000e+00> : vector<512x512xf32>
      %dot_general3A_1838 = tpu.matmul %concatenate3A_1835, %slice3A_1836, %dot_general3A_1837 {dimension_numbers = #tpu.dot_dimension_numbers<[1], [0], [0], [1], [0, 0, 1, 1], [], []>, transpose_lhs_hint = false} : vector<512x128xf32>, vector<128x512xf32>, vector<512x512xf32> -> vector<512x512xf32>
      %slice3A_1839 = vector.extract_strided_slice %get3A_4 {offsets = [128, 0], sizes = [128, 512], strides = [1, 1]} : vector<256x512xf32> to vector<128x512xf32>
      %dot_general3A_1840 = arith.constant dense<0.000000e+00> : vector<512x512xf32>
      %dot_general3A_1841 = tpu.matmul %select_n3A_1791, %slice3A_1839, %dot_general3A_1840 {dimension_numbers = #tpu.dot_dimension_numbers<[1], [0], [0], [1], [0, 0, 1, 1], [], []>, transpose_lhs_hint = false} : vector<512x128xf32>, vector<128x512xf32>, vector<512x512xf32> -> vector<512x512xf32>
      %add3A_1842 = arith.addf %dot_general3A_1838, %dot_general3A_1841 : vector<512x512xf32>
      %add3A_1843 = vector.broadcast %get3A_7 : vector<1x512xf32> to vector<512x512xf32>
      %add3A_1844 = arith.addf %add3A_1842, %add3A_1843 : vector<512x512xf32>
      %slice3A_1845 = vector.extract_strided_slice %add3A_1844 {offsets = [0, 0], sizes = [512, 128], strides = [1, 1]} : vector<512x512xf32> to vector<512x128xf32>
      %logistic3A_1846 = arith.negf %slice3A_1845 : vector<512x128xf32>
      %logistic3A_1847 = math.exp %logistic3A_1846 : vector<512x128xf32>
      %logistic3A_1848 = arith.constant 1.000000e+00 : f32
      %logistic3A_1849 = vector.broadcast %logistic3A_1848 : f32 to vector<512x128xf32>
      %logistic3A_1850 = arith.addf %logistic3A_1849, %logistic3A_1847 : vector<512x128xf32>
      %logistic3A_1851 = arith.divf %logistic3A_1849, %logistic3A_1850 : vector<512x128xf32>
      %slice3A_1852 = vector.extract_strided_slice %add3A_1844 {offsets = [0, 128], sizes = [512, 128], strides = [1, 1]} : vector<512x512xf32> to vector<512x128xf32>
      %logistic3A_1853 = arith.negf %slice3A_1852 : vector<512x128xf32>
      %logistic3A_1854 = math.exp %logistic3A_1853 : vector<512x128xf32>
      %logistic3A_1855 = arith.constant 1.000000e+00 : f32
      %logistic3A_1856 = vector.broadcast %logistic3A_1855 : f32 to vector<512x128xf32>
      %logistic3A_1857 = arith.addf %logistic3A_1856, %logistic3A_1854 : vector<512x128xf32>
      %logistic3A_1858 = arith.divf %logistic3A_1856, %logistic3A_1857 : vector<512x128xf32>
      %slice3A_1859 = vector.extract_strided_slice %add3A_1844 {offsets = [0, 256], sizes = [512, 128], strides = [1, 1]} : vector<512x512xf32> to vector<512x128xf32>
      %tanh3A_1860 = math.tanh %slice3A_1859 : vector<512x128xf32>
      %slice3A_1861 = vector.extract_strided_slice %add3A_1844 {offsets = [0, 384], sizes = [512, 128], strides = [1, 1]} : vector<512x512xf32> to vector<512x128xf32>
      %logistic3A_1862 = arith.negf %slice3A_1861 : vector<512x128xf32>
      %logistic3A_1863 = math.exp %logistic3A_1862 : vector<512x128xf32>
      %logistic3A_1864 = arith.constant 1.000000e+00 : f32
      %logistic3A_1865 = vector.broadcast %logistic3A_1864 : f32 to vector<512x128xf32>
      %logistic3A_1866 = arith.addf %logistic3A_1865, %logistic3A_1863 : vector<512x128xf32>
      %logistic3A_1867 = arith.divf %logistic3A_1865, %logistic3A_1866 : vector<512x128xf32>
      %mul3A_1868 = arith.mulf %logistic3A_1858, %select_n3A_1792 : vector<512x128xf32>
      %mul3A_1869 = arith.mulf %logistic3A_1851, %tanh3A_1860 : vector<512x128xf32>
      %add3A_1870 = arith.addf %mul3A_1868, %mul3A_1869 : vector<512x128xf32>
      %tanh3A_1871 = math.tanh %add3A_1870 : vector<512x128xf32>
      %mul3A_1872 = arith.mulf %logistic3A_1867, %tanh3A_1871 : vector<512x128xf32>
      %broadcast_in_dim3A_1873 = vector.broadcast %add3A_1796 : i32 to vector<512x128xi32>
      %broadcast_in_dim3A_1874 = vector.broadcast %sub3A_1798 : i32 to vector<512x128xi32>
      %select_n3A_1875 = arith.select %lt3A_9, %broadcast_in_dim3A_1873, %broadcast_in_dim3A_1874 : vector<512x128xi1>, vector<512x128xi32>
      %gt3A_1876 = vector.broadcast %get3A_1 : vector<512x1xi32> to vector<512x128xi32>
      %gt3A_1877 = arith.cmpi sgt, %gt3A_1876, %select_n3A_1875 : vector<512x128xi32>
      %jit3A_1878 = arith.constant 0.000000e+00 : f32
      %broadcast_in_dim3A_1879 = vector.broadcast %jit3A_1878 : f32 to vector<512x128xf32>
      %select_n3A_1880 = arith.select %gt3A_1877, %mul3A_1872, %broadcast_in_dim3A_1879 : vector<512x128xi1>, vector<512x128xf32>
      %slice3A_1881 = vector.extract_strided_slice %select_n3A_1880 {offsets = [0, 0], sizes = [512, 64], strides = [1, 1]} : vector<512x128xf32> to vector<512x64xf32>
      %swap3A_1882 = arith.index_cast %add3A_1796 : i32 to index
      %swap3A_1883 = arith.constant 0 : index
      %swap3A_1884 = arith.constant 0 : index
      %swap3A_1885 = vector.load %arg9[%swap3A_1882, %swap3A_1883, %swap3A_1884] : memref<50x512x128xf32, #tpu.memory_space<vmem>>, vector<1x512x64xf32>
      %swap3A_1886 = vector.shape_cast %swap3A_1885 : vector<1x512x64xf32> to vector<512x64xf32>
      %swap3A_1887 = vector.shape_cast %slice3A_1881 : vector<512x64xf32> to vector<1x512x64xf32>
      tpu.vector_store %arg9[%swap3A_1882, %swap3A_1883, %swap3A_1884], %swap3A_1887 {strides = array<i32>} : memref<50x512x128xf32, #tpu.memory_space<vmem>>, vector<1x512x64xf32>,
      %slice3A_1888 = vector.extract_strided_slice %select_n3A_1880 {offsets = [0, 64], sizes = [512, 64], strides = [1, 1]} : vector<512x128xf32> to vector<512x64xf32>
      %swap3A_1889 = arith.index_cast %sub3A_1798 : i32 to index
      %swap3A_1890 = arith.constant 0 : index
      %swap3A_1891 = arith.constant 64 : index
      %swap3A_1892 = vector.load %arg9[%swap3A_1889, %swap3A_1890, %swap3A_1891] : memref<50x512x128xf32, #tpu.memory_space<vmem>>, vector<1x512x64xf32>
      %swap3A_1893 = vector.shape_cast %swap3A_1892 : vector<1x512x64xf32> to vector<512x64xf32>
      %swap3A_1894 = vector.shape_cast %slice3A_1888 : vector<512x64xf32> to vector<1x512x64xf32>
      tpu.vector_store %arg9[%swap3A_1889, %swap3A_1890, %swap3A_1891], %swap3A_1894 {strides = array<i32>} : memref<50x512x128xf32, #tpu.memory_space<vmem>>, vector<1x512x64xf32>,
      %select_n3A_1895 = arith.select %gt3A_1877, %mul3A_1872, %select_n3A_1791 : vector<512x128xi1>, vector<512x128xf32>
      %select_n3A_1896 = arith.select %gt3A_1877, %add3A_1870, %select_n3A_1792 : vector<512x128xi1>, vector<512x128xf32>
      %mul3A_1897 = arith.constant 25 : i32
      %mul3A_1898 = arith.muli %mul3A_1897, %scan3A_32 : i32
      %add3A_1899 = arith.constant 18 : i32
      %add3A_1900 = arith.addi %mul3A_1898, %add3A_1899 : i32
      %sub3A_1901 = arith.constant 49 : i32
      %sub3A_1902 = arith.subi %sub3A_1901, %add3A_1900 : i32
      %get3A_1903 = arith.index_cast %add3A_1900 : i32 to index
      %get3A_1904 = arith.constant 0 : index
      %get3A_1905 = arith.constant 0 : index
      %get3A_1906 = vector.load %arg1[%get3A_1903, %get3A_1904, %get3A_1905] : memref<50x512x128xf32, #tpu.memory_space<vmem>>, vector<1x512x128xf32>
      %get3A_1907 = vector.shape_cast %get3A_1906 : vector<1x512x128xf32> to vector<512x128xf32>
      %get3A_1908 = arith.index_cast %add3A_1900 : i32 to index
      %get3A_1909 = arith.constant 0 : index
      %get3A_1910 = arith.constant 0 : index
      %get3A_1911 = vector.load %arg2[%get3A_1908, %get3A_1909, %get3A_1910] : memref<50x512x1xi8, #tpu.memory_space<vmem>>, vector<1x512x1xi8>
      %get3A_1912 = vector.shape_cast %get3A_1911 : vector<1x512x1xi8> to vector<512x1xi8>
      %ne3A_1913 = arith.constant 0 : i8
      %ne3A_1914 = vector.broadcast %ne3A_1913 : i8 to vector<512x1xi8>
      %ne3A_1915 = arith.cmpi ne, %get3A_1912, %ne3A_1914 : vector<512x1xi8>
      %slice3A_1916 = vector.extract_strided_slice %get3A_1907 {offsets = [0, 64], sizes = [512, 64], strides = [1, 1]} : vector<512x128xf32> to vector<512x64xf32>
      %slice3A_1917 = vector.extract_strided_slice %get3A_1907 {offsets = [0, 0], sizes = [512, 64], strides = [1, 1]} : vector<512x128xf32> to vector<512x64xf32>
      %broadcast_in_dim3A_1918 = vector.shape_cast %ne3A_1915 : vector<512x1xi1> to vector<512x1xi1>
      %broadcast_in_dim3A_1919 = vector.broadcast %broadcast_in_dim3A_1918 : vector<512x1xi1> to vector<512x64xi1>
      %select_n3A_1920 = arith.select %broadcast_in_dim3A_1919, %slice3A_1916, %slice3A_1917 : vector<512x64xi1>, vector<512x64xf32>
      %get3A_1921 = arith.index_cast %sub3A_1902 : i32 to index
      %get3A_1922 = arith.constant 0 : index
      %get3A_1923 = arith.constant 0 : index
      %get3A_1924 = vector.load %arg1[%get3A_1921, %get3A_1922, %get3A_1923] : memref<50x512x128xf32, #tpu.memory_space<vmem>>, vector<1x512x128xf32>
      %get3A_1925 = vector.shape_cast %get3A_1924 : vector<1x512x128xf32> to vector<512x128xf32>
      %get3A_1926 = arith.index_cast %sub3A_1902 : i32 to index
      %get3A_1927 = arith.constant 0 : index
      %get3A_1928 = arith.constant 0 : index
      %get3A_1929 = vector.load %arg2[%get3A_1926, %get3A_1927, %get3A_1928] : memref<50x512x1xi8, #tpu.memory_space<vmem>>, vector<1x512x1xi8>
      %get3A_1930 = vector.shape_cast %get3A_1929 : vector<1x512x1xi8> to vector<512x1xi8>
      %ne3A_1931 = arith.constant 0 : i8
      %ne3A_1932 = vector.broadcast %ne3A_1931 : i8 to vector<512x1xi8>
      %ne3A_1933 = arith.cmpi ne, %get3A_1930, %ne3A_1932 : vector<512x1xi8>
      %slice3A_1934 = vector.extract_strided_slice %get3A_1925 {offsets = [0, 64], sizes = [512, 64], strides = [1, 1]} : vector<512x128xf32> to vector<512x64xf32>
      %slice3A_1935 = vector.extract_strided_slice %get3A_1925 {offsets = [0, 0], sizes = [512, 64], strides = [1, 1]} : vector<512x128xf32> to vector<512x64xf32>
      %broadcast_in_dim3A_1936 = vector.shape_cast %ne3A_1933 : vector<512x1xi1> to vector<512x1xi1>
      %broadcast_in_dim3A_1937 = vector.broadcast %broadcast_in_dim3A_1936 : vector<512x1xi1> to vector<512x64xi1>
      %select_n3A_1938 = arith.select %broadcast_in_dim3A_1937, %slice3A_1934, %slice3A_1935 : vector<512x64xi1>, vector<512x64xf32>
      %concatenate3A_1939 = tpu.concatenate %select_n3A_1920, %select_n3A_1938 in 1 : vector<512x64xf32>, vector<512x64xf32> -> vector<512x128xf32>
      %slice3A_1940 = vector.extract_strided_slice %get3A_4 {offsets = [0, 0], sizes = [128, 512], strides = [1, 1]} : vector<256x512xf32> to vector<128x512xf32>
      %dot_general3A_1941 = arith.constant dense<0.000000e+00> : vector<512x512xf32>
      %dot_general3A_1942 = tpu.matmul %concatenate3A_1939, %slice3A_1940, %dot_general3A_1941 {dimension_numbers = #tpu.dot_dimension_numbers<[1], [0], [0], [1], [0, 0, 1, 1], [], []>, transpose_lhs_hint = false} : vector<512x128xf32>, vector<128x512xf32>, vector<512x512xf32> -> vector<512x512xf32>
      %slice3A_1943 = vector.extract_strided_slice %get3A_4 {offsets = [128, 0], sizes = [128, 512], strides = [1, 1]} : vector<256x512xf32> to vector<128x512xf32>
      %dot_general3A_1944 = arith.constant dense<0.000000e+00> : vector<512x512xf32>
      %dot_general3A_1945 = tpu.matmul %select_n3A_1895, %slice3A_1943, %dot_general3A_1944 {dimension_numbers = #tpu.dot_dimension_numbers<[1], [0], [0], [1], [0, 0, 1, 1], [], []>, transpose_lhs_hint = false} : vector<512x128xf32>, vector<128x512xf32>, vector<512x512xf32> -> vector<512x512xf32>
      %add3A_1946 = arith.addf %dot_general3A_1942, %dot_general3A_1945 : vector<512x512xf32>
      %add3A_1947 = vector.broadcast %get3A_7 : vector<1x512xf32> to vector<512x512xf32>
      %add3A_1948 = arith.addf %add3A_1946, %add3A_1947 : vector<512x512xf32>
      %slice3A_1949 = vector.extract_strided_slice %add3A_1948 {offsets = [0, 0], sizes = [512, 128], strides = [1, 1]} : vector<512x512xf32> to vector<512x128xf32>
      %logistic3A_1950 = arith.negf %slice3A_1949 : vector<512x128xf32>
      %logistic3A_1951 = math.exp %logistic3A_1950 : vector<512x128xf32>
      %logistic3A_1952 = arith.constant 1.000000e+00 : f32
      %logistic3A_1953 = vector.broadcast %logistic3A_1952 : f32 to vector<512x128xf32>
      %logistic3A_1954 = arith.addf %logistic3A_1953, %logistic3A_1951 : vector<512x128xf32>
      %logistic3A_1955 = arith.divf %logistic3A_1953, %logistic3A_1954 : vector<512x128xf32>
      %slice3A_1956 = vector.extract_strided_slice %add3A_1948 {offsets = [0, 128], sizes = [512, 128], strides = [1, 1]} : vector<512x512xf32> to vector<512x128xf32>
      %logistic3A_1957 = arith.negf %slice3A_1956 : vector<512x128xf32>
      %logistic3A_1958 = math.exp %logistic3A_1957 : vector<512x128xf32>
      %logistic3A_1959 = arith.constant 1.000000e+00 : f32
      %logistic3A_1960 = vector.broadcast %logistic3A_1959 : f32 to vector<512x128xf32>
      %logistic3A_1961 = arith.addf %logistic3A_1960, %logistic3A_1958 : vector<512x128xf32>
      %logistic3A_1962 = arith.divf %logistic3A_1960, %logistic3A_1961 : vector<512x128xf32>
      %slice3A_1963 = vector.extract_strided_slice %add3A_1948 {offsets = [0, 256], sizes = [512, 128], strides = [1, 1]} : vector<512x512xf32> to vector<512x128xf32>
      %tanh3A_1964 = math.tanh %slice3A_1963 : vector<512x128xf32>
      %slice3A_1965 = vector.extract_strided_slice %add3A_1948 {offsets = [0, 384], sizes = [512, 128], strides = [1, 1]} : vector<512x512xf32> to vector<512x128xf32>
      %logistic3A_1966 = arith.negf %slice3A_1965 : vector<512x128xf32>
      %logistic3A_1967 = math.exp %logistic3A_1966 : vector<512x128xf32>
      %logistic3A_1968 = arith.constant 1.000000e+00 : f32
      %logistic3A_1969 = vector.broadcast %logistic3A_1968 : f32 to vector<512x128xf32>
      %logistic3A_1970 = arith.addf %logistic3A_1969, %logistic3A_1967 : vector<512x128xf32>
      %logistic3A_1971 = arith.divf %logistic3A_1969, %logistic3A_1970 : vector<512x128xf32>
      %mul3A_1972 = arith.mulf %logistic3A_1962, %select_n3A_1896 : vector<512x128xf32>
      %mul3A_1973 = arith.mulf %logistic3A_1955, %tanh3A_1964 : vector<512x128xf32>
      %add3A_1974 = arith.addf %mul3A_1972, %mul3A_1973 : vector<512x128xf32>
      %tanh3A_1975 = math.tanh %add3A_1974 : vector<512x128xf32>
      %mul3A_1976 = arith.mulf %logistic3A_1971, %tanh3A_1975 : vector<512x128xf32>
      %broadcast_in_dim3A_1977 = vector.broadcast %add3A_1900 : i32 to vector<512x128xi32>
      %broadcast_in_dim3A_1978 = vector.broadcast %sub3A_1902 : i32 to vector<512x128xi32>
      %select_n3A_1979 = arith.select %lt3A_9, %broadcast_in_dim3A_1977, %broadcast_in_dim3A_1978 : vector<512x128xi1>, vector<512x128xi32>
      %gt3A_1980 = vector.broadcast %get3A_1 : vector<512x1xi32> to vector<512x128xi32>
      %gt3A_1981 = arith.cmpi sgt, %gt3A_1980, %select_n3A_1979 : vector<512x128xi32>
      %jit3A_1982 = arith.constant 0.000000e+00 : f32
      %broadcast_in_dim3A_1983 = vector.broadcast %jit3A_1982 : f32 to vector<512x128xf32>
      %select_n3A_1984 = arith.select %gt3A_1981, %mul3A_1976, %broadcast_in_dim3A_1983 : vector<512x128xi1>, vector<512x128xf32>
      %slice3A_1985 = vector.extract_strided_slice %select_n3A_1984 {offsets = [0, 0], sizes = [512, 64], strides = [1, 1]} : vector<512x128xf32> to vector<512x64xf32>
      %swap3A_1986 = arith.index_cast %add3A_1900 : i32 to index
      %swap3A_1987 = arith.constant 0 : index
      %swap3A_1988 = arith.constant 0 : index
      %swap3A_1989 = vector.load %arg9[%swap3A_1986, %swap3A_1987, %swap3A_1988] : memref<50x512x128xf32, #tpu.memory_space<vmem>>, vector<1x512x64xf32>
      %swap3A_1990 = vector.shape_cast %swap3A_1989 : vector<1x512x64xf32> to vector<512x64xf32>
      %swap3A_1991 = vector.shape_cast %slice3A_1985 : vector<512x64xf32> to vector<1x512x64xf32>
      tpu.vector_store %arg9[%swap3A_1986, %swap3A_1987, %swap3A_1988], %swap3A_1991 {strides = array<i32>} : memref<50x512x128xf32, #tpu.memory_space<vmem>>, vector<1x512x64xf32>,
      %slice3A_1992 = vector.extract_strided_slice %select_n3A_1984 {offsets = [0, 64], sizes = [512, 64], strides = [1, 1]} : vector<512x128xf32> to vector<512x64xf32>
      %swap3A_1993 = arith.index_cast %sub3A_1902 : i32 to index
      %swap3A_1994 = arith.constant 0 : index
      %swap3A_1995 = arith.constant 64 : index
      %swap3A_1996 = vector.load %arg9[%swap3A_1993, %swap3A_1994, %swap3A_1995] : memref<50x512x128xf32, #tpu.memory_space<vmem>>, vector<1x512x64xf32>
      %swap3A_1997 = vector.shape_cast %swap3A_1996 : vector<1x512x64xf32> to vector<512x64xf32>
      %swap3A_1998 = vector.shape_cast %slice3A_1992 : vector<512x64xf32> to vector<1x512x64xf32>
      tpu.vector_store %arg9[%swap3A_1993, %swap3A_1994, %swap3A_1995], %swap3A_1998 {strides = array<i32>} : memref<50x512x128xf32, #tpu.memory_space<vmem>>, vector<1x512x64xf32>,
      %select_n3A_1999 = arith.select %gt3A_1981, %mul3A_1976, %select_n3A_1895 : vector<512x128xi1>, vector<512x128xf32>
      %select_n3A_2000 = arith.select %gt3A_1981, %add3A_1974, %select_n3A_1896 : vector<512x128xi1>, vector<512x128xf32>
      %mul3A_2001 = arith.constant 25 : i32
      %mul3A_2002 = arith.muli %mul3A_2001, %scan3A_32 : i32
      %add3A_2003 = arith.constant 19 : i32
      %add3A_2004 = arith.addi %mul3A_2002, %add3A_2003 : i32
      %sub3A_2005 = arith.constant 49 : i32
      %sub3A_2006 = arith.subi %sub3A_2005, %add3A_2004 : i32
      %get3A_2007 = arith.index_cast %add3A_2004 : i32 to index
      %get3A_2008 = arith.constant 0 : index
      %get3A_2009 = arith.constant 0 : index
      %get3A_2010 = vector.load %arg1[%get3A_2007, %get3A_2008, %get3A_2009] : memref<50x512x128xf32, #tpu.memory_space<vmem>>, vector<1x512x128xf32>
      %get3A_2011 = vector.shape_cast %get3A_2010 : vector<1x512x128xf32> to vector<512x128xf32>
      %get3A_2012 = arith.index_cast %add3A_2004 : i32 to index
      %get3A_2013 = arith.constant 0 : index
      %get3A_2014 = arith.constant 0 : index
      %get3A_2015 = vector.load %arg2[%get3A_2012, %get3A_2013, %get3A_2014] : memref<50x512x1xi8, #tpu.memory_space<vmem>>, vector<1x512x1xi8>
      %get3A_2016 = vector.shape_cast %get3A_2015 : vector<1x512x1xi8> to vector<512x1xi8>
      %ne3A_2017 = arith.constant 0 : i8
      %ne3A_2018 = vector.broadcast %ne3A_2017 : i8 to vector<512x1xi8>
      %ne3A_2019 = arith.cmpi ne, %get3A_2016, %ne3A_2018 : vector<512x1xi8>
      %slice3A_2020 = vector.extract_strided_slice %get3A_2011 {offsets = [0, 64], sizes = [512, 64], strides = [1, 1]} : vector<512x128xf32> to vector<512x64xf32>
      %slice3A_2021 = vector.extract_strided_slice %get3A_2011 {offsets = [0, 0], sizes = [512, 64], strides = [1, 1]} : vector<512x128xf32> to vector<512x64xf32>
      %broadcast_in_dim3A_2022 = vector.shape_cast %ne3A_2019 : vector<512x1xi1> to vector<512x1xi1>
      %broadcast_in_dim3A_2023 = vector.broadcast %broadcast_in_dim3A_2022 : vector<512x1xi1> to vector<512x64xi1>
      %select_n3A_2024 = arith.select %broadcast_in_dim3A_2023, %slice3A_2020, %slice3A_2021 : vector<512x64xi1>, vector<512x64xf32>
      %get3A_2025 = arith.index_cast %sub3A_2006 : i32 to index
      %get3A_2026 = arith.constant 0 : index
      %get3A_2027 = arith.constant 0 : index
      %get3A_2028 = vector.load %arg1[%get3A_2025, %get3A_2026, %get3A_2027] : memref<50x512x128xf32, #tpu.memory_space<vmem>>, vector<1x512x128xf32>
      %get3A_2029 = vector.shape_cast %get3A_2028 : vector<1x512x128xf32> to vector<512x128xf32>
      %get3A_2030 = arith.index_cast %sub3A_2006 : i32 to index
      %get3A_2031 = arith.constant 0 : index
      %get3A_2032 = arith.constant 0 : index
      %get3A_2033 = vector.load %arg2[%get3A_2030, %get3A_2031, %get3A_2032] : memref<50x512x1xi8, #tpu.memory_space<vmem>>, vector<1x512x1xi8>
      %get3A_2034 = vector.shape_cast %get3A_2033 : vector<1x512x1xi8> to vector<512x1xi8>
      %ne3A_2035 = arith.constant 0 : i8
      %ne3A_2036 = vector.broadcast %ne3A_2035 : i8 to vector<512x1xi8>
      %ne3A_2037 = arith.cmpi ne, %get3A_2034, %ne3A_2036 : vector<512x1xi8>
      %slice3A_2038 = vector.extract_strided_slice %get3A_2029 {offsets = [0, 64], sizes = [512, 64], strides = [1, 1]} : vector<512x128xf32> to vector<512x64xf32>
      %slice3A_2039 = vector.extract_strided_slice %get3A_2029 {offsets = [0, 0], sizes = [512, 64], strides = [1, 1]} : vector<512x128xf32> to vector<512x64xf32>
      %broadcast_in_dim3A_2040 = vector.shape_cast %ne3A_2037 : vector<512x1xi1> to vector<512x1xi1>
      %broadcast_in_dim3A_2041 = vector.broadcast %broadcast_in_dim3A_2040 : vector<512x1xi1> to vector<512x64xi1>
      %select_n3A_2042 = arith.select %broadcast_in_dim3A_2041, %slice3A_2038, %slice3A_2039 : vector<512x64xi1>, vector<512x64xf32>
      %concatenate3A_2043 = tpu.concatenate %select_n3A_2024, %select_n3A_2042 in 1 : vector<512x64xf32>, vector<512x64xf32> -> vector<512x128xf32>
      %slice3A_2044 = vector.extract_strided_slice %get3A_4 {offsets = [0, 0], sizes = [128, 512], strides = [1, 1]} : vector<256x512xf32> to vector<128x512xf32>
      %dot_general3A_2045 = arith.constant dense<0.000000e+00> : vector<512x512xf32>
      %dot_general3A_2046 = tpu.matmul %concatenate3A_2043, %slice3A_2044, %dot_general3A_2045 {dimension_numbers = #tpu.dot_dimension_numbers<[1], [0], [0], [1], [0, 0, 1, 1], [], []>, transpose_lhs_hint = false} : vector<512x128xf32>, vector<128x512xf32>, vector<512x512xf32> -> vector<512x512xf32>
      %slice3A_2047 = vector.extract_strided_slice %get3A_4 {offsets = [128, 0], sizes = [128, 512], strides = [1, 1]} : vector<256x512xf32> to vector<128x512xf32>
      %dot_general3A_2048 = arith.constant dense<0.000000e+00> : vector<512x512xf32>
      %dot_general3A_2049 = tpu.matmul %select_n3A_1999, %slice3A_2047, %dot_general3A_2048 {dimension_numbers = #tpu.dot_dimension_numbers<[1], [0], [0], [1], [0, 0, 1, 1], [], []>, transpose_lhs_hint = false} : vector<512x128xf32>, vector<128x512xf32>, vector<512x512xf32> -> vector<512x512xf32>
      %add3A_2050 = arith.addf %dot_general3A_2046, %dot_general3A_2049 : vector<512x512xf32>
      %add3A_2051 = vector.broadcast %get3A_7 : vector<1x512xf32> to vector<512x512xf32>
      %add3A_2052 = arith.addf %add3A_2050, %add3A_2051 : vector<512x512xf32>
      %slice3A_2053 = vector.extract_strided_slice %add3A_2052 {offsets = [0, 0], sizes = [512, 128], strides = [1, 1]} : vector<512x512xf32> to vector<512x128xf32>
      %logistic3A_2054 = arith.negf %slice3A_2053 : vector<512x128xf32>
      %logistic3A_2055 = math.exp %logistic3A_2054 : vector<512x128xf32>
      %logistic3A_2056 = arith.constant 1.000000e+00 : f32
      %logistic3A_2057 = vector.broadcast %logistic3A_2056 : f32 to vector<512x128xf32>
      %logistic3A_2058 = arith.addf %logistic3A_2057, %logistic3A_2055 : vector<512x128xf32>
      %logistic3A_2059 = arith.divf %logistic3A_2057, %logistic3A_2058 : vector<512x128xf32>
      %slice3A_2060 = vector.extract_strided_slice %add3A_2052 {offsets = [0, 128], sizes = [512, 128], strides = [1, 1]} : vector<512x512xf32> to vector<512x128xf32>
      %logistic3A_2061 = arith.negf %slice3A_2060 : vector<512x128xf32>
      %logistic3A_2062 = math.exp %logistic3A_2061 : vector<512x128xf32>
      %logistic3A_2063 = arith.constant 1.000000e+00 : f32
      %logistic3A_2064 = vector.broadcast %logistic3A_2063 : f32 to vector<512x128xf32>
      %logistic3A_2065 = arith.addf %logistic3A_2064, %logistic3A_2062 : vector<512x128xf32>
      %logistic3A_2066 = arith.divf %logistic3A_2064, %logistic3A_2065 : vector<512x128xf32>
      %slice3A_2067 = vector.extract_strided_slice %add3A_2052 {offsets = [0, 256], sizes = [512, 128], strides = [1, 1]} : vector<512x512xf32> to vector<512x128xf32>
      %tanh3A_2068 = math.tanh %slice3A_2067 : vector<512x128xf32>
      %slice3A_2069 = vector.extract_strided_slice %add3A_2052 {offsets = [0, 384], sizes = [512, 128], strides = [1, 1]} : vector<512x512xf32> to vector<512x128xf32>
      %logistic3A_2070 = arith.negf %slice3A_2069 : vector<512x128xf32>
      %logistic3A_2071 = math.exp %logistic3A_2070 : vector<512x128xf32>
      %logistic3A_2072 = arith.constant 1.000000e+00 : f32
      %logistic3A_2073 = vector.broadcast %logistic3A_2072 : f32 to vector<512x128xf32>
      %logistic3A_2074 = arith.addf %logistic3A_2073, %logistic3A_2071 : vector<512x128xf32>
      %logistic3A_2075 = arith.divf %logistic3A_2073, %logistic3A_2074 : vector<512x128xf32>
      %mul3A_2076 = arith.mulf %logistic3A_2066, %select_n3A_2000 : vector<512x128xf32>
      %mul3A_2077 = arith.mulf %logistic3A_2059, %tanh3A_2068 : vector<512x128xf32>
      %add3A_2078 = arith.addf %mul3A_2076, %mul3A_2077 : vector<512x128xf32>
      %tanh3A_2079 = math.tanh %add3A_2078 : vector<512x128xf32>
      %mul3A_2080 = arith.mulf %logistic3A_2075, %tanh3A_2079 : vector<512x128xf32>
      %broadcast_in_dim3A_2081 = vector.broadcast %add3A_2004 : i32 to vector<512x128xi32>
      %broadcast_in_dim3A_2082 = vector.broadcast %sub3A_2006 : i32 to vector<512x128xi32>
      %select_n3A_2083 = arith.select %lt3A_9, %broadcast_in_dim3A_2081, %broadcast_in_dim3A_2082 : vector<512x128xi1>, vector<512x128xi32>
      %gt3A_2084 = vector.broadcast %get3A_1 : vector<512x1xi32> to vector<512x128xi32>
      %gt3A_2085 = arith.cmpi sgt, %gt3A_2084, %select_n3A_2083 : vector<512x128xi32>
      %jit3A_2086 = arith.constant 0.000000e+00 : f32
      %broadcast_in_dim3A_2087 = vector.broadcast %jit3A_2086 : f32 to vector<512x128xf32>
      %select_n3A_2088 = arith.select %gt3A_2085, %mul3A_2080, %broadcast_in_dim3A_2087 : vector<512x128xi1>, vector<512x128xf32>
      %slice3A_2089 = vector.extract_strided_slice %select_n3A_2088 {offsets = [0, 0], sizes = [512, 64], strides = [1, 1]} : vector<512x128xf32> to vector<512x64xf32>
      %swap3A_2090 = arith.index_cast %add3A_2004 : i32 to index
      %swap3A_2091 = arith.constant 0 : index
      %swap3A_2092 = arith.constant 0 : index
      %swap3A_2093 = vector.load %arg9[%swap3A_2090, %swap3A_2091, %swap3A_2092] : memref<50x512x128xf32, #tpu.memory_space<vmem>>, vector<1x512x64xf32>
      %swap3A_2094 = vector.shape_cast %swap3A_2093 : vector<1x512x64xf32> to vector<512x64xf32>
      %swap3A_2095 = vector.shape_cast %slice3A_2089 : vector<512x64xf32> to vector<1x512x64xf32>
      tpu.vector_store %arg9[%swap3A_2090, %swap3A_2091, %swap3A_2092], %swap3A_2095 {strides = array<i32>} : memref<50x512x128xf32, #tpu.memory_space<vmem>>, vector<1x512x64xf32>,
      %slice3A_2096 = vector.extract_strided_slice %select_n3A_2088 {offsets = [0, 64], sizes = [512, 64], strides = [1, 1]} : vector<512x128xf32> to vector<512x64xf32>
      %swap3A_2097 = arith.index_cast %sub3A_2006 : i32 to index
      %swap3A_2098 = arith.constant 0 : index
      %swap3A_2099 = arith.constant 64 : index
      %swap3A_2100 = vector.load %arg9[%swap3A_2097, %swap3A_2098, %swap3A_2099] : memref<50x512x128xf32, #tpu.memory_space<vmem>>, vector<1x512x64xf32>
      %swap3A_2101 = vector.shape_cast %swap3A_2100 : vector<1x512x64xf32> to vector<512x64xf32>
      %swap3A_2102 = vector.shape_cast %slice3A_2096 : vector<512x64xf32> to vector<1x512x64xf32>
      tpu.vector_store %arg9[%swap3A_2097, %swap3A_2098, %swap3A_2099], %swap3A_2102 {strides = array<i32>} : memref<50x512x128xf32, #tpu.memory_space<vmem>>, vector<1x512x64xf32>,
      %select_n3A_2103 = arith.select %gt3A_2085, %mul3A_2080, %select_n3A_1999 : vector<512x128xi1>, vector<512x128xf32>
      %select_n3A_2104 = arith.select %gt3A_2085, %add3A_2078, %select_n3A_2000 : vector<512x128xi1>, vector<512x128xf32>
      %mul3A_2105 = arith.constant 25 : i32
      %mul3A_2106 = arith.muli %mul3A_2105, %scan3A_32 : i32
      %add3A_2107 = arith.constant 20 : i32
      %add3A_2108 = arith.addi %mul3A_2106, %add3A_2107 : i32
      %sub3A_2109 = arith.constant 49 : i32
      %sub3A_2110 = arith.subi %sub3A_2109, %add3A_2108 : i32
      %get3A_2111 = arith.index_cast %add3A_2108 : i32 to index
      %get3A_2112 = arith.constant 0 : index
      %get3A_2113 = arith.constant 0 : index
      %get3A_2114 = vector.load %arg1[%get3A_2111, %get3A_2112, %get3A_2113] : memref<50x512x128xf32, #tpu.memory_space<vmem>>, vector<1x512x128xf32>
      %get3A_2115 = vector.shape_cast %get3A_2114 : vector<1x512x128xf32> to vector<512x128xf32>
      %get3A_2116 = arith.index_cast %add3A_2108 : i32 to index
      %get3A_2117 = arith.constant 0 : index
      %get3A_2118 = arith.constant 0 : index
      %get3A_2119 = vector.load %arg2[%get3A_2116, %get3A_2117, %get3A_2118] : memref<50x512x1xi8, #tpu.memory_space<vmem>>, vector<1x512x1xi8>
      %get3A_2120 = vector.shape_cast %get3A_2119 : vector<1x512x1xi8> to vector<512x1xi8>
      %ne3A_2121 = arith.constant 0 : i8
      %ne3A_2122 = vector.broadcast %ne3A_2121 : i8 to vector<512x1xi8>
      %ne3A_2123 = arith.cmpi ne, %get3A_2120, %ne3A_2122 : vector<512x1xi8>
      %slice3A_2124 = vector.extract_strided_slice %get3A_2115 {offsets = [0, 64], sizes = [512, 64], strides = [1, 1]} : vector<512x128xf32> to vector<512x64xf32>
      %slice3A_2125 = vector.extract_strided_slice %get3A_2115 {offsets = [0, 0], sizes = [512, 64], strides = [1, 1]} : vector<512x128xf32> to vector<512x64xf32>
      %broadcast_in_dim3A_2126 = vector.shape_cast %ne3A_2123 : vector<512x1xi1> to vector<512x1xi1>
      %broadcast_in_dim3A_2127 = vector.broadcast %broadcast_in_dim3A_2126 : vector<512x1xi1> to vector<512x64xi1>
      %select_n3A_2128 = arith.select %broadcast_in_dim3A_2127, %slice3A_2124, %slice3A_2125 : vector<512x64xi1>, vector<512x64xf32>
      %get3A_2129 = arith.index_cast %sub3A_2110 : i32 to index
      %get3A_2130 = arith.constant 0 : index
      %get3A_2131 = arith.constant 0 : index
      %get3A_2132 = vector.load %arg1[%get3A_2129, %get3A_2130, %get3A_2131] : memref<50x512x128xf32, #tpu.memory_space<vmem>>, vector<1x512x128xf32>
      %get3A_2133 = vector.shape_cast %get3A_2132 : vector<1x512x128xf32> to vector<512x128xf32>
      %get3A_2134 = arith.index_cast %sub3A_2110 : i32 to index
      %get3A_2135 = arith.constant 0 : index
      %get3A_2136 = arith.constant 0 : index
      %get3A_2137 = vector.load %arg2[%get3A_2134, %get3A_2135, %get3A_2136] : memref<50x512x1xi8, #tpu.memory_space<vmem>>, vector<1x512x1xi8>
      %get3A_2138 = vector.shape_cast %get3A_2137 : vector<1x512x1xi8> to vector<512x1xi8>
      %ne3A_2139 = arith.constant 0 : i8
      %ne3A_2140 = vector.broadcast %ne3A_2139 : i8 to vector<512x1xi8>
      %ne3A_2141 = arith.cmpi ne, %get3A_2138, %ne3A_2140 : vector<512x1xi8>
      %slice3A_2142 = vector.extract_strided_slice %get3A_2133 {offsets = [0, 64], sizes = [512, 64], strides = [1, 1]} : vector<512x128xf32> to vector<512x64xf32>
      %slice3A_2143 = vector.extract_strided_slice %get3A_2133 {offsets = [0, 0], sizes = [512, 64], strides = [1, 1]} : vector<512x128xf32> to vector<512x64xf32>
      %broadcast_in_dim3A_2144 = vector.shape_cast %ne3A_2141 : vector<512x1xi1> to vector<512x1xi1>
      %broadcast_in_dim3A_2145 = vector.broadcast %broadcast_in_dim3A_2144 : vector<512x1xi1> to vector<512x64xi1>
      %select_n3A_2146 = arith.select %broadcast_in_dim3A_2145, %slice3A_2142, %slice3A_2143 : vector<512x64xi1>, vector<512x64xf32>
      %concatenate3A_2147 = tpu.concatenate %select_n3A_2128, %select_n3A_2146 in 1 : vector<512x64xf32>, vector<512x64xf32> -> vector<512x128xf32>
      %slice3A_2148 = vector.extract_strided_slice %get3A_4 {offsets = [0, 0], sizes = [128, 512], strides = [1, 1]} : vector<256x512xf32> to vector<128x512xf32>
      %dot_general3A_2149 = arith.constant dense<0.000000e+00> : vector<512x512xf32>
      %dot_general3A_2150 = tpu.matmul %concatenate3A_2147, %slice3A_2148, %dot_general3A_2149 {dimension_numbers = #tpu.dot_dimension_numbers<[1], [0], [0], [1], [0, 0, 1, 1], [], []>, transpose_lhs_hint = false} : vector<512x128xf32>, vector<128x512xf32>, vector<512x512xf32> -> vector<512x512xf32>
      %slice3A_2151 = vector.extract_strided_slice %get3A_4 {offsets = [128, 0], sizes = [128, 512], strides = [1, 1]} : vector<256x512xf32> to vector<128x512xf32>
      %dot_general3A_2152 = arith.constant dense<0.000000e+00> : vector<512x512xf32>
      %dot_general3A_2153 = tpu.matmul %select_n3A_2103, %slice3A_2151, %dot_general3A_2152 {dimension_numbers = #tpu.dot_dimension_numbers<[1], [0], [0], [1], [0, 0, 1, 1], [], []>, transpose_lhs_hint = false} : vector<512x128xf32>, vector<128x512xf32>, vector<512x512xf32> -> vector<512x512xf32>
      %add3A_2154 = arith.addf %dot_general3A_2150, %dot_general3A_2153 : vector<512x512xf32>
      %add3A_2155 = vector.broadcast %get3A_7 : vector<1x512xf32> to vector<512x512xf32>
      %add3A_2156 = arith.addf %add3A_2154, %add3A_2155 : vector<512x512xf32>
      %slice3A_2157 = vector.extract_strided_slice %add3A_2156 {offsets = [0, 0], sizes = [512, 128], strides = [1, 1]} : vector<512x512xf32> to vector<512x128xf32>
      %logistic3A_2158 = arith.negf %slice3A_2157 : vector<512x128xf32>
      %logistic3A_2159 = math.exp %logistic3A_2158 : vector<512x128xf32>
      %logistic3A_2160 = arith.constant 1.000000e+00 : f32
      %logistic3A_2161 = vector.broadcast %logistic3A_2160 : f32 to vector<512x128xf32>
      %logistic3A_2162 = arith.addf %logistic3A_2161, %logistic3A_2159 : vector<512x128xf32>
      %logistic3A_2163 = arith.divf %logistic3A_2161, %logistic3A_2162 : vector<512x128xf32>
      %slice3A_2164 = vector.extract_strided_slice %add3A_2156 {offsets = [0, 128], sizes = [512, 128], strides = [1, 1]} : vector<512x512xf32> to vector<512x128xf32>
      %logistic3A_2165 = arith.negf %slice3A_2164 : vector<512x128xf32>
      %logistic3A_2166 = math.exp %logistic3A_2165 : vector<512x128xf32>
      %logistic3A_2167 = arith.constant 1.000000e+00 : f32
      %logistic3A_2168 = vector.broadcast %logistic3A_2167 : f32 to vector<512x128xf32>
      %logistic3A_2169 = arith.addf %logistic3A_2168, %logistic3A_2166 : vector<512x128xf32>
      %logistic3A_2170 = arith.divf %logistic3A_2168, %logistic3A_2169 : vector<512x128xf32>
      %slice3A_2171 = vector.extract_strided_slice %add3A_2156 {offsets = [0, 256], sizes = [512, 128], strides = [1, 1]} : vector<512x512xf32> to vector<512x128xf32>
      %tanh3A_2172 = math.tanh %slice3A_2171 : vector<512x128xf32>
      %slice3A_2173 = vector.extract_strided_slice %add3A_2156 {offsets = [0, 384], sizes = [512, 128], strides = [1, 1]} : vector<512x512xf32> to vector<512x128xf32>
      %logistic3A_2174 = arith.negf %slice3A_2173 : vector<512x128xf32>
      %logistic3A_2175 = math.exp %logistic3A_2174 : vector<512x128xf32>
      %logistic3A_2176 = arith.constant 1.000000e+00 : f32
      %logistic3A_2177 = vector.broadcast %logistic3A_2176 : f32 to vector<512x128xf32>
      %logistic3A_2178 = arith.addf %logistic3A_2177, %logistic3A_2175 : vector<512x128xf32>
      %logistic3A_2179 = arith.divf %logistic3A_2177, %logistic3A_2178 : vector<512x128xf32>
      %mul3A_2180 = arith.mulf %logistic3A_2170, %select_n3A_2104 : vector<512x128xf32>
      %mul3A_2181 = arith.mulf %logistic3A_2163, %tanh3A_2172 : vector<512x128xf32>
      %add3A_2182 = arith.addf %mul3A_2180, %mul3A_2181 : vector<512x128xf32>
      %tanh3A_2183 = math.tanh %add3A_2182 : vector<512x128xf32>
      %mul3A_2184 = arith.mulf %logistic3A_2179, %tanh3A_2183 : vector<512x128xf32>
      %broadcast_in_dim3A_2185 = vector.broadcast %add3A_2108 : i32 to vector<512x128xi32>
      %broadcast_in_dim3A_2186 = vector.broadcast %sub3A_2110 : i32 to vector<512x128xi32>
      %select_n3A_2187 = arith.select %lt3A_9, %broadcast_in_dim3A_2185, %broadcast_in_dim3A_2186 : vector<512x128xi1>, vector<512x128xi32>
      %gt3A_2188 = vector.broadcast %get3A_1 : vector<512x1xi32> to vector<512x128xi32>
      %gt3A_2189 = arith.cmpi sgt, %gt3A_2188, %select_n3A_2187 : vector<512x128xi32>
      %jit3A_2190 = arith.constant 0.000000e+00 : f32
      %broadcast_in_dim3A_2191 = vector.broadcast %jit3A_2190 : f32 to vector<512x128xf32>
      %select_n3A_2192 = arith.select %gt3A_2189, %mul3A_2184, %broadcast_in_dim3A_2191 : vector<512x128xi1>, vector<512x128xf32>
      %slice3A_2193 = vector.extract_strided_slice %select_n3A_2192 {offsets = [0, 0], sizes = [512, 64], strides = [1, 1]} : vector<512x128xf32> to vector<512x64xf32>
      %swap3A_2194 = arith.index_cast %add3A_2108 : i32 to index
      %swap3A_2195 = arith.constant 0 : index
      %swap3A_2196 = arith.constant 0 : index
      %swap3A_2197 = vector.load %arg9[%swap3A_2194, %swap3A_2195, %swap3A_2196] : memref<50x512x128xf32, #tpu.memory_space<vmem>>, vector<1x512x64xf32>
      %swap3A_2198 = vector.shape_cast %swap3A_2197 : vector<1x512x64xf32> to vector<512x64xf32>
      %swap3A_2199 = vector.shape_cast %slice3A_2193 : vector<512x64xf32> to vector<1x512x64xf32>
      tpu.vector_store %arg9[%swap3A_2194, %swap3A_2195, %swap3A_2196], %swap3A_2199 {strides = array<i32>} : memref<50x512x128xf32, #tpu.memory_space<vmem>>, vector<1x512x64xf32>,
      %slice3A_2200 = vector.extract_strided_slice %select_n3A_2192 {offsets = [0, 64], sizes = [512, 64], strides = [1, 1]} : vector<512x128xf32> to vector<512x64xf32>
      %swap3A_2201 = arith.index_cast %sub3A_2110 : i32 to index
      %swap3A_2202 = arith.constant 0 : index
      %swap3A_2203 = arith.constant 64 : index
      %swap3A_2204 = vector.load %arg9[%swap3A_2201, %swap3A_2202, %swap3A_2203] : memref<50x512x128xf32, #tpu.memory_space<vmem>>, vector<1x512x64xf32>
      %swap3A_2205 = vector.shape_cast %swap3A_2204 : vector<1x512x64xf32> to vector<512x64xf32>
      %swap3A_2206 = vector.shape_cast %slice3A_2200 : vector<512x64xf32> to vector<1x512x64xf32>
      tpu.vector_store %arg9[%swap3A_2201, %swap3A_2202, %swap3A_2203], %swap3A_2206 {strides = array<i32>} : memref<50x512x128xf32, #tpu.memory_space<vmem>>, vector<1x512x64xf32>,
      %select_n3A_2207 = arith.select %gt3A_2189, %mul3A_2184, %select_n3A_2103 : vector<512x128xi1>, vector<512x128xf32>
      %select_n3A_2208 = arith.select %gt3A_2189, %add3A_2182, %select_n3A_2104 : vector<512x128xi1>, vector<512x128xf32>
      %mul3A_2209 = arith.constant 25 : i32
      %mul3A_2210 = arith.muli %mul3A_2209, %scan3A_32 : i32
      %add3A_2211 = arith.constant 21 : i32
      %add3A_2212 = arith.addi %mul3A_2210, %add3A_2211 : i32
      %sub3A_2213 = arith.constant 49 : i32
      %sub3A_2214 = arith.subi %sub3A_2213, %add3A_2212 : i32
      %get3A_2215 = arith.index_cast %add3A_2212 : i32 to index
      %get3A_2216 = arith.constant 0 : index
      %get3A_2217 = arith.constant 0 : index
      %get3A_2218 = vector.load %arg1[%get3A_2215, %get3A_2216, %get3A_2217] : memref<50x512x128xf32, #tpu.memory_space<vmem>>, vector<1x512x128xf32>
      %get3A_2219 = vector.shape_cast %get3A_2218 : vector<1x512x128xf32> to vector<512x128xf32>
      %get3A_2220 = arith.index_cast %add3A_2212 : i32 to index
      %get3A_2221 = arith.constant 0 : index
      %get3A_2222 = arith.constant 0 : index
      %get3A_2223 = vector.load %arg2[%get3A_2220, %get3A_2221, %get3A_2222] : memref<50x512x1xi8, #tpu.memory_space<vmem>>, vector<1x512x1xi8>
      %get3A_2224 = vector.shape_cast %get3A_2223 : vector<1x512x1xi8> to vector<512x1xi8>
      %ne3A_2225 = arith.constant 0 : i8
      %ne3A_2226 = vector.broadcast %ne3A_2225 : i8 to vector<512x1xi8>
      %ne3A_2227 = arith.cmpi ne, %get3A_2224, %ne3A_2226 : vector<512x1xi8>
      %slice3A_2228 = vector.extract_strided_slice %get3A_2219 {offsets = [0, 64], sizes = [512, 64], strides = [1, 1]} : vector<512x128xf32> to vector<512x64xf32>
      %slice3A_2229 = vector.extract_strided_slice %get3A_2219 {offsets = [0, 0], sizes = [512, 64], strides = [1, 1]} : vector<512x128xf32> to vector<512x64xf32>
      %broadcast_in_dim3A_2230 = vector.shape_cast %ne3A_2227 : vector<512x1xi1> to vector<512x1xi1>
      %broadcast_in_dim3A_2231 = vector.broadcast %broadcast_in_dim3A_2230 : vector<512x1xi1> to vector<512x64xi1>
      %select_n3A_2232 = arith.select %broadcast_in_dim3A_2231, %slice3A_2228, %slice3A_2229 : vector<512x64xi1>, vector<512x64xf32>
      %get3A_2233 = arith.index_cast %sub3A_2214 : i32 to index
      %get3A_2234 = arith.constant 0 : index
      %get3A_2235 = arith.constant 0 : index
      %get3A_2236 = vector.load %arg1[%get3A_2233, %get3A_2234, %get3A_2235] : memref<50x512x128xf32, #tpu.memory_space<vmem>>, vector<1x512x128xf32>
      %get3A_2237 = vector.shape_cast %get3A_2236 : vector<1x512x128xf32> to vector<512x128xf32>
      %get3A_2238 = arith.index_cast %sub3A_2214 : i32 to index
      %get3A_2239 = arith.constant 0 : index
      %get3A_2240 = arith.constant 0 : index
      %get3A_2241 = vector.load %arg2[%get3A_2238, %get3A_2239, %get3A_2240] : memref<50x512x1xi8, #tpu.memory_space<vmem>>, vector<1x512x1xi8>
      %get3A_2242 = vector.shape_cast %get3A_2241 : vector<1x512x1xi8> to vector<512x1xi8>
      %ne3A_2243 = arith.constant 0 : i8
      %ne3A_2244 = vector.broadcast %ne3A_2243 : i8 to vector<512x1xi8>
      %ne3A_2245 = arith.cmpi ne, %get3A_2242, %ne3A_2244 : vector<512x1xi8>
      %slice3A_2246 = vector.extract_strided_slice %get3A_2237 {offsets = [0, 64], sizes = [512, 64], strides = [1, 1]} : vector<512x128xf32> to vector<512x64xf32>
      %slice3A_2247 = vector.extract_strided_slice %get3A_2237 {offsets = [0, 0], sizes = [512, 64], strides = [1, 1]} : vector<512x128xf32> to vector<512x64xf32>
      %broadcast_in_dim3A_2248 = vector.shape_cast %ne3A_2245 : vector<512x1xi1> to vector<512x1xi1>
      %broadcast_in_dim3A_2249 = vector.broadcast %broadcast_in_dim3A_2248 : vector<512x1xi1> to vector<512x64xi1>
      %select_n3A_2250 = arith.select %broadcast_in_dim3A_2249, %slice3A_2246, %slice3A_2247 : vector<512x64xi1>, vector<512x64xf32>
      %concatenate3A_2251 = tpu.concatenate %select_n3A_2232, %select_n3A_2250 in 1 : vector<512x64xf32>, vector<512x64xf32> -> vector<512x128xf32>
      %slice3A_2252 = vector.extract_strided_slice %get3A_4 {offsets = [0, 0], sizes = [128, 512], strides = [1, 1]} : vector<256x512xf32> to vector<128x512xf32>
      %dot_general3A_2253 = arith.constant dense<0.000000e+00> : vector<512x512xf32>
      %dot_general3A_2254 = tpu.matmul %concatenate3A_2251, %slice3A_2252, %dot_general3A_2253 {dimension_numbers = #tpu.dot_dimension_numbers<[1], [0], [0], [1], [0, 0, 1, 1], [], []>, transpose_lhs_hint = false} : vector<512x128xf32>, vector<128x512xf32>, vector<512x512xf32> -> vector<512x512xf32>
      %slice3A_2255 = vector.extract_strided_slice %get3A_4 {offsets = [128, 0], sizes = [128, 512], strides = [1, 1]} : vector<256x512xf32> to vector<128x512xf32>
      %dot_general3A_2256 = arith.constant dense<0.000000e+00> : vector<512x512xf32>
      %dot_general3A_2257 = tpu.matmul %select_n3A_2207, %slice3A_2255, %dot_general3A_2256 {dimension_numbers = #tpu.dot_dimension_numbers<[1], [0], [0], [1], [0, 0, 1, 1], [], []>, transpose_lhs_hint = false} : vector<512x128xf32>, vector<128x512xf32>, vector<512x512xf32> -> vector<512x512xf32>
      %add3A_2258 = arith.addf %dot_general3A_2254, %dot_general3A_2257 : vector<512x512xf32>
      %add3A_2259 = vector.broadcast %get3A_7 : vector<1x512xf32> to vector<512x512xf32>
      %add3A_2260 = arith.addf %add3A_2258, %add3A_2259 : vector<512x512xf32>
      %slice3A_2261 = vector.extract_strided_slice %add3A_2260 {offsets = [0, 0], sizes = [512, 128], strides = [1, 1]} : vector<512x512xf32> to vector<512x128xf32>
      %logistic3A_2262 = arith.negf %slice3A_2261 : vector<512x128xf32>
      %logistic3A_2263 = math.exp %logistic3A_2262 : vector<512x128xf32>
      %logistic3A_2264 = arith.constant 1.000000e+00 : f32
      %logistic3A_2265 = vector.broadcast %logistic3A_2264 : f32 to vector<512x128xf32>
      %logistic3A_2266 = arith.addf %logistic3A_2265, %logistic3A_2263 : vector<512x128xf32>
      %logistic3A_2267 = arith.divf %logistic3A_2265, %logistic3A_2266 : vector<512x128xf32>
      %slice3A_2268 = vector.extract_strided_slice %add3A_2260 {offsets = [0, 128], sizes = [512, 128], strides = [1, 1]} : vector<512x512xf32> to vector<512x128xf32>
      %logistic3A_2269 = arith.negf %slice3A_2268 : vector<512x128xf32>
      %logistic3A_2270 = math.exp %logistic3A_2269 : vector<512x128xf32>
      %logistic3A_2271 = arith.constant 1.000000e+00 : f32
      %logistic3A_2272 = vector.broadcast %logistic3A_2271 : f32 to vector<512x128xf32>
      %logistic3A_2273 = arith.addf %logistic3A_2272, %logistic3A_2270 : vector<512x128xf32>
      %logistic3A_2274 = arith.divf %logistic3A_2272, %logistic3A_2273 : vector<512x128xf32>
      %slice3A_2275 = vector.extract_strided_slice %add3A_2260 {offsets = [0, 256], sizes = [512, 128], strides = [1, 1]} : vector<512x512xf32> to vector<512x128xf32>
      %tanh3A_2276 = math.tanh %slice3A_2275 : vector<512x128xf32>
      %slice3A_2277 = vector.extract_strided_slice %add3A_2260 {offsets = [0, 384], sizes = [512, 128], strides = [1, 1]} : vector<512x512xf32> to vector<512x128xf32>
      %logistic3A_2278 = arith.negf %slice3A_2277 : vector<512x128xf32>
      %logistic3A_2279 = math.exp %logistic3A_2278 : vector<512x128xf32>
      %logistic3A_2280 = arith.constant 1.000000e+00 : f32
      %logistic3A_2281 = vector.broadcast %logistic3A_2280 : f32 to vector<512x128xf32>
      %logistic3A_2282 = arith.addf %logistic3A_2281, %logistic3A_2279 : vector<512x128xf32>
      %logistic3A_2283 = arith.divf %logistic3A_2281, %logistic3A_2282 : vector<512x128xf32>
      %mul3A_2284 = arith.mulf %logistic3A_2274, %select_n3A_2208 : vector<512x128xf32>
      %mul3A_2285 = arith.mulf %logistic3A_2267, %tanh3A_2276 : vector<512x128xf32>
      %add3A_2286 = arith.addf %mul3A_2284, %mul3A_2285 : vector<512x128xf32>
      %tanh3A_2287 = math.tanh %add3A_2286 : vector<512x128xf32>
      %mul3A_2288 = arith.mulf %logistic3A_2283, %tanh3A_2287 : vector<512x128xf32>
      %broadcast_in_dim3A_2289 = vector.broadcast %add3A_2212 : i32 to vector<512x128xi32>
      %broadcast_in_dim3A_2290 = vector.broadcast %sub3A_2214 : i32 to vector<512x128xi32>
      %select_n3A_2291 = arith.select %lt3A_9, %broadcast_in_dim3A_2289, %broadcast_in_dim3A_2290 : vector<512x128xi1>, vector<512x128xi32>
      %gt3A_2292 = vector.broadcast %get3A_1 : vector<512x1xi32> to vector<512x128xi32>
      %gt3A_2293 = arith.cmpi sgt, %gt3A_2292, %select_n3A_2291 : vector<512x128xi32>
      %jit3A_2294 = arith.constant 0.000000e+00 : f32
      %broadcast_in_dim3A_2295 = vector.broadcast %jit3A_2294 : f32 to vector<512x128xf32>
      %select_n3A_2296 = arith.select %gt3A_2293, %mul3A_2288, %broadcast_in_dim3A_2295 : vector<512x128xi1>, vector<512x128xf32>
      %slice3A_2297 = vector.extract_strided_slice %select_n3A_2296 {offsets = [0, 0], sizes = [512, 64], strides = [1, 1]} : vector<512x128xf32> to vector<512x64xf32>
      %swap3A_2298 = arith.index_cast %add3A_2212 : i32 to index
      %swap3A_2299 = arith.constant 0 : index
      %swap3A_2300 = arith.constant 0 : index
      %swap3A_2301 = vector.load %arg9[%swap3A_2298, %swap3A_2299, %swap3A_2300] : memref<50x512x128xf32, #tpu.memory_space<vmem>>, vector<1x512x64xf32>
      %swap3A_2302 = vector.shape_cast %swap3A_2301 : vector<1x512x64xf32> to vector<512x64xf32>
      %swap3A_2303 = vector.shape_cast %slice3A_2297 : vector<512x64xf32> to vector<1x512x64xf32>
      tpu.vector_store %arg9[%swap3A_2298, %swap3A_2299, %swap3A_2300], %swap3A_2303 {strides = array<i32>} : memref<50x512x128xf32, #tpu.memory_space<vmem>>, vector<1x512x64xf32>,
      %slice3A_2304 = vector.extract_strided_slice %select_n3A_2296 {offsets = [0, 64], sizes = [512, 64], strides = [1, 1]} : vector<512x128xf32> to vector<512x64xf32>
      %swap3A_2305 = arith.index_cast %sub3A_2214 : i32 to index
      %swap3A_2306 = arith.constant 0 : index
      %swap3A_2307 = arith.constant 64 : index
      %swap3A_2308 = vector.load %arg9[%swap3A_2305, %swap3A_2306, %swap3A_2307] : memref<50x512x128xf32, #tpu.memory_space<vmem>>, vector<1x512x64xf32>
      %swap3A_2309 = vector.shape_cast %swap3A_2308 : vector<1x512x64xf32> to vector<512x64xf32>
      %swap3A_2310 = vector.shape_cast %slice3A_2304 : vector<512x64xf32> to vector<1x512x64xf32>
      tpu.vector_store %arg9[%swap3A_2305, %swap3A_2306, %swap3A_2307], %swap3A_2310 {strides = array<i32>} : memref<50x512x128xf32, #tpu.memory_space<vmem>>, vector<1x512x64xf32>,
      %select_n3A_2311 = arith.select %gt3A_2293, %mul3A_2288, %select_n3A_2207 : vector<512x128xi1>, vector<512x128xf32>
      %select_n3A_2312 = arith.select %gt3A_2293, %add3A_2286, %select_n3A_2208 : vector<512x128xi1>, vector<512x128xf32>
      %mul3A_2313 = arith.constant 25 : i32
      %mul3A_2314 = arith.muli %mul3A_2313, %scan3A_32 : i32
      %add3A_2315 = arith.constant 22 : i32
      %add3A_2316 = arith.addi %mul3A_2314, %add3A_2315 : i32
      %sub3A_2317 = arith.constant 49 : i32
      %sub3A_2318 = arith.subi %sub3A_2317, %add3A_2316 : i32
      %get3A_2319 = arith.index_cast %add3A_2316 : i32 to index
      %get3A_2320 = arith.constant 0 : index
      %get3A_2321 = arith.constant 0 : index
      %get3A_2322 = vector.load %arg1[%get3A_2319, %get3A_2320, %get3A_2321] : memref<50x512x128xf32, #tpu.memory_space<vmem>>, vector<1x512x128xf32>
      %get3A_2323 = vector.shape_cast %get3A_2322 : vector<1x512x128xf32> to vector<512x128xf32>
      %get3A_2324 = arith.index_cast %add3A_2316 : i32 to index
      %get3A_2325 = arith.constant 0 : index
      %get3A_2326 = arith.constant 0 : index
      %get3A_2327 = vector.load %arg2[%get3A_2324, %get3A_2325, %get3A_2326] : memref<50x512x1xi8, #tpu.memory_space<vmem>>, vector<1x512x1xi8>
      %get3A_2328 = vector.shape_cast %get3A_2327 : vector<1x512x1xi8> to vector<512x1xi8>
      %ne3A_2329 = arith.constant 0 : i8
      %ne3A_2330 = vector.broadcast %ne3A_2329 : i8 to vector<512x1xi8>
      %ne3A_2331 = arith.cmpi ne, %get3A_2328, %ne3A_2330 : vector<512x1xi8>
      %slice3A_2332 = vector.extract_strided_slice %get3A_2323 {offsets = [0, 64], sizes = [512, 64], strides = [1, 1]} : vector<512x128xf32> to vector<512x64xf32>
      %slice3A_2333 = vector.extract_strided_slice %get3A_2323 {offsets = [0, 0], sizes = [512, 64], strides = [1, 1]} : vector<512x128xf32> to vector<512x64xf32>
      %broadcast_in_dim3A_2334 = vector.shape_cast %ne3A_2331 : vector<512x1xi1> to vector<512x1xi1>
      %broadcast_in_dim3A_2335 = vector.broadcast %broadcast_in_dim3A_2334 : vector<512x1xi1> to vector<512x64xi1>
      %select_n3A_2336 = arith.select %broadcast_in_dim3A_2335, %slice3A_2332, %slice3A_2333 : vector<512x64xi1>, vector<512x64xf32>
      %get3A_2337 = arith.index_cast %sub3A_2318 : i32 to index
      %get3A_2338 = arith.constant 0 : index
      %get3A_2339 = arith.constant 0 : index
      %get3A_2340 = vector.load %arg1[%get3A_2337, %get3A_2338, %get3A_2339] : memref<50x512x128xf32, #tpu.memory_space<vmem>>, vector<1x512x128xf32>
      %get3A_2341 = vector.shape_cast %get3A_2340 : vector<1x512x128xf32> to vector<512x128xf32>
      %get3A_2342 = arith.index_cast %sub3A_2318 : i32 to index
      %get3A_2343 = arith.constant 0 : index
      %get3A_2344 = arith.constant 0 : index
      %get3A_2345 = vector.load %arg2[%get3A_2342, %get3A_2343, %get3A_2344] : memref<50x512x1xi8, #tpu.memory_space<vmem>>, vector<1x512x1xi8>
      %get3A_2346 = vector.shape_cast %get3A_2345 : vector<1x512x1xi8> to vector<512x1xi8>
      %ne3A_2347 = arith.constant 0 : i8
      %ne3A_2348 = vector.broadcast %ne3A_2347 : i8 to vector<512x1xi8>
      %ne3A_2349 = arith.cmpi ne, %get3A_2346, %ne3A_2348 : vector<512x1xi8>
      %slice3A_2350 = vector.extract_strided_slice %get3A_2341 {offsets = [0, 64], sizes = [512, 64], strides = [1, 1]} : vector<512x128xf32> to vector<512x64xf32>
      %slice3A_2351 = vector.extract_strided_slice %get3A_2341 {offsets = [0, 0], sizes = [512, 64], strides = [1, 1]} : vector<512x128xf32> to vector<512x64xf32>
      %broadcast_in_dim3A_2352 = vector.shape_cast %ne3A_2349 : vector<512x1xi1> to vector<512x1xi1>
      %broadcast_in_dim3A_2353 = vector.broadcast %broadcast_in_dim3A_2352 : vector<512x1xi1> to vector<512x64xi1>
      %select_n3A_2354 = arith.select %broadcast_in_dim3A_2353, %slice3A_2350, %slice3A_2351 : vector<512x64xi1>, vector<512x64xf32>
      %concatenate3A_2355 = tpu.concatenate %select_n3A_2336, %select_n3A_2354 in 1 : vector<512x64xf32>, vector<512x64xf32> -> vector<512x128xf32>
      %slice3A_2356 = vector.extract_strided_slice %get3A_4 {offsets = [0, 0], sizes = [128, 512], strides = [1, 1]} : vector<256x512xf32> to vector<128x512xf32>
      %dot_general3A_2357 = arith.constant dense<0.000000e+00> : vector<512x512xf32>
      %dot_general3A_2358 = tpu.matmul %concatenate3A_2355, %slice3A_2356, %dot_general3A_2357 {dimension_numbers = #tpu.dot_dimension_numbers<[1], [0], [0], [1], [0, 0, 1, 1], [], []>, transpose_lhs_hint = false} : vector<512x128xf32>, vector<128x512xf32>, vector<512x512xf32> -> vector<512x512xf32>
      %slice3A_2359 = vector.extract_strided_slice %get3A_4 {offsets = [128, 0], sizes = [128, 512], strides = [1, 1]} : vector<256x512xf32> to vector<128x512xf32>
      %dot_general3A_2360 = arith.constant dense<0.000000e+00> : vector<512x512xf32>
      %dot_general3A_2361 = tpu.matmul %select_n3A_2311, %slice3A_2359, %dot_general3A_2360 {dimension_numbers = #tpu.dot_dimension_numbers<[1], [0], [0], [1], [0, 0, 1, 1], [], []>, transpose_lhs_hint = false} : vector<512x128xf32>, vector<128x512xf32>, vector<512x512xf32> -> vector<512x512xf32>
      %add3A_2362 = arith.addf %dot_general3A_2358, %dot_general3A_2361 : vector<512x512xf32>
      %add3A_2363 = vector.broadcast %get3A_7 : vector<1x512xf32> to vector<512x512xf32>
      %add3A_2364 = arith.addf %add3A_2362, %add3A_2363 : vector<512x512xf32>
      %slice3A_2365 = vector.extract_strided_slice %add3A_2364 {offsets = [0, 0], sizes = [512, 128], strides = [1, 1]} : vector<512x512xf32> to vector<512x128xf32>
      %logistic3A_2366 = arith.negf %slice3A_2365 : vector<512x128xf32>
      %logistic3A_2367 = math.exp %logistic3A_2366 : vector<512x128xf32>
      %logistic3A_2368 = arith.constant 1.000000e+00 : f32
      %logistic3A_2369 = vector.broadcast %logistic3A_2368 : f32 to vector<512x128xf32>
      %logistic3A_2370 = arith.addf %logistic3A_2369, %logistic3A_2367 : vector<512x128xf32>
      %logistic3A_2371 = arith.divf %logistic3A_2369, %logistic3A_2370 : vector<512x128xf32>
      %slice3A_2372 = vector.extract_strided_slice %add3A_2364 {offsets = [0, 128], sizes = [512, 128], strides = [1, 1]} : vector<512x512xf32> to vector<512x128xf32>
      %logistic3A_2373 = arith.negf %slice3A_2372 : vector<512x128xf32>
      %logistic3A_2374 = math.exp %logistic3A_2373 : vector<512x128xf32>
      %logistic3A_2375 = arith.constant 1.000000e+00 : f32
      %logistic3A_2376 = vector.broadcast %logistic3A_2375 : f32 to vector<512x128xf32>
      %logistic3A_2377 = arith.addf %logistic3A_2376, %logistic3A_2374 : vector<512x128xf32>
      %logistic3A_2378 = arith.divf %logistic3A_2376, %logistic3A_2377 : vector<512x128xf32>
      %slice3A_2379 = vector.extract_strided_slice %add3A_2364 {offsets = [0, 256], sizes = [512, 128], strides = [1, 1]} : vector<512x512xf32> to vector<512x128xf32>
      %tanh3A_2380 = math.tanh %slice3A_2379 : vector<512x128xf32>
      %slice3A_2381 = vector.extract_strided_slice %add3A_2364 {offsets = [0, 384], sizes = [512, 128], strides = [1, 1]} : vector<512x512xf32> to vector<512x128xf32>
      %logistic3A_2382 = arith.negf %slice3A_2381 : vector<512x128xf32>
      %logistic3A_2383 = math.exp %logistic3A_2382 : vector<512x128xf32>
      %logistic3A_2384 = arith.constant 1.000000e+00 : f32
      %logistic3A_2385 = vector.broadcast %logistic3A_2384 : f32 to vector<512x128xf32>
      %logistic3A_2386 = arith.addf %logistic3A_2385, %logistic3A_2383 : vector<512x128xf32>
      %logistic3A_2387 = arith.divf %logistic3A_2385, %logistic3A_2386 : vector<512x128xf32>
      %mul3A_2388 = arith.mulf %logistic3A_2378, %select_n3A_2312 : vector<512x128xf32>
      %mul3A_2389 = arith.mulf %logistic3A_2371, %tanh3A_2380 : vector<512x128xf32>
      %add3A_2390 = arith.addf %mul3A_2388, %mul3A_2389 : vector<512x128xf32>
      %tanh3A_2391 = math.tanh %add3A_2390 : vector<512x128xf32>
      %mul3A_2392 = arith.mulf %logistic3A_2387, %tanh3A_2391 : vector<512x128xf32>
      %broadcast_in_dim3A_2393 = vector.broadcast %add3A_2316 : i32 to vector<512x128xi32>
      %broadcast_in_dim3A_2394 = vector.broadcast %sub3A_2318 : i32 to vector<512x128xi32>
      %select_n3A_2395 = arith.select %lt3A_9, %broadcast_in_dim3A_2393, %broadcast_in_dim3A_2394 : vector<512x128xi1>, vector<512x128xi32>
      %gt3A_2396 = vector.broadcast %get3A_1 : vector<512x1xi32> to vector<512x128xi32>
      %gt3A_2397 = arith.cmpi sgt, %gt3A_2396, %select_n3A_2395 : vector<512x128xi32>
      %jit3A_2398 = arith.constant 0.000000e+00 : f32
      %broadcast_in_dim3A_2399 = vector.broadcast %jit3A_2398 : f32 to vector<512x128xf32>
      %select_n3A_2400 = arith.select %gt3A_2397, %mul3A_2392, %broadcast_in_dim3A_2399 : vector<512x128xi1>, vector<512x128xf32>
      %slice3A_2401 = vector.extract_strided_slice %select_n3A_2400 {offsets = [0, 0], sizes = [512, 64], strides = [1, 1]} : vector<512x128xf32> to vector<512x64xf32>
      %swap3A_2402 = arith.index_cast %add3A_2316 : i32 to index
      %swap3A_2403 = arith.constant 0 : index
      %swap3A_2404 = arith.constant 0 : index
      %swap3A_2405 = vector.load %arg9[%swap3A_2402, %swap3A_2403, %swap3A_2404] : memref<50x512x128xf32, #tpu.memory_space<vmem>>, vector<1x512x64xf32>
      %swap3A_2406 = vector.shape_cast %swap3A_2405 : vector<1x512x64xf32> to vector<512x64xf32>
      %swap3A_2407 = vector.shape_cast %slice3A_2401 : vector<512x64xf32> to vector<1x512x64xf32>
      tpu.vector_store %arg9[%swap3A_2402, %swap3A_2403, %swap3A_2404], %swap3A_2407 {strides = array<i32>} : memref<50x512x128xf32, #tpu.memory_space<vmem>>, vector<1x512x64xf32>,
      %slice3A_2408 = vector.extract_strided_slice %select_n3A_2400 {offsets = [0, 64], sizes = [512, 64], strides = [1, 1]} : vector<512x128xf32> to vector<512x64xf32>
      %swap3A_2409 = arith.index_cast %sub3A_2318 : i32 to index
      %swap3A_2410 = arith.constant 0 : index
      %swap3A_2411 = arith.constant 64 : index
      %swap3A_2412 = vector.load %arg9[%swap3A_2409, %swap3A_2410, %swap3A_2411] : memref<50x512x128xf32, #tpu.memory_space<vmem>>, vector<1x512x64xf32>
      %swap3A_2413 = vector.shape_cast %swap3A_2412 : vector<1x512x64xf32> to vector<512x64xf32>
      %swap3A_2414 = vector.shape_cast %slice3A_2408 : vector<512x64xf32> to vector<1x512x64xf32>
      tpu.vector_store %arg9[%swap3A_2409, %swap3A_2410, %swap3A_2411], %swap3A_2414 {strides = array<i32>} : memref<50x512x128xf32, #tpu.memory_space<vmem>>, vector<1x512x64xf32>,
      %select_n3A_2415 = arith.select %gt3A_2397, %mul3A_2392, %select_n3A_2311 : vector<512x128xi1>, vector<512x128xf32>
      %select_n3A_2416 = arith.select %gt3A_2397, %add3A_2390, %select_n3A_2312 : vector<512x128xi1>, vector<512x128xf32>
      %mul3A_2417 = arith.constant 25 : i32
      %mul3A_2418 = arith.muli %mul3A_2417, %scan3A_32 : i32
      %add3A_2419 = arith.constant 23 : i32
      %add3A_2420 = arith.addi %mul3A_2418, %add3A_2419 : i32
      %sub3A_2421 = arith.constant 49 : i32
      %sub3A_2422 = arith.subi %sub3A_2421, %add3A_2420 : i32
      %get3A_2423 = arith.index_cast %add3A_2420 : i32 to index
      %get3A_2424 = arith.constant 0 : index
      %get3A_2425 = arith.constant 0 : index
      %get3A_2426 = vector.load %arg1[%get3A_2423, %get3A_2424, %get3A_2425] : memref<50x512x128xf32, #tpu.memory_space<vmem>>, vector<1x512x128xf32>
      %get3A_2427 = vector.shape_cast %get3A_2426 : vector<1x512x128xf32> to vector<512x128xf32>
      %get3A_2428 = arith.index_cast %add3A_2420 : i32 to index
      %get3A_2429 = arith.constant 0 : index
      %get3A_2430 = arith.constant 0 : index
      %get3A_2431 = vector.load %arg2[%get3A_2428, %get3A_2429, %get3A_2430] : memref<50x512x1xi8, #tpu.memory_space<vmem>>, vector<1x512x1xi8>
      %get3A_2432 = vector.shape_cast %get3A_2431 : vector<1x512x1xi8> to vector<512x1xi8>
      %ne3A_2433 = arith.constant 0 : i8
      %ne3A_2434 = vector.broadcast %ne3A_2433 : i8 to vector<512x1xi8>
      %ne3A_2435 = arith.cmpi ne, %get3A_2432, %ne3A_2434 : vector<512x1xi8>
      %slice3A_2436 = vector.extract_strided_slice %get3A_2427 {offsets = [0, 64], sizes = [512, 64], strides = [1, 1]} : vector<512x128xf32> to vector<512x64xf32>
      %slice3A_2437 = vector.extract_strided_slice %get3A_2427 {offsets = [0, 0], sizes = [512, 64], strides = [1, 1]} : vector<512x128xf32> to vector<512x64xf32>
      %broadcast_in_dim3A_2438 = vector.shape_cast %ne3A_2435 : vector<512x1xi1> to vector<512x1xi1>
      %broadcast_in_dim3A_2439 = vector.broadcast %broadcast_in_dim3A_2438 : vector<512x1xi1> to vector<512x64xi1>
      %select_n3A_2440 = arith.select %broadcast_in_dim3A_2439, %slice3A_2436, %slice3A_2437 : vector<512x64xi1>, vector<512x64xf32>
      %get3A_2441 = arith.index_cast %sub3A_2422 : i32 to index
      %get3A_2442 = arith.constant 0 : index
      %get3A_2443 = arith.constant 0 : index
      %get3A_2444 = vector.load %arg1[%get3A_2441, %get3A_2442, %get3A_2443] : memref<50x512x128xf32, #tpu.memory_space<vmem>>, vector<1x512x128xf32>
      %get3A_2445 = vector.shape_cast %get3A_2444 : vector<1x512x128xf32> to vector<512x128xf32>
      %get3A_2446 = arith.index_cast %sub3A_2422 : i32 to index
      %get3A_2447 = arith.constant 0 : index
      %get3A_2448 = arith.constant 0 : index
      %get3A_2449 = vector.load %arg2[%get3A_2446, %get3A_2447, %get3A_2448] : memref<50x512x1xi8, #tpu.memory_space<vmem>>, vector<1x512x1xi8>
      %get3A_2450 = vector.shape_cast %get3A_2449 : vector<1x512x1xi8> to vector<512x1xi8>
      %ne3A_2451 = arith.constant 0 : i8
      %ne3A_2452 = vector.broadcast %ne3A_2451 : i8 to vector<512x1xi8>
      %ne3A_2453 = arith.cmpi ne, %get3A_2450, %ne3A_2452 : vector<512x1xi8>
      %slice3A_2454 = vector.extract_strided_slice %get3A_2445 {offsets = [0, 64], sizes = [512, 64], strides = [1, 1]} : vector<512x128xf32> to vector<512x64xf32>
      %slice3A_2455 = vector.extract_strided_slice %get3A_2445 {offsets = [0, 0], sizes = [512, 64], strides = [1, 1]} : vector<512x128xf32> to vector<512x64xf32>
      %broadcast_in_dim3A_2456 = vector.shape_cast %ne3A_2453 : vector<512x1xi1> to vector<512x1xi1>
      %broadcast_in_dim3A_2457 = vector.broadcast %broadcast_in_dim3A_2456 : vector<512x1xi1> to vector<512x64xi1>
      %select_n3A_2458 = arith.select %broadcast_in_dim3A_2457, %slice3A_2454, %slice3A_2455 : vector<512x64xi1>, vector<512x64xf32>
      %concatenate3A_2459 = tpu.concatenate %select_n3A_2440, %select_n3A_2458 in 1 : vector<512x64xf32>, vector<512x64xf32> -> vector<512x128xf32>
      %slice3A_2460 = vector.extract_strided_slice %get3A_4 {offsets = [0, 0], sizes = [128, 512], strides = [1, 1]} : vector<256x512xf32> to vector<128x512xf32>
      %dot_general3A_2461 = arith.constant dense<0.000000e+00> : vector<512x512xf32>
      %dot_general3A_2462 = tpu.matmul %concatenate3A_2459, %slice3A_2460, %dot_general3A_2461 {dimension_numbers = #tpu.dot_dimension_numbers<[1], [0], [0], [1], [0, 0, 1, 1], [], []>, transpose_lhs_hint = false} : vector<512x128xf32>, vector<128x512xf32>, vector<512x512xf32> -> vector<512x512xf32>
      %slice3A_2463 = vector.extract_strided_slice %get3A_4 {offsets = [128, 0], sizes = [128, 512], strides = [1, 1]} : vector<256x512xf32> to vector<128x512xf32>
      %dot_general3A_2464 = arith.constant dense<0.000000e+00> : vector<512x512xf32>
      %dot_general3A_2465 = tpu.matmul %select_n3A_2415, %slice3A_2463, %dot_general3A_2464 {dimension_numbers = #tpu.dot_dimension_numbers<[1], [0], [0], [1], [0, 0, 1, 1], [], []>, transpose_lhs_hint = false} : vector<512x128xf32>, vector<128x512xf32>, vector<512x512xf32> -> vector<512x512xf32>
      %add3A_2466 = arith.addf %dot_general3A_2462, %dot_general3A_2465 : vector<512x512xf32>
      %add3A_2467 = vector.broadcast %get3A_7 : vector<1x512xf32> to vector<512x512xf32>
      %add3A_2468 = arith.addf %add3A_2466, %add3A_2467 : vector<512x512xf32>
      %slice3A_2469 = vector.extract_strided_slice %add3A_2468 {offsets = [0, 0], sizes = [512, 128], strides = [1, 1]} : vector<512x512xf32> to vector<512x128xf32>
      %logistic3A_2470 = arith.negf %slice3A_2469 : vector<512x128xf32>
      %logistic3A_2471 = math.exp %logistic3A_2470 : vector<512x128xf32>
      %logistic3A_2472 = arith.constant 1.000000e+00 : f32
      %logistic3A_2473 = vector.broadcast %logistic3A_2472 : f32 to vector<512x128xf32>
      %logistic3A_2474 = arith.addf %logistic3A_2473, %logistic3A_2471 : vector<512x128xf32>
      %logistic3A_2475 = arith.divf %logistic3A_2473, %logistic3A_2474 : vector<512x128xf32>
      %slice3A_2476 = vector.extract_strided_slice %add3A_2468 {offsets = [0, 128], sizes = [512, 128], strides = [1, 1]} : vector<512x512xf32> to vector<512x128xf32>
      %logistic3A_2477 = arith.negf %slice3A_2476 : vector<512x128xf32>
      %logistic3A_2478 = math.exp %logistic3A_2477 : vector<512x128xf32>
      %logistic3A_2479 = arith.constant 1.000000e+00 : f32
      %logistic3A_2480 = vector.broadcast %logistic3A_2479 : f32 to vector<512x128xf32>
      %logistic3A_2481 = arith.addf %logistic3A_2480, %logistic3A_2478 : vector<512x128xf32>
      %logistic3A_2482 = arith.divf %logistic3A_2480, %logistic3A_2481 : vector<512x128xf32>
      %slice3A_2483 = vector.extract_strided_slice %add3A_2468 {offsets = [0, 256], sizes = [512, 128], strides = [1, 1]} : vector<512x512xf32> to vector<512x128xf32>
      %tanh3A_2484 = math.tanh %slice3A_2483 : vector<512x128xf32>
      %slice3A_2485 = vector.extract_strided_slice %add3A_2468 {offsets = [0, 384], sizes = [512, 128], strides = [1, 1]} : vector<512x512xf32> to vector<512x128xf32>
      %logistic3A_2486 = arith.negf %slice3A_2485 : vector<512x128xf32>
      %logistic3A_2487 = math.exp %logistic3A_2486 : vector<512x128xf32>
      %logistic3A_2488 = arith.constant 1.000000e+00 : f32
      %logistic3A_2489 = vector.broadcast %logistic3A_2488 : f32 to vector<512x128xf32>
      %logistic3A_2490 = arith.addf %logistic3A_2489, %logistic3A_2487 : vector<512x128xf32>
      %logistic3A_2491 = arith.divf %logistic3A_2489, %logistic3A_2490 : vector<512x128xf32>
      %mul3A_2492 = arith.mulf %logistic3A_2482, %select_n3A_2416 : vector<512x128xf32>
      %mul3A_2493 = arith.mulf %logistic3A_2475, %tanh3A_2484 : vector<512x128xf32>
      %add3A_2494 = arith.addf %mul3A_2492, %mul3A_2493 : vector<512x128xf32>
      %tanh3A_2495 = math.tanh %add3A_2494 : vector<512x128xf32>
      %mul3A_2496 = arith.mulf %logistic3A_2491, %tanh3A_2495 : vector<512x128xf32>
      %broadcast_in_dim3A_2497 = vector.broadcast %add3A_2420 : i32 to vector<512x128xi32>
      %broadcast_in_dim3A_2498 = vector.broadcast %sub3A_2422 : i32 to vector<512x128xi32>
      %select_n3A_2499 = arith.select %lt3A_9, %broadcast_in_dim3A_2497, %broadcast_in_dim3A_2498 : vector<512x128xi1>, vector<512x128xi32>
      %gt3A_2500 = vector.broadcast %get3A_1 : vector<512x1xi32> to vector<512x128xi32>
      %gt3A_2501 = arith.cmpi sgt, %gt3A_2500, %select_n3A_2499 : vector<512x128xi32>
      %jit3A_2502 = arith.constant 0.000000e+00 : f32
      %broadcast_in_dim3A_2503 = vector.broadcast %jit3A_2502 : f32 to vector<512x128xf32>
      %select_n3A_2504 = arith.select %gt3A_2501, %mul3A_2496, %broadcast_in_dim3A_2503 : vector<512x128xi1>, vector<512x128xf32>
      %slice3A_2505 = vector.extract_strided_slice %select_n3A_2504 {offsets = [0, 0], sizes = [512, 64], strides = [1, 1]} : vector<512x128xf32> to vector<512x64xf32>
      %swap3A_2506 = arith.index_cast %add3A_2420 : i32 to index
      %swap3A_2507 = arith.constant 0 : index
      %swap3A_2508 = arith.constant 0 : index
      %swap3A_2509 = vector.load %arg9[%swap3A_2506, %swap3A_2507, %swap3A_2508] : memref<50x512x128xf32, #tpu.memory_space<vmem>>, vector<1x512x64xf32>
      %swap3A_2510 = vector.shape_cast %swap3A_2509 : vector<1x512x64xf32> to vector<512x64xf32>
      %swap3A_2511 = vector.shape_cast %slice3A_2505 : vector<512x64xf32> to vector<1x512x64xf32>
      tpu.vector_store %arg9[%swap3A_2506, %swap3A_2507, %swap3A_2508], %swap3A_2511 {strides = array<i32>} : memref<50x512x128xf32, #tpu.memory_space<vmem>>, vector<1x512x64xf32>,
      %slice3A_2512 = vector.extract_strided_slice %select_n3A_2504 {offsets = [0, 64], sizes = [512, 64], strides = [1, 1]} : vector<512x128xf32> to vector<512x64xf32>
      %swap3A_2513 = arith.index_cast %sub3A_2422 : i32 to index
      %swap3A_2514 = arith.constant 0 : index
      %swap3A_2515 = arith.constant 64 : index
      %swap3A_2516 = vector.load %arg9[%swap3A_2513, %swap3A_2514, %swap3A_2515] : memref<50x512x128xf32, #tpu.memory_space<vmem>>, vector<1x512x64xf32>
      %swap3A_2517 = vector.shape_cast %swap3A_2516 : vector<1x512x64xf32> to vector<512x64xf32>
      %swap3A_2518 = vector.shape_cast %slice3A_2512 : vector<512x64xf32> to vector<1x512x64xf32>
      tpu.vector_store %arg9[%swap3A_2513, %swap3A_2514, %swap3A_2515], %swap3A_2518 {strides = array<i32>} : memref<50x512x128xf32, #tpu.memory_space<vmem>>, vector<1x512x64xf32>,
      %select_n3A_2519 = arith.select %gt3A_2501, %mul3A_2496, %select_n3A_2415 : vector<512x128xi1>, vector<512x128xf32>
      %select_n3A_2520 = arith.select %gt3A_2501, %add3A_2494, %select_n3A_2416 : vector<512x128xi1>, vector<512x128xf32>
      %mul3A_2521 = arith.constant 25 : i32
      %mul3A_2522 = arith.muli %mul3A_2521, %scan3A_32 : i32
      %add3A_2523 = arith.constant 24 : i32
      %add3A_2524 = arith.addi %mul3A_2522, %add3A_2523 : i32
      %sub3A_2525 = arith.constant 49 : i32
      %sub3A_2526 = arith.subi %sub3A_2525, %add3A_2524 : i32
      %get3A_2527 = arith.index_cast %add3A_2524 : i32 to index
      %get3A_2528 = arith.constant 0 : index
      %get3A_2529 = arith.constant 0 : index
      %get3A_2530 = vector.load %arg1[%get3A_2527, %get3A_2528, %get3A_2529] : memref<50x512x128xf32, #tpu.memory_space<vmem>>, vector<1x512x128xf32>
      %get3A_2531 = vector.shape_cast %get3A_2530 : vector<1x512x128xf32> to vector<512x128xf32>
      %get3A_2532 = arith.index_cast %add3A_2524 : i32 to index
      %get3A_2533 = arith.constant 0 : index
      %get3A_2534 = arith.constant 0 : index
      %get3A_2535 = vector.load %arg2[%get3A_2532, %get3A_2533, %get3A_2534] : memref<50x512x1xi8, #tpu.memory_space<vmem>>, vector<1x512x1xi8>
      %get3A_2536 = vector.shape_cast %get3A_2535 : vector<1x512x1xi8> to vector<512x1xi8>
      %ne3A_2537 = arith.constant 0 : i8
      %ne3A_2538 = vector.broadcast %ne3A_2537 : i8 to vector<512x1xi8>
      %ne3A_2539 = arith.cmpi ne, %get3A_2536, %ne3A_2538 : vector<512x1xi8>
      %slice3A_2540 = vector.extract_strided_slice %get3A_2531 {offsets = [0, 64], sizes = [512, 64], strides = [1, 1]} : vector<512x128xf32> to vector<512x64xf32>
      %slice3A_2541 = vector.extract_strided_slice %get3A_2531 {offsets = [0, 0], sizes = [512, 64], strides = [1, 1]} : vector<512x128xf32> to vector<512x64xf32>
      %broadcast_in_dim3A_2542 = vector.shape_cast %ne3A_2539 : vector<512x1xi1> to vector<512x1xi1>
      %broadcast_in_dim3A_2543 = vector.broadcast %broadcast_in_dim3A_2542 : vector<512x1xi1> to vector<512x64xi1>
      %select_n3A_2544 = arith.select %broadcast_in_dim3A_2543, %slice3A_2540, %slice3A_2541 : vector<512x64xi1>, vector<512x64xf32>
      %get3A_2545 = arith.index_cast %sub3A_2526 : i32 to index
      %get3A_2546 = arith.constant 0 : index
      %get3A_2547 = arith.constant 0 : index
      %get3A_2548 = vector.load %arg1[%get3A_2545, %get3A_2546, %get3A_2547] : memref<50x512x128xf32, #tpu.memory_space<vmem>>, vector<1x512x128xf32>
      %get3A_2549 = vector.shape_cast %get3A_2548 : vector<1x512x128xf32> to vector<512x128xf32>
      %get3A_2550 = arith.index_cast %sub3A_2526 : i32 to index
      %get3A_2551 = arith.constant 0 : index
      %get3A_2552 = arith.constant 0 : index
      %get3A_2553 = vector.load %arg2[%get3A_2550, %get3A_2551, %get3A_2552] : memref<50x512x1xi8, #tpu.memory_space<vmem>>, vector<1x512x1xi8>
      %get3A_2554 = vector.shape_cast %get3A_2553 : vector<1x512x1xi8> to vector<512x1xi8>
      %ne3A_2555 = arith.constant 0 : i8
      %ne3A_2556 = vector.broadcast %ne3A_2555 : i8 to vector<512x1xi8>
      %ne3A_2557 = arith.cmpi ne, %get3A_2554, %ne3A_2556 : vector<512x1xi8>
      %slice3A_2558 = vector.extract_strided_slice %get3A_2549 {offsets = [0, 64], sizes = [512, 64], strides = [1, 1]} : vector<512x128xf32> to vector<512x64xf32>
      %slice3A_2559 = vector.extract_strided_slice %get3A_2549 {offsets = [0, 0], sizes = [512, 64], strides = [1, 1]} : vector<512x128xf32> to vector<512x64xf32>
      %broadcast_in_dim3A_2560 = vector.shape_cast %ne3A_2557 : vector<512x1xi1> to vector<512x1xi1>
      %broadcast_in_dim3A_2561 = vector.broadcast %broadcast_in_dim3A_2560 : vector<512x1xi1> to vector<512x64xi1>
      %select_n3A_2562 = arith.select %broadcast_in_dim3A_2561, %slice3A_2558, %slice3A_2559 : vector<512x64xi1>, vector<512x64xf32>
      %concatenate3A_2563 = tpu.concatenate %select_n3A_2544, %select_n3A_2562 in 1 : vector<512x64xf32>, vector<512x64xf32> -> vector<512x128xf32>
      %slice3A_2564 = vector.extract_strided_slice %get3A_4 {offsets = [0, 0], sizes = [128, 512], strides = [1, 1]} : vector<256x512xf32> to vector<128x512xf32>
      %dot_general3A_2565 = arith.constant dense<0.000000e+00> : vector<512x512xf32>
      %dot_general3A_2566 = tpu.matmul %concatenate3A_2563, %slice3A_2564, %dot_general3A_2565 {dimension_numbers = #tpu.dot_dimension_numbers<[1], [0], [0], [1], [0, 0, 1, 1], [], []>, transpose_lhs_hint = false} : vector<512x128xf32>, vector<128x512xf32>, vector<512x512xf32> -> vector<512x512xf32>
      %slice3A_2567 = vector.extract_strided_slice %get3A_4 {offsets = [128, 0], sizes = [128, 512], strides = [1, 1]} : vector<256x512xf32> to vector<128x512xf32>
      %dot_general3A_2568 = arith.constant dense<0.000000e+00> : vector<512x512xf32>
      %dot_general3A_2569 = tpu.matmul %select_n3A_2519, %slice3A_2567, %dot_general3A_2568 {dimension_numbers = #tpu.dot_dimension_numbers<[1], [0], [0], [1], [0, 0, 1, 1], [], []>, transpose_lhs_hint = false} : vector<512x128xf32>, vector<128x512xf32>, vector<512x512xf32> -> vector<512x512xf32>
      %add3A_2570 = arith.addf %dot_general3A_2566, %dot_general3A_2569 : vector<512x512xf32>
      %add3A_2571 = vector.broadcast %get3A_7 : vector<1x512xf32> to vector<512x512xf32>
      %add3A_2572 = arith.addf %add3A_2570, %add3A_2571 : vector<512x512xf32>
      %slice3A_2573 = vector.extract_strided_slice %add3A_2572 {offsets = [0, 0], sizes = [512, 128], strides = [1, 1]} : vector<512x512xf32> to vector<512x128xf32>
      %logistic3A_2574 = arith.negf %slice3A_2573 : vector<512x128xf32>
      %logistic3A_2575 = math.exp %logistic3A_2574 : vector<512x128xf32>
      %logistic3A_2576 = arith.constant 1.000000e+00 : f32
      %logistic3A_2577 = vector.broadcast %logistic3A_2576 : f32 to vector<512x128xf32>
      %logistic3A_2578 = arith.addf %logistic3A_2577, %logistic3A_2575 : vector<512x128xf32>
      %logistic3A_2579 = arith.divf %logistic3A_2577, %logistic3A_2578 : vector<512x128xf32>
      %slice3A_2580 = vector.extract_strided_slice %add3A_2572 {offsets = [0, 128], sizes = [512, 128], strides = [1, 1]} : vector<512x512xf32> to vector<512x128xf32>
      %logistic3A_2581 = arith.negf %slice3A_2580 : vector<512x128xf32>
      %logistic3A_2582 = math.exp %logistic3A_2581 : vector<512x128xf32>
      %logistic3A_2583 = arith.constant 1.000000e+00 : f32
      %logistic3A_2584 = vector.broadcast %logistic3A_2583 : f32 to vector<512x128xf32>
      %logistic3A_2585 = arith.addf %logistic3A_2584, %logistic3A_2582 : vector<512x128xf32>
      %logistic3A_2586 = arith.divf %logistic3A_2584, %logistic3A_2585 : vector<512x128xf32>
      %slice3A_2587 = vector.extract_strided_slice %add3A_2572 {offsets = [0, 256], sizes = [512, 128], strides = [1, 1]} : vector<512x512xf32> to vector<512x128xf32>
      %tanh3A_2588 = math.tanh %slice3A_2587 : vector<512x128xf32>
      %slice3A_2589 = vector.extract_strided_slice %add3A_2572 {offsets = [0, 384], sizes = [512, 128], strides = [1, 1]} : vector<512x512xf32> to vector<512x128xf32>
      %logistic3A_2590 = arith.negf %slice3A_2589 : vector<512x128xf32>
      %logistic3A_2591 = math.exp %logistic3A_2590 : vector<512x128xf32>
      %logistic3A_2592 = arith.constant 1.000000e+00 : f32
      %logistic3A_2593 = vector.broadcast %logistic3A_2592 : f32 to vector<512x128xf32>
      %logistic3A_2594 = arith.addf %logistic3A_2593, %logistic3A_2591 : vector<512x128xf32>
      %logistic3A_2595 = arith.divf %logistic3A_2593, %logistic3A_2594 : vector<512x128xf32>
      %mul3A_2596 = arith.mulf %logistic3A_2586, %select_n3A_2520 : vector<512x128xf32>
      %mul3A_2597 = arith.mulf %logistic3A_2579, %tanh3A_2588 : vector<512x128xf32>
      %add3A_2598 = arith.addf %mul3A_2596, %mul3A_2597 : vector<512x128xf32>
      %tanh3A_2599 = math.tanh %add3A_2598 : vector<512x128xf32>
      %mul3A_2600 = arith.mulf %logistic3A_2595, %tanh3A_2599 : vector<512x128xf32>
      %broadcast_in_dim3A_2601 = vector.broadcast %add3A_2524 : i32 to vector<512x128xi32>
      %broadcast_in_dim3A_2602 = vector.broadcast %sub3A_2526 : i32 to vector<512x128xi32>
      %select_n3A_2603 = arith.select %lt3A_9, %broadcast_in_dim3A_2601, %broadcast_in_dim3A_2602 : vector<512x128xi1>, vector<512x128xi32>
      %gt3A_2604 = vector.broadcast %get3A_1 : vector<512x1xi32> to vector<512x128xi32>
      %gt3A_2605 = arith.cmpi sgt, %gt3A_2604, %select_n3A_2603 : vector<512x128xi32>
      %jit3A_2606 = arith.constant 0.000000e+00 : f32
      %broadcast_in_dim3A_2607 = vector.broadcast %jit3A_2606 : f32 to vector<512x128xf32>
      %select_n3A_2608 = arith.select %gt3A_2605, %mul3A_2600, %broadcast_in_dim3A_2607 : vector<512x128xi1>, vector<512x128xf32>
      %slice3A_2609 = vector.extract_strided_slice %select_n3A_2608 {offsets = [0, 0], sizes = [512, 64], strides = [1, 1]} : vector<512x128xf32> to vector<512x64xf32>
      %swap3A_2610 = arith.index_cast %add3A_2524 : i32 to index
      %swap3A_2611 = arith.constant 0 : index
      %swap3A_2612 = arith.constant 0 : index
      %swap3A_2613 = vector.load %arg9[%swap3A_2610, %swap3A_2611, %swap3A_2612] : memref<50x512x128xf32, #tpu.memory_space<vmem>>, vector<1x512x64xf32>
      %swap3A_2614 = vector.shape_cast %swap3A_2613 : vector<1x512x64xf32> to vector<512x64xf32>
      %swap3A_2615 = vector.shape_cast %slice3A_2609 : vector<512x64xf32> to vector<1x512x64xf32>
      tpu.vector_store %arg9[%swap3A_2610, %swap3A_2611, %swap3A_2612], %swap3A_2615 {strides = array<i32>} : memref<50x512x128xf32, #tpu.memory_space<vmem>>, vector<1x512x64xf32>,
      %slice3A_2616 = vector.extract_strided_slice %select_n3A_2608 {offsets = [0, 64], sizes = [512, 64], strides = [1, 1]} : vector<512x128xf32> to vector<512x64xf32>
      %swap3A_2617 = arith.index_cast %sub3A_2526 : i32 to index
      %swap3A_2618 = arith.constant 0 : index
      %swap3A_2619 = arith.constant 64 : index
      %swap3A_2620 = vector.load %arg9[%swap3A_2617, %swap3A_2618, %swap3A_2619] : memref<50x512x128xf32, #tpu.memory_space<vmem>>, vector<1x512x64xf32>
      %swap3A_2621 = vector.shape_cast %swap3A_2620 : vector<1x512x64xf32> to vector<512x64xf32>
      %swap3A_2622 = vector.shape_cast %slice3A_2616 : vector<512x64xf32> to vector<1x512x64xf32>
      tpu.vector_store %arg9[%swap3A_2617, %swap3A_2618, %swap3A_2619], %swap3A_2622 {strides = array<i32>} : memref<50x512x128xf32, #tpu.memory_space<vmem>>, vector<1x512x64xf32>,
      %select_n3A_2623 = arith.select %gt3A_2605, %mul3A_2600, %select_n3A_2519 : vector<512x128xi1>, vector<512x128xf32>
      %select_n3A_2624 = arith.select %gt3A_2605, %add3A_2598, %select_n3A_2520 : vector<512x128xi1>, vector<512x128xf32>
      scf.yield %select_n3A_2623, %select_n3A_2624 : vector<512x128xf32>, vector<512x128xf32>
    }
    %scan3A_15 = arith.constant 2 : i32
    %get3A_16 = arith.constant 0 : index
    %get3A_17 = arith.constant 0 : index
    %get3A_18 = arith.constant 0 : index
    %get3A_19 = vector.load %arg9[%get3A_16, %get3A_17, %get3A_18] : memref<50x512x128xf32, #tpu.memory_space<vmem>>, vector<50x512x128xf32>
    %reshape3A = vector.shape_cast %get3A_19 : vector<50x512x128xf32> to vector<25600x128xf32>
    %get3A_20 = arith.constant 0 : index
    %get3A_21 = arith.constant 0 : index
    %get3A_22 = vector.load %arg6[%get3A_20, %get3A_21] : memref<10x128xf32, #tpu.memory_space<vmem>>, vector<10x128xf32>
    %dot_general3A = arith.constant dense<0.000000e+00> : vector<10x25600xf32>
    %dot_general3A_23 = tpu.matmul %get3A_22, %reshape3A, %dot_general3A {dimension_numbers = #tpu.dot_dimension_numbers<[1], [1], [0], [0], [0, 0, 1, 0], [], []>, transpose_lhs_hint = false} : vector<10x128xf32>, vector<25600x128xf32>, vector<10x25600xf32> -> vector<10x25600xf32>
    %get3A_24 = arith.constant 0 : index
    %get3A_25 = arith.constant 0 : index
    %get3A_26 = vector.load %arg7[%get3A_24, %get3A_25] : memref<10x1xf32, #tpu.memory_space<vmem>>, vector<10x1xf32>
    %add3A = vector.broadcast %get3A_26 : vector<10x1xf32> to vector<10x25600xf32>
    %add3A_27 = arith.addf %dot_general3A_23, %add3A : vector<10x25600xf32>
    %reshape3A_28 = vector.shape_cast %add3A_27 : vector<10x25600xf32> to vector<10x50x512xf32>
    %swap3A = arith.constant 0 : index
    %swap3A_29 = arith.constant 0 : index
    %swap3A_30 = arith.constant 0 : index
    %swap3A_31 = vector.load %arg8[%swap3A, %swap3A_29, %swap3A_30] : memref<10x50x512xf32, #tpu.memory_space<vmem>>, vector<10x50x512xf32>
    tpu.vector_store %arg8[%swap3A, %swap3A_29, %swap3A_30], %reshape3A_28 {strides = array<i32>} : memref<10x50x512xf32, #tpu.memory_space<vmem>>, vector<10x50x512xf32>,
    return
  }
  func.func @transform_0(%arg0: i32) -> (i32, i32, i32) {
    %c0_i32 = arith.constant 0 : i32
    %c0_i32_0 = arith.constant 0 : i32
    %c0_i32_1 = arith.constant 0 : i32
    return %c0_i32, %arg0, %c0_i32_0 : i32, i32, i32
  }
  func.func @transform_1(%arg0: i32) -> (i32, i32, i32) {
    %c0_i32 = arith.constant 0 : i32
    %c0_i32_0 = arith.constant 0 : i32
    %c0_i32_1 = arith.constant 0 : i32
    return %c0_i32, %arg0, %c0_i32_0 : i32, i32, i32
  }
  func.func @transform_2(%arg0: i32) -> (i32, i32) {
    %c0_i32 = arith.constant 0 : i32
    %c0_i32_0 = arith.constant 0 : i32
    return %arg0, %c0_i32 : i32, i32
  }
  func.func @transform_3(%arg0: i32) -> (i32, i32) {
    %c0_i32 = arith.constant 0 : i32
    %c0_i32_0 = arith.constant 0 : i32
    %c0_i32_1 = arith.constant 0 : i32
    return %c0_i32, %c0_i32_0 : i32, i32
  }
  func.func @transform_4(%arg0: i32) -> (i32, i32) {
    %c0_i32 = arith.constant 0 : i32
    %c0_i32_0 = arith.constant 0 : i32
    %c0_i32_1 = arith.constant 0 : i32
    return %c0_i32, %c0_i32_0 : i32, i32
  }
  func.func @transform_5(%arg0: i32) -> (i32, i32) {
    %c0_i32 = arith.constant 0 : i32
    %c0_i32_0 = arith.constant 0 : i32
    %c0_i32_1 = arith.constant 0 : i32
    return %c0_i32, %c0_i32_0 : i32, i32
  }
  func.func @transform_6(%arg0: i32) -> (i32, i32) {
    %c0_i32 = arith.constant 0 : i32
    %c0_i32_0 = arith.constant 0 : i32
    %c0_i32_1 = arith.constant 0 : i32
    return %c0_i32, %c0_i32_0 : i32, i32
  }
  func.func @transform_7(%arg0: i32) -> (i32, i32, i32) {
    %c0_i32 = arith.constant 0 : i32
    %c0_i32_0 = arith.constant 0 : i32
    %c0_i32_1 = arith.constant 0 : i32
    return %c0_i32, %c0_i32_0, %arg0 : i32, i32, i32
  }
}

</mosaic_0001>

<sc_bundles>
// kernel: kernel.6.cloned.1.call-start
scs
__scs_entry_jumppad:
0x0: {  	(pc) =	sbr.rel $0x88, $3  }
0x1: {  	(tag) =	ssettag $0x0;
	lr =	simm.s32 $0x1  }
0x2: {  	[smem:$0x3F94] =	sst lr;
	_ =	strace $0xD0000000  }
0x3: {  	_ = 	snop  }
0x4: {  	_ = 	snop  }
0x5: {  	_ = 	snop  }
0x6: {  	_ = 	snop  }
0x7: {  	_ = 	snop  }
__scs_overlays_trampoline_lowered:
0x8: {  	[smem:$0x3FA3] =	sst s0  }
0x9: {  	[smem:$0x3FA4] =	sst s1  }
0xa: {  	[smem:$0x3FA5] =	sst s2  }
0xb: {  	[smem:$0x3FA6] =	sst s3  }
0xc: {  	[smem:$0x3FA7] =	sst s4  }
0xd: {  	[smem:$0x3FA8] =	sst s5  }
0xe: {  	[smem:$0x3FA9] =	sst s6  }
0xf: {  	[smem:$0x3FAA] =	sst s7  }
0x10: {  	[smem:$0x3FAB] =	sst s8  }
0x11: {  	[smem:$0x3FAC] =	sst s9;
	s0 =	simm.s32 @!p0 $0x0  }
0x12: {  	s1 =	sld [smem:$0x3F92];
	s0 =	simm.s32 @p0 $0x1  }
0x13: {  	[smem:$0x3FAD] =	sst s0;
	s0 =	simm.s32 @!p1 $0x0  }
0x14: {  	s2 =	sld [smem:$0x3F91];
	s0 =	simm.s32 @p1 $0x1  }
0x15: {  	[smem:$0x3FAE] =	sst s0;
	s0 =	simm.s32 @!p2 $0x0  }
0x16: {  	s3 =	sld [smem:$0x3FDB];
	s0 =	simm.s32 @p2 $0x1  }
0x17: {  	s4 =	simm.s32 $0x1BF5;
	[smem:$0x3FB0] =	sst s0  }
0x18: {  	s0 =	sld [smem:$0x3F93];
	_ =	swait.ge [sflag:s4], $0x0  }
0x19: {  	s7 =	sld [smem:$0x3F94]  }
0x1a: {  	s8 =	sadd.s32 $0xFFFFE003, lr  }
0x1b: {  	s9 =	sadd.s32 $0xFFFFFEF7, lr;
	s5 =	simm.s32 $0xFFFFFFFF;
	p2 =	slt.u32 s8, $0xFFFFF086  }
0x1c: {  	p1 =	slt.u32 s9, $0xF7A;
	s5 =	simm.s32 @!p2 $0x0  }
0x1d: {  	s5 =	simm.s32 @p1 $0x1;
	p0 =	seq.s32 s7, s2  }
0x1e: {  	s7 =	smul.u32 @!p0 $0xF7A, s2;
	p2 =	seq.s32 @!p0 s5, $0x0  }
0x1f: {  	s9 =	smul.u32 $0xF7A, s1;
	s8 =	simm.s32 @!p0 $0x1BF5;
	p2 =	por !p2, p0  }
0x20: {  	[sflag:s8] =	ssyncset.s32 @!p0 $0xFFFFF086;
	s6 =	sadd.s32 @!p0 s3, s7;
	s7 =	simm.s32 @!p0 $0x108  }
0x21: {  	s3 =	sadd.s32 s3, s9;
	s6 =	sadd.s32 @!p0 $0x88, s6;
	s7 =	simm.s32 @p2 $0x1082  }
0x22: {  	[simem:s7], [sflag:s8] =	dma.local @!p0 [hbm:s6], $0xF7A  }
0x23: {  	s9 =	sor.u32 $0xD0000000, s2;
	s6 =	simm.s32 $0x108;
	_ =	swait.ge @!p0 [sflag:s8], $0x0  }
0x24: {  	s3 =	sadd.s32 $0x88, s3;
	s6 =	simm.s32 @!p1 $0x1082;
	[sflag:s4] =	ssyncset.s32 $0xFFFFF086  }
0x25: {  	[simem:s6], [sflag:s4] =	dma.local [hbm:s3], $0xF7A  }
0x26: {  	[smem:$0x3F94] =	sst s1;
	(tag) =	ssettag s2;
	_ =	strace s9  }
0x27: {  	s1 =	sld [smem:$0x3FA4]  }
0x28: {  	s2 =	sld [smem:$0x3FA5]  }
0x29: {  	s4 =	sld [smem:$0x3FA7]  }
0x2a: {  	p0 =	seq.s32 s5, $0x0;
	s5 =	sld [smem:$0x3FA8]  }
0x2b: {  	s6 =	sld [smem:$0x3FA9]  }
0x2c: {  	s7 =	sld [smem:$0x3FAA]  }
0x2d: {  	s3 =	simm.s32 $0x108;
	s8 =	sld [smem:$0x3FAB]  }
0x2e: {  	s3 =	simm.s32 @!p0 $0x1082;
	s9 =	sld [smem:$0x3FAC]  }
0x2f: {  	lr =	sadd.s32 s0, s3;
	s0 =	sld [smem:$0x3FA3]  }
0x30: {  	s3 =	sld [smem:$0x3FA6]  }
0x31: {  	[smem:$0x3FAF] =	sst s10  }
0x32: {  	s10 =	sld [smem:$0x3FAD];
	_ =	sdelay $0x3  }
0x33: {  	p0 =	seq.s32 s10, $0x1;
	s10 =	sld [smem:$0x3FAF];
	_ =	sdelay $0x3  }
0x34: {  	[smem:$0x3FAF] =	sst s10  }
0x35: {  	s10 =	sld [smem:$0x3FAE];
	_ =	sdelay $0x3  }
0x36: {  	p1 =	seq.s32 s10, $0x1;
	s10 =	sld [smem:$0x3FAF];
	_ =	sdelay $0x3  }
0x37: {  	[smem:$0x3FAF] =	sst s10  }
0x38: {  	s10 =	sld [smem:$0x3FB0]  }
0x39: {  	_ = 	snop;
	(pc) =	sbr.ind lr, $3  }
0x3a: {  	_ = 	snop  }
0x3b: {  	_ = 	snop  }
0x3c: {  	p2 =	seq.s32 s10, $0x1;
	s10 =	sld [smem:$0x3FAF]  }
0x3d: {  	_ =	shalt  }
0x3e: {  	_ =	shalt  }
0x3f: {  	_ =	shalt  }
0x40: {  	_ =	shalt  }
0x41: {  	_ =	shalt  }
0x42: {  	_ =	shalt  }
0x43: {  	_ =	shalt  }
0x44: {  	_ =	shalt  }
0x45: {  	_ =	shalt  }
0x46: {  	_ =	shalt  }
0x47: {  	_ =	shalt  }
0x48: {  	_ =	shalt  }
0x49: {  	_ =	shalt  }
0x4a: {  	_ =	shalt  }
0x4b: {  	_ =	shalt  }
0x4c: {  	_ =	shalt  }
0x4d: {  	_ =	shalt  }
0x4e: {  	_ =	shalt  }
0x4f: {  	_ =	shalt  }
0x50: {  	_ =	shalt  }
0x51: {  	_ =	shalt  }
0x52: {  	_ =	shalt  }
0x53: {  	_ =	shalt  }
0x54: {  	_ =	shalt  }
0x55: {  	_ =	shalt  }
0x56: {  	_ =	shalt  }
0x57: {  	_ =	shalt  }
0x58: {  	_ =	shalt  }
0x59: {  	_ =	shalt  }
0x5a: {  	_ =	shalt  }
0x5b: {  	_ =	shalt  }
0x5c: {  	_ =	shalt  }
0x5d: {  	_ =	shalt  }
0x5e: {  	_ =	shalt  }
0x5f: {  	_ =	shalt  }
0x60: {  	_ =	shalt  }
0x61: {  	_ =	shalt  }
0x62: {  	_ =	shalt  }
0x63: {  	_ =	shalt  }
0x64: {  	_ =	shalt  }
0x65: {  	_ =	shalt  }
0x66: {  	_ =	shalt  }
0x67: {  	_ =	shalt  }
0x68: {  	_ =	shalt  }
0x69: {  	_ =	shalt  }
0x6a: {  	_ =	shalt  }
0x6b: {  	_ =	shalt  }
0x6c: {  	_ =	shalt  }
0x6d: {  	_ =	shalt  }
0x6e: {  	_ =	shalt  }
0x6f: {  	_ =	shalt  }
0x70: {  	_ =	shalt  }
0x71: {  	_ =	shalt  }
0x72: {  	_ =	shalt  }
0x73: {  	_ =	shalt  }
0x74: {  	_ =	shalt  }
0x75: {  	_ =	shalt  }
0x76: {  	_ =	shalt  }
0x77: {  	_ =	shalt  }
0x78: {  	_ =	shalt  }
0x79: {  	_ =	shalt  }
0x7a: {  	_ =	shalt  }
0x7b: {  	_ =	shalt  }
0x7c: {  	_ =	shalt  }
0x7d: {  	_ =	shalt  }
0x7e: {  	_ =	shalt  }
0x7f: {  	_ =	shalt  }
0x80: {  	_ =	shalt  }
0x81: {  	_ =	shalt  }
0x82: {  	_ =	shalt  }
0x83: {  	_ =	shalt  }
0x84: {  	_ =	shalt  }
0x85: {  	_ =	shalt  }
0x86: {  	_ =	shalt  }
0x87: {  	_ =	shalt  }
.Lfunc_end0:
.L_simem_size_0:
called_computation_lowered:
.L_overlay_start_0:
0x88: {  	s2 =	sld [smem:$0x3FD9]  }
0x89: {  	s3 =	sld [smem:$0x3FFE];
	_ =	sdelay $0x1  }
0x8a: {  	s1 =	srdreg.scid  }
0x8b: {  	s0 =	sand.u32 $0x1, s1  }
0x8c: {  	s17 =	sshll.u32 s0, $0xA;
	s2 =	sadd.s32 s3, s2  }
0x8d: {  	s2 =	sadd.s32 s2, s17  }
0x8e: {  	[smem:$0x3FBB] =	sst s2  }
0x8f: {  	_ = 	snop  }
0x90: {  	(tm) =	ssettm $0x1  }
0x91: {  	s18 =	sld [smem:$0x3FFB];
	_ =	sdelay $0x3  }
0x92: {  	_ =	strace s18  }
0x93: {  	s2 =	sld [smem:$0x3FFC];
	_ =	sdelay $0x3  }
0x94: {  	_ =	strace s2  }
0x95: {  	s2 =	sld [smem:$0x3FFD];
	_ =	sdelay $0x3  }
0x96: {  	_ =	strace s2  }
0x97: {  	_ =	strace $0x8FFFFFFF  }
0x98: {  	s19 =	sld [smem:$0x3FDB];
	_ =	sdelay $0x1  }
0x99: {  	s20 =	simm.s32 $_scs_section_size  }
0x9a: {  	s4 =	simm.s32 $_size__tile_overlayer_lowered;
	s5 =	simm.s32 $_tile_overlayer_lowered  }
0x9b: {  	s6 =	simm.s32 $0x1BFF;
	s21 =	sshll.u32 s5, $0x1;
	s3 =	sadd.s32 s20, s19  }
0x9c: {  	s22 =	simm.s32 $0x0;
	s4 =	sshll.u32 s4, $0x1;
	s5 =	sadd.s32 s21, s3  }
0x9d: {  	[timem:s22], [sflag:s6] =	dma.local [hbm:s5], s4  }
0x9e: {  	_ =	swait.ge [sflag:s6], s4  }
0x9f: {  	s4 =	ssub.s32 $0x0, s4;
	[sflag:s6] =	ssyncset.done $0x0  }
0xa0: {  	[sflag:s6] =	ssyncadd.s32 s4;
	_ =	sdelay $0x1  }
0xa1: {  	s23 =	simm.s32 $0x1B8B  }
0xa2: {  	_ =	swait.ge [sflag:s23], $0x1  }
0xa3: {  	[sflag:s23] =	ssyncset.done $0x0  }
0xa4: {  	[sflag:s23] =	ssyncadd.s32 $0xFFFFFFFF  }
0xa5: {  	s4 =	sld [smem:$0x0]  }
0xa6: {  	s5 =	sand.u32 $0xFFFFFFFE, s1  }
0xa7: {  	p0 =	sne.s32 s1, s5  }
0xa8: {  	s5 =	sshll.u32 @p0 s5, $0xE  }
0xa9: {  	s5 =	sadd.s32 @p0 $0x11B8D, s5;
	s6 =	sshll.u32 @p0 s4, $0x11  }
0xaa: {  	s5 =	sor.u32 @p0 s6, s5  }
0xab: {  	[sflag:s5] =	ssyncadd.remote.s32 @p0 $0x1;
	_ =	sdelay $0x1  }
0xac: {  	s5 =	simm.s32 @p0 $0x1B8D  }
0xad: {  	_ =	swait.eq @p0 [sflag:s5], $0x1  }
0xae: {  	[sflag:s5] =	ssyncadd.s32 @p0 $0xFFFFFFFF  }
0xaf: {  	s6 =	sshll.u32 @!p0 s1, $0xE  }
0xb0: {  	s6 =	sor.u32 @!p0 $0x4000, s6;
	s5 =	simm.s32 @!p0 $0x1B8D  }
0xb1: {  	s4 =	sshll.u32 @!p0 s4, $0x11;
	s6 =	sadd.s32 @!p0 $0x11B8D, s6;
	_ =	swait.eq @!p0 [sflag:s5], $0x1  }
0xb2: {  	s4 =	sor.u32 @!p0 s4, s6;
	[sflag:s5] =	ssyncadd.s32 @!p0 $0xFFFFFFFF  }
0xb3: {  	s25 =	simm.s32 $0x1B8E;
	s24 =	sld [smem:$0x3FFE];
	[sflag:s4] =	ssyncadd.remote.s32 @!p0 $0x1  }
0xb4: {  	s26 =	simm.s32 $execute0_lowered;
	[smem:$0x3FD2] =	sst s25  }
0xb5: {  	s5 =	sshll.u32 s26, $0x1;
	_ =	strace $0x80000049;
	[dreg:$0x1] =	wrdreg $0xFFFFFFFF  }
0xb6: {  	s28 =	simm.s32 $_size_execute0_lowered;
	s3 =	sadd.s32 s3, s5;
	[dreg:$0x0] =	wrdreg $0x0  }
0xb7: {  	s5 =	sshll.u32 s28, $0x1;
	[dreg:$0x2] =	wrdreg s3  }
0xb8: {  	[dreg:$0x3] =	wrdreg s5  }
0xb9: {  	[dreg:$0x4] =	wrdreg $0xC0  }
0xba: {  	_ =	task [dreg:s22], $0x5FFFF  }
0xbb: {  	[dreg:$0x1] =	wrdreg $0xFFFFFFFF  }
0xbc: {  	[dreg:$0x0] =	wrdreg $0x60  }
0xbd: {  	[dreg:$0x2] =	wrdreg s24  }
0xbe: {  	[dreg:$0x3] =	wrdreg $0x9  }
0xbf: {  	_ =	task.clear_ibuf [dreg:s22], $0x4FFFF;
	_ =	strace $0x90000049  }
0xc0: {  	s29 =	simm.s32 $0x9;
	_ =	strace $0x8000004B  }
0xc1: {  	_ =	swait.ge [sflag:s29], $0x1  }
0xc2: {  	[sflag:s29] =	ssyncadd.s32 $0xFFFFFFFF  }
0xc3: {  	_ =	strace $0x9000004B  }
0xc4: {  	_ =	sfence  }
0xc5: {  	s30 =	sld [smem:$0x0];
	_ =	sdelay $0x2  }
0xc6: {  	s31 =	sshll.u32 s1, $0xD;
	s1 =	sshrl.u32 s1, $0x2  }
0xc7: {  	s4 =	sand.u32 $0x4000, s31;
	s1 =	sadd.s32 s1, s30  }
0xc8: {  	s0 =	sor.u32 s4, s0;
	s1 =	sshll.u32 s1, $0x11  }
0xc9: {  	s0 =	sor.u32 s1, s0  }
0xca: {  	s0 =	sadd.s32 $0x8F2B, s0  }
0xcb: {  	[sflag:s0] =	ssyncadd.remote.s32 $0x1  }
0xcc: {  	_ =	sfence.sel $0xFFFF  }
0xcd: {  	[dreg:$0x0] =	wrdreg $0xFFFFFFFF;
	(pc) =	sbr.abs _section_cstart, $3  }
0xce: {  	[dreg:$0x1] =	wrdreg $0xFFFFFFFF  }
0xcf: {  	_ =	task.clear_ibuf [dreg:s22], $0x2FFFF;
	_ =	strace $0x9FFFFFFF  }
0xd0: {  	(tm) =	ssettm $0x7FFFFFFF  }
0xd1: {  	_ =	shalt  }
tec
execute0_lowered:
.L_overlay_start_1:
0x0: {  	(tag) =	ssettag $0x1  }
0x1: {  	s1 =	srdreg.scid;
	s0 =	stileid.u32  }
0x2: {  	s1 =	sand.u32 $0x1, s1;
	s2 =	sshll.u32 s0, $0x1  }
0x3: {  	s9 =	sor.u32 s1, s2  }
0x4: {  	s8 =	rddreg [dreg:$0x0];
	s3 =	sshll.u32 s9, $0x8  }
0x5: {  	s2 =	simm.s32 $0x0;
	s3 =	sadd.s32 s3, s8  }
0x6: {  	[smem:$0x7FF] =	sst s2;
	s3 =	sadd.s32 $0x66800, s3  }
0x7: {  	_ =	strace $0x8000004A;
	[dreg:$0x2] =	wrdreg s3  }
0x8: {  	s3 =	simm.s32 $0x5;
	s4 =	rddreg [dreg:$0x2]  }
0x9: {  	[tilespmem:s2], [sflag:$0x5] =	stream.linear.gather [hbm4b:s4+s2], $0x500, $0x38;
	[tilespmem:$0x5800] =	vst v63  }
0xa: {  	_ =	swait.ge [sflag:s3], $0x500  }
0xb: {  	s5 =	simm.s32 $0x50;
	s6 =	simm.s32 $0x800;
	[sflag:s3] =	ssyncset.done $0x0  }
0xc: {  	s7 =	simm.s32 $0x1;
	s4 =	sadd.s32 $0x189200, s8;
	[sflag:s3] =	ssyncadd.s32 $0xFFFFFB00  }
0xd: {  	[tilespmem:s6], [sflag:$0x1] =	stream.indirect.gather [hbm4b:s4+s5], $0x80, s2, s5, $0xb8;
	[tilespmem:$0x5800] =	vst v63  }
0xe: {  	s10 =	smul.u32 $0x3200, s9;
	_ =	swait.ge [sflag:s7], $0x2800  }
0xf: {  	s12 =	sadd.s32 $0x68800, s8;
	[sflag:s7] =	ssyncset.done $0x0  }
0x10: {  	s11 =	simm.s32 $0x2;
	s8 =	sadd.s32 s12, s10;
	[sflag:s7] =	ssyncadd.s32 $0xFFFFD800  }
0x11: {  	[hbm4b:s8+s2] =	stream.linear.scatter [tilespmem:s6], [sflag:$0x3], $0x2800, $0x38;
	[tilespmem:$0x5800] =	vst v63  }
0x12: {  	s13 =	smul.u32 $0x19000, s9;
	s9 =	simm.s32 $0x80;
	s10 =	simm.s32 $0x3000  }
0x13: {  	[tilespmem:s10], [sflag:$0x2] =	stream.indirect.gather [hbm4b:s4+s5], $0x80, s9, s5, $0xb8;
	[tilespmem:$0x5800] =	vst v63  }
0x14: {  	s13 =	sshrl.u32 s13, $0x3;
	_ =	swait.ge [sflag:s11], $0x2800  }
0x15: {  	s31 =	sadd.s32 s12, s13;
	[sflag:s11] =	ssyncset.done $0x0  }
0x16: {  	s13 =	simm.s32 $0x3;
	s12 =	sadd.s32 $0x500, s31;
	[sflag:s11] =	ssyncadd.s32 $0xFFFFD800  }
0x17: {  	[hbm4b:s12+s2] =	stream.linear.scatter [tilespmem:s10], [sflag:$0x4], $0x2800, $0x38;
	[tilespmem:$0x5800] =	vst v63  }
0x18: {  	_ =	swait.ge [sflag:s13], $0x2800  }
0x19: {  	[sflag:s13] =	ssyncset.done $0x0  }
0x1a: {  	s14 =	simm.s32 $0x100;
	[sflag:s13] =	ssyncadd.s32 $0xFFFFD800  }
0x1b: {  	[tilespmem:s6], [sflag:$0x1] =	stream.indirect.gather [hbm4b:s4+s5], $0x80, s14, s5, $0xb8;
	[tilespmem:$0x5800] =	vst v63  }
0x1c: {  	_ =	swait.ge [sflag:s7], $0x2800  }
0x1d: {  	[sflag:s7] =	ssyncset.done $0x0  }
0x1e: {  	s15 =	simm.s32 $0x4;
	s16 =	sadd.s32 $0xA00, s31;
	[sflag:s7] =	ssyncadd.s32 $0xFFFFD800  }
0x1f: {  	[hbm4b:s16+s2] =	stream.linear.scatter [tilespmem:s6], [sflag:$0x3], $0x2800, $0x38;
	[tilespmem:$0x5800] =	vst v63  }
0x20: {  	_ =	swait.ge [sflag:s15], $0x2800  }
0x21: {  	[sflag:s15] =	ssyncset.done $0x0  }
0x22: {  	s17 =	simm.s32 $0x180;
	[sflag:s15] =	ssyncadd.s32 $0xFFFFD800  }
0x23: {  	[tilespmem:s10], [sflag:$0x2] =	stream.indirect.gather [hbm4b:s4+s5], $0x80, s17, s5, $0xb8;
	[tilespmem:$0x5800] =	vst v63  }
0x24: {  	_ =	swait.ge [sflag:s11], $0x2800  }
0x25: {  	[sflag:s11] =	ssyncset.done $0x0  }
0x26: {  	s18 =	sadd.s32 $0xF00, s31;
	[sflag:s11] =	ssyncadd.s32 $0xFFFFD800  }
0x27: {  	[hbm4b:s18+s2] =	stream.linear.scatter [tilespmem:s10], [sflag:$0x4], $0x2800, $0x38;
	[tilespmem:$0x5800] =	vst v63  }
0x28: {  	_ =	swait.ge [sflag:s13], $0x2800  }
0x29: {  	[sflag:s13] =	ssyncset.done $0x0  }
0x2a: {  	s19 =	simm.s32 $0x200;
	[sflag:s13] =	ssyncadd.s32 $0xFFFFD800  }
0x2b: {  	[tilespmem:s6], [sflag:$0x1] =	stream.indirect.gather [hbm4b:s4+s5], $0x80, s19, s5, $0xb8;
	[tilespmem:$0x5800] =	vst v63  }
0x2c: {  	_ =	swait.ge [sflag:s7], $0x2800  }
0x2d: {  	[sflag:s7] =	ssyncset.done $0x0  }
0x2e: {  	s20 =	sadd.s32 $0x1400, s31;
	[sflag:s7] =	ssyncadd.s32 $0xFFFFD800  }
0x2f: {  	[hbm4b:s20+s2] =	stream.linear.scatter [tilespmem:s6], [sflag:$0x3], $0x2800, $0x38;
	[tilespmem:$0x5800] =	vst v63  }
0x30: {  	_ =	swait.ge [sflag:s15], $0x2800  }
0x31: {  	[sflag:s15] =	ssyncset.done $0x0  }
0x32: {  	s21 =	simm.s32 $0x280;
	[sflag:s15] =	ssyncadd.s32 $0xFFFFD800  }
0x33: {  	[tilespmem:s10], [sflag:$0x2] =	stream.indirect.gather [hbm4b:s4+s5], $0x80, s21, s5, $0xb8;
	[tilespmem:$0x5800] =	vst v63  }
0x34: {  	_ =	swait.ge [sflag:s11], $0x2800  }
0x35: {  	[sflag:s11] =	ssyncset.done $0x0  }
0x36: {  	s22 =	sadd.s32 $0x1900, s31;
	[sflag:s11] =	ssyncadd.s32 $0xFFFFD800  }
0x37: {  	[hbm4b:s22+s2] =	stream.linear.scatter [tilespmem:s10], [sflag:$0x4], $0x2800, $0x38;
	[tilespmem:$0x5800] =	vst v63  }
0x38: {  	_ =	swait.ge [sflag:s13], $0x2800  }
0x39: {  	[sflag:s13] =	ssyncset.done $0x0  }
0x3a: {  	s23 =	simm.s32 $0x300;
	[sflag:s13] =	ssyncadd.s32 $0xFFFFD800  }
0x3b: {  	[tilespmem:s6], [sflag:$0x1] =	stream.indirect.gather [hbm4b:s4+s5], $0x80, s23, s5, $0xb8;
	[tilespmem:$0x5800] =	vst v63  }
0x3c: {  	_ =	swait.ge [sflag:s7], $0x2800  }
0x3d: {  	[sflag:s7] =	ssyncset.done $0x0  }
0x3e: {  	s24 =	sadd.s32 $0x1E00, s31;
	[sflag:s7] =	ssyncadd.s32 $0xFFFFD800  }
0x3f: {  	[hbm4b:s24+s2] =	stream.linear.scatter [tilespmem:s6], [sflag:$0x3], $0x2800, $0x38;
	[tilespmem:$0x5800] =	vst v63  }
0x40: {  	_ =	swait.ge [sflag:s15], $0x2800  }
0x41: {  	[sflag:s15] =	ssyncset.done $0x0  }
0x42: {  	s25 =	simm.s32 $0x380;
	[sflag:s15] =	ssyncadd.s32 $0xFFFFD800  }
0x43: {  	[tilespmem:s10], [sflag:$0x2] =	stream.indirect.gather [hbm4b:s4+s5], $0x80, s25, s5, $0xb8;
	[tilespmem:$0x5800] =	vst v63  }
0x44: {  	_ =	swait.ge [sflag:s11], $0x2800  }
0x45: {  	[sflag:s11] =	ssyncset.done $0x0  }
0x46: {  	s26 =	sadd.s32 $0x2300, s31;
	[sflag:s11] =	ssyncadd.s32 $0xFFFFD800  }
0x47: {  	[hbm4b:s26+s2] =	stream.linear.scatter [tilespmem:s10], [sflag:$0x4], $0x2800, $0x38;
	[tilespmem:$0x5800] =	vst v63  }
0x48: {  	_ =	swait.ge [sflag:s13], $0x2800  }
0x49: {  	[sflag:s13] =	ssyncset.done $0x0  }
0x4a: {  	s28 =	simm.s32 $0x400;
	[sflag:s13] =	ssyncadd.s32 $0xFFFFD800  }
0x4b: {  	[tilespmem:s6], [sflag:$0x1] =	stream.indirect.gather [hbm4b:s4+s5], $0x80, s28, s5, $0xb8;
	[tilespmem:$0x5800] =	vst v63  }
0x4c: {  	_ =	swait.ge [sflag:s7], $0x2800  }
0x4d: {  	[sflag:s7] =	ssyncset.done $0x0  }
0x4e: {  	s29 =	sadd.s32 $0x2800, s31;
	[sflag:s7] =	ssyncadd.s32 $0xFFFFD800  }
0x4f: {  	[hbm4b:s29+s2] =	stream.linear.scatter [tilespmem:s6], [sflag:$0x3], $0x2800, $0x38;
	[tilespmem:$0x5800] =	vst v63  }
0x50: {  	_ =	swait.ge [sflag:s15], $0x2800  }
0x51: {  	s1 =	ssub.s32 $0x2, s1;
	[sflag:s15] =	ssyncset.done $0x0  }
0x52: {  	s30 =	simm.s32 $0x480;
	s0 =	sshrl.u32 s1, $0x1;
	[sflag:s15] =	ssyncadd.s32 $0xFFFFD800  }
0x53: {  	[tilespmem:s10], [sflag:$0x2] =	stream.indirect.gather [hbm4b:s4+s5], $0x80, s30, s5, $0xb8;
	[tilespmem:$0x5800] =	vst v63  }
0x54: {  	s0 =	ssub.s32 s1, s0;
	_ =	swait.ge [sflag:s11], $0x2800  }
0x55: {  	s0 =	smax.u32 s0, $0x1;
	[sflag:s11] =	ssyncset.done $0x0  }
0x56: {  	p0 =	sne.s32 s0, $0x1;
	s31 =	sadd.s32 $0x2D00, s31;
	[sflag:s11] =	ssyncadd.s32 $0xFFFFD800  }
0x57: {  	[hbm4b:s31+s2] =	stream.linear.scatter [tilespmem:s10], [sflag:$0x4], $0x2800, $0x38;
	[tilespmem:$0x5800] =	vst v63  }
.Ltmp0:
0x58: {  	_ =	swait.ge [sflag:s13], $0x2800;
	(pc) =	sbr.rel @!p0 .LBB2_2-.Ltmp0, $4  }
0x59: {  	[sflag:s13] =	ssyncset.done $0x0  }
0x5a: {  	[sflag:s13] =	ssyncadd.s32 $0xFFFFD800  }
0x5b: {  	_ =	swait.ge [sflag:s15], $0x2800  }
0x5c: {  	s1 =	sadd.s32 $0xFFFFFFFF, s0;
	[sflag:s15] =	ssyncset.done $0x0  }
.LBB2_1:
0x5d: {  	s0 =	rddreg [dreg:$0x2];
	[sflag:s15] =	ssyncadd.s32 $0xFFFFD800  }
0x5e: {  	[tilespmem:s2], [sflag:$0x5] =	stream.linear.gather [hbm4b:s0+s2], $0x500, $0x38;
	[tilespmem:$0x5800] =	vst v63  }
0x5f: {  	_ =	swait.ge [sflag:s3], $0x500  }
0x60: {  	[sflag:s3] =	ssyncset.done $0x0  }
0x61: {  	[sflag:s3] =	ssyncadd.s32 $0xFFFFFB00  }
0x62: {  	[tilespmem:s6], [sflag:$0x1] =	stream.indirect.gather [hbm4b:s4+s5], $0x80, s2, s5, $0xb8;
	[tilespmem:$0x5800] =	vst v63  }
0x63: {  	_ =	swait.ge [sflag:s7], $0x2800  }
0x64: {  	[sflag:s7] =	ssyncset.done $0x0  }
0x65: {  	[sflag:s7] =	ssyncadd.s32 $0xFFFFD800  }
0x66: {  	[hbm4b:s8+s2] =	stream.linear.scatter [tilespmem:s6], [sflag:$0x3], $0x2800, $0x38;
	[tilespmem:$0x5800] =	vst v63  }
0x67: {  	_ = 	snop  }
0x68: {  	[tilespmem:s10], [sflag:$0x2] =	stream.indirect.gather [hbm4b:s4+s5], $0x80, s9, s5, $0xb8;
	[tilespmem:$0x5800] =	vst v63  }
0x69: {  	_ =	swait.ge [sflag:s11], $0x2800  }
0x6a: {  	[sflag:s11] =	ssyncset.done $0x0  }
0x6b: {  	[sflag:s11] =	ssyncadd.s32 $0xFFFFD800  }
0x6c: {  	[hbm4b:s12+s2] =	stream.linear.scatter [tilespmem:s10], [sflag:$0x4], $0x2800, $0x38;
	[tilespmem:$0x5800] =	vst v63  }
0x6d: {  	_ =	swait.ge [sflag:s13], $0x2800  }
0x6e: {  	[sflag:s13] =	ssyncset.done $0x0  }
0x6f: {  	[sflag:s13] =	ssyncadd.s32 $0xFFFFD800  }
0x70: {  	[tilespmem:s6], [sflag:$0x1] =	stream.indirect.gather [hbm4b:s4+s5], $0x80, s14, s5, $0xb8;
	[tilespmem:$0x5800] =	vst v63  }
0x71: {  	_ =	swait.ge [sflag:s7], $0x2800  }
0x72: {  	[sflag:s7] =	ssyncset.done $0x0  }
0x73: {  	[sflag:s7] =	ssyncadd.s32 $0xFFFFD800  }
0x74: {  	[hbm4b:s16+s2] =	stream.linear.scatter [tilespmem:s6], [sflag:$0x3], $0x2800, $0x38;
	[tilespmem:$0x5800] =	vst v63  }
0x75: {  	_ =	swait.ge [sflag:s15], $0x2800  }
0x76: {  	[sflag:s15] =	ssyncset.done $0x0  }
0x77: {  	[sflag:s15] =	ssyncadd.s32 $0xFFFFD800  }
0x78: {  	[tilespmem:s10], [sflag:$0x2] =	stream.indirect.gather [hbm4b:s4+s5], $0x80, s17, s5, $0xb8;
	[tilespmem:$0x5800] =	vst v63  }
0x79: {  	_ =	swait.ge [sflag:s11], $0x2800  }
0x7a: {  	[sflag:s11] =	ssyncset.done $0x0  }
0x7b: {  	[sflag:s11] =	ssyncadd.s32 $0xFFFFD800  }
0x7c: {  	[hbm4b:s18+s2] =	stream.linear.scatter [tilespmem:s10], [sflag:$0x4], $0x2800, $0x38;
	[tilespmem:$0x5800] =	vst v63  }
0x7d: {  	_ =	swait.ge [sflag:s13], $0x2800  }
0x7e: {  	[sflag:s13] =	ssyncset.done $0x0  }
0x7f: {  	[sflag:s13] =	ssyncadd.s32 $0xFFFFD800  }
0x80: {  	[tilespmem:s6], [sflag:$0x1] =	stream.indirect.gather [hbm4b:s4+s5], $0x80, s19, s5, $0xb8;
	[tilespmem:$0x5800] =	vst v63  }
0x81: {  	_ =	swait.ge [sflag:s7], $0x2800  }
0x82: {  	[sflag:s7] =	ssyncset.done $0x0  }
0x83: {  	[sflag:s7] =	ssyncadd.s32 $0xFFFFD800  }
0x84: {  	[hbm4b:s20+s2] =	stream.linear.scatter [tilespmem:s6], [sflag:$0x3], $0x2800, $0x38;
	[tilespmem:$0x5800] =	vst v63  }
0x85: {  	_ =	swait.ge [sflag:s15], $0x2800  }
0x86: {  	[sflag:s15] =	ssyncset.done $0x0  }
0x87: {  	[sflag:s15] =	ssyncadd.s32 $0xFFFFD800  }
0x88: {  	[tilespmem:s10], [sflag:$0x2] =	stream.indirect.gather [hbm4b:s4+s5], $0x80, s21, s5, $0xb8;
	[tilespmem:$0x5800] =	vst v63  }
0x89: {  	_ =	swait.ge [sflag:s11], $0x2800  }
0x8a: {  	[sflag:s11] =	ssyncset.done $0x0  }
0x8b: {  	[sflag:s11] =	ssyncadd.s32 $0xFFFFD800  }
0x8c: {  	[hbm4b:s22+s2] =	stream.linear.scatter [tilespmem:s10], [sflag:$0x4], $0x2800, $0x38;
	[tilespmem:$0x5800] =	vst v63  }
0x8d: {  	_ =	swait.ge [sflag:s13], $0x2800  }
0x8e: {  	[sflag:s13] =	ssyncset.done $0x0  }
0x8f: {  	[sflag:s13] =	ssyncadd.s32 $0xFFFFD800  }
0x90: {  	[tilespmem:s6], [sflag:$0x1] =	stream.indirect.gather [hbm4b:s4+s5], $0x80, s23, s5, $0xb8;
	[tilespmem:$0x5800] =	vst v63  }
0x91: {  	_ =	swait.ge [sflag:s7], $0x2800  }
0x92: {  	[sflag:s7] =	ssyncset.done $0x0  }
0x93: {  	[sflag:s7] =	ssyncadd.s32 $0xFFFFD800  }
0x94: {  	[hbm4b:s24+s2] =	stream.linear.scatter [tilespmem:s6], [sflag:$0x3], $0x2800, $0x38;
	[tilespmem:$0x5800] =	vst v63  }
0x95: {  	_ =	swait.ge [sflag:s15], $0x2800  }
0x96: {  	[sflag:s15] =	ssyncset.done $0x0  }
0x97: {  	[sflag:s15] =	ssyncadd.s32 $0xFFFFD800  }
0x98: {  	[tilespmem:s10], [sflag:$0x2] =	stream.indirect.gather [hbm4b:s4+s5], $0x80, s25, s5, $0xb8;
	[tilespmem:$0x5800] =	vst v63  }
0x99: {  	_ =	swait.ge [sflag:s11], $0x2800  }
0x9a: {  	[sflag:s11] =	ssyncset.done $0x0  }
0x9b: {  	[sflag:s11] =	ssyncadd.s32 $0xFFFFD800  }
0x9c: {  	[hbm4b:s26+s2] =	stream.linear.scatter [tilespmem:s10], [sflag:$0x4], $0x2800, $0x38;
	[tilespmem:$0x5800] =	vst v63  }
0x9d: {  	_ =	swait.ge [sflag:s13], $0x2800  }
0x9e: {  	[sflag:s13] =	ssyncset.done $0x0  }
0x9f: {  	[sflag:s13] =	ssyncadd.s32 $0xFFFFD800  }
0xa0: {  	[tilespmem:s6], [sflag:$0x1] =	stream.indirect.gather [hbm4b:s4+s5], $0x80, s28, s5, $0xb8;
	[tilespmem:$0x5800] =	vst v63  }
0xa1: {  	_ =	swait.ge [sflag:s7], $0x2800  }
0xa2: {  	[sflag:s7] =	ssyncset.done $0x0  }
0xa3: {  	[sflag:s7] =	ssyncadd.s32 $0xFFFFD800  }
0xa4: {  	[hbm4b:s29+s2] =	stream.linear.scatter [tilespmem:s6], [sflag:$0x3], $0x2800, $0x38;
	[tilespmem:$0x5800] =	vst v63  }
0xa5: {  	_ =	swait.ge [sflag:s15], $0x2800  }
0xa6: {  	[sflag:s15] =	ssyncset.done $0x0  }
0xa7: {  	[sflag:s15] =	ssyncadd.s32 $0xFFFFD800  }
0xa8: {  	[tilespmem:s10], [sflag:$0x2] =	stream.indirect.gather [hbm4b:s4+s5], $0x80, s30, s5, $0xb8;
	[tilespmem:$0x5800] =	vst v63  }
0xa9: {  	_ =	swait.ge [sflag:s11], $0x2800  }
0xaa: {  	[sflag:s11] =	ssyncset.done $0x0  }
0xab: {  	p0 =	sne.s32 s1, $0x1;
	[sflag:s11] =	ssyncadd.s32 $0xFFFFD800  }
0xac: {  	[hbm4b:s31+s2] =	stream.linear.scatter [tilespmem:s10], [sflag:$0x4], $0x2800, $0x38;
	[tilespmem:$0x5800] =	vst v63  }
.Ltmp1:
0xad: {  	_ =	swait.ge [sflag:s13], $0x2800;
	(pc) =	sbr.rel @p0 .LBB2_1-.Ltmp1, $4  }
0xae: {  	[sflag:s13] =	ssyncset.done $0x0  }
0xaf: {  	[sflag:s13] =	ssyncadd.s32 $0xFFFFD800  }
0xb0: {  	_ =	swait.ge [sflag:s15], $0x2800  }
0xb1: {  	s1 =	sadd.s32 $0xFFFFFFFF, s1;
	[sflag:s15] =	ssyncset.done $0x0  }
.LBB2_2:
0xb2: {  	[sflag:s15] =	ssyncadd.s32 $0xFFFFD800  }
0xb3: {  	_ =	sfence.sel $0x180000  }
0xb4: {  	[bflag:$0x0] =	sbarrier.arrive $0xFFFF  }
0xb5: {  	_ =	strace $0x9000004A  }
0xb6: {  	s0 =	stileid.u32;
	[bflag:$0x2] =	sbarrier.arrive $0xFFFF  }
0xb7: {  	p0 =	sne.s32 s0, $0x0;
	s0 =	rddreg [dreg:$0x1]  }
0xb8: {  	s0 =	sadd.s32 @!p0 $0x100000, s0  }
0xb9: {  	[sflag:s0] =	ssyncadd.tile.s32 @!p0 $0x1;
	_ =	shalt  }
.Lfunc_end2:
_tile_overlayer_lowered:
.L_overlay_start_2:
0xba: {  	(tag) =	ssettag $0x2  }
0xbb: {  	s0 =	rddreg [dreg:$0x0];
	s2 =	stileid.u32  }
0xbc: {  	s1 =	rddreg [dreg:$0x1];
	p0 =	sne.s32 s2, $0x0  }
0xbd: {  	s3 =	rddreg [dreg:$0x2];
	[bflag:$0x3] =	sbarrier.arrive $0xFFFF;
	s2 =	simm.s32 @!p0 $0x1C05  }
0xbe: {  	[timem:s3], [sflag:s2] =	dma.local @!p0 [hbm:s0], s1  }
0xbf: {  	s0 =	simm.s32 @!p0 $0x5  }
0xc0: {  	_ =	swait.ge @!p0 [sflag:s0], s1  }
0xc1: {  	s1 =	ssub.s32 @!p0 $0x0, s1;
	[sflag:s0] =	ssyncset.done @!p0 $0x0  }
0xc2: {  	[sflag:s0] =	ssyncadd.s32 @!p0 s1  }
0xc3: {  	[bflag:$0x3] =	sbarrier.arrive $0xFFFF  }
0xc4: {  	_ =	shalt  }

// kernel: kernel.9.cloned.1.call-start
scs
__scs_entry_jumppad:
0x0: {  	(pc) =	sbr.rel $0x88, $3  }
0x1: {  	(tag) =	ssettag $0x0;
	lr =	simm.s32 $0x1  }
0x2: {  	[smem:$0x3F94] =	sst lr;
	_ =	strace $0xD0000000  }
0x3: {  	_ = 	snop  }
0x4: {  	_ = 	snop  }
0x5: {  	_ = 	snop  }
0x6: {  	_ = 	snop  }
0x7: {  	_ = 	snop  }
__scs_overlays_trampoline_lowered:
0x8: {  	[smem:$0x3FA3] =	sst s0  }
0x9: {  	[smem:$0x3FA4] =	sst s1  }
0xa: {  	[smem:$0x3FA5] =	sst s2  }
0xb: {  	[smem:$0x3FA6] =	sst s3  }
0xc: {  	[smem:$0x3FA7] =	sst s4  }
0xd: {  	[smem:$0x3FA8] =	sst s5  }
0xe: {  	[smem:$0x3FA9] =	sst s6  }
0xf: {  	[smem:$0x3FAA] =	sst s7  }
0x10: {  	[smem:$0x3FAB] =	sst s8  }
0x11: {  	[smem:$0x3FAC] =	sst s9;
	s0 =	simm.s32 @!p0 $0x0  }
0x12: {  	s1 =	sld [smem:$0x3F92];
	s0 =	simm.s32 @p0 $0x1  }
0x13: {  	[smem:$0x3FAD] =	sst s0;
	s0 =	simm.s32 @!p1 $0x0  }
0x14: {  	s2 =	sld [smem:$0x3F91];
	s0 =	simm.s32 @p1 $0x1  }
0x15: {  	[smem:$0x3FAE] =	sst s0;
	s0 =	simm.s32 @!p2 $0x0  }
0x16: {  	s3 =	sld [smem:$0x3FDB];
	s0 =	simm.s32 @p2 $0x1  }
0x17: {  	s4 =	simm.s32 $0x1BF5;
	[smem:$0x3FB0] =	sst s0  }
0x18: {  	s0 =	sld [smem:$0x3F93];
	_ =	swait.ge [sflag:s4], $0x0  }
0x19: {  	s7 =	sld [smem:$0x3F94]  }
0x1a: {  	s8 =	sadd.s32 $0xFFFFE003, lr  }
0x1b: {  	s9 =	sadd.s32 $0xFFFFFEF7, lr;
	s5 =	simm.s32 $0xFFFFFFFF;
	p2 =	slt.u32 s8, $0xFFFFF086  }
0x1c: {  	p1 =	slt.u32 s9, $0xF7A;
	s5 =	simm.s32 @!p2 $0x0  }
0x1d: {  	s5 =	simm.s32 @p1 $0x1;
	p0 =	seq.s32 s7, s2  }
0x1e: {  	s7 =	smul.u32 @!p0 $0xF7A, s2;
	p2 =	seq.s32 @!p0 s5, $0x0  }
0x1f: {  	s9 =	smul.u32 $0xF7A, s1;
	s8 =	simm.s32 @!p0 $0x1BF5;
	p2 =	por !p2, p0  }
0x20: {  	[sflag:s8] =	ssyncset.s32 @!p0 $0xFFFFF086;
	s6 =	sadd.s32 @!p0 s3, s7;
	s7 =	simm.s32 @!p0 $0x108  }
0x21: {  	s3 =	sadd.s32 s3, s9;
	s6 =	sadd.s32 @!p0 $0x88, s6;
	s7 =	simm.s32 @p2 $0x1082  }
0x22: {  	[simem:s7], [sflag:s8] =	dma.local @!p0 [hbm:s6], $0xF7A  }
0x23: {  	s9 =	sor.u32 $0xD0000000, s2;
	s6 =	simm.s32 $0x108;
	_ =	swait.ge @!p0 [sflag:s8], $0x0  }
0x24: {  	s3 =	sadd.s32 $0x88, s3;
	s6 =	simm.s32 @!p1 $0x1082;
	[sflag:s4] =	ssyncset.s32 $0xFFFFF086  }
0x25: {  	[simem:s6], [sflag:s4] =	dma.local [hbm:s3], $0xF7A  }
0x26: {  	[smem:$0x3F94] =	sst s1;
	(tag) =	ssettag s2;
	_ =	strace s9  }
0x27: {  	s1 =	sld [smem:$0x3FA4]  }
0x28: {  	s2 =	sld [smem:$0x3FA5]  }
0x29: {  	s4 =	sld [smem:$0x3FA7]  }
0x2a: {  	p0 =	seq.s32 s5, $0x0;
	s5 =	sld [smem:$0x3FA8]  }
0x2b: {  	s6 =	sld [smem:$0x3FA9]  }
0x2c: {  	s7 =	sld [smem:$0x3FAA]  }
0x2d: {  	s3 =	simm.s32 $0x108;
	s8 =	sld [smem:$0x3FAB]  }
0x2e: {  	s3 =	simm.s32 @!p0 $0x1082;
	s9 =	sld [smem:$0x3FAC]  }
0x2f: {  	lr =	sadd.s32 s0, s3;
	s0 =	sld [smem:$0x3FA3]  }
0x30: {  	s3 =	sld [smem:$0x3FA6]  }
0x31: {  	[smem:$0x3FAF] =	sst s10  }
0x32: {  	s10 =	sld [smem:$0x3FAD];
	_ =	sdelay $0x3  }
0x33: {  	p0 =	seq.s32 s10, $0x1;
	s10 =	sld [smem:$0x3FAF];
	_ =	sdelay $0x3  }
0x34: {  	[smem:$0x3FAF] =	sst s10  }
0x35: {  	s10 =	sld [smem:$0x3FAE];
	_ =	sdelay $0x3  }
0x36: {  	p1 =	seq.s32 s10, $0x1;
	s10 =	sld [smem:$0x3FAF];
	_ =	sdelay $0x3  }
0x37: {  	[smem:$0x3FAF] =	sst s10  }
0x38: {  	s10 =	sld [smem:$0x3FB0]  }
0x39: {  	_ = 	snop;
	(pc) =	sbr.ind lr, $3  }
0x3a: {  	_ = 	snop  }
0x3b: {  	_ = 	snop  }
0x3c: {  	p2 =	seq.s32 s10, $0x1;
	s10 =	sld [smem:$0x3FAF]  }
0x3d: {  	_ =	shalt  }
0x3e: {  	_ =	shalt  }
0x3f: {  	_ =	shalt  }
0x40: {  	_ =	shalt  }
0x41: {  	_ =	shalt  }
0x42: {  	_ =	shalt  }
0x43: {  	_ =	shalt  }
0x44: {  	_ =	shalt  }
0x45: {  	_ =	shalt  }
0x46: {  	_ =	shalt  }
0x47: {  	_ =	shalt  }
0x48: {  	_ =	shalt  }
0x49: {  	_ =	shalt  }
0x4a: {  	_ =	shalt  }
0x4b: {  	_ =	shalt  }
0x4c: {  	_ =	shalt  }
0x4d: {  	_ =	shalt  }
0x4e: {  	_ =	shalt  }
0x4f: {  	_ =	shalt  }
0x50: {  	_ =	shalt  }
0x51: {  	_ =	shalt  }
0x52: {  	_ =	shalt  }
0x53: {  	_ =	shalt  }
0x54: {  	_ =	shalt  }
0x55: {  	_ =	shalt  }
0x56: {  	_ =	shalt  }
0x57: {  	_ =	shalt  }
0x58: {  	_ =	shalt  }
0x59: {  	_ =	shalt  }
0x5a: {  	_ =	shalt  }
0x5b: {  	_ =	shalt  }
0x5c: {  	_ =	shalt  }
0x5d: {  	_ =	shalt  }
0x5e: {  	_ =	shalt  }
0x5f: {  	_ =	shalt  }
0x60: {  	_ =	shalt  }
0x61: {  	_ =	shalt  }
0x62: {  	_ =	shalt  }
0x63: {  	_ =	shalt  }
0x64: {  	_ =	shalt  }
0x65: {  	_ =	shalt  }
0x66: {  	_ =	shalt  }
0x67: {  	_ =	shalt  }
0x68: {  	_ =	shalt  }
0x69: {  	_ =	shalt  }
0x6a: {  	_ =	shalt  }
0x6b: {  	_ =	shalt  }
0x6c: {  	_ =	shalt  }
0x6d: {  	_ =	shalt  }
0x6e: {  	_ =	shalt  }
0x6f: {  	_ =	shalt  }
0x70: {  	_ =	shalt  }
0x71: {  	_ =	shalt  }
0x72: {  	_ =	shalt  }
0x73: {  	_ =	shalt  }
0x74: {  	_ =	shalt  }
0x75: {  	_ =	shalt  }
0x76: {  	_ =	shalt  }
0x77: {  	_ =	shalt  }
0x78: {  	_ =	shalt  }
0x79: {  	_ =	shalt  }
0x7a: {  	_ =	shalt  }
0x7b: {  	_ =	shalt  }
0x7c: {  	_ =	shalt  }
0x7d: {  	_ =	shalt  }
0x7e: {  	_ =	shalt  }
0x7f: {  	_ =	shalt  }
0x80: {  	_ =	shalt  }
0x81: {  	_ =	shalt  }
0x82: {  	_ =	shalt  }
0x83: {  	_ =	shalt  }
0x84: {  	_ =	shalt  }
0x85: {  	_ =	shalt  }
0x86: {  	_ =	shalt  }
0x87: {  	_ =	shalt  }
.Lfunc_end0:
.L_simem_size_0:
called_computation.1_lowered:
.L_overlay_start_0:
0x88: {  	s2 =	sld [smem:$0x3FD9]  }
0x89: {  	s3 =	sld [smem:$0x3FFE];
	_ =	sdelay $0x1  }
0x8a: {  	s1 =	srdreg.scid  }
0x8b: {  	s0 =	sand.u32 $0x1, s1  }
0x8c: {  	s17 =	sshll.u32 s0, $0xA;
	s2 =	sadd.s32 s3, s2  }
0x8d: {  	s2 =	sadd.s32 s2, s17  }
0x8e: {  	[smem:$0x3FBB] =	sst s2  }
0x8f: {  	_ = 	snop  }
0x90: {  	s2 =	sld [smem:$0x3FD0];
	(tm) =	ssettm $0x1  }
0x91: {  	s18 =	sld [smem:$0x3FFB];
	_ =	sdelay $0x3  }
0x92: {  	_ =	strace s18  }
0x93: {  	s3 =	sld [smem:$0x3FFC];
	_ =	sdelay $0x3  }
0x94: {  	_ =	strace s3  }
0x95: {  	s3 =	sld [smem:$0x3FFD];
	_ =	sdelay $0x3  }
0x96: {  	_ =	strace s3  }
0x97: {  	_ =	strace $0x8FFFFFFF  }
0x98: {  	s19 =	sld [smem:$0x3FDB];
	_ =	sdelay $0x1  }
0x99: {  	s4 =	simm.s32 $_scs_section_size  }
0x9a: {  	s5 =	simm.s32 $_size__tile_overlayer_lowered;
	s6 =	simm.s32 $_tile_overlayer_lowered  }
0x9b: {  	s22 =	simm.s32 $0x1BFF;
	s21 =	sshll.u32 s6, $0x1;
	s3 =	sadd.s32 s4, s19  }
0x9c: {  	s7 =	simm.s32 $0x0;
	s20 =	sshll.u32 s5, $0x1;
	s5 =	sadd.s32 s21, s3  }
0x9d: {  	[timem:s7], [sflag:s22] =	dma.local [hbm:s5], s20  }
0x9e: {  	_ =	swait.ge [sflag:s22], s20  }
0x9f: {  	s4 =	ssub.s32 $0x0, s20;
	[sflag:s22] =	ssyncset.done $0x0  }
0xa0: {  	[sflag:s22] =	ssyncadd.s32 s4;
	_ =	sdelay $0x1  }
0xa1: {  	s23 =	simm.s32 $0x1B8B  }
0xa2: {  	_ =	swait.ge [sflag:s23], $0x1  }
0xa3: {  	[sflag:s23] =	ssyncset.done $0x0  }
0xa4: {  	s25 =	simm.s32 $0x1B8E;
	s24 =	sld [smem:$0x3FFE];
	[sflag:s23] =	ssyncadd.s32 $0xFFFFFFFF  }
0xa5: {  	s26 =	simm.s32 $execute0_lowered;
	[smem:$0x3FD2] =	sst s25  }
0xa6: {  	s5 =	sshll.u32 s26, $0x1;
	_ =	strace $0x80000046;
	[dreg:$0x1] =	wrdreg $0xFFFFFFFF  }
0xa7: {  	s28 =	simm.s32 $_size_execute0_lowered;
	s3 =	sadd.s32 s3, s5;
	[dreg:$0x0] =	wrdreg $0x0  }
0xa8: {  	s5 =	sshll.u32 s28, $0x1;
	[dreg:$0x2] =	wrdreg s3  }
0xa9: {  	[dreg:$0x3] =	wrdreg s5  }
0xaa: {  	[dreg:$0x4] =	wrdreg $0xC0  }
0xab: {  	_ =	task [dreg:s7], $0x5FFFF  }
0xac: {  	[dreg:$0x1] =	wrdreg $0xFFFFFFFF  }
0xad: {  	[dreg:$0x0] =	wrdreg $0x60  }
0xae: {  	[dreg:$0x2] =	wrdreg s24  }
0xaf: {  	[dreg:$0x3] =	wrdreg s2  }
0xb0: {  	[dreg:$0x4] =	wrdreg $0xA  }
0xb1: {  	_ =	task.clear_ibuf [dreg:s7], $0x5FFFF;
	_ =	strace $0x90000046  }
0xb2: {  	s29 =	simm.s32 $0xA;
	_ =	strace $0x80000048  }
0xb3: {  	_ =	swait.ge [sflag:s29], $0x1  }
0xb4: {  	[sflag:s29] =	ssyncadd.s32 $0xFFFFFFFF  }
0xb5: {  	_ =	strace $0x90000048  }
0xb6: {  	_ =	sfence  }
0xb7: {  	s30 =	sld [smem:$0x0];
	_ =	sdelay $0x2  }
0xb8: {  	s31 =	sshll.u32 s1, $0xD;
	s1 =	sshrl.u32 s1, $0x2  }
0xb9: {  	s3 =	sand.u32 $0x4000, s31;
	s1 =	sadd.s32 s1, s30  }
0xba: {  	s0 =	sor.u32 s3, s0;
	s1 =	sshll.u32 s1, $0x11  }
0xbb: {  	s0 =	sor.u32 s1, s0  }
0xbc: {  	s0 =	sadd.s32 $0x8F2B, s0  }
0xbd: {  	[sflag:s0] =	ssyncadd.remote.s32 $0x1  }
0xbe: {  	_ =	sfence.sel $0xFFFF  }
0xbf: {  	[dreg:$0x0] =	wrdreg $0xFFFFFFFF;
	(pc) =	sbr.abs _section_cstart, $3  }
0xc0: {  	[dreg:$0x1] =	wrdreg $0xFFFFFFFF  }
0xc1: {  	_ =	task.clear_ibuf [dreg:s7], $0x2FFFF;
	_ =	strace $0x9FFFFFFF  }
0xc2: {  	(tm) =	ssettm $0x7FFFFFFF  }
0xc3: {  	_ =	shalt  }
tec
execute0_lowered:
.L_overlay_start_1:
0x0: {  	(tag) =	ssettag $0x1  }
0x1: {  	s1 =	srdreg.scid;
	s0 =	stileid.u32  }
0x2: {  	s1 =	sand.u32 $0x1, s1;
	s4 =	sshll.u32 s0, $0x1  }
0x3: {  	s8 =	rddreg [dreg:$0x0];
	s9 =	sor.u32 s1, s4  }
0x4: {  	s3 =	rddreg [dreg:$0x1];
	s2 =	simm.s32 $0x0;
	s4 =	sshll.u32 s9, $0x8  }
0x5: {  	[smem:$0x7FF] =	sst s2;
	s3 =	sadd.s32 s3, s4  }
0x6: {  	_ =	strace $0x80000047;
	[dreg:$0x3] =	wrdreg s3  }
0x7: {  	s3 =	simm.s32 $0x5;
	s26 =	rddreg [dreg:$0x3]  }
0x8: {  	[tilespmem:s2], [sflag:$0x5] =	stream.linear.gather [hbm4b:s26+s2], $0x500, $0x38;
	[tilespmem:$0x5800] =	vst v63  }
0x9: {  	_ =	swait.ge [sflag:s3], $0x500  }
0xa: {  	s5 =	simm.s32 $0x50;
	s6 =	simm.s32 $0x800;
	[sflag:s3] =	ssyncset.done $0x0  }
0xb: {  	s7 =	simm.s32 $0x1;
	s4 =	sadd.s32 $0x189200, s8;
	[sflag:s3] =	ssyncadd.s32 $0xFFFFFB00  }
0xc: {  	[tilespmem:s6], [sflag:$0x1] =	stream.indirect.gather [hbm4b:s4+s5], $0x80, s2, s5, $0xb8;
	[tilespmem:$0x5800] =	vst v63  }
0xd: {  	s10 =	smul.u32 $0x3200, s9;
	_ =	swait.ge [sflag:s7], $0x2800  }
0xe: {  	s12 =	sadd.s32 $0x2800, s8;
	[sflag:s7] =	ssyncset.done $0x0  }
0xf: {  	s11 =	simm.s32 $0x2;
	s8 =	sadd.s32 s12, s10;
	[sflag:s7] =	ssyncadd.s32 $0xFFFFD800  }
0x10: {  	[hbm4b:s8+s2] =	stream.linear.scatter [tilespmem:s6], [sflag:$0x3], $0x2800, $0x38;
	[tilespmem:$0x5800] =	vst v63  }
0x11: {  	s13 =	smul.u32 $0x19000, s9;
	s9 =	simm.s32 $0x80;
	s10 =	simm.s32 $0x3000  }
0x12: {  	[tilespmem:s10], [sflag:$0x2] =	stream.indirect.gather [hbm4b:s4+s5], $0x80, s9, s5, $0xb8;
	[tilespmem:$0x5800] =	vst v63  }
0x13: {  	s13 =	sshrl.u32 s13, $0x3;
	_ =	swait.ge [sflag:s11], $0x2800  }
0x14: {  	s31 =	sadd.s32 s12, s13;
	[sflag:s11] =	ssyncset.done $0x0  }
0x15: {  	s13 =	simm.s32 $0x3;
	s12 =	sadd.s32 $0x500, s31;
	[sflag:s11] =	ssyncadd.s32 $0xFFFFD800  }
0x16: {  	[hbm4b:s12+s2] =	stream.linear.scatter [tilespmem:s10], [sflag:$0x4], $0x2800, $0x38;
	[tilespmem:$0x5800] =	vst v63  }
0x17: {  	_ =	swait.ge [sflag:s13], $0x2800  }
0x18: {  	[sflag:s13] =	ssyncset.done $0x0  }
0x19: {  	s14 =	simm.s32 $0x100;
	[sflag:s13] =	ssyncadd.s32 $0xFFFFD800  }
0x1a: {  	[tilespmem:s6], [sflag:$0x1] =	stream.indirect.gather [hbm4b:s4+s5], $0x80, s14, s5, $0xb8;
	[tilespmem:$0x5800] =	vst v63  }
0x1b: {  	_ =	swait.ge [sflag:s7], $0x2800  }
0x1c: {  	[sflag:s7] =	ssyncset.done $0x0  }
0x1d: {  	s15 =	simm.s32 $0x4;
	s16 =	sadd.s32 $0xA00, s31;
	[sflag:s7] =	ssyncadd.s32 $0xFFFFD800  }
0x1e: {  	[hbm4b:s16+s2] =	stream.linear.scatter [tilespmem:s6], [sflag:$0x3], $0x2800, $0x38;
	[tilespmem:$0x5800] =	vst v63  }
0x1f: {  	_ =	swait.ge [sflag:s15], $0x2800  }
0x20: {  	[sflag:s15] =	ssyncset.done $0x0  }
0x21: {  	s17 =	simm.s32 $0x180;
	[sflag:s15] =	ssyncadd.s32 $0xFFFFD800  }
0x22: {  	[tilespmem:s10], [sflag:$0x2] =	stream.indirect.gather [hbm4b:s4+s5], $0x80, s17, s5, $0xb8;
	[tilespmem:$0x5800] =	vst v63  }
0x23: {  	_ =	swait.ge [sflag:s11], $0x2800  }
0x24: {  	[sflag:s11] =	ssyncset.done $0x0  }
0x25: {  	s18 =	sadd.s32 $0xF00, s31;
	[sflag:s11] =	ssyncadd.s32 $0xFFFFD800  }
0x26: {  	[hbm4b:s18+s2] =	stream.linear.scatter [tilespmem:s10], [sflag:$0x4], $0x2800, $0x38;
	[tilespmem:$0x5800] =	vst v63  }
0x27: {  	_ =	swait.ge [sflag:s13], $0x2800  }
0x28: {  	[sflag:s13] =	ssyncset.done $0x0  }
0x29: {  	s19 =	simm.s32 $0x200;
	[sflag:s13] =	ssyncadd.s32 $0xFFFFD800  }
0x2a: {  	[tilespmem:s6], [sflag:$0x1] =	stream.indirect.gather [hbm4b:s4+s5], $0x80, s19, s5, $0xb8;
	[tilespmem:$0x5800] =	vst v63  }
0x2b: {  	_ =	swait.ge [sflag:s7], $0x2800  }
0x2c: {  	[sflag:s7] =	ssyncset.done $0x0  }
0x2d: {  	s20 =	sadd.s32 $0x1400, s31;
	[sflag:s7] =	ssyncadd.s32 $0xFFFFD800  }
0x2e: {  	[hbm4b:s20+s2] =	stream.linear.scatter [tilespmem:s6], [sflag:$0x3], $0x2800, $0x38;
	[tilespmem:$0x5800] =	vst v63  }
0x2f: {  	_ =	swait.ge [sflag:s15], $0x2800  }
0x30: {  	[sflag:s15] =	ssyncset.done $0x0  }
0x31: {  	s21 =	simm.s32 $0x280;
	[sflag:s15] =	ssyncadd.s32 $0xFFFFD800  }
0x32: {  	[tilespmem:s10], [sflag:$0x2] =	stream.indirect.gather [hbm4b:s4+s5], $0x80, s21, s5, $0xb8;
	[tilespmem:$0x5800] =	vst v63  }
0x33: {  	_ =	swait.ge [sflag:s11], $0x2800  }
0x34: {  	[sflag:s11] =	ssyncset.done $0x0  }
0x35: {  	s22 =	sadd.s32 $0x1900, s31;
	[sflag:s11] =	ssyncadd.s32 $0xFFFFD800  }
0x36: {  	[hbm4b:s22+s2] =	stream.linear.scatter [tilespmem:s10], [sflag:$0x4], $0x2800, $0x38;
	[tilespmem:$0x5800] =	vst v63  }
0x37: {  	_ =	swait.ge [sflag:s13], $0x2800  }
0x38: {  	[sflag:s13] =	ssyncset.done $0x0  }
0x39: {  	s23 =	simm.s32 $0x300;
	[sflag:s13] =	ssyncadd.s32 $0xFFFFD800  }
0x3a: {  	[tilespmem:s6], [sflag:$0x1] =	stream.indirect.gather [hbm4b:s4+s5], $0x80, s23, s5, $0xb8;
	[tilespmem:$0x5800] =	vst v63  }
0x3b: {  	_ =	swait.ge [sflag:s7], $0x2800  }
0x3c: {  	[sflag:s7] =	ssyncset.done $0x0  }
0x3d: {  	s24 =	sadd.s32 $0x1E00, s31;
	[sflag:s7] =	ssyncadd.s32 $0xFFFFD800  }
0x3e: {  	[hbm4b:s24+s2] =	stream.linear.scatter [tilespmem:s6], [sflag:$0x3], $0x2800, $0x38;
	[tilespmem:$0x5800] =	vst v63  }
0x3f: {  	_ =	swait.ge [sflag:s15], $0x2800  }
0x40: {  	[sflag:s15] =	ssyncset.done $0x0  }
0x41: {  	s25 =	simm.s32 $0x380;
	[sflag:s15] =	ssyncadd.s32 $0xFFFFD800  }
0x42: {  	[tilespmem:s10], [sflag:$0x2] =	stream.indirect.gather [hbm4b:s4+s5], $0x80, s25, s5, $0xb8;
	[tilespmem:$0x5800] =	vst v63  }
0x43: {  	_ =	swait.ge [sflag:s11], $0x2800  }
0x44: {  	[sflag:s11] =	ssyncset.done $0x0  }
0x45: {  	s26 =	sadd.s32 $0x2300, s31;
	[sflag:s11] =	ssyncadd.s32 $0xFFFFD800  }
0x46: {  	[hbm4b:s26+s2] =	stream.linear.scatter [tilespmem:s10], [sflag:$0x4], $0x2800, $0x38;
	[tilespmem:$0x5800] =	vst v63  }
0x47: {  	_ =	swait.ge [sflag:s13], $0x2800  }
0x48: {  	[sflag:s13] =	ssyncset.done $0x0  }
0x49: {  	s28 =	simm.s32 $0x400;
	[sflag:s13] =	ssyncadd.s32 $0xFFFFD800  }
0x4a: {  	[tilespmem:s6], [sflag:$0x1] =	stream.indirect.gather [hbm4b:s4+s5], $0x80, s28, s5, $0xb8;
	[tilespmem:$0x5800] =	vst v63  }
0x4b: {  	_ =	swait.ge [sflag:s7], $0x2800  }
0x4c: {  	[sflag:s7] =	ssyncset.done $0x0  }
0x4d: {  	s29 =	sadd.s32 $0x2800, s31;
	[sflag:s7] =	ssyncadd.s32 $0xFFFFD800  }
0x4e: {  	[hbm4b:s29+s2] =	stream.linear.scatter [tilespmem:s6], [sflag:$0x3], $0x2800, $0x38;
	[tilespmem:$0x5800] =	vst v63  }
0x4f: {  	_ =	swait.ge [sflag:s15], $0x2800  }
0x50: {  	s1 =	ssub.s32 $0x2, s1;
	[sflag:s15] =	ssyncset.done $0x0  }
0x51: {  	s30 =	simm.s32 $0x480;
	s0 =	sshrl.u32 s1, $0x1;
	[sflag:s15] =	ssyncadd.s32 $0xFFFFD800  }
0x52: {  	[tilespmem:s10], [sflag:$0x2] =	stream.indirect.gather [hbm4b:s4+s5], $0x80, s30, s5, $0xb8;
	[tilespmem:$0x5800] =	vst v63  }
0x53: {  	s0 =	ssub.s32 s1, s0;
	_ =	swait.ge [sflag:s11], $0x2800  }
0x54: {  	s0 =	smax.u32 s0, $0x1;
	[sflag:s11] =	ssyncset.done $0x0  }
0x55: {  	p0 =	sne.s32 s0, $0x1;
	s31 =	sadd.s32 $0x2D00, s31;
	[sflag:s11] =	ssyncadd.s32 $0xFFFFD800  }
0x56: {  	[hbm4b:s31+s2] =	stream.linear.scatter [tilespmem:s10], [sflag:$0x4], $0x2800, $0x38;
	[tilespmem:$0x5800] =	vst v63  }
.Ltmp0:
0x57: {  	_ =	swait.ge [sflag:s13], $0x2800;
	(pc) =	sbr.rel @!p0 .LBB2_2-.Ltmp0, $4  }
0x58: {  	[sflag:s13] =	ssyncset.done $0x0  }
0x59: {  	[sflag:s13] =	ssyncadd.s32 $0xFFFFD800  }
0x5a: {  	_ =	swait.ge [sflag:s15], $0x2800  }
0x5b: {  	s1 =	sadd.s32 $0xFFFFFFFF, s0;
	[sflag:s15] =	ssyncset.done $0x0  }
.LBB2_1:
0x5c: {  	s0 =	rddreg [dreg:$0x3];
	[sflag:s15] =	ssyncadd.s32 $0xFFFFD800  }
0x5d: {  	[tilespmem:s2], [sflag:$0x5] =	stream.linear.gather [hbm4b:s0+s2], $0x500, $0x38;
	[tilespmem:$0x5800] =	vst v63  }
0x5e: {  	_ =	swait.ge [sflag:s3], $0x500  }
0x5f: {  	[sflag:s3] =	ssyncset.done $0x0  }
0x60: {  	[sflag:s3] =	ssyncadd.s32 $0xFFFFFB00  }
0x61: {  	[tilespmem:s6], [sflag:$0x1] =	stream.indirect.gather [hbm4b:s4+s5], $0x80, s2, s5, $0xb8;
	[tilespmem:$0x5800] =	vst v63  }
0x62: {  	_ =	swait.ge [sflag:s7], $0x2800  }
0x63: {  	[sflag:s7] =	ssyncset.done $0x0  }
0x64: {  	[sflag:s7] =	ssyncadd.s32 $0xFFFFD800  }
0x65: {  	[hbm4b:s8+s2] =	stream.linear.scatter [tilespmem:s6], [sflag:$0x3], $0x2800, $0x38;
	[tilespmem:$0x5800] =	vst v63  }
0x66: {  	_ = 	snop  }
0x67: {  	[tilespmem:s10], [sflag:$0x2] =	stream.indirect.gather [hbm4b:s4+s5], $0x80, s9, s5, $0xb8;
	[tilespmem:$0x5800] =	vst v63  }
0x68: {  	_ =	swait.ge [sflag:s11], $0x2800  }
0x69: {  	[sflag:s11] =	ssyncset.done $0x0  }
0x6a: {  	[sflag:s11] =	ssyncadd.s32 $0xFFFFD800  }
0x6b: {  	[hbm4b:s12+s2] =	stream.linear.scatter [tilespmem:s10], [sflag:$0x4], $0x2800, $0x38;
	[tilespmem:$0x5800] =	vst v63  }
0x6c: {  	_ =	swait.ge [sflag:s13], $0x2800  }
0x6d: {  	[sflag:s13] =	ssyncset.done $0x0  }
0x6e: {  	[sflag:s13] =	ssyncadd.s32 $0xFFFFD800  }
0x6f: {  	[tilespmem:s6], [sflag:$0x1] =	stream.indirect.gather [hbm4b:s4+s5], $0x80, s14, s5, $0xb8;
	[tilespmem:$0x5800] =	vst v63  }
0x70: {  	_ =	swait.ge [sflag:s7], $0x2800  }
0x71: {  	[sflag:s7] =	ssyncset.done $0x0  }
0x72: {  	[sflag:s7] =	ssyncadd.s32 $0xFFFFD800  }
0x73: {  	[hbm4b:s16+s2] =	stream.linear.scatter [tilespmem:s6], [sflag:$0x3], $0x2800, $0x38;
	[tilespmem:$0x5800] =	vst v63  }
0x74: {  	_ =	swait.ge [sflag:s15], $0x2800  }
0x75: {  	[sflag:s15] =	ssyncset.done $0x0  }
0x76: {  	[sflag:s15] =	ssyncadd.s32 $0xFFFFD800  }
0x77: {  	[tilespmem:s10], [sflag:$0x2] =	stream.indirect.gather [hbm4b:s4+s5], $0x80, s17, s5, $0xb8;
	[tilespmem:$0x5800] =	vst v63  }
0x78: {  	_ =	swait.ge [sflag:s11], $0x2800  }
0x79: {  	[sflag:s11] =	ssyncset.done $0x0  }
0x7a: {  	[sflag:s11] =	ssyncadd.s32 $0xFFFFD800  }
0x7b: {  	[hbm4b:s18+s2] =	stream.linear.scatter [tilespmem:s10], [sflag:$0x4], $0x2800, $0x38;
	[tilespmem:$0x5800] =	vst v63  }
0x7c: {  	_ =	swait.ge [sflag:s13], $0x2800  }
0x7d: {  	[sflag:s13] =	ssyncset.done $0x0  }
0x7e: {  	[sflag:s13] =	ssyncadd.s32 $0xFFFFD800  }
0x7f: {  	[tilespmem:s6], [sflag:$0x1] =	stream.indirect.gather [hbm4b:s4+s5], $0x80, s19, s5, $0xb8;
	[tilespmem:$0x5800] =	vst v63  }
0x80: {  	_ =	swait.ge [sflag:s7], $0x2800  }
0x81: {  	[sflag:s7] =	ssyncset.done $0x0  }
0x82: {  	[sflag:s7] =	ssyncadd.s32 $0xFFFFD800  }
0x83: {  	[hbm4b:s20+s2] =	stream.linear.scatter [tilespmem:s6], [sflag:$0x3], $0x2800, $0x38;
	[tilespmem:$0x5800] =	vst v63  }
0x84: {  	_ =	swait.ge [sflag:s15], $0x2800  }
0x85: {  	[sflag:s15] =	ssyncset.done $0x0  }
0x86: {  	[sflag:s15] =	ssyncadd.s32 $0xFFFFD800  }
0x87: {  	[tilespmem:s10], [sflag:$0x2] =	stream.indirect.gather [hbm4b:s4+s5], $0x80, s21, s5, $0xb8;
	[tilespmem:$0x5800] =	vst v63  }
0x88: {  	_ =	swait.ge [sflag:s11], $0x2800  }
0x89: {  	[sflag:s11] =	ssyncset.done $0x0  }
0x8a: {  	[sflag:s11] =	ssyncadd.s32 $0xFFFFD800  }
0x8b: {  	[hbm4b:s22+s2] =	stream.linear.scatter [tilespmem:s10], [sflag:$0x4], $0x2800, $0x38;
	[tilespmem:$0x5800] =	vst v63  }
0x8c: {  	_ =	swait.ge [sflag:s13], $0x2800  }
0x8d: {  	[sflag:s13] =	ssyncset.done $0x0  }
0x8e: {  	[sflag:s13] =	ssyncadd.s32 $0xFFFFD800  }
0x8f: {  	[tilespmem:s6], [sflag:$0x1] =	stream.indirect.gather [hbm4b:s4+s5], $0x80, s23, s5, $0xb8;
	[tilespmem:$0x5800] =	vst v63  }
0x90: {  	_ =	swait.ge [sflag:s7], $0x2800  }
0x91: {  	[sflag:s7] =	ssyncset.done $0x0  }
0x92: {  	[sflag:s7] =	ssyncadd.s32 $0xFFFFD800  }
0x93: {  	[hbm4b:s24+s2] =	stream.linear.scatter [tilespmem:s6], [sflag:$0x3], $0x2800, $0x38;
	[tilespmem:$0x5800] =	vst v63  }
0x94: {  	_ =	swait.ge [sflag:s15], $0x2800  }
0x95: {  	[sflag:s15] =	ssyncset.done $0x0  }
0x96: {  	[sflag:s15] =	ssyncadd.s32 $0xFFFFD800  }
0x97: {  	[tilespmem:s10], [sflag:$0x2] =	stream.indirect.gather [hbm4b:s4+s5], $0x80, s25, s5, $0xb8;
	[tilespmem:$0x5800] =	vst v63  }
0x98: {  	_ =	swait.ge [sflag:s11], $0x2800  }
0x99: {  	[sflag:s11] =	ssyncset.done $0x0  }
0x9a: {  	[sflag:s11] =	ssyncadd.s32 $0xFFFFD800  }
0x9b: {  	[hbm4b:s26+s2] =	stream.linear.scatter [tilespmem:s10], [sflag:$0x4], $0x2800, $0x38;
	[tilespmem:$0x5800] =	vst v63  }
0x9c: {  	_ =	swait.ge [sflag:s13], $0x2800  }
0x9d: {  	[sflag:s13] =	ssyncset.done $0x0  }
0x9e: {  	[sflag:s13] =	ssyncadd.s32 $0xFFFFD800  }
0x9f: {  	[tilespmem:s6], [sflag:$0x1] =	stream.indirect.gather [hbm4b:s4+s5], $0x80, s28, s5, $0xb8;
	[tilespmem:$0x5800] =	vst v63  }
0xa0: {  	_ =	swait.ge [sflag:s7], $0x2800  }
0xa1: {  	[sflag:s7] =	ssyncset.done $0x0  }
0xa2: {  	[sflag:s7] =	ssyncadd.s32 $0xFFFFD800  }
0xa3: {  	[hbm4b:s29+s2] =	stream.linear.scatter [tilespmem:s6], [sflag:$0x3], $0x2800, $0x38;
	[tilespmem:$0x5800] =	vst v63  }
0xa4: {  	_ =	swait.ge [sflag:s15], $0x2800  }
0xa5: {  	[sflag:s15] =	ssyncset.done $0x0  }
0xa6: {  	[sflag:s15] =	ssyncadd.s32 $0xFFFFD800  }
0xa7: {  	[tilespmem:s10], [sflag:$0x2] =	stream.indirect.gather [hbm4b:s4+s5], $0x80, s30, s5, $0xb8;
	[tilespmem:$0x5800] =	vst v63  }
0xa8: {  	_ =	swait.ge [sflag:s11], $0x2800  }
0xa9: {  	[sflag:s11] =	ssyncset.done $0x0  }
0xaa: {  	p0 =	sne.s32 s1, $0x1;
	[sflag:s11] =	ssyncadd.s32 $0xFFFFD800  }
0xab: {  	[hbm4b:s31+s2] =	stream.linear.scatter [tilespmem:s10], [sflag:$0x4], $0x2800, $0x38;
	[tilespmem:$0x5800] =	vst v63  }
.Ltmp1:
0xac: {  	_ =	swait.ge [sflag:s13], $0x2800;
	(pc) =	sbr.rel @p0 .LBB2_1-.Ltmp1, $4  }
0xad: {  	[sflag:s13] =	ssyncset.done $0x0  }
0xae: {  	[sflag:s13] =	ssyncadd.s32 $0xFFFFD800  }
0xaf: {  	_ =	swait.ge [sflag:s15], $0x2800  }
0xb0: {  	s1 =	sadd.s32 $0xFFFFFFFF, s1;
	[sflag:s15] =	ssyncset.done $0x0  }
.LBB2_2:
0xb1: {  	[sflag:s15] =	ssyncadd.s32 $0xFFFFD800  }
0xb2: {  	_ =	sfence.sel $0x180000  }
0xb3: {  	[bflag:$0x0] =	sbarrier.arrive $0xFFFF  }
0xb4: {  	_ =	strace $0x90000047  }
0xb5: {  	s0 =	stileid.u32;
	[bflag:$0x2] =	sbarrier.arrive $0xFFFF  }
0xb6: {  	p0 =	sne.s32 s0, $0x0;
	s0 =	rddreg [dreg:$0x2]  }
0xb7: {  	s0 =	sadd.s32 @!p0 $0x100000, s0  }
0xb8: {  	[sflag:s0] =	ssyncadd.tile.s32 @!p0 $0x1;
	_ =	shalt  }
.Lfunc_end2:
_tile_overlayer_lowered:
.L_overlay_start_2:
0xb9: {  	(tag) =	ssettag $0x2  }
0xba: {  	s0 =	rddreg [dreg:$0x0];
	s2 =	stileid.u32  }
0xbb: {  	s1 =	rddreg [dreg:$0x1];
	p0 =	sne.s32 s2, $0x0  }
0xbc: {  	s3 =	rddreg [dreg:$0x2];
	[bflag:$0x3] =	sbarrier.arrive $0xFFFF;
	s2 =	simm.s32 @!p0 $0x1C05  }
0xbd: {  	[timem:s3], [sflag:s2] =	dma.local @!p0 [hbm:s0], s1  }
0xbe: {  	s0 =	simm.s32 @!p0 $0x5  }
0xbf: {  	_ =	swait.ge @!p0 [sflag:s0], s1  }
0xc0: {  	s1 =	ssub.s32 @!p0 $0x0, s1;
	[sflag:s0] =	ssyncset.done @!p0 $0x0  }
0xc1: {  	[sflag:s0] =	ssyncadd.s32 @!p0 s1  }
0xc2: {  	[bflag:$0x3] =	sbarrier.arrive $0xFFFF  }
0xc3: {  	_ =	shalt  }

</sc_bundles>
